<compile_context>
chip_gen: v7x
topology: tpu7x:2x2x1
jax: 0.10.2.dev20260603
libtpu: 0.0.44.dev20260713+nightly
codegen_flags: <defaults>
</compile_context>

<pallas_src>
import functools

import jax
import jax.numpy as jnp
from jax import lax
from jax.experimental import pallas as pl
from jax.experimental.pallas import tpu as pltpu
from jax.experimental.pallas import tpu_sc as plsc

_N = 10000
_E = 320000
_D = 128
_OUT = 64
_NC = 2
_NS = 16
_K = 125
_CH = _E // (_NC * _NS * _K)
_RPT = _N // _NS
_RB = 2000

_mesh = plsc.VectorSubcoreMesh(core_axis_name="c", subcore_axis_name="s")


@functools.partial(
    pl.kernel,
    out_type=jax.ShapeDtypeStruct((_NC * _N,), jnp.float32),
    mesh=_mesh,
    scratch_types=[
        pltpu.VMEM((_CH, _K), jnp.int32),
        pltpu.VMEM((128,), jnp.float32),
        pltpu.VMEM((624,), jnp.float32),
        pltpu.VMEM((16,), jnp.float32),
        pltpu.VMEM_SHARED((_N,), jnp.float32)
    ],
)
def _deg_kernel(edges_hbm, ones_hbm, deg_hbm, idx_v, ones_v, stage_v,
                tail_v, acc_sh):
    c = lax.axis_index("c")
    s = lax.axis_index("s")
    wid = c * _NS + s

    pltpu.sync_copy(ones_hbm, ones_v)
    pltpu.sync_copy(edges_hbm.at[1, pl.ds(wid * _CH, _CH)], idx_v)

    zero = jnp.zeros((16,), jnp.float32)

    def _z(i, carry):
        stage_v[pl.ds(i * 16, 16)] = zero
        return carry

    lax.fori_loop(0, 39, _z, 0)
    tail_v[...] = zero
    pltpu.sync_copy(stage_v, acc_sh.at[pl.ds(s * 624, 624)])

    @pl.when(s == 0)
    def _():
        pltpu.sync_copy(tail_v, acc_sh.at[pl.ds(624 * _NS, 16)])

    plsc.subcore_barrier()

    def _chunk(j, carry):
        pltpu.sync_copy(ones_v.at[pl.ds(0, _K)], acc_sh.at[idx_v.at[j]],
                        add=True)
        return carry

    lax.fori_loop(0, _CH, _chunk, 0)
    plsc.subcore_barrier()

    pltpu.sync_copy(acc_sh.at[pl.ds(s * 624, 624)], stage_v)
    pltpu.sync_copy(stage_v, deg_hbm.at[pl.ds(c * _N + s * 624, 624)])

    @pl.when(s == 0)
    def _():
        pltpu.sync_copy(acc_sh.at[pl.ds(624 * _NS, 16)], tail_v)
        pltpu.sync_copy(tail_v, deg_hbm.at[pl.ds(c * _N + 624 * _NS, 16)])


_GB = 8
_NGB = _CH // _GB


@functools.partial(
    pl.kernel,
    out_type=jax.ShapeDtypeStruct((_NC, _N, _D), jnp.float32),
    mesh=_mesh,
    scratch_types=[
        pltpu.VMEM((2, _GB, _K), jnp.int32),
        pltpu.VMEM((2, _GB, _K), jnp.int32),
        pltpu.VMEM((_K, _D), jnp.float32),
        pltpu.VMEM((_K, _D), jnp.float32),
        pltpu.VMEM_SHARED((_N, _D), jnp.float32),
        pltpu.SemaphoreType.DMA,
        pltpu.SemaphoreType.DMA,
        pltpu.SemaphoreType.DMA,
        pltpu.SemaphoreType.DMA,
        pltpu.SemaphoreType.DMA,
    ],
)
def _prop_kernel(edges_hbm, h_hbm, out_hbm, srcidx, dstidx, r0, r1,
                 acc_sh, g0, g1, s0, s1, isem):
    rows = [r0, r1]
    gsem = [g0, g1]
    ssem = [s0, s1]
    c = lax.axis_index("c")
    s = lax.axis_index("s")
    wid = c * _NS + s
    base = wid * _CH

    pltpu.sync_copy(edges_hbm.at[0, pl.ds(base, _GB)], srcidx.at[0])
    pltpu.sync_copy(edges_hbm.at[1, pl.ds(base, _GB)], dstidx.at[0])

    zero = jnp.zeros((16,), jnp.float32)

    def _z(r, carry):
        for q in range(_D // 16):
            rows[0][r, pl.ds(q * 16, 16)] = zero
        return carry

    lax.fori_loop(0, _K, _z, 0)

    def _zc(t, carry):
        pltpu.async_copy(rows[0].at[pl.ds(0, 104)],
                         acc_sh.at[pl.ds(s * 624 + t * 104, 104)], isem)
        return carry

    lax.fori_loop(0, 6, _zc, 0)

    @pl.when(s == 0)
    def _():
        pltpu.async_copy(rows[0].at[pl.ds(0, 16)],
                         acc_sh.at[pl.ds(624 * _NS, 16)], isem)

    def _zw(t, carry):
        pltpu.make_async_copy(rows[0].at[pl.ds(0, 104)],
                              acc_sh.at[pl.ds(s * 624, 104)], isem).wait()
        return carry

    lax.fori_loop(0, 6, _zw, 0)

    @pl.when(s == 0)
    def _():
        pltpu.make_async_copy(rows[0].at[pl.ds(0, 16)],
                              acc_sh.at[pl.ds(624 * _NS, 16)], isem).wait()

    pltpu.async_copy(h_hbm.at[srcidx.at[0, 0]], rows[0], gsem[0])
    plsc.subcore_barrier()

    def _blk(g, carry):
        h = g % 2

        @pl.when(g < _NGB - 1)
        def _():
            nb = base + (g + 1) * _GB
            pltpu.async_copy(edges_hbm.at[0, pl.ds(nb, _GB)],
                             srcidx.at[1 - h], isem)
            pltpu.async_copy(edges_hbm.at[1, pl.ds(nb, _GB)],
                             dstidx.at[1 - h], isem)

        for q in range(_GB):
            b = q % 2
            pltpu.make_async_copy(h_hbm.at[srcidx.at[h, q]], rows[b],
                                  gsem[b]).wait()
            pltpu.async_copy(rows[b], acc_sh.at[dstidx.at[h, q]], ssem[b],
                             add=True)
            if q == 0:
                @pl.when(g > 0)
                def _():
                    pltpu.make_async_copy(rows[1], acc_sh.at[dstidx.at[h, 0]],
                                          ssem[1]).wait()
            else:
                pltpu.make_async_copy(rows[1 - b],
                                      acc_sh.at[dstidx.at[h, q - 1]],
                                      ssem[1 - b]).wait()
            if q < _GB - 1:
                pltpu.async_copy(h_hbm.at[srcidx.at[h, q + 1]], rows[1 - b],
                                 gsem[1 - b])
            else:
                @pl.when(g < _NGB - 1)
                def _():
                    pltpu.make_async_copy(edges_hbm.at[0, pl.ds(base, _GB)],
                                          srcidx.at[1 - h], isem).wait()
                    pltpu.make_async_copy(edges_hbm.at[1, pl.ds(base, _GB)],
                                          dstidx.at[1 - h], isem).wait()
                    pltpu.async_copy(h_hbm.at[srcidx.at[1 - h, 0]],
                                     rows[1 - b], gsem[1 - b])
        return carry

    lax.fori_loop(0, _NGB, _blk, 0)

    pltpu.make_async_copy(rows[1], acc_sh.at[dstidx.at[1, 0]], ssem[1]).wait()
    plsc.subcore_barrier()

    for t in range(6):
        b = t % 2
        if t >= 2:
            pltpu.make_async_copy(
                rows[b].at[pl.ds(0, 104)],
                out_hbm.at[c, pl.ds(s * 624, 104)], ssem[b]).wait()
        pltpu.sync_copy(acc_sh.at[pl.ds(s * 624 + t * 104, 104)],
                        rows[b].at[pl.ds(0, 104)])
        pltpu.async_copy(rows[b].at[pl.ds(0, 104)],
                         out_hbm.at[c, pl.ds(s * 624 + t * 104, 104)],
                         ssem[b])
    for b in range(2):
        pltpu.make_async_copy(rows[b].at[pl.ds(0, 104)],
                              out_hbm.at[c, pl.ds(s * 624, 104)],
                              ssem[b]).wait()

    @pl.when(s == 0)
    def _():
        pltpu.sync_copy(acc_sh.at[pl.ds(624 * _NS, 16)],
                        rows[0].at[pl.ds(0, 16)])
        pltpu.sync_copy(rows[0].at[pl.ds(0, 16)],
                        out_hbm.at[c, pl.ds(624 * _NS, 16)])


def _tc1_body(deg_ref, x_ref, w1_ref, dinv_ref, h0p_ref):
    deg = deg_ref[0] + deg_ref[1] + 1.0
    dinv = lax.rsqrt(deg)
    h = jnp.dot(x_ref[...], w1_ref[...], preferred_element_type=jnp.float32)
    dinv_ref[...] = dinv
    h0p_ref[...] = h * dinv


_tc1 = pl.pallas_call(
    _tc1_body,
    grid=(_N // _RB,),
    in_specs=[
        pl.BlockSpec((_NC, _RB, 1), lambda i: (0, i, 0)),
        pl.BlockSpec((_RB, _D), lambda i: (i, 0)),
        pl.BlockSpec((_D, _D), lambda i: (0, 0)),
    ],
    out_specs=[
        pl.BlockSpec((_RB, 1), lambda i: (i, 0)),
        pl.BlockSpec((_RB, _D), lambda i: (i, 0)),
    ],
    out_shape=[
        jax.ShapeDtypeStruct((_N, 1), jnp.float32),
        jax.ShapeDtypeStruct((_N, _D), jnp.float32),
    ],
)


def _tc2_body(dinv_ref, acc_ref, h0p_ref, b1_ref, w23_ref, h1p_ref):
    dinv = dinv_ref[...]
    tot = acc_ref[0] + acc_ref[1] + h0p_ref[...]
    x1 = jnp.maximum(tot * dinv + b1_ref[...], 0.0)
    h1p_ref[...] = jnp.dot(
        x1, w23_ref[...], preferred_element_type=jnp.float32) * dinv


_tc2 = pl.pallas_call(
    _tc2_body,
    grid=(_N // _RB,),
    in_specs=[
        pl.BlockSpec((_RB, 1), lambda i: (i, 0)),
        pl.BlockSpec((_NC, _RB, _D), lambda i: (0, i, 0)),
        pl.BlockSpec((_RB, _D), lambda i: (i, 0)),
        pl.BlockSpec((1, _D), lambda i: (0, 0)),
        pl.BlockSpec((_D, _D), lambda i: (0, 0)),
    ],
    out_specs=pl.BlockSpec((_RB, _D), lambda i: (i, 0)),
    out_shape=jax.ShapeDtypeStruct((_N, _D), jnp.float32),
)


def _tc3_body(dinv_ref, acc_ref, h1p_ref, b23_ref, mu_ref, ls_ref):
    dinv = dinv_ref[...]
    tot = acc_ref[0] + acc_ref[1] + h1p_ref[...]
    y = tot * dinv + b23_ref[...]
    mu_ref[...] = y[:, :_OUT]
    ls_ref[...] = y[:, _OUT:]


_tc3 = pl.pallas_call(
    _tc3_body,
    grid=(_N // _RB,),
    in_specs=[
        pl.BlockSpec((_RB, 1), lambda i: (i, 0)),
        pl.BlockSpec((_NC, _RB, _D), lambda i: (0, i, 0)),
        pl.BlockSpec((_RB, _D), lambda i: (i, 0)),
        pl.BlockSpec((1, _D), lambda i: (0, 0)),
    ],
    out_specs=[
        pl.BlockSpec((_RB, _OUT), lambda i: (i, 0)),
        pl.BlockSpec((_RB, _OUT), lambda i: (i, 0)),
    ],
    out_shape=[
        jax.ShapeDtypeStruct((_N, _OUT), jnp.float32),
        jax.ShapeDtypeStruct((_N, _OUT), jnp.float32),
    ],
)


def kernel(x, edge_index, W1, b1, W2, b2, W3, b3):
    edges = edge_index.reshape(2, _E // _K, _K)
    ones = jnp.ones((128,), jnp.float32)

    deg = _deg_kernel(edges, ones)
    dinv, h0p = _tc1(deg.reshape(_NC, _N, 1), x, W1)
    acc1 = _prop_kernel(edges, h0p)

    W23 = jnp.concatenate([W2, W3], axis=1)
    b23 = jnp.concatenate([b2, b3]).reshape(1, _D)
    h1p = _tc2(dinv, acc1, h0p, b1.reshape(1, _D), W23)
    acc2 = _prop_kernel(edges, h1p)
    mu, logstd = _tc3(dinv, acc2, h1p, b23)
    return (mu, logstd)

# --- scband reference (transcript-rebuilt; emitter-appended) ---
"""Pipeline reference for scband-variational-encoder-57758720196620 (READ-ONLY COPY).

The authoritative reference and input builder live on the scoring server;
editing this copy changes nothing except your own understanding.
"""

import jax, jax.numpy as jnp
import numpy as np

N = 10000
E = 320000
IN_C = 128
OUT_C = 64
HID = 2 * OUT_C  # 128


def _glorot(key, fan_in, fan_out):
    limit = np.sqrt(6.0 / (fan_in + fan_out))
    return jax.random.uniform(key, (fan_in, fan_out), dtype=jnp.float32, minval=-limit, maxval=limit)


def setup_inputs(seed: int = 0) -> dict:
    key = jax.random.key(seed)
    ks = jax.random.split(key, 8)
    x = jax.random.normal(ks[0], (N, IN_C), dtype=jnp.float32)
    edge_index = jax.random.randint(ks[1], (2, E), 0, N, dtype=jnp.int32)
    W1 = _glorot(ks[2], IN_C, HID)
    b1 = jnp.zeros((HID,), dtype=jnp.float32)
    W2 = _glorot(ks[3], HID, OUT_C)
    b2 = jnp.zeros((OUT_C,), dtype=jnp.float32)
    W3 = _glorot(ks[4], HID, OUT_C)
    b3 = jnp.zeros((OUT_C,), dtype=jnp.float32)
    return {"x": x, "edge_index": edge_index, "W1": W1, "b1": b1, "W2": W2, "b2": b2, "W3": W3, "b3": b3}


def _gcn_conv(x, edge_index, W, b):
    # GCNConv: x' = D^{-1/2} (A + I) D^{-1/2} (x W) + b
    h = x @ W
    src = edge_index[0]
    dst = edge_index[1]
    loop = jnp.arange(N, dtype=src.dtype)
    src = jnp.concatenate([src, loop])
    dst = jnp.concatenate([dst, loop])
    deg = jax.ops.segment_sum(jnp.ones_like(dst, dtype=h.dtype), dst, num_segments=N)
    dinv = jnp.where(deg > 0, jax.lax.rsqrt(jnp.maximum(deg, 1e-12)), 0.0)
    norm = dinv[src] * dinv[dst]
    msg = h[src] * norm[:, None]
    out = jax.ops.segment_sum(msg, dst, num_segments=N)
    return out + b


def reference(x, edge_index, W1, b1, W2, b2, W3, b3):
    x1 = jax.nn.relu(_gcn_conv(x, edge_index, W1, b1))
    mu = _gcn_conv(x1, edge_index, W2, b2)
    logstd = _gcn_conv(x1, edge_index, W3, b3)
    return (mu, logstd)

if __name__ == "__main__":
    import jax
    _d = setup_inputs()
    print(jax.jit(kernel)(*tuple(_d.values())))

</pallas_src>

<mosaic_0001>
#map = affine_map<(d0, d1) -> (0, 0, 0)>
#map1 = affine_map<(d0, d1) -> (0)>
module attributes {stable_mosaic.version = 14 : i64} {
  func.func @_deg_kernel(%arg0: i32, %arg1: i32, %arg2: memref<2x2560x125xi32, #tpu.memory_space<hbm>>, %arg3: memref<128xf32, #tpu.memory_space<hbm>>, %arg4: memref<20000xf32, #tpu.memory_space<hbm>>, %arg5: memref<80x125xi32, #tpu.memory_space<vmem>>, %arg6: memref<128xf32, #tpu.memory_space<vmem>>, %arg7: memref<624xf32, #tpu.memory_space<vmem>>, %arg8: memref<16xf32, #tpu.memory_space<vmem>>, %arg9: memref<10000xf32, #tpu.memory_space<vmem_shared>>) attributes {dimension_semantics = [#tpu.dimension_semantics<core_parallel>, #tpu.dimension_semantics<subcore_parallel>], iteration_bounds = array<i64: 2, 16>, scalar_prefetch = 0 : i64, scratch_operands = 5 : i64, tpu.core_type = #tpu.core_type<sc_vector_subcore>, window_params = [{transform_indices = #map}, {transform_indices = #map1}, {transform_indices = #map1}]} {
    %mul3A = arith.constant 16 : i32
    %mul3A_0 = arith.muli %arg0, %mul3A : i32
    %add3A = arith.addi %mul3A_0, %arg1 : i32
    "tpu.region"() ({
      %run_scoped3A_35 = tpu.sem_alloc : memref<!tpu.dma_semaphore, #tpu.memory_space<semaphore_mem>>
      tpu.enqueue_dma source(%arg3 : memref<128xf32, #tpu.memory_space<hbm>>) target(%arg6 : memref<128xf32, #tpu.memory_space<vmem>>) target_semaphore(%run_scoped3A_35 : memref<!tpu.dma_semaphore, #tpu.memory_space<semaphore_mem>>)
      tpu.wait_dma2 semaphore(%run_scoped3A_35 : memref<!tpu.dma_semaphore, #tpu.memory_space<semaphore_mem>>) src(%arg3 : memref<128xf32, #tpu.memory_space<hbm>>) dst(%arg6 : memref<128xf32, #tpu.memory_space<vmem>>)
      tpu.yield
    }) : () -> ()
    %mul3A_1 = arith.constant 80 : i32
    %mul3A_2 = arith.muli %add3A, %mul3A_1 : i32
    %run_scoped3A = arith.constant 1 : i32
    "tpu.region"() ({
      %run_scoped3A_35 = tpu.sem_alloc : memref<!tpu.dma_semaphore, #tpu.memory_space<semaphore_mem>>
      %dma_start3A = arith.constant 0 : i32
      %dma_start3A_36 = tpu.memref_slice %arg2[%run_scoped3A, %mul3A_2, %dma_start3A] : memref<2x2560x125xi32, #tpu.memory_space<hbm>> -> memref<1x80x125xi32, #tpu.memory_space<hbm>>
      %dma_start3A_37 = tpu.memref_squeeze %dma_start3A_36 : memref<1x80x125xi32, #tpu.memory_space<hbm>> -> memref<80x125xi32, #tpu.memory_space<hbm>>
      %dma_start3A_38 = arith.constant 0 : i32
      %dma_start3A_39 = tpu.memref_slice %arg2[%run_scoped3A, %mul3A_2, %dma_start3A_38] : memref<2x2560x125xi32, #tpu.memory_space<hbm>> -> memref<1x80x125xi32, #tpu.memory_space<hbm>>
      %dma_start3A_40 = tpu.memref_squeeze %dma_start3A_39 : memref<1x80x125xi32, #tpu.memory_space<hbm>> -> memref<80x125xi32, #tpu.memory_space<hbm>>
      tpu.enqueue_dma source(%dma_start3A_40 : memref<80x125xi32, #tpu.memory_space<hbm>>) target(%arg5 : memref<80x125xi32, #tpu.memory_space<vmem>>) target_semaphore(%run_scoped3A_35 : memref<!tpu.dma_semaphore, #tpu.memory_space<semaphore_mem>>)
      %dma_wait3A = arith.constant 0 : i32
      %dma_wait3A_41 = tpu.memref_slice %arg2[%run_scoped3A, %mul3A_2, %dma_wait3A] : memref<2x2560x125xi32, #tpu.memory_space<hbm>> -> memref<1x80x125xi32, #tpu.memory_space<hbm>>
      %dma_wait3A_42 = tpu.memref_squeeze %dma_wait3A_41 : memref<1x80x125xi32, #tpu.memory_space<hbm>> -> memref<80x125xi32, #tpu.memory_space<hbm>>
      %dma_wait3A_43 = arith.constant 0 : i32
      %dma_wait3A_44 = tpu.memref_slice %arg2[%run_scoped3A, %mul3A_2, %dma_wait3A_43] : memref<2x2560x125xi32, #tpu.memory_space<hbm>> -> memref<1x80x125xi32, #tpu.memory_space<hbm>>
      %dma_wait3A_45 = tpu.memref_squeeze %dma_wait3A_44 : memref<1x80x125xi32, #tpu.memory_space<hbm>> -> memref<80x125xi32, #tpu.memory_space<hbm>>
      tpu.wait_dma2 semaphore(%run_scoped3A_35 : memref<!tpu.dma_semaphore, #tpu.memory_space<semaphore_mem>>) src(%dma_wait3A_45 : memref<80x125xi32, #tpu.memory_space<hbm>>) dst(%arg5 : memref<80x125xi32, #tpu.memory_space<vmem>>)
      tpu.yield
    }) : () -> ()
    %broadcast_in_dim3A = arith.constant 0.000000e+00 : f32
    %broadcast_in_dim3A_3 = vector.broadcast %broadcast_in_dim3A : f32 to vector<16xf32>
    %scan3A = arith.constant 0 : i32
    %scan3A_4 = arith.constant 0 : i32
    %scan3A_5 = arith.constant 39 : i32
    %scan3A_6 = arith.addi %scan3A_4, %scan3A_5 : i32
    %scan3A_7 = arith.constant 1 : i32
    scf.for %scan3A_35 = %scan3A_4 to %scan3A_6 step %scan3A_7  : i32 {
      %mul3A_36 = arith.constant 16 : i32
      %mul3A_37 = arith.muli %scan3A_35, %mul3A_36 : i32
      %swap3A_38 = arith.index_cast %mul3A_37 : i32 to index
      %swap3A_39 = tpu.vector_load %arg7[%swap3A_38] {strides = array<i32>} : memref<624xf32, #tpu.memory_space<vmem>>, vector<16xf32>,
      %swap3A_40 = vector.shape_cast %swap3A_39 : vector<16xf32> to vector<16xf32>
      %swap3A_41 = vector.shape_cast %broadcast_in_dim3A_3 : vector<16xf32> to vector<16xf32>
      tpu.vector_store %arg7[%swap3A_38], %swap3A_41 {strides = array<i32>} : memref<624xf32, #tpu.memory_space<vmem>>, vector<16xf32>,
    }
    %scan3A_8 = arith.constant 39 : i32
    %swap3A = arith.constant 0 : index
    %swap3A_9 = tpu.vector_load %arg8[%swap3A] {strides = array<i32>} : memref<16xf32, #tpu.memory_space<vmem>>, vector<16xf32>,
    %swap3A_10 = vector.shape_cast %swap3A_9 : vector<16xf32> to vector<16xf32>
    %swap3A_11 = vector.shape_cast %broadcast_in_dim3A_3 : vector<16xf32> to vector<16xf32>
    tpu.vector_store %arg8[%swap3A], %swap3A_11 {strides = array<i32>} : memref<16xf32, #tpu.memory_space<vmem>>, vector<16xf32>,
    %mul3A_12 = arith.constant 624 : i32
    %mul3A_13 = arith.muli %arg1, %mul3A_12 : i32
    "tpu.region"() ({
      %run_scoped3A_35 = tpu.sem_alloc : memref<!tpu.dma_semaphore, #tpu.memory_space<semaphore_mem>>
      %dma_start3A = tpu.memref_slice %arg9[%mul3A_13] : memref<10000xf32, #tpu.memory_space<vmem_shared>> -> memref<624xf32, #tpu.memory_space<vmem_shared>>
      %dma_start3A_36 = tpu.memref_slice %arg9[%mul3A_13] : memref<10000xf32, #tpu.memory_space<vmem_shared>> -> memref<624xf32, #tpu.memory_space<vmem_shared>>
      tpu.enqueue_dma source(%arg7 : memref<624xf32, #tpu.memory_space<vmem>>) target(%dma_start3A_36 : memref<624xf32, #tpu.memory_space<vmem_shared>>) target_semaphore(%run_scoped3A_35 : memref<!tpu.dma_semaphore, #tpu.memory_space<semaphore_mem>>)
      %dma_wait3A = tpu.memref_slice %arg9[%mul3A_13] : memref<10000xf32, #tpu.memory_space<vmem_shared>> -> memref<624xf32, #tpu.memory_space<vmem_shared>>
      %dma_wait3A_37 = tpu.memref_slice %arg9[%mul3A_13] : memref<10000xf32, #tpu.memory_space<vmem_shared>> -> memref<624xf32, #tpu.memory_space<vmem_shared>>
      tpu.wait_dma2 semaphore(%run_scoped3A_35 : memref<!tpu.dma_semaphore, #tpu.memory_space<semaphore_mem>>) src(%arg7 : memref<624xf32, #tpu.memory_space<vmem>>) dst(%dma_wait3A_37 : memref<624xf32, #tpu.memory_space<vmem_shared>>)
      tpu.yield
    }) : () -> ()
    %eq3A = arith.constant 0 : i32
    %eq3A_14 = arith.cmpi eq, %arg1, %eq3A : i32
    %convert_element_type3A = arith.extui %eq3A_14 : i1 to i32
    %cond3A = arith.constant 0 : i32
    %cond3A_15 = arith.cmpi ne, %convert_element_type3A, %cond3A : i32
    scf.if %cond3A_15 {
      "tpu.region"() ({
        %run_scoped3A_35 = tpu.sem_alloc : memref<!tpu.dma_semaphore, #tpu.memory_space<semaphore_mem>>
        %dma_start3A = arith.constant 9984 : i32
        %dma_start3A_36 = tpu.memref_slice %arg9[%dma_start3A] : memref<10000xf32, #tpu.memory_space<vmem_shared>> -> memref<16xf32, #tpu.memory_space<vmem_shared>>
        %dma_start3A_37 = arith.constant 9984 : i32
        %dma_start3A_38 = tpu.memref_slice %arg9[%dma_start3A_37] : memref<10000xf32, #tpu.memory_space<vmem_shared>> -> memref<16xf32, #tpu.memory_space<vmem_shared>>
        tpu.enqueue_dma source(%arg8 : memref<16xf32, #tpu.memory_space<vmem>>) target(%dma_start3A_38 : memref<16xf32, #tpu.memory_space<vmem_shared>>) target_semaphore(%run_scoped3A_35 : memref<!tpu.dma_semaphore, #tpu.memory_space<semaphore_mem>>)
        %dma_wait3A = arith.constant 9984 : i32
        %dma_wait3A_39 = tpu.memref_slice %arg9[%dma_wait3A] : memref<10000xf32, #tpu.memory_space<vmem_shared>> -> memref<16xf32, #tpu.memory_space<vmem_shared>>
        %dma_wait3A_40 = arith.constant 9984 : i32
        %dma_wait3A_41 = tpu.memref_slice %arg9[%dma_wait3A_40] : memref<10000xf32, #tpu.memory_space<vmem_shared>> -> memref<16xf32, #tpu.memory_space<vmem_shared>>
        tpu.wait_dma2 semaphore(%run_scoped3A_35 : memref<!tpu.dma_semaphore, #tpu.memory_space<semaphore_mem>>) src(%arg8 : memref<16xf32, #tpu.memory_space<vmem>>) dst(%dma_wait3A_41 : memref<16xf32, #tpu.memory_space<vmem_shared>>)
        tpu.yield
      }) : () -> ()
    } else {
    }
    %barrier3A = arith.constant 0 : index
    tpu.barrier barrier_id(%barrier3A)
    %scan3A_16 = arith.constant 0 : i32
    %scan3A_17 = arith.constant 0 : i32
    %scan3A_18 = arith.constant 80 : i32
    %scan3A_19 = arith.addi %scan3A_17, %scan3A_18 : i32
    %scan3A_20 = arith.constant 1 : i32
    scf.for %scan3A_35 = %scan3A_17 to %scan3A_19 step %scan3A_20  : i32 {
      "tpu.region"() ({
        %run_scoped3A_36 = tpu.sem_alloc : memref<!tpu.dma_semaphore, #tpu.memory_space<semaphore_mem>>
        %dma_start3A = arith.constant 0 : i32
        %dma_start3A_37 = tpu.memref_slice %arg6[%dma_start3A] : memref<128xf32, #tpu.memory_space<vmem>> -> memref<125xf32, #tpu.memory_space<vmem>>
        %dma_start3A_38 = arith.constant 0 : i32
        %dma_start3A_39 = tpu.memref_slice %arg5[%scan3A_35, %dma_start3A_38] : memref<80x125xi32, #tpu.memory_space<vmem>> -> memref<1x125xi32, #tpu.memory_space<vmem>>
        %dma_start3A_40 = tpu.memref_squeeze %dma_start3A_39 : memref<1x125xi32, #tpu.memory_space<vmem>> -> memref<125xi32, #tpu.memory_space<vmem>>
        %dma_start3A_41 = arith.constant 0 : i32
        %dma_start3A_42 = tpu.memref_slice %arg9[%dma_start3A_41] : memref<10000xf32, #tpu.memory_space<vmem_shared>> -> memref<10000xf32, #tpu.memory_space<vmem_shared>>
        tpu.enqueue_indirect_dma source(%dma_start3A_37 : memref<125xf32, #tpu.memory_space<vmem>>) target(%dma_start3A_42 : memref<10000xf32, #tpu.memory_space<vmem_shared>>) offsets(%dma_start3A_40 : memref<125xi32, #tpu.memory_space<vmem>>) semaphore(%run_scoped3A_36 : memref<!tpu.dma_semaphore, #tpu.memory_space<semaphore_mem>>) {add = true}
        %dma_wait3A = arith.constant 0 : i32
        %dma_wait3A_43 = tpu.memref_slice %arg6[%dma_wait3A] : memref<128xf32, #tpu.memory_space<vmem>> -> memref<125xf32, #tpu.memory_space<vmem>>
        %dma_wait3A_44 = arith.constant 0 : i32
        %dma_wait3A_45 = tpu.memref_slice %arg5[%scan3A_35, %dma_wait3A_44] : memref<80x125xi32, #tpu.memory_space<vmem>> -> memref<1x125xi32, #tpu.memory_space<vmem>>
        %dma_wait3A_46 = tpu.memref_squeeze %dma_wait3A_45 : memref<1x125xi32, #tpu.memory_space<vmem>> -> memref<125xi32, #tpu.memory_space<vmem>>
        %dma_wait3A_47 = arith.constant 0 : i32
        %dma_wait3A_48 = tpu.memref_slice %arg9[%dma_wait3A_47] : memref<10000xf32, #tpu.memory_space<vmem_shared>> -> memref<10000xf32, #tpu.memory_space<vmem_shared>>
        tpu.wait_indirect_dma semaphore(%run_scoped3A_36 : memref<!tpu.dma_semaphore, #tpu.memory_space<semaphore_mem>>) src(%dma_wait3A_43 : memref<125xf32, #tpu.memory_space<vmem>>) dst(%dma_wait3A_48 : memref<10000xf32, #tpu.memory_space<vmem_shared>>)
        tpu.yield
      }) : () -> ()
    }
    %scan3A_21 = arith.constant 80 : i32
    %barrier3A_22 = arith.constant 0 : index
    tpu.barrier barrier_id(%barrier3A_22)
    %mul3A_23 = arith.constant 624 : i32
    %mul3A_24 = arith.muli %arg1, %mul3A_23 : i32
    "tpu.region"() ({
      %run_scoped3A_35 = tpu.sem_alloc : memref<!tpu.dma_semaphore, #tpu.memory_space<semaphore_mem>>
      %dma_start3A = tpu.memref_slice %arg9[%mul3A_24] : memref<10000xf32, #tpu.memory_space<vmem_shared>> -> memref<624xf32, #tpu.memory_space<vmem_shared>>
      %dma_start3A_36 = tpu.memref_slice %arg9[%mul3A_24] : memref<10000xf32, #tpu.memory_space<vmem_shared>> -> memref<624xf32, #tpu.memory_space<vmem_shared>>
      tpu.enqueue_dma source(%dma_start3A_36 : memref<624xf32, #tpu.memory_space<vmem_shared>>) target(%arg7 : memref<624xf32, #tpu.memory_space<vmem>>) target_semaphore(%run_scoped3A_35 : memref<!tpu.dma_semaphore, #tpu.memory_space<semaphore_mem>>)
      %dma_wait3A = tpu.memref_slice %arg9[%mul3A_24] : memref<10000xf32, #tpu.memory_space<vmem_shared>> -> memref<624xf32, #tpu.memory_space<vmem_shared>>
      %dma_wait3A_37 = tpu.memref_slice %arg9[%mul3A_24] : memref<10000xf32, #tpu.memory_space<vmem_shared>> -> memref<624xf32, #tpu.memory_space<vmem_shared>>
      tpu.wait_dma2 semaphore(%run_scoped3A_35 : memref<!tpu.dma_semaphore, #tpu.memory_space<semaphore_mem>>) src(%dma_wait3A_37 : memref<624xf32, #tpu.memory_space<vmem_shared>>) dst(%arg7 : memref<624xf32, #tpu.memory_space<vmem>>)
      tpu.yield
    }) : () -> ()
    %mul3A_25 = arith.constant 10000 : i32
    %mul3A_26 = arith.muli %arg0, %mul3A_25 : i32
    %mul3A_27 = arith.constant 624 : i32
    %mul3A_28 = arith.muli %arg1, %mul3A_27 : i32
    %add3A_29 = arith.addi %mul3A_26, %mul3A_28 : i32
    "tpu.region"() ({
      %run_scoped3A_35 = tpu.sem_alloc : memref<!tpu.dma_semaphore, #tpu.memory_space<semaphore_mem>>
      %dma_start3A = tpu.memref_slice %arg4[%add3A_29] : memref<20000xf32, #tpu.memory_space<hbm>> -> memref<624xf32, #tpu.memory_space<hbm>>
      %dma_start3A_36 = tpu.memref_slice %arg4[%add3A_29] : memref<20000xf32, #tpu.memory_space<hbm>> -> memref<624xf32, #tpu.memory_space<hbm>>
      tpu.enqueue_dma source(%arg7 : memref<624xf32, #tpu.memory_space<vmem>>) target(%dma_start3A_36 : memref<624xf32, #tpu.memory_space<hbm>>) target_semaphore(%run_scoped3A_35 : memref<!tpu.dma_semaphore, #tpu.memory_space<semaphore_mem>>)
      %dma_wait3A = tpu.memref_slice %arg4[%add3A_29] : memref<20000xf32, #tpu.memory_space<hbm>> -> memref<624xf32, #tpu.memory_space<hbm>>
      %dma_wait3A_37 = tpu.memref_slice %arg4[%add3A_29] : memref<20000xf32, #tpu.memory_space<hbm>> -> memref<624xf32, #tpu.memory_space<hbm>>
      tpu.wait_dma2 semaphore(%run_scoped3A_35 : memref<!tpu.dma_semaphore, #tpu.memory_space<semaphore_mem>>) src(%arg7 : memref<624xf32, #tpu.memory_space<vmem>>) dst(%dma_wait3A_37 : memref<624xf32, #tpu.memory_space<hbm>>)
      tpu.yield
    }) : () -> ()
    %eq3A_30 = arith.constant 0 : i32
    %eq3A_31 = arith.cmpi eq, %arg1, %eq3A_30 : i32
    %convert_element_type3A_32 = arith.extui %eq3A_31 : i1 to i32
    %cond3A_33 = arith.constant 0 : i32
    %cond3A_34 = arith.cmpi ne, %convert_element_type3A_32, %cond3A_33 : i32
    scf.if %cond3A_34 {
      "tpu.region"() ({
        %run_scoped3A_39 = tpu.sem_alloc : memref<!tpu.dma_semaphore, #tpu.memory_space<semaphore_mem>>
        %dma_start3A = arith.constant 9984 : i32
        %dma_start3A_40 = tpu.memref_slice %arg9[%dma_start3A] : memref<10000xf32, #tpu.memory_space<vmem_shared>> -> memref<16xf32, #tpu.memory_space<vmem_shared>>
        %dma_start3A_41 = arith.constant 9984 : i32
        %dma_start3A_42 = tpu.memref_slice %arg9[%dma_start3A_41] : memref<10000xf32, #tpu.memory_space<vmem_shared>> -> memref<16xf32, #tpu.memory_space<vmem_shared>>
        tpu.enqueue_dma source(%dma_start3A_42 : memref<16xf32, #tpu.memory_space<vmem_shared>>) target(%arg8 : memref<16xf32, #tpu.memory_space<vmem>>) target_semaphore(%run_scoped3A_39 : memref<!tpu.dma_semaphore, #tpu.memory_space<semaphore_mem>>)
        %dma_wait3A = arith.constant 9984 : i32
        %dma_wait3A_43 = tpu.memref_slice %arg9[%dma_wait3A] : memref<10000xf32, #tpu.memory_space<vmem_shared>> -> memref<16xf32, #tpu.memory_space<vmem_shared>>
        %dma_wait3A_44 = arith.constant 9984 : i32
        %dma_wait3A_45 = tpu.memref_slice %arg9[%dma_wait3A_44] : memref<10000xf32, #tpu.memory_space<vmem_shared>> -> memref<16xf32, #tpu.memory_space<vmem_shared>>
        tpu.wait_dma2 semaphore(%run_scoped3A_39 : memref<!tpu.dma_semaphore, #tpu.memory_space<semaphore_mem>>) src(%dma_wait3A_45 : memref<16xf32, #tpu.memory_space<vmem_shared>>) dst(%arg8 : memref<16xf32, #tpu.memory_space<vmem>>)
        tpu.yield
      }) : () -> ()
      %mul3A_35 = arith.constant 10000 : i32
      %mul3A_36 = arith.muli %arg0, %mul3A_35 : i32
      %add3A_37 = arith.constant 9984 : i32
      %add3A_38 = arith.addi %mul3A_36, %add3A_37 : i32
      "tpu.region"() ({
        %run_scoped3A_39 = tpu.sem_alloc : memref<!tpu.dma_semaphore, #tpu.memory_space<semaphore_mem>>
        %dma_start3A = tpu.memref_slice %arg4[%add3A_38] : memref<20000xf32, #tpu.memory_space<hbm>> -> memref<16xf32, #tpu.memory_space<hbm>>
        %dma_start3A_40 = tpu.memref_slice %arg4[%add3A_38] : memref<20000xf32, #tpu.memory_space<hbm>> -> memref<16xf32, #tpu.memory_space<hbm>>
        tpu.enqueue_dma source(%arg8 : memref<16xf32, #tpu.memory_space<vmem>>) target(%dma_start3A_40 : memref<16xf32, #tpu.memory_space<hbm>>) target_semaphore(%run_scoped3A_39 : memref<!tpu.dma_semaphore, #tpu.memory_space<semaphore_mem>>)
        %dma_wait3A = tpu.memref_slice %arg4[%add3A_38] : memref<20000xf32, #tpu.memory_space<hbm>> -> memref<16xf32, #tpu.memory_space<hbm>>
        %dma_wait3A_41 = tpu.memref_slice %arg4[%add3A_38] : memref<20000xf32, #tpu.memory_space<hbm>> -> memref<16xf32, #tpu.memory_space<hbm>>
        tpu.wait_dma2 semaphore(%run_scoped3A_39 : memref<!tpu.dma_semaphore, #tpu.memory_space<semaphore_mem>>) src(%arg8 : memref<16xf32, #tpu.memory_space<vmem>>) dst(%dma_wait3A_41 : memref<16xf32, #tpu.memory_space<hbm>>)
        tpu.yield
      }) : () -> ()
    } else {
    }
    return
  }
}

#map = affine_map<(d0, d1) -> (0, 0, 0)>
#map1 = affine_map<(d0, d1) -> (0, 0)>
module attributes {stable_mosaic.version = 14 : i64} {
  func.func @_prop_kernel(%arg0: i32, %arg1: i32, %arg2: memref<2x2560x125xi32, #tpu.memory_space<hbm>>, %arg3: memref<10000x128xf32, #tpu.memory_space<hbm>>, %arg4: memref<2x10000x128xf32, #tpu.memory_space<hbm>>, %arg5: memref<2x8x125xi32, #tpu.memory_space<vmem>>, %arg6: memref<2x8x125xi32, #tpu.memory_space<vmem>>, %arg7: memref<125x128xf32, #tpu.memory_space<vmem>>, %arg8: memref<125x128xf32, #tpu.memory_space<vmem>>, %arg9: memref<10000x128xf32, #tpu.memory_space<vmem_shared>>, %arg10: memref<!tpu.dma_semaphore, #tpu.memory_space<semaphore_mem>>, %arg11: memref<!tpu.dma_semaphore, #tpu.memory_space<semaphore_mem>>, %arg12: memref<!tpu.dma_semaphore, #tpu.memory_space<semaphore_mem>>, %arg13: memref<!tpu.dma_semaphore, #tpu.memory_space<semaphore_mem>>, %arg14: memref<!tpu.dma_semaphore, #tpu.memory_space<semaphore_mem>>) attributes {dimension_semantics = [#tpu.dimension_semantics<core_parallel>, #tpu.dimension_semantics<subcore_parallel>], iteration_bounds = array<i64: 2, 16>, scalar_prefetch = 0 : i64, scratch_operands = 10 : i64, tpu.core_type = #tpu.core_type<sc_vector_subcore>, window_params = [{transform_indices = #map}, {transform_indices = #map1}, {transform_indices = #map}]} {
    %mul3A = arith.constant 16 : i32
    %mul3A_0 = arith.muli %arg0, %mul3A : i32
    %add3A = arith.addi %mul3A_0, %arg1 : i32
    %mul3A_1 = arith.constant 80 : i32
    %mul3A_2 = arith.muli %add3A, %mul3A_1 : i32
    %run_scoped3A = arith.constant 0 : i32
    %run_scoped3A_3 = arith.constant 0 : i32
    "tpu.region"() ({
      %run_scoped3A_261 = tpu.sem_alloc : memref<!tpu.dma_semaphore, #tpu.memory_space<semaphore_mem>>
      %dma_start3A_262 = arith.constant 0 : i32
      %dma_start3A_263 = arith.constant 0 : i32
      %dma_start3A_264 = tpu.memref_slice %arg5[%run_scoped3A_3, %dma_start3A_262, %dma_start3A_263] : memref<2x8x125xi32, #tpu.memory_space<vmem>> -> memref<1x8x125xi32, #tpu.memory_space<vmem>>
      %dma_start3A_265 = tpu.memref_squeeze %dma_start3A_264 : memref<1x8x125xi32, #tpu.memory_space<vmem>> -> memref<8x125xi32, #tpu.memory_space<vmem>>
      %dma_start3A_266 = arith.constant 0 : i32
      %dma_start3A_267 = tpu.memref_slice %arg2[%run_scoped3A, %mul3A_2, %dma_start3A_266] : memref<2x2560x125xi32, #tpu.memory_space<hbm>> -> memref<1x8x125xi32, #tpu.memory_space<hbm>>
      %dma_start3A_268 = tpu.memref_squeeze %dma_start3A_267 : memref<1x8x125xi32, #tpu.memory_space<hbm>> -> memref<8x125xi32, #tpu.memory_space<hbm>>
      %dma_start3A_269 = arith.constant 0 : i32
      %dma_start3A_270 = arith.constant 0 : i32
      %dma_start3A_271 = tpu.memref_slice %arg5[%run_scoped3A_3, %dma_start3A_269, %dma_start3A_270] : memref<2x8x125xi32, #tpu.memory_space<vmem>> -> memref<1x8x125xi32, #tpu.memory_space<vmem>>
      %dma_start3A_272 = tpu.memref_squeeze %dma_start3A_271 : memref<1x8x125xi32, #tpu.memory_space<vmem>> -> memref<8x125xi32, #tpu.memory_space<vmem>>
      %dma_start3A_273 = arith.constant 0 : i32
      %dma_start3A_274 = tpu.memref_slice %arg2[%run_scoped3A, %mul3A_2, %dma_start3A_273] : memref<2x2560x125xi32, #tpu.memory_space<hbm>> -> memref<1x8x125xi32, #tpu.memory_space<hbm>>
      %dma_start3A_275 = tpu.memref_squeeze %dma_start3A_274 : memref<1x8x125xi32, #tpu.memory_space<hbm>> -> memref<8x125xi32, #tpu.memory_space<hbm>>
      tpu.enqueue_dma source(%dma_start3A_275 : memref<8x125xi32, #tpu.memory_space<hbm>>) target(%dma_start3A_272 : memref<8x125xi32, #tpu.memory_space<vmem>>) target_semaphore(%run_scoped3A_261 : memref<!tpu.dma_semaphore, #tpu.memory_space<semaphore_mem>>)
      %dma_wait3A_276 = arith.constant 0 : i32
      %dma_wait3A_277 = arith.constant 0 : i32
      %dma_wait3A_278 = tpu.memref_slice %arg5[%run_scoped3A_3, %dma_wait3A_276, %dma_wait3A_277] : memref<2x8x125xi32, #tpu.memory_space<vmem>> -> memref<1x8x125xi32, #tpu.memory_space<vmem>>
      %dma_wait3A_279 = tpu.memref_squeeze %dma_wait3A_278 : memref<1x8x125xi32, #tpu.memory_space<vmem>> -> memref<8x125xi32, #tpu.memory_space<vmem>>
      %dma_wait3A_280 = arith.constant 0 : i32
      %dma_wait3A_281 = tpu.memref_slice %arg2[%run_scoped3A, %mul3A_2, %dma_wait3A_280] : memref<2x2560x125xi32, #tpu.memory_space<hbm>> -> memref<1x8x125xi32, #tpu.memory_space<hbm>>
      %dma_wait3A_282 = tpu.memref_squeeze %dma_wait3A_281 : memref<1x8x125xi32, #tpu.memory_space<hbm>> -> memref<8x125xi32, #tpu.memory_space<hbm>>
      %dma_wait3A_283 = arith.constant 0 : i32
      %dma_wait3A_284 = arith.constant 0 : i32
      %dma_wait3A_285 = tpu.memref_slice %arg5[%run_scoped3A_3, %dma_wait3A_283, %dma_wait3A_284] : memref<2x8x125xi32, #tpu.memory_space<vmem>> -> memref<1x8x125xi32, #tpu.memory_space<vmem>>
      %dma_wait3A_286 = tpu.memref_squeeze %dma_wait3A_285 : memref<1x8x125xi32, #tpu.memory_space<vmem>> -> memref<8x125xi32, #tpu.memory_space<vmem>>
      %dma_wait3A_287 = arith.constant 0 : i32
      %dma_wait3A_288 = tpu.memref_slice %arg2[%run_scoped3A, %mul3A_2, %dma_wait3A_287] : memref<2x2560x125xi32, #tpu.memory_space<hbm>> -> memref<1x8x125xi32, #tpu.memory_space<hbm>>
      %dma_wait3A_289 = tpu.memref_squeeze %dma_wait3A_288 : memref<1x8x125xi32, #tpu.memory_space<hbm>> -> memref<8x125xi32, #tpu.memory_space<hbm>>
      tpu.wait_dma2 semaphore(%run_scoped3A_261 : memref<!tpu.dma_semaphore, #tpu.memory_space<semaphore_mem>>) src(%dma_wait3A_289 : memref<8x125xi32, #tpu.memory_space<hbm>>) dst(%dma_wait3A_286 : memref<8x125xi32, #tpu.memory_space<vmem>>)
      tpu.yield
    }) : () -> ()
    %run_scoped3A_4 = arith.constant 1 : i32
    %run_scoped3A_5 = arith.constant 0 : i32
    "tpu.region"() ({
      %run_scoped3A_261 = tpu.sem_alloc : memref<!tpu.dma_semaphore, #tpu.memory_space<semaphore_mem>>
      %dma_start3A_262 = arith.constant 0 : i32
      %dma_start3A_263 = arith.constant 0 : i32
      %dma_start3A_264 = tpu.memref_slice %arg6[%run_scoped3A_5, %dma_start3A_262, %dma_start3A_263] : memref<2x8x125xi32, #tpu.memory_space<vmem>> -> memref<1x8x125xi32, #tpu.memory_space<vmem>>
      %dma_start3A_265 = tpu.memref_squeeze %dma_start3A_264 : memref<1x8x125xi32, #tpu.memory_space<vmem>> -> memref<8x125xi32, #tpu.memory_space<vmem>>
      %dma_start3A_266 = arith.constant 0 : i32
      %dma_start3A_267 = tpu.memref_slice %arg2[%run_scoped3A_4, %mul3A_2, %dma_start3A_266] : memref<2x2560x125xi32, #tpu.memory_space<hbm>> -> memref<1x8x125xi32, #tpu.memory_space<hbm>>
      %dma_start3A_268 = tpu.memref_squeeze %dma_start3A_267 : memref<1x8x125xi32, #tpu.memory_space<hbm>> -> memref<8x125xi32, #tpu.memory_space<hbm>>
      %dma_start3A_269 = arith.constant 0 : i32
      %dma_start3A_270 = arith.constant 0 : i32
      %dma_start3A_271 = tpu.memref_slice %arg6[%run_scoped3A_5, %dma_start3A_269, %dma_start3A_270] : memref<2x8x125xi32, #tpu.memory_space<vmem>> -> memref<1x8x125xi32, #tpu.memory_space<vmem>>
      %dma_start3A_272 = tpu.memref_squeeze %dma_start3A_271 : memref<1x8x125xi32, #tpu.memory_space<vmem>> -> memref<8x125xi32, #tpu.memory_space<vmem>>
      %dma_start3A_273 = arith.constant 0 : i32
      %dma_start3A_274 = tpu.memref_slice %arg2[%run_scoped3A_4, %mul3A_2, %dma_start3A_273] : memref<2x2560x125xi32, #tpu.memory_space<hbm>> -> memref<1x8x125xi32, #tpu.memory_space<hbm>>
      %dma_start3A_275 = tpu.memref_squeeze %dma_start3A_274 : memref<1x8x125xi32, #tpu.memory_space<hbm>> -> memref<8x125xi32, #tpu.memory_space<hbm>>
      tpu.enqueue_dma source(%dma_start3A_275 : memref<8x125xi32, #tpu.memory_space<hbm>>) target(%dma_start3A_272 : memref<8x125xi32, #tpu.memory_space<vmem>>) target_semaphore(%run_scoped3A_261 : memref<!tpu.dma_semaphore, #tpu.memory_space<semaphore_mem>>)
      %dma_wait3A_276 = arith.constant 0 : i32
      %dma_wait3A_277 = arith.constant 0 : i32
      %dma_wait3A_278 = tpu.memref_slice %arg6[%run_scoped3A_5, %dma_wait3A_276, %dma_wait3A_277] : memref<2x8x125xi32, #tpu.memory_space<vmem>> -> memref<1x8x125xi32, #tpu.memory_space<vmem>>
      %dma_wait3A_279 = tpu.memref_squeeze %dma_wait3A_278 : memref<1x8x125xi32, #tpu.memory_space<vmem>> -> memref<8x125xi32, #tpu.memory_space<vmem>>
      %dma_wait3A_280 = arith.constant 0 : i32
      %dma_wait3A_281 = tpu.memref_slice %arg2[%run_scoped3A_4, %mul3A_2, %dma_wait3A_280] : memref<2x2560x125xi32, #tpu.memory_space<hbm>> -> memref<1x8x125xi32, #tpu.memory_space<hbm>>
      %dma_wait3A_282 = tpu.memref_squeeze %dma_wait3A_281 : memref<1x8x125xi32, #tpu.memory_space<hbm>> -> memref<8x125xi32, #tpu.memory_space<hbm>>
      %dma_wait3A_283 = arith.constant 0 : i32
      %dma_wait3A_284 = arith.constant 0 : i32
      %dma_wait3A_285 = tpu.memref_slice %arg6[%run_scoped3A_5, %dma_wait3A_283, %dma_wait3A_284] : memref<2x8x125xi32, #tpu.memory_space<vmem>> -> memref<1x8x125xi32, #tpu.memory_space<vmem>>
      %dma_wait3A_286 = tpu.memref_squeeze %dma_wait3A_285 : memref<1x8x125xi32, #tpu.memory_space<vmem>> -> memref<8x125xi32, #tpu.memory_space<vmem>>
      %dma_wait3A_287 = arith.constant 0 : i32
      %dma_wait3A_288 = tpu.memref_slice %arg2[%run_scoped3A_4, %mul3A_2, %dma_wait3A_287] : memref<2x2560x125xi32, #tpu.memory_space<hbm>> -> memref<1x8x125xi32, #tpu.memory_space<hbm>>
      %dma_wait3A_289 = tpu.memref_squeeze %dma_wait3A_288 : memref<1x8x125xi32, #tpu.memory_space<hbm>> -> memref<8x125xi32, #tpu.memory_space<hbm>>
      tpu.wait_dma2 semaphore(%run_scoped3A_261 : memref<!tpu.dma_semaphore, #tpu.memory_space<semaphore_mem>>) src(%dma_wait3A_289 : memref<8x125xi32, #tpu.memory_space<hbm>>) dst(%dma_wait3A_286 : memref<8x125xi32, #tpu.memory_space<vmem>>)
      tpu.yield
    }) : () -> ()
    %broadcast_in_dim3A = arith.constant 0.000000e+00 : f32
    %broadcast_in_dim3A_6 = vector.broadcast %broadcast_in_dim3A : f32 to vector<16xf32>
    %scan3A = arith.constant 0 : i32
    %scan3A_7 = arith.constant 0 : i32
    %scan3A_8 = arith.constant 125 : i32
    %scan3A_9 = arith.addi %scan3A_7, %scan3A_8 : i32
    %scan3A_10 = arith.constant 1 : i32
    scf.for %scan3A_261 = %scan3A_7 to %scan3A_9 step %scan3A_10  : i32 {
      %swap3A = arith.index_cast %scan3A_261 : i32 to index
      %swap3A_262 = arith.constant 0 : index
      %swap3A_263 = tpu.vector_load %arg7[%swap3A, %swap3A_262] {strides = array<i32>} : memref<125x128xf32, #tpu.memory_space<vmem>>, vector<1x16xf32>,
      %swap3A_264 = vector.shape_cast %swap3A_263 : vector<1x16xf32> to vector<16xf32>
      %swap3A_265 = vector.shape_cast %broadcast_in_dim3A_6 : vector<16xf32> to vector<1x16xf32>
      tpu.vector_store %arg7[%swap3A, %swap3A_262], %swap3A_265 {strides = array<i32>} : memref<125x128xf32, #tpu.memory_space<vmem>>, vector<1x16xf32>,
      %swap3A_266 = arith.index_cast %scan3A_261 : i32 to index
      %swap3A_267 = arith.constant 16 : index
      %swap3A_268 = tpu.vector_load %arg7[%swap3A_266, %swap3A_267] {strides = array<i32>} : memref<125x128xf32, #tpu.memory_space<vmem>>, vector<1x16xf32>,
      %swap3A_269 = vector.shape_cast %swap3A_268 : vector<1x16xf32> to vector<16xf32>
      %swap3A_270 = vector.shape_cast %broadcast_in_dim3A_6 : vector<16xf32> to vector<1x16xf32>
      tpu.vector_store %arg7[%swap3A_266, %swap3A_267], %swap3A_270 {strides = array<i32>} : memref<125x128xf32, #tpu.memory_space<vmem>>, vector<1x16xf32>,
      %swap3A_271 = arith.index_cast %scan3A_261 : i32 to index
      %swap3A_272 = arith.constant 32 : index
      %swap3A_273 = tpu.vector_load %arg7[%swap3A_271, %swap3A_272] {strides = array<i32>} : memref<125x128xf32, #tpu.memory_space<vmem>>, vector<1x16xf32>,
      %swap3A_274 = vector.shape_cast %swap3A_273 : vector<1x16xf32> to vector<16xf32>
      %swap3A_275 = vector.shape_cast %broadcast_in_dim3A_6 : vector<16xf32> to vector<1x16xf32>
      tpu.vector_store %arg7[%swap3A_271, %swap3A_272], %swap3A_275 {strides = array<i32>} : memref<125x128xf32, #tpu.memory_space<vmem>>, vector<1x16xf32>,
      %swap3A_276 = arith.index_cast %scan3A_261 : i32 to index
      %swap3A_277 = arith.constant 48 : index
      %swap3A_278 = tpu.vector_load %arg7[%swap3A_276, %swap3A_277] {strides = array<i32>} : memref<125x128xf32, #tpu.memory_space<vmem>>, vector<1x16xf32>,
      %swap3A_279 = vector.shape_cast %swap3A_278 : vector<1x16xf32> to vector<16xf32>
      %swap3A_280 = vector.shape_cast %broadcast_in_dim3A_6 : vector<16xf32> to vector<1x16xf32>
      tpu.vector_store %arg7[%swap3A_276, %swap3A_277], %swap3A_280 {strides = array<i32>} : memref<125x128xf32, #tpu.memory_space<vmem>>, vector<1x16xf32>,
      %swap3A_281 = arith.index_cast %scan3A_261 : i32 to index
      %swap3A_282 = arith.constant 64 : index
      %swap3A_283 = tpu.vector_load %arg7[%swap3A_281, %swap3A_282] {strides = array<i32>} : memref<125x128xf32, #tpu.memory_space<vmem>>, vector<1x16xf32>,
      %swap3A_284 = vector.shape_cast %swap3A_283 : vector<1x16xf32> to vector<16xf32>
      %swap3A_285 = vector.shape_cast %broadcast_in_dim3A_6 : vector<16xf32> to vector<1x16xf32>
      tpu.vector_store %arg7[%swap3A_281, %swap3A_282], %swap3A_285 {strides = array<i32>} : memref<125x128xf32, #tpu.memory_space<vmem>>, vector<1x16xf32>,
      %swap3A_286 = arith.index_cast %scan3A_261 : i32 to index
      %swap3A_287 = arith.constant 80 : index
      %swap3A_288 = tpu.vector_load %arg7[%swap3A_286, %swap3A_287] {strides = array<i32>} : memref<125x128xf32, #tpu.memory_space<vmem>>, vector<1x16xf32>,
      %swap3A_289 = vector.shape_cast %swap3A_288 : vector<1x16xf32> to vector<16xf32>
      %swap3A_290 = vector.shape_cast %broadcast_in_dim3A_6 : vector<16xf32> to vector<1x16xf32>
      tpu.vector_store %arg7[%swap3A_286, %swap3A_287], %swap3A_290 {strides = array<i32>} : memref<125x128xf32, #tpu.memory_space<vmem>>, vector<1x16xf32>,
      %swap3A_291 = arith.index_cast %scan3A_261 : i32 to index
      %swap3A_292 = arith.constant 96 : index
      %swap3A_293 = tpu.vector_load %arg7[%swap3A_291, %swap3A_292] {strides = array<i32>} : memref<125x128xf32, #tpu.memory_space<vmem>>, vector<1x16xf32>,
      %swap3A_294 = vector.shape_cast %swap3A_293 : vector<1x16xf32> to vector<16xf32>
      %swap3A_295 = vector.shape_cast %broadcast_in_dim3A_6 : vector<16xf32> to vector<1x16xf32>
      tpu.vector_store %arg7[%swap3A_291, %swap3A_292], %swap3A_295 {strides = array<i32>} : memref<125x128xf32, #tpu.memory_space<vmem>>, vector<1x16xf32>,
      %swap3A_296 = arith.index_cast %scan3A_261 : i32 to index
      %swap3A_297 = arith.constant 112 : index
      %swap3A_298 = tpu.vector_load %arg7[%swap3A_296, %swap3A_297] {strides = array<i32>} : memref<125x128xf32, #tpu.memory_space<vmem>>, vector<1x16xf32>,
      %swap3A_299 = vector.shape_cast %swap3A_298 : vector<1x16xf32> to vector<16xf32>
      %swap3A_300 = vector.shape_cast %broadcast_in_dim3A_6 : vector<16xf32> to vector<1x16xf32>
      tpu.vector_store %arg7[%swap3A_296, %swap3A_297], %swap3A_300 {strides = array<i32>} : memref<125x128xf32, #tpu.memory_space<vmem>>, vector<1x16xf32>,
    }
    %scan3A_11 = arith.constant 125 : i32
    %scan3A_12 = arith.constant 0 : i32
    %scan3A_13 = arith.constant 0 : i32
    %scan3A_14 = arith.constant 6 : i32
    %scan3A_15 = arith.addi %scan3A_13, %scan3A_14 : i32
    %scan3A_16 = arith.constant 1 : i32
    scf.for %scan3A_261 = %scan3A_13 to %scan3A_15 step %scan3A_16  : i32 {
      %mul3A_262 = arith.constant 624 : i32
      %mul3A_263 = arith.muli %arg1, %mul3A_262 : i32
      %mul3A_264 = arith.constant 104 : i32
      %mul3A_265 = arith.muli %scan3A_261, %mul3A_264 : i32
      %add3A_266 = arith.addi %mul3A_263, %mul3A_265 : i32
      %dma_start3A_267 = arith.constant 0 : i32
      %dma_start3A_268 = arith.constant 0 : i32
      %dma_start3A_269 = tpu.memref_slice %arg7[%dma_start3A_267, %dma_start3A_268] : memref<125x128xf32, #tpu.memory_space<vmem>> -> memref<104x128xf32, #tpu.memory_space<vmem>>
      %dma_start3A_270 = arith.constant 0 : i32
      %dma_start3A_271 = tpu.memref_slice %arg9[%add3A_266, %dma_start3A_270] : memref<10000x128xf32, #tpu.memory_space<vmem_shared>> -> memref<104x128xf32, #tpu.memory_space<vmem_shared>>
      %dma_start3A_272 = arith.constant 0 : i32
      %dma_start3A_273 = tpu.memref_slice %arg9[%add3A_266, %dma_start3A_272] : memref<10000x128xf32, #tpu.memory_space<vmem_shared>> -> memref<104x128xf32, #tpu.memory_space<vmem_shared>>
      %dma_start3A_274 = arith.constant 0 : i32
      %dma_start3A_275 = arith.constant 0 : i32
      %dma_start3A_276 = tpu.memref_slice %arg7[%dma_start3A_274, %dma_start3A_275] : memref<125x128xf32, #tpu.memory_space<vmem>> -> memref<104x128xf32, #tpu.memory_space<vmem>>
      tpu.enqueue_dma source(%dma_start3A_276 : memref<104x128xf32, #tpu.memory_space<vmem>>) target(%dma_start3A_273 : memref<104x128xf32, #tpu.memory_space<vmem_shared>>) target_semaphore(%arg14 : memref<!tpu.dma_semaphore, #tpu.memory_space<semaphore_mem>>)
    }
    %scan3A_17 = arith.constant 6 : i32
    %eq3A = arith.constant 0 : i32
    %eq3A_18 = arith.cmpi eq, %arg1, %eq3A : i32
    %convert_element_type3A = arith.extui %eq3A_18 : i1 to i32
    %cond3A = arith.constant 0 : i32
    %cond3A_19 = arith.cmpi ne, %convert_element_type3A, %cond3A : i32
    scf.if %cond3A_19 {
      %dma_start3A_261 = arith.constant 0 : i32
      %dma_start3A_262 = arith.constant 0 : i32
      %dma_start3A_263 = tpu.memref_slice %arg7[%dma_start3A_261, %dma_start3A_262] : memref<125x128xf32, #tpu.memory_space<vmem>> -> memref<16x128xf32, #tpu.memory_space<vmem>>
      %dma_start3A_264 = arith.constant 9984 : i32
      %dma_start3A_265 = arith.constant 0 : i32
      %dma_start3A_266 = tpu.memref_slice %arg9[%dma_start3A_264, %dma_start3A_265] : memref<10000x128xf32, #tpu.memory_space<vmem_shared>> -> memref<16x128xf32, #tpu.memory_space<vmem_shared>>
      %dma_start3A_267 = arith.constant 9984 : i32
      %dma_start3A_268 = arith.constant 0 : i32
      %dma_start3A_269 = tpu.memref_slice %arg9[%dma_start3A_267, %dma_start3A_268] : memref<10000x128xf32, #tpu.memory_space<vmem_shared>> -> memref<16x128xf32, #tpu.memory_space<vmem_shared>>
      %dma_start3A_270 = arith.constant 0 : i32
      %dma_start3A_271 = arith.constant 0 : i32
      %dma_start3A_272 = tpu.memref_slice %arg7[%dma_start3A_270, %dma_start3A_271] : memref<125x128xf32, #tpu.memory_space<vmem>> -> memref<16x128xf32, #tpu.memory_space<vmem>>
      tpu.enqueue_dma source(%dma_start3A_272 : memref<16x128xf32, #tpu.memory_space<vmem>>) target(%dma_start3A_269 : memref<16x128xf32, #tpu.memory_space<vmem_shared>>) target_semaphore(%arg14 : memref<!tpu.dma_semaphore, #tpu.memory_space<semaphore_mem>>)
    } else {
    }
    %scan3A_20 = arith.constant 0 : i32
    %scan3A_21 = arith.constant 0 : i32
    %scan3A_22 = arith.constant 6 : i32
    %scan3A_23 = arith.addi %scan3A_21, %scan3A_22 : i32
    %scan3A_24 = arith.constant 1 : i32
    scf.for %scan3A_261 = %scan3A_21 to %scan3A_23 step %scan3A_24  : i32 {
      %mul3A_262 = arith.constant 624 : i32
      %mul3A_263 = arith.muli %arg1, %mul3A_262 : i32
      %dma_wait3A_264 = arith.constant 0 : i32
      %dma_wait3A_265 = arith.constant 0 : i32
      %dma_wait3A_266 = tpu.memref_slice %arg7[%dma_wait3A_264, %dma_wait3A_265] : memref<125x128xf32, #tpu.memory_space<vmem>> -> memref<104x128xf32, #tpu.memory_space<vmem>>
      %dma_wait3A_267 = arith.constant 0 : i32
      %dma_wait3A_268 = tpu.memref_slice %arg9[%mul3A_263, %dma_wait3A_267] : memref<10000x128xf32, #tpu.memory_space<vmem_shared>> -> memref<104x128xf32, #tpu.memory_space<vmem_shared>>
      %dma_wait3A_269 = arith.constant 0 : i32
      %dma_wait3A_270 = tpu.memref_slice %arg9[%mul3A_263, %dma_wait3A_269] : memref<10000x128xf32, #tpu.memory_space<vmem_shared>> -> memref<104x128xf32, #tpu.memory_space<vmem_shared>>
      %dma_wait3A_271 = arith.constant 0 : i32
      %dma_wait3A_272 = arith.constant 0 : i32
      %dma_wait3A_273 = tpu.memref_slice %arg7[%dma_wait3A_271, %dma_wait3A_272] : memref<125x128xf32, #tpu.memory_space<vmem>> -> memref<104x128xf32, #tpu.memory_space<vmem>>
      tpu.wait_dma2 semaphore(%arg14 : memref<!tpu.dma_semaphore, #tpu.memory_space<semaphore_mem>>) src(%dma_wait3A_273 : memref<104x128xf32, #tpu.memory_space<vmem>>) dst(%dma_wait3A_270 : memref<104x128xf32, #tpu.memory_space<vmem_shared>>)
    }
    %scan3A_25 = arith.constant 6 : i32
    %eq3A_26 = arith.constant 0 : i32
    %eq3A_27 = arith.cmpi eq, %arg1, %eq3A_26 : i32
    %convert_element_type3A_28 = arith.extui %eq3A_27 : i1 to i32
    %cond3A_29 = arith.constant 0 : i32
    %cond3A_30 = arith.cmpi ne, %convert_element_type3A_28, %cond3A_29 : i32
    scf.if %cond3A_30 {
      %dma_wait3A_261 = arith.constant 0 : i32
      %dma_wait3A_262 = arith.constant 0 : i32
      %dma_wait3A_263 = tpu.memref_slice %arg7[%dma_wait3A_261, %dma_wait3A_262] : memref<125x128xf32, #tpu.memory_space<vmem>> -> memref<16x128xf32, #tpu.memory_space<vmem>>
      %dma_wait3A_264 = arith.constant 9984 : i32
      %dma_wait3A_265 = arith.constant 0 : i32
      %dma_wait3A_266 = tpu.memref_slice %arg9[%dma_wait3A_264, %dma_wait3A_265] : memref<10000x128xf32, #tpu.memory_space<vmem_shared>> -> memref<16x128xf32, #tpu.memory_space<vmem_shared>>
      %dma_wait3A_267 = arith.constant 9984 : i32
      %dma_wait3A_268 = arith.constant 0 : i32
      %dma_wait3A_269 = tpu.memref_slice %arg9[%dma_wait3A_267, %dma_wait3A_268] : memref<10000x128xf32, #tpu.memory_space<vmem_shared>> -> memref<16x128xf32, #tpu.memory_space<vmem_shared>>
      %dma_wait3A_270 = arith.constant 0 : i32
      %dma_wait3A_271 = arith.constant 0 : i32
      %dma_wait3A_272 = tpu.memref_slice %arg7[%dma_wait3A_270, %dma_wait3A_271] : memref<125x128xf32, #tpu.memory_space<vmem>> -> memref<16x128xf32, #tpu.memory_space<vmem>>
      tpu.wait_dma2 semaphore(%arg14 : memref<!tpu.dma_semaphore, #tpu.memory_space<semaphore_mem>>) src(%dma_wait3A_272 : memref<16x128xf32, #tpu.memory_space<vmem>>) dst(%dma_wait3A_269 : memref<16x128xf32, #tpu.memory_space<vmem_shared>>)
    } else {
    }
    %dma_start3A = arith.constant 0 : i32
    %dma_start3A_31 = arith.constant 0 : i32
    %dma_start3A_32 = arith.constant 0 : i32
    %dma_start3A_33 = tpu.memref_slice %arg5[%dma_start3A, %dma_start3A_31, %dma_start3A_32] : memref<2x8x125xi32, #tpu.memory_space<vmem>> -> memref<1x1x125xi32, #tpu.memory_space<vmem>>
    %dma_start3A_34 = tpu.memref_squeeze %dma_start3A_33 : memref<1x1x125xi32, #tpu.memory_space<vmem>> -> memref<125xi32, #tpu.memory_space<vmem>>
    %dma_start3A_35 = arith.constant 0 : i32
    %dma_start3A_36 = arith.constant 0 : i32
    %dma_start3A_37 = tpu.memref_slice %arg3[%dma_start3A_35, %dma_start3A_36] : memref<10000x128xf32, #tpu.memory_space<hbm>> -> memref<10000x128xf32, #tpu.memory_space<hbm>>
    tpu.enqueue_indirect_dma source(%dma_start3A_37 : memref<10000x128xf32, #tpu.memory_space<hbm>>) target(%arg7 : memref<125x128xf32, #tpu.memory_space<vmem>>) offsets(%dma_start3A_34 : memref<125xi32, #tpu.memory_space<vmem>>) semaphore(%arg10 : memref<!tpu.dma_semaphore, #tpu.memory_space<semaphore_mem>>)
    %barrier3A = arith.constant 0 : index
    tpu.barrier barrier_id(%barrier3A)
    %scan3A_38 = arith.constant 0 : i32
    %scan3A_39 = arith.constant 0 : i32
    %scan3A_40 = arith.constant 10 : i32
    %scan3A_41 = arith.addi %scan3A_39, %scan3A_40 : i32
    %scan3A_42 = arith.constant 1 : i32
    scf.for %scan3A_261 = %scan3A_39 to %scan3A_41 step %scan3A_42  : i32 {
      %jit3A = arith.constant 2 : i32
      %eq3A_262 = arith.constant 0 : i32
      %eq3A_263 = arith.cmpi eq, %jit3A, %eq3A_262 : i32
      %jit3A_264 = arith.constant 1 : i32
      %select_n3A = arith.select %eq3A_263, %jit3A_264, %jit3A : i32
      %rem3A = arith.remsi %scan3A_261, %select_n3A : i32
      %ne3A = arith.constant 0 : i32
      %ne3A_265 = arith.cmpi ne, %rem3A, %ne3A : i32
      %lt3A = arith.constant 0 : i32
      %lt3A_266 = arith.cmpi slt, %rem3A, %lt3A : i32
      %lt3A_267 = arith.constant 0 : i32
      %lt3A_268 = arith.cmpi slt, %select_n3A, %lt3A_267 : i32
      %ne3A_269 = arith.xori %lt3A_266, %lt3A_268 : i1
      %and3A = arith.andi %ne3A_269, %ne3A_265 : i1
      %add3A_270 = arith.addi %rem3A, %select_n3A : i32
      %select_n3A_271 = arith.select %and3A, %add3A_270, %rem3A : i32
      %lt3A_272 = arith.constant 9 : i32
      %lt3A_273 = arith.cmpi slt, %scan3A_261, %lt3A_272 : i32
      %convert_element_type3A_274 = arith.extui %lt3A_273 : i1 to i32
      %cond3A_275 = arith.constant 0 : i32
      %cond3A_276 = arith.cmpi ne, %convert_element_type3A_274, %cond3A_275 : i32
      scf.if %cond3A_276 {
        %add3A_496 = arith.constant 1 : i32
        %add3A_497 = arith.addi %scan3A_261, %add3A_496 : i32
        %mul3A_498 = arith.constant 8 : i32
        %mul3A_499 = arith.muli %add3A_497, %mul3A_498 : i32
        %add3A_500 = arith.addi %mul3A_2, %mul3A_499 : i32
        %sub3A = arith.constant 1 : i32
        %sub3A_501 = arith.subi %sub3A, %select_n3A_271 : i32
        %dma_start3A_502 = arith.constant 0 : i32
        %dma_start3A_503 = arith.constant 0 : i32
        %dma_start3A_504 = arith.constant 0 : i32
        %dma_start3A_505 = tpu.memref_slice %arg5[%sub3A_501, %dma_start3A_503, %dma_start3A_504] : memref<2x8x125xi32, #tpu.memory_space<vmem>> -> memref<1x8x125xi32, #tpu.memory_space<vmem>>
        %dma_start3A_506 = tpu.memref_squeeze %dma_start3A_505 : memref<1x8x125xi32, #tpu.memory_space<vmem>> -> memref<8x125xi32, #tpu.memory_space<vmem>>
        %dma_start3A_507 = arith.constant 0 : i32
        %dma_start3A_508 = tpu.memref_slice %arg2[%dma_start3A_502, %add3A_500, %dma_start3A_507] : memref<2x2560x125xi32, #tpu.memory_space<hbm>> -> memref<1x8x125xi32, #tpu.memory_space<hbm>>
        %dma_start3A_509 = tpu.memref_squeeze %dma_start3A_508 : memref<1x8x125xi32, #tpu.memory_space<hbm>> -> memref<8x125xi32, #tpu.memory_space<hbm>>
        %dma_start3A_510 = arith.constant 0 : i32
        %dma_start3A_511 = arith.constant 0 : i32
        %dma_start3A_512 = tpu.memref_slice %arg5[%sub3A_501, %dma_start3A_510, %dma_start3A_511] : memref<2x8x125xi32, #tpu.memory_space<vmem>> -> memref<1x8x125xi32, #tpu.memory_space<vmem>>
        %dma_start3A_513 = tpu.memref_squeeze %dma_start3A_512 : memref<1x8x125xi32, #tpu.memory_space<vmem>> -> memref<8x125xi32, #tpu.memory_space<vmem>>
        %dma_start3A_514 = arith.constant 0 : i32
        %dma_start3A_515 = tpu.memref_slice %arg2[%dma_start3A_502, %add3A_500, %dma_start3A_514] : memref<2x2560x125xi32, #tpu.memory_space<hbm>> -> memref<1x8x125xi32, #tpu.memory_space<hbm>>
        %dma_start3A_516 = tpu.memref_squeeze %dma_start3A_515 : memref<1x8x125xi32, #tpu.memory_space<hbm>> -> memref<8x125xi32, #tpu.memory_space<hbm>>
        tpu.enqueue_dma source(%dma_start3A_516 : memref<8x125xi32, #tpu.memory_space<hbm>>) target(%dma_start3A_513 : memref<8x125xi32, #tpu.memory_space<vmem>>) target_semaphore(%arg14 : memref<!tpu.dma_semaphore, #tpu.memory_space<semaphore_mem>>)
        %sub3A_517 = arith.constant 1 : i32
        %sub3A_518 = arith.subi %sub3A_517, %select_n3A_271 : i32
        %dma_start3A_519 = arith.constant 1 : i32
        %dma_start3A_520 = arith.constant 0 : i32
        %dma_start3A_521 = arith.constant 0 : i32
        %dma_start3A_522 = tpu.memref_slice %arg6[%sub3A_518, %dma_start3A_520, %dma_start3A_521] : memref<2x8x125xi32, #tpu.memory_space<vmem>> -> memref<1x8x125xi32, #tpu.memory_space<vmem>>
        %dma_start3A_523 = tpu.memref_squeeze %dma_start3A_522 : memref<1x8x125xi32, #tpu.memory_space<vmem>> -> memref<8x125xi32, #tpu.memory_space<vmem>>
        %dma_start3A_524 = arith.constant 0 : i32
        %dma_start3A_525 = tpu.memref_slice %arg2[%dma_start3A_519, %add3A_500, %dma_start3A_524] : memref<2x2560x125xi32, #tpu.memory_space<hbm>> -> memref<1x8x125xi32, #tpu.memory_space<hbm>>
        %dma_start3A_526 = tpu.memref_squeeze %dma_start3A_525 : memref<1x8x125xi32, #tpu.memory_space<hbm>> -> memref<8x125xi32, #tpu.memory_space<hbm>>
        %dma_start3A_527 = arith.constant 0 : i32
        %dma_start3A_528 = arith.constant 0 : i32
        %dma_start3A_529 = tpu.memref_slice %arg6[%sub3A_518, %dma_start3A_527, %dma_start3A_528] : memref<2x8x125xi32, #tpu.memory_space<vmem>> -> memref<1x8x125xi32, #tpu.memory_space<vmem>>
        %dma_start3A_530 = tpu.memref_squeeze %dma_start3A_529 : memref<1x8x125xi32, #tpu.memory_space<vmem>> -> memref<8x125xi32, #tpu.memory_space<vmem>>
        %dma_start3A_531 = arith.constant 0 : i32
        %dma_start3A_532 = tpu.memref_slice %arg2[%dma_start3A_519, %add3A_500, %dma_start3A_531] : memref<2x2560x125xi32, #tpu.memory_space<hbm>> -> memref<1x8x125xi32, #tpu.memory_space<hbm>>
        %dma_start3A_533 = tpu.memref_squeeze %dma_start3A_532 : memref<1x8x125xi32, #tpu.memory_space<hbm>> -> memref<8x125xi32, #tpu.memory_space<hbm>>
        tpu.enqueue_dma source(%dma_start3A_533 : memref<8x125xi32, #tpu.memory_space<hbm>>) target(%dma_start3A_530 : memref<8x125xi32, #tpu.memory_space<vmem>>) target_semaphore(%arg14 : memref<!tpu.dma_semaphore, #tpu.memory_space<semaphore_mem>>)
      } else {
      }
      %dma_wait3A_277 = arith.constant 0 : i32
      %dma_wait3A_278 = arith.constant 0 : i32
      %dma_wait3A_279 = tpu.memref_slice %arg5[%select_n3A_271, %dma_wait3A_277, %dma_wait3A_278] : memref<2x8x125xi32, #tpu.memory_space<vmem>> -> memref<1x1x125xi32, #tpu.memory_space<vmem>>
      %dma_wait3A_280 = tpu.memref_squeeze %dma_wait3A_279 : memref<1x1x125xi32, #tpu.memory_space<vmem>> -> memref<125xi32, #tpu.memory_space<vmem>>
      %dma_wait3A_281 = arith.constant 0 : i32
      %dma_wait3A_282 = arith.constant 0 : i32
      %dma_wait3A_283 = tpu.memref_slice %arg3[%dma_wait3A_281, %dma_wait3A_282] : memref<10000x128xf32, #tpu.memory_space<hbm>> -> memref<10000x128xf32, #tpu.memory_space<hbm>>
      tpu.wait_indirect_dma semaphore(%arg10 : memref<!tpu.dma_semaphore, #tpu.memory_space<semaphore_mem>>) src(%dma_wait3A_283 : memref<10000x128xf32, #tpu.memory_space<hbm>>) dst(%arg7 : memref<125x128xf32, #tpu.memory_space<vmem>>)
      %dma_start3A_284 = arith.constant 0 : i32
      %dma_start3A_285 = arith.constant 0 : i32
      %dma_start3A_286 = tpu.memref_slice %arg6[%select_n3A_271, %dma_start3A_284, %dma_start3A_285] : memref<2x8x125xi32, #tpu.memory_space<vmem>> -> memref<1x1x125xi32, #tpu.memory_space<vmem>>
      %dma_start3A_287 = tpu.memref_squeeze %dma_start3A_286 : memref<1x1x125xi32, #tpu.memory_space<vmem>> -> memref<125xi32, #tpu.memory_space<vmem>>
      %dma_start3A_288 = arith.constant 0 : i32
      %dma_start3A_289 = arith.constant 0 : i32
      %dma_start3A_290 = tpu.memref_slice %arg9[%dma_start3A_288, %dma_start3A_289] : memref<10000x128xf32, #tpu.memory_space<vmem_shared>> -> memref<10000x128xf32, #tpu.memory_space<vmem_shared>>
      tpu.enqueue_indirect_dma source(%arg7 : memref<125x128xf32, #tpu.memory_space<vmem>>) target(%dma_start3A_290 : memref<10000x128xf32, #tpu.memory_space<vmem_shared>>) offsets(%dma_start3A_287 : memref<125xi32, #tpu.memory_space<vmem>>) semaphore(%arg12 : memref<!tpu.dma_semaphore, #tpu.memory_space<semaphore_mem>>) {add = true}
      %gt3A = arith.constant 0 : i32
      %gt3A_291 = arith.cmpi sgt, %scan3A_261, %gt3A : i32
      %convert_element_type3A_292 = arith.extui %gt3A_291 : i1 to i32
      %cond3A_293 = arith.constant 0 : i32
      %cond3A_294 = arith.cmpi ne, %convert_element_type3A_292, %cond3A_293 : i32
      scf.if %cond3A_294 {
        %dma_wait3A_496 = arith.constant 0 : i32
        %dma_wait3A_497 = arith.constant 0 : i32
        %dma_wait3A_498 = tpu.memref_slice %arg6[%select_n3A_271, %dma_wait3A_496, %dma_wait3A_497] : memref<2x8x125xi32, #tpu.memory_space<vmem>> -> memref<1x1x125xi32, #tpu.memory_space<vmem>>
        %dma_wait3A_499 = tpu.memref_squeeze %dma_wait3A_498 : memref<1x1x125xi32, #tpu.memory_space<vmem>> -> memref<125xi32, #tpu.memory_space<vmem>>
        %dma_wait3A_500 = arith.constant 0 : i32
        %dma_wait3A_501 = arith.constant 0 : i32
        %dma_wait3A_502 = tpu.memref_slice %arg9[%dma_wait3A_500, %dma_wait3A_501] : memref<10000x128xf32, #tpu.memory_space<vmem_shared>> -> memref<10000x128xf32, #tpu.memory_space<vmem_shared>>
        tpu.wait_indirect_dma semaphore(%arg13 : memref<!tpu.dma_semaphore, #tpu.memory_space<semaphore_mem>>) src(%arg8 : memref<125x128xf32, #tpu.memory_space<vmem>>) dst(%dma_wait3A_502 : memref<10000x128xf32, #tpu.memory_space<vmem_shared>>)
      } else {
      }
      %dma_start3A_295 = arith.constant 1 : i32
      %dma_start3A_296 = arith.constant 0 : i32
      %dma_start3A_297 = tpu.memref_slice %arg5[%select_n3A_271, %dma_start3A_295, %dma_start3A_296] : memref<2x8x125xi32, #tpu.memory_space<vmem>> -> memref<1x1x125xi32, #tpu.memory_space<vmem>>
      %dma_start3A_298 = tpu.memref_squeeze %dma_start3A_297 : memref<1x1x125xi32, #tpu.memory_space<vmem>> -> memref<125xi32, #tpu.memory_space<vmem>>
      %dma_start3A_299 = arith.constant 0 : i32
      %dma_start3A_300 = arith.constant 0 : i32
      %dma_start3A_301 = tpu.memref_slice %arg3[%dma_start3A_299, %dma_start3A_300] : memref<10000x128xf32, #tpu.memory_space<hbm>> -> memref<10000x128xf32, #tpu.memory_space<hbm>>
      tpu.enqueue_indirect_dma source(%dma_start3A_301 : memref<10000x128xf32, #tpu.memory_space<hbm>>) target(%arg8 : memref<125x128xf32, #tpu.memory_space<vmem>>) offsets(%dma_start3A_298 : memref<125xi32, #tpu.memory_space<vmem>>) semaphore(%arg11 : memref<!tpu.dma_semaphore, #tpu.memory_space<semaphore_mem>>)
      %dma_wait3A_302 = arith.constant 1 : i32
      %dma_wait3A_303 = arith.constant 0 : i32
      %dma_wait3A_304 = tpu.memref_slice %arg5[%select_n3A_271, %dma_wait3A_302, %dma_wait3A_303] : memref<2x8x125xi32, #tpu.memory_space<vmem>> -> memref<1x1x125xi32, #tpu.memory_space<vmem>>
      %dma_wait3A_305 = tpu.memref_squeeze %dma_wait3A_304 : memref<1x1x125xi32, #tpu.memory_space<vmem>> -> memref<125xi32, #tpu.memory_space<vmem>>
      %dma_wait3A_306 = arith.constant 0 : i32
      %dma_wait3A_307 = arith.constant 0 : i32
      %dma_wait3A_308 = tpu.memref_slice %arg3[%dma_wait3A_306, %dma_wait3A_307] : memref<10000x128xf32, #tpu.memory_space<hbm>> -> memref<10000x128xf32, #tpu.memory_space<hbm>>
      tpu.wait_indirect_dma semaphore(%arg11 : memref<!tpu.dma_semaphore, #tpu.memory_space<semaphore_mem>>) src(%dma_wait3A_308 : memref<10000x128xf32, #tpu.memory_space<hbm>>) dst(%arg8 : memref<125x128xf32, #tpu.memory_space<vmem>>)
      %dma_start3A_309 = arith.constant 1 : i32
      %dma_start3A_310 = arith.constant 0 : i32
      %dma_start3A_311 = tpu.memref_slice %arg6[%select_n3A_271, %dma_start3A_309, %dma_start3A_310] : memref<2x8x125xi32, #tpu.memory_space<vmem>> -> memref<1x1x125xi32, #tpu.memory_space<vmem>>
      %dma_start3A_312 = tpu.memref_squeeze %dma_start3A_311 : memref<1x1x125xi32, #tpu.memory_space<vmem>> -> memref<125xi32, #tpu.memory_space<vmem>>
      %dma_start3A_313 = arith.constant 0 : i32
      %dma_start3A_314 = arith.constant 0 : i32
      %dma_start3A_315 = tpu.memref_slice %arg9[%dma_start3A_313, %dma_start3A_314] : memref<10000x128xf32, #tpu.memory_space<vmem_shared>> -> memref<10000x128xf32, #tpu.memory_space<vmem_shared>>
      tpu.enqueue_indirect_dma source(%arg8 : memref<125x128xf32, #tpu.memory_space<vmem>>) target(%dma_start3A_315 : memref<10000x128xf32, #tpu.memory_space<vmem_shared>>) offsets(%dma_start3A_312 : memref<125xi32, #tpu.memory_space<vmem>>) semaphore(%arg13 : memref<!tpu.dma_semaphore, #tpu.memory_space<semaphore_mem>>) {add = true}
      %dma_wait3A_316 = arith.constant 0 : i32
      %dma_wait3A_317 = arith.constant 0 : i32
      %dma_wait3A_318 = tpu.memref_slice %arg6[%select_n3A_271, %dma_wait3A_316, %dma_wait3A_317] : memref<2x8x125xi32, #tpu.memory_space<vmem>> -> memref<1x1x125xi32, #tpu.memory_space<vmem>>
      %dma_wait3A_319 = tpu.memref_squeeze %dma_wait3A_318 : memref<1x1x125xi32, #tpu.memory_space<vmem>> -> memref<125xi32, #tpu.memory_space<vmem>>
      %dma_wait3A_320 = arith.constant 0 : i32
      %dma_wait3A_321 = arith.constant 0 : i32
      %dma_wait3A_322 = tpu.memref_slice %arg9[%dma_wait3A_320, %dma_wait3A_321] : memref<10000x128xf32, #tpu.memory_space<vmem_shared>> -> memref<10000x128xf32, #tpu.memory_space<vmem_shared>>
      tpu.wait_indirect_dma semaphore(%arg12 : memref<!tpu.dma_semaphore, #tpu.memory_space<semaphore_mem>>) src(%arg7 : memref<125x128xf32, #tpu.memory_space<vmem>>) dst(%dma_wait3A_322 : memref<10000x128xf32, #tpu.memory_space<vmem_shared>>)
      %dma_start3A_323 = arith.constant 2 : i32
      %dma_start3A_324 = arith.constant 0 : i32
      %dma_start3A_325 = tpu.memref_slice %arg5[%select_n3A_271, %dma_start3A_323, %dma_start3A_324] : memref<2x8x125xi32, #tpu.memory_space<vmem>> -> memref<1x1x125xi32, #tpu.memory_space<vmem>>
      %dma_start3A_326 = tpu.memref_squeeze %dma_start3A_325 : memref<1x1x125xi32, #tpu.memory_space<vmem>> -> memref<125xi32, #tpu.memory_space<vmem>>
      %dma_start3A_327 = arith.constant 0 : i32
      %dma_start3A_328 = arith.constant 0 : i32
      %dma_start3A_329 = tpu.memref_slice %arg3[%dma_start3A_327, %dma_start3A_328] : memref<10000x128xf32, #tpu.memory_space<hbm>> -> memref<10000x128xf32, #tpu.memory_space<hbm>>
      tpu.enqueue_indirect_dma source(%dma_start3A_329 : memref<10000x128xf32, #tpu.memory_space<hbm>>) target(%arg7 : memref<125x128xf32, #tpu.memory_space<vmem>>) offsets(%dma_start3A_326 : memref<125xi32, #tpu.memory_space<vmem>>) semaphore(%arg10 : memref<!tpu.dma_semaphore, #tpu.memory_space<semaphore_mem>>)
      %dma_wait3A_330 = arith.constant 2 : i32
      %dma_wait3A_331 = arith.constant 0 : i32
      %dma_wait3A_332 = tpu.memref_slice %arg5[%select_n3A_271, %dma_wait3A_330, %dma_wait3A_331] : memref<2x8x125xi32, #tpu.memory_space<vmem>> -> memref<1x1x125xi32, #tpu.memory_space<vmem>>
      %dma_wait3A_333 = tpu.memref_squeeze %dma_wait3A_332 : memref<1x1x125xi32, #tpu.memory_space<vmem>> -> memref<125xi32, #tpu.memory_space<vmem>>
      %dma_wait3A_334 = arith.constant 0 : i32
      %dma_wait3A_335 = arith.constant 0 : i32
      %dma_wait3A_336 = tpu.memref_slice %arg3[%dma_wait3A_334, %dma_wait3A_335] : memref<10000x128xf32, #tpu.memory_space<hbm>> -> memref<10000x128xf32, #tpu.memory_space<hbm>>
      tpu.wait_indirect_dma semaphore(%arg10 : memref<!tpu.dma_semaphore, #tpu.memory_space<semaphore_mem>>) src(%dma_wait3A_336 : memref<10000x128xf32, #tpu.memory_space<hbm>>) dst(%arg7 : memref<125x128xf32, #tpu.memory_space<vmem>>)
      %dma_start3A_337 = arith.constant 2 : i32
      %dma_start3A_338 = arith.constant 0 : i32
      %dma_start3A_339 = tpu.memref_slice %arg6[%select_n3A_271, %dma_start3A_337, %dma_start3A_338] : memref<2x8x125xi32, #tpu.memory_space<vmem>> -> memref<1x1x125xi32, #tpu.memory_space<vmem>>
      %dma_start3A_340 = tpu.memref_squeeze %dma_start3A_339 : memref<1x1x125xi32, #tpu.memory_space<vmem>> -> memref<125xi32, #tpu.memory_space<vmem>>
      %dma_start3A_341 = arith.constant 0 : i32
      %dma_start3A_342 = arith.constant 0 : i32
      %dma_start3A_343 = tpu.memref_slice %arg9[%dma_start3A_341, %dma_start3A_342] : memref<10000x128xf32, #tpu.memory_space<vmem_shared>> -> memref<10000x128xf32, #tpu.memory_space<vmem_shared>>
      tpu.enqueue_indirect_dma source(%arg7 : memref<125x128xf32, #tpu.memory_space<vmem>>) target(%dma_start3A_343 : memref<10000x128xf32, #tpu.memory_space<vmem_shared>>) offsets(%dma_start3A_340 : memref<125xi32, #tpu.memory_space<vmem>>) semaphore(%arg12 : memref<!tpu.dma_semaphore, #tpu.memory_space<semaphore_mem>>) {add = true}
      %dma_wait3A_344 = arith.constant 1 : i32
      %dma_wait3A_345 = arith.constant 0 : i32
      %dma_wait3A_346 = tpu.memref_slice %arg6[%select_n3A_271, %dma_wait3A_344, %dma_wait3A_345] : memref<2x8x125xi32, #tpu.memory_space<vmem>> -> memref<1x1x125xi32, #tpu.memory_space<vmem>>
      %dma_wait3A_347 = tpu.memref_squeeze %dma_wait3A_346 : memref<1x1x125xi32, #tpu.memory_space<vmem>> -> memref<125xi32, #tpu.memory_space<vmem>>
      %dma_wait3A_348 = arith.constant 0 : i32
      %dma_wait3A_349 = arith.constant 0 : i32
      %dma_wait3A_350 = tpu.memref_slice %arg9[%dma_wait3A_348, %dma_wait3A_349] : memref<10000x128xf32, #tpu.memory_space<vmem_shared>> -> memref<10000x128xf32, #tpu.memory_space<vmem_shared>>
      tpu.wait_indirect_dma semaphore(%arg13 : memref<!tpu.dma_semaphore, #tpu.memory_space<semaphore_mem>>) src(%arg8 : memref<125x128xf32, #tpu.memory_space<vmem>>) dst(%dma_wait3A_350 : memref<10000x128xf32, #tpu.memory_space<vmem_shared>>)
      %dma_start3A_351 = arith.constant 3 : i32
      %dma_start3A_352 = arith.constant 0 : i32
      %dma_start3A_353 = tpu.memref_slice %arg5[%select_n3A_271, %dma_start3A_351, %dma_start3A_352] : memref<2x8x125xi32, #tpu.memory_space<vmem>> -> memref<1x1x125xi32, #tpu.memory_space<vmem>>
      %dma_start3A_354 = tpu.memref_squeeze %dma_start3A_353 : memref<1x1x125xi32, #tpu.memory_space<vmem>> -> memref<125xi32, #tpu.memory_space<vmem>>
      %dma_start3A_355 = arith.constant 0 : i32
      %dma_start3A_356 = arith.constant 0 : i32
      %dma_start3A_357 = tpu.memref_slice %arg3[%dma_start3A_355, %dma_start3A_356] : memref<10000x128xf32, #tpu.memory_space<hbm>> -> memref<10000x128xf32, #tpu.memory_space<hbm>>
      tpu.enqueue_indirect_dma source(%dma_start3A_357 : memref<10000x128xf32, #tpu.memory_space<hbm>>) target(%arg8 : memref<125x128xf32, #tpu.memory_space<vmem>>) offsets(%dma_start3A_354 : memref<125xi32, #tpu.memory_space<vmem>>) semaphore(%arg11 : memref<!tpu.dma_semaphore, #tpu.memory_space<semaphore_mem>>)
      %dma_wait3A_358 = arith.constant 3 : i32
      %dma_wait3A_359 = arith.constant 0 : i32
      %dma_wait3A_360 = tpu.memref_slice %arg5[%select_n3A_271, %dma_wait3A_358, %dma_wait3A_359] : memref<2x8x125xi32, #tpu.memory_space<vmem>> -> memref<1x1x125xi32, #tpu.memory_space<vmem>>
      %dma_wait3A_361 = tpu.memref_squeeze %dma_wait3A_360 : memref<1x1x125xi32, #tpu.memory_space<vmem>> -> memref<125xi32, #tpu.memory_space<vmem>>
      %dma_wait3A_362 = arith.constant 0 : i32
      %dma_wait3A_363 = arith.constant 0 : i32
      %dma_wait3A_364 = tpu.memref_slice %arg3[%dma_wait3A_362, %dma_wait3A_363] : memref<10000x128xf32, #tpu.memory_space<hbm>> -> memref<10000x128xf32, #tpu.memory_space<hbm>>
      tpu.wait_indirect_dma semaphore(%arg11 : memref<!tpu.dma_semaphore, #tpu.memory_space<semaphore_mem>>) src(%dma_wait3A_364 : memref<10000x128xf32, #tpu.memory_space<hbm>>) dst(%arg8 : memref<125x128xf32, #tpu.memory_space<vmem>>)
      %dma_start3A_365 = arith.constant 3 : i32
      %dma_start3A_366 = arith.constant 0 : i32
      %dma_start3A_367 = tpu.memref_slice %arg6[%select_n3A_271, %dma_start3A_365, %dma_start3A_366] : memref<2x8x125xi32, #tpu.memory_space<vmem>> -> memref<1x1x125xi32, #tpu.memory_space<vmem>>
      %dma_start3A_368 = tpu.memref_squeeze %dma_start3A_367 : memref<1x1x125xi32, #tpu.memory_space<vmem>> -> memref<125xi32, #tpu.memory_space<vmem>>
      %dma_start3A_369 = arith.constant 0 : i32
      %dma_start3A_370 = arith.constant 0 : i32
      %dma_start3A_371 = tpu.memref_slice %arg9[%dma_start3A_369, %dma_start3A_370] : memref<10000x128xf32, #tpu.memory_space<vmem_shared>> -> memref<10000x128xf32, #tpu.memory_space<vmem_shared>>
      tpu.enqueue_indirect_dma source(%arg8 : memref<125x128xf32, #tpu.memory_space<vmem>>) target(%dma_start3A_371 : memref<10000x128xf32, #tpu.memory_space<vmem_shared>>) offsets(%dma_start3A_368 : memref<125xi32, #tpu.memory_space<vmem>>) semaphore(%arg13 : memref<!tpu.dma_semaphore, #tpu.memory_space<semaphore_mem>>) {add = true}
      %dma_wait3A_372 = arith.constant 2 : i32
      %dma_wait3A_373 = arith.constant 0 : i32
      %dma_wait3A_374 = tpu.memref_slice %arg6[%select_n3A_271, %dma_wait3A_372, %dma_wait3A_373] : memref<2x8x125xi32, #tpu.memory_space<vmem>> -> memref<1x1x125xi32, #tpu.memory_space<vmem>>
      %dma_wait3A_375 = tpu.memref_squeeze %dma_wait3A_374 : memref<1x1x125xi32, #tpu.memory_space<vmem>> -> memref<125xi32, #tpu.memory_space<vmem>>
      %dma_wait3A_376 = arith.constant 0 : i32
      %dma_wait3A_377 = arith.constant 0 : i32
      %dma_wait3A_378 = tpu.memref_slice %arg9[%dma_wait3A_376, %dma_wait3A_377] : memref<10000x128xf32, #tpu.memory_space<vmem_shared>> -> memref<10000x128xf32, #tpu.memory_space<vmem_shared>>
      tpu.wait_indirect_dma semaphore(%arg12 : memref<!tpu.dma_semaphore, #tpu.memory_space<semaphore_mem>>) src(%arg7 : memref<125x128xf32, #tpu.memory_space<vmem>>) dst(%dma_wait3A_378 : memref<10000x128xf32, #tpu.memory_space<vmem_shared>>)
      %dma_start3A_379 = arith.constant 4 : i32
      %dma_start3A_380 = arith.constant 0 : i32
      %dma_start3A_381 = tpu.memref_slice %arg5[%select_n3A_271, %dma_start3A_379, %dma_start3A_380] : memref<2x8x125xi32, #tpu.memory_space<vmem>> -> memref<1x1x125xi32, #tpu.memory_space<vmem>>
      %dma_start3A_382 = tpu.memref_squeeze %dma_start3A_381 : memref<1x1x125xi32, #tpu.memory_space<vmem>> -> memref<125xi32, #tpu.memory_space<vmem>>
      %dma_start3A_383 = arith.constant 0 : i32
      %dma_start3A_384 = arith.constant 0 : i32
      %dma_start3A_385 = tpu.memref_slice %arg3[%dma_start3A_383, %dma_start3A_384] : memref<10000x128xf32, #tpu.memory_space<hbm>> -> memref<10000x128xf32, #tpu.memory_space<hbm>>
      tpu.enqueue_indirect_dma source(%dma_start3A_385 : memref<10000x128xf32, #tpu.memory_space<hbm>>) target(%arg7 : memref<125x128xf32, #tpu.memory_space<vmem>>) offsets(%dma_start3A_382 : memref<125xi32, #tpu.memory_space<vmem>>) semaphore(%arg10 : memref<!tpu.dma_semaphore, #tpu.memory_space<semaphore_mem>>)
      %dma_wait3A_386 = arith.constant 4 : i32
      %dma_wait3A_387 = arith.constant 0 : i32
      %dma_wait3A_388 = tpu.memref_slice %arg5[%select_n3A_271, %dma_wait3A_386, %dma_wait3A_387] : memref<2x8x125xi32, #tpu.memory_space<vmem>> -> memref<1x1x125xi32, #tpu.memory_space<vmem>>
      %dma_wait3A_389 = tpu.memref_squeeze %dma_wait3A_388 : memref<1x1x125xi32, #tpu.memory_space<vmem>> -> memref<125xi32, #tpu.memory_space<vmem>>
      %dma_wait3A_390 = arith.constant 0 : i32
      %dma_wait3A_391 = arith.constant 0 : i32
      %dma_wait3A_392 = tpu.memref_slice %arg3[%dma_wait3A_390, %dma_wait3A_391] : memref<10000x128xf32, #tpu.memory_space<hbm>> -> memref<10000x128xf32, #tpu.memory_space<hbm>>
      tpu.wait_indirect_dma semaphore(%arg10 : memref<!tpu.dma_semaphore, #tpu.memory_space<semaphore_mem>>) src(%dma_wait3A_392 : memref<10000x128xf32, #tpu.memory_space<hbm>>) dst(%arg7 : memref<125x128xf32, #tpu.memory_space<vmem>>)
      %dma_start3A_393 = arith.constant 4 : i32
      %dma_start3A_394 = arith.constant 0 : i32
      %dma_start3A_395 = tpu.memref_slice %arg6[%select_n3A_271, %dma_start3A_393, %dma_start3A_394] : memref<2x8x125xi32, #tpu.memory_space<vmem>> -> memref<1x1x125xi32, #tpu.memory_space<vmem>>
      %dma_start3A_396 = tpu.memref_squeeze %dma_start3A_395 : memref<1x1x125xi32, #tpu.memory_space<vmem>> -> memref<125xi32, #tpu.memory_space<vmem>>
      %dma_start3A_397 = arith.constant 0 : i32
      %dma_start3A_398 = arith.constant 0 : i32
      %dma_start3A_399 = tpu.memref_slice %arg9[%dma_start3A_397, %dma_start3A_398] : memref<10000x128xf32, #tpu.memory_space<vmem_shared>> -> memref<10000x128xf32, #tpu.memory_space<vmem_shared>>
      tpu.enqueue_indirect_dma source(%arg7 : memref<125x128xf32, #tpu.memory_space<vmem>>) target(%dma_start3A_399 : memref<10000x128xf32, #tpu.memory_space<vmem_shared>>) offsets(%dma_start3A_396 : memref<125xi32, #tpu.memory_space<vmem>>) semaphore(%arg12 : memref<!tpu.dma_semaphore, #tpu.memory_space<semaphore_mem>>) {add = true}
      %dma_wait3A_400 = arith.constant 3 : i32
      %dma_wait3A_401 = arith.constant 0 : i32
      %dma_wait3A_402 = tpu.memref_slice %arg6[%select_n3A_271, %dma_wait3A_400, %dma_wait3A_401] : memref<2x8x125xi32, #tpu.memory_space<vmem>> -> memref<1x1x125xi32, #tpu.memory_space<vmem>>
      %dma_wait3A_403 = tpu.memref_squeeze %dma_wait3A_402 : memref<1x1x125xi32, #tpu.memory_space<vmem>> -> memref<125xi32, #tpu.memory_space<vmem>>
      %dma_wait3A_404 = arith.constant 0 : i32
      %dma_wait3A_405 = arith.constant 0 : i32
      %dma_wait3A_406 = tpu.memref_slice %arg9[%dma_wait3A_404, %dma_wait3A_405] : memref<10000x128xf32, #tpu.memory_space<vmem_shared>> -> memref<10000x128xf32, #tpu.memory_space<vmem_shared>>
      tpu.wait_indirect_dma semaphore(%arg13 : memref<!tpu.dma_semaphore, #tpu.memory_space<semaphore_mem>>) src(%arg8 : memref<125x128xf32, #tpu.memory_space<vmem>>) dst(%dma_wait3A_406 : memref<10000x128xf32, #tpu.memory_space<vmem_shared>>)
      %dma_start3A_407 = arith.constant 5 : i32
      %dma_start3A_408 = arith.constant 0 : i32
      %dma_start3A_409 = tpu.memref_slice %arg5[%select_n3A_271, %dma_start3A_407, %dma_start3A_408] : memref<2x8x125xi32, #tpu.memory_space<vmem>> -> memref<1x1x125xi32, #tpu.memory_space<vmem>>
      %dma_start3A_410 = tpu.memref_squeeze %dma_start3A_409 : memref<1x1x125xi32, #tpu.memory_space<vmem>> -> memref<125xi32, #tpu.memory_space<vmem>>
      %dma_start3A_411 = arith.constant 0 : i32
      %dma_start3A_412 = arith.constant 0 : i32
      %dma_start3A_413 = tpu.memref_slice %arg3[%dma_start3A_411, %dma_start3A_412] : memref<10000x128xf32, #tpu.memory_space<hbm>> -> memref<10000x128xf32, #tpu.memory_space<hbm>>
      tpu.enqueue_indirect_dma source(%dma_start3A_413 : memref<10000x128xf32, #tpu.memory_space<hbm>>) target(%arg8 : memref<125x128xf32, #tpu.memory_space<vmem>>) offsets(%dma_start3A_410 : memref<125xi32, #tpu.memory_space<vmem>>) semaphore(%arg11 : memref<!tpu.dma_semaphore, #tpu.memory_space<semaphore_mem>>)
      %dma_wait3A_414 = arith.constant 5 : i32
      %dma_wait3A_415 = arith.constant 0 : i32
      %dma_wait3A_416 = tpu.memref_slice %arg5[%select_n3A_271, %dma_wait3A_414, %dma_wait3A_415] : memref<2x8x125xi32, #tpu.memory_space<vmem>> -> memref<1x1x125xi32, #tpu.memory_space<vmem>>
      %dma_wait3A_417 = tpu.memref_squeeze %dma_wait3A_416 : memref<1x1x125xi32, #tpu.memory_space<vmem>> -> memref<125xi32, #tpu.memory_space<vmem>>
      %dma_wait3A_418 = arith.constant 0 : i32
      %dma_wait3A_419 = arith.constant 0 : i32
      %dma_wait3A_420 = tpu.memref_slice %arg3[%dma_wait3A_418, %dma_wait3A_419] : memref<10000x128xf32, #tpu.memory_space<hbm>> -> memref<10000x128xf32, #tpu.memory_space<hbm>>
      tpu.wait_indirect_dma semaphore(%arg11 : memref<!tpu.dma_semaphore, #tpu.memory_space<semaphore_mem>>) src(%dma_wait3A_420 : memref<10000x128xf32, #tpu.memory_space<hbm>>) dst(%arg8 : memref<125x128xf32, #tpu.memory_space<vmem>>)
      %dma_start3A_421 = arith.constant 5 : i32
      %dma_start3A_422 = arith.constant 0 : i32
      %dma_start3A_423 = tpu.memref_slice %arg6[%select_n3A_271, %dma_start3A_421, %dma_start3A_422] : memref<2x8x125xi32, #tpu.memory_space<vmem>> -> memref<1x1x125xi32, #tpu.memory_space<vmem>>
      %dma_start3A_424 = tpu.memref_squeeze %dma_start3A_423 : memref<1x1x125xi32, #tpu.memory_space<vmem>> -> memref<125xi32, #tpu.memory_space<vmem>>
      %dma_start3A_425 = arith.constant 0 : i32
      %dma_start3A_426 = arith.constant 0 : i32
      %dma_start3A_427 = tpu.memref_slice %arg9[%dma_start3A_425, %dma_start3A_426] : memref<10000x128xf32, #tpu.memory_space<vmem_shared>> -> memref<10000x128xf32, #tpu.memory_space<vmem_shared>>
      tpu.enqueue_indirect_dma source(%arg8 : memref<125x128xf32, #tpu.memory_space<vmem>>) target(%dma_start3A_427 : memref<10000x128xf32, #tpu.memory_space<vmem_shared>>) offsets(%dma_start3A_424 : memref<125xi32, #tpu.memory_space<vmem>>) semaphore(%arg13 : memref<!tpu.dma_semaphore, #tpu.memory_space<semaphore_mem>>) {add = true}
      %dma_wait3A_428 = arith.constant 4 : i32
      %dma_wait3A_429 = arith.constant 0 : i32
      %dma_wait3A_430 = tpu.memref_slice %arg6[%select_n3A_271, %dma_wait3A_428, %dma_wait3A_429] : memref<2x8x125xi32, #tpu.memory_space<vmem>> -> memref<1x1x125xi32, #tpu.memory_space<vmem>>
      %dma_wait3A_431 = tpu.memref_squeeze %dma_wait3A_430 : memref<1x1x125xi32, #tpu.memory_space<vmem>> -> memref<125xi32, #tpu.memory_space<vmem>>
      %dma_wait3A_432 = arith.constant 0 : i32
      %dma_wait3A_433 = arith.constant 0 : i32
      %dma_wait3A_434 = tpu.memref_slice %arg9[%dma_wait3A_432, %dma_wait3A_433] : memref<10000x128xf32, #tpu.memory_space<vmem_shared>> -> memref<10000x128xf32, #tpu.memory_space<vmem_shared>>
      tpu.wait_indirect_dma semaphore(%arg12 : memref<!tpu.dma_semaphore, #tpu.memory_space<semaphore_mem>>) src(%arg7 : memref<125x128xf32, #tpu.memory_space<vmem>>) dst(%dma_wait3A_434 : memref<10000x128xf32, #tpu.memory_space<vmem_shared>>)
      %dma_start3A_435 = arith.constant 6 : i32
      %dma_start3A_436 = arith.constant 0 : i32
      %dma_start3A_437 = tpu.memref_slice %arg5[%select_n3A_271, %dma_start3A_435, %dma_start3A_436] : memref<2x8x125xi32, #tpu.memory_space<vmem>> -> memref<1x1x125xi32, #tpu.memory_space<vmem>>
      %dma_start3A_438 = tpu.memref_squeeze %dma_start3A_437 : memref<1x1x125xi32, #tpu.memory_space<vmem>> -> memref<125xi32, #tpu.memory_space<vmem>>
      %dma_start3A_439 = arith.constant 0 : i32
      %dma_start3A_440 = arith.constant 0 : i32
      %dma_start3A_441 = tpu.memref_slice %arg3[%dma_start3A_439, %dma_start3A_440] : memref<10000x128xf32, #tpu.memory_space<hbm>> -> memref<10000x128xf32, #tpu.memory_space<hbm>>
      tpu.enqueue_indirect_dma source(%dma_start3A_441 : memref<10000x128xf32, #tpu.memory_space<hbm>>) target(%arg7 : memref<125x128xf32, #tpu.memory_space<vmem>>) offsets(%dma_start3A_438 : memref<125xi32, #tpu.memory_space<vmem>>) semaphore(%arg10 : memref<!tpu.dma_semaphore, #tpu.memory_space<semaphore_mem>>)
      %dma_wait3A_442 = arith.constant 6 : i32
      %dma_wait3A_443 = arith.constant 0 : i32
      %dma_wait3A_444 = tpu.memref_slice %arg5[%select_n3A_271, %dma_wait3A_442, %dma_wait3A_443] : memref<2x8x125xi32, #tpu.memory_space<vmem>> -> memref<1x1x125xi32, #tpu.memory_space<vmem>>
      %dma_wait3A_445 = tpu.memref_squeeze %dma_wait3A_444 : memref<1x1x125xi32, #tpu.memory_space<vmem>> -> memref<125xi32, #tpu.memory_space<vmem>>
      %dma_wait3A_446 = arith.constant 0 : i32
      %dma_wait3A_447 = arith.constant 0 : i32
      %dma_wait3A_448 = tpu.memref_slice %arg3[%dma_wait3A_446, %dma_wait3A_447] : memref<10000x128xf32, #tpu.memory_space<hbm>> -> memref<10000x128xf32, #tpu.memory_space<hbm>>
      tpu.wait_indirect_dma semaphore(%arg10 : memref<!tpu.dma_semaphore, #tpu.memory_space<semaphore_mem>>) src(%dma_wait3A_448 : memref<10000x128xf32, #tpu.memory_space<hbm>>) dst(%arg7 : memref<125x128xf32, #tpu.memory_space<vmem>>)
      %dma_start3A_449 = arith.constant 6 : i32
      %dma_start3A_450 = arith.constant 0 : i32
      %dma_start3A_451 = tpu.memref_slice %arg6[%select_n3A_271, %dma_start3A_449, %dma_start3A_450] : memref<2x8x125xi32, #tpu.memory_space<vmem>> -> memref<1x1x125xi32, #tpu.memory_space<vmem>>
      %dma_start3A_452 = tpu.memref_squeeze %dma_start3A_451 : memref<1x1x125xi32, #tpu.memory_space<vmem>> -> memref<125xi32, #tpu.memory_space<vmem>>
      %dma_start3A_453 = arith.constant 0 : i32
      %dma_start3A_454 = arith.constant 0 : i32
      %dma_start3A_455 = tpu.memref_slice %arg9[%dma_start3A_453, %dma_start3A_454] : memref<10000x128xf32, #tpu.memory_space<vmem_shared>> -> memref<10000x128xf32, #tpu.memory_space<vmem_shared>>
      tpu.enqueue_indirect_dma source(%arg7 : memref<125x128xf32, #tpu.memory_space<vmem>>) target(%dma_start3A_455 : memref<10000x128xf32, #tpu.memory_space<vmem_shared>>) offsets(%dma_start3A_452 : memref<125xi32, #tpu.memory_space<vmem>>) semaphore(%arg12 : memref<!tpu.dma_semaphore, #tpu.memory_space<semaphore_mem>>) {add = true}
      %dma_wait3A_456 = arith.constant 5 : i32
      %dma_wait3A_457 = arith.constant 0 : i32
      %dma_wait3A_458 = tpu.memref_slice %arg6[%select_n3A_271, %dma_wait3A_456, %dma_wait3A_457] : memref<2x8x125xi32, #tpu.memory_space<vmem>> -> memref<1x1x125xi32, #tpu.memory_space<vmem>>
      %dma_wait3A_459 = tpu.memref_squeeze %dma_wait3A_458 : memref<1x1x125xi32, #tpu.memory_space<vmem>> -> memref<125xi32, #tpu.memory_space<vmem>>
      %dma_wait3A_460 = arith.constant 0 : i32
      %dma_wait3A_461 = arith.constant 0 : i32
      %dma_wait3A_462 = tpu.memref_slice %arg9[%dma_wait3A_460, %dma_wait3A_461] : memref<10000x128xf32, #tpu.memory_space<vmem_shared>> -> memref<10000x128xf32, #tpu.memory_space<vmem_shared>>
      tpu.wait_indirect_dma semaphore(%arg13 : memref<!tpu.dma_semaphore, #tpu.memory_space<semaphore_mem>>) src(%arg8 : memref<125x128xf32, #tpu.memory_space<vmem>>) dst(%dma_wait3A_462 : memref<10000x128xf32, #tpu.memory_space<vmem_shared>>)
      %dma_start3A_463 = arith.constant 7 : i32
      %dma_start3A_464 = arith.constant 0 : i32
      %dma_start3A_465 = tpu.memref_slice %arg5[%select_n3A_271, %dma_start3A_463, %dma_start3A_464] : memref<2x8x125xi32, #tpu.memory_space<vmem>> -> memref<1x1x125xi32, #tpu.memory_space<vmem>>
      %dma_start3A_466 = tpu.memref_squeeze %dma_start3A_465 : memref<1x1x125xi32, #tpu.memory_space<vmem>> -> memref<125xi32, #tpu.memory_space<vmem>>
      %dma_start3A_467 = arith.constant 0 : i32
      %dma_start3A_468 = arith.constant 0 : i32
      %dma_start3A_469 = tpu.memref_slice %arg3[%dma_start3A_467, %dma_start3A_468] : memref<10000x128xf32, #tpu.memory_space<hbm>> -> memref<10000x128xf32, #tpu.memory_space<hbm>>
      tpu.enqueue_indirect_dma source(%dma_start3A_469 : memref<10000x128xf32, #tpu.memory_space<hbm>>) target(%arg8 : memref<125x128xf32, #tpu.memory_space<vmem>>) offsets(%dma_start3A_466 : memref<125xi32, #tpu.memory_space<vmem>>) semaphore(%arg11 : memref<!tpu.dma_semaphore, #tpu.memory_space<semaphore_mem>>)
      %dma_wait3A_470 = arith.constant 7 : i32
      %dma_wait3A_471 = arith.constant 0 : i32
      %dma_wait3A_472 = tpu.memref_slice %arg5[%select_n3A_271, %dma_wait3A_470, %dma_wait3A_471] : memref<2x8x125xi32, #tpu.memory_space<vmem>> -> memref<1x1x125xi32, #tpu.memory_space<vmem>>
      %dma_wait3A_473 = tpu.memref_squeeze %dma_wait3A_472 : memref<1x1x125xi32, #tpu.memory_space<vmem>> -> memref<125xi32, #tpu.memory_space<vmem>>
      %dma_wait3A_474 = arith.constant 0 : i32
      %dma_wait3A_475 = arith.constant 0 : i32
      %dma_wait3A_476 = tpu.memref_slice %arg3[%dma_wait3A_474, %dma_wait3A_475] : memref<10000x128xf32, #tpu.memory_space<hbm>> -> memref<10000x128xf32, #tpu.memory_space<hbm>>
      tpu.wait_indirect_dma semaphore(%arg11 : memref<!tpu.dma_semaphore, #tpu.memory_space<semaphore_mem>>) src(%dma_wait3A_476 : memref<10000x128xf32, #tpu.memory_space<hbm>>) dst(%arg8 : memref<125x128xf32, #tpu.memory_space<vmem>>)
      %dma_start3A_477 = arith.constant 7 : i32
      %dma_start3A_478 = arith.constant 0 : i32
      %dma_start3A_479 = tpu.memref_slice %arg6[%select_n3A_271, %dma_start3A_477, %dma_start3A_478] : memref<2x8x125xi32, #tpu.memory_space<vmem>> -> memref<1x1x125xi32, #tpu.memory_space<vmem>>
      %dma_start3A_480 = tpu.memref_squeeze %dma_start3A_479 : memref<1x1x125xi32, #tpu.memory_space<vmem>> -> memref<125xi32, #tpu.memory_space<vmem>>
      %dma_start3A_481 = arith.constant 0 : i32
      %dma_start3A_482 = arith.constant 0 : i32
      %dma_start3A_483 = tpu.memref_slice %arg9[%dma_start3A_481, %dma_start3A_482] : memref<10000x128xf32, #tpu.memory_space<vmem_shared>> -> memref<10000x128xf32, #tpu.memory_space<vmem_shared>>
      tpu.enqueue_indirect_dma source(%arg8 : memref<125x128xf32, #tpu.memory_space<vmem>>) target(%dma_start3A_483 : memref<10000x128xf32, #tpu.memory_space<vmem_shared>>) offsets(%dma_start3A_480 : memref<125xi32, #tpu.memory_space<vmem>>) semaphore(%arg13 : memref<!tpu.dma_semaphore, #tpu.memory_space<semaphore_mem>>) {add = true}
      %dma_wait3A_484 = arith.constant 6 : i32
      %dma_wait3A_485 = arith.constant 0 : i32
      %dma_wait3A_486 = tpu.memref_slice %arg6[%select_n3A_271, %dma_wait3A_484, %dma_wait3A_485] : memref<2x8x125xi32, #tpu.memory_space<vmem>> -> memref<1x1x125xi32, #tpu.memory_space<vmem>>
      %dma_wait3A_487 = tpu.memref_squeeze %dma_wait3A_486 : memref<1x1x125xi32, #tpu.memory_space<vmem>> -> memref<125xi32, #tpu.memory_space<vmem>>
      %dma_wait3A_488 = arith.constant 0 : i32
      %dma_wait3A_489 = arith.constant 0 : i32
      %dma_wait3A_490 = tpu.memref_slice %arg9[%dma_wait3A_488, %dma_wait3A_489] : memref<10000x128xf32, #tpu.memory_space<vmem_shared>> -> memref<10000x128xf32, #tpu.memory_space<vmem_shared>>
      tpu.wait_indirect_dma semaphore(%arg12 : memref<!tpu.dma_semaphore, #tpu.memory_space<semaphore_mem>>) src(%arg7 : memref<125x128xf32, #tpu.memory_space<vmem>>) dst(%dma_wait3A_490 : memref<10000x128xf32, #tpu.memory_space<vmem_shared>>)
      %lt3A_491 = arith.constant 9 : i32
      %lt3A_492 = arith.cmpi slt, %scan3A_261, %lt3A_491 : i32
      %convert_element_type3A_493 = arith.extui %lt3A_492 : i1 to i32
      %cond3A_494 = arith.constant 0 : i32
      %cond3A_495 = arith.cmpi ne, %convert_element_type3A_493, %cond3A_494 : i32
      scf.if %cond3A_495 {
        %sub3A = arith.constant 1 : i32
        %sub3A_496 = arith.subi %sub3A, %select_n3A_271 : i32
        %dma_wait3A_497 = arith.constant 0 : i32
        %dma_wait3A_498 = arith.constant 0 : i32
        %dma_wait3A_499 = arith.constant 0 : i32
        %dma_wait3A_500 = tpu.memref_slice %arg5[%sub3A_496, %dma_wait3A_498, %dma_wait3A_499] : memref<2x8x125xi32, #tpu.memory_space<vmem>> -> memref<1x8x125xi32, #tpu.memory_space<vmem>>
        %dma_wait3A_501 = tpu.memref_squeeze %dma_wait3A_500 : memref<1x8x125xi32, #tpu.memory_space<vmem>> -> memref<8x125xi32, #tpu.memory_space<vmem>>
        %dma_wait3A_502 = arith.constant 0 : i32
        %dma_wait3A_503 = tpu.memref_slice %arg2[%dma_wait3A_497, %mul3A_2, %dma_wait3A_502] : memref<2x2560x125xi32, #tpu.memory_space<hbm>> -> memref<1x8x125xi32, #tpu.memory_space<hbm>>
        %dma_wait3A_504 = tpu.memref_squeeze %dma_wait3A_503 : memref<1x8x125xi32, #tpu.memory_space<hbm>> -> memref<8x125xi32, #tpu.memory_space<hbm>>
        %dma_wait3A_505 = arith.constant 0 : i32
        %dma_wait3A_506 = arith.constant 0 : i32
        %dma_wait3A_507 = tpu.memref_slice %arg5[%sub3A_496, %dma_wait3A_505, %dma_wait3A_506] : memref<2x8x125xi32, #tpu.memory_space<vmem>> -> memref<1x8x125xi32, #tpu.memory_space<vmem>>
        %dma_wait3A_508 = tpu.memref_squeeze %dma_wait3A_507 : memref<1x8x125xi32, #tpu.memory_space<vmem>> -> memref<8x125xi32, #tpu.memory_space<vmem>>
        %dma_wait3A_509 = arith.constant 0 : i32
        %dma_wait3A_510 = tpu.memref_slice %arg2[%dma_wait3A_497, %mul3A_2, %dma_wait3A_509] : memref<2x2560x125xi32, #tpu.memory_space<hbm>> -> memref<1x8x125xi32, #tpu.memory_space<hbm>>
        %dma_wait3A_511 = tpu.memref_squeeze %dma_wait3A_510 : memref<1x8x125xi32, #tpu.memory_space<hbm>> -> memref<8x125xi32, #tpu.memory_space<hbm>>
        tpu.wait_dma2 semaphore(%arg14 : memref<!tpu.dma_semaphore, #tpu.memory_space<semaphore_mem>>) src(%dma_wait3A_511 : memref<8x125xi32, #tpu.memory_space<hbm>>) dst(%dma_wait3A_508 : memref<8x125xi32, #tpu.memory_space<vmem>>)
        %sub3A_512 = arith.constant 1 : i32
        %sub3A_513 = arith.subi %sub3A_512, %select_n3A_271 : i32
        %dma_wait3A_514 = arith.constant 1 : i32
        %dma_wait3A_515 = arith.constant 0 : i32
        %dma_wait3A_516 = arith.constant 0 : i32
        %dma_wait3A_517 = tpu.memref_slice %arg6[%sub3A_513, %dma_wait3A_515, %dma_wait3A_516] : memref<2x8x125xi32, #tpu.memory_space<vmem>> -> memref<1x8x125xi32, #tpu.memory_space<vmem>>
        %dma_wait3A_518 = tpu.memref_squeeze %dma_wait3A_517 : memref<1x8x125xi32, #tpu.memory_space<vmem>> -> memref<8x125xi32, #tpu.memory_space<vmem>>
        %dma_wait3A_519 = arith.constant 0 : i32
        %dma_wait3A_520 = tpu.memref_slice %arg2[%dma_wait3A_514, %mul3A_2, %dma_wait3A_519] : memref<2x2560x125xi32, #tpu.memory_space<hbm>> -> memref<1x8x125xi32, #tpu.memory_space<hbm>>
        %dma_wait3A_521 = tpu.memref_squeeze %dma_wait3A_520 : memref<1x8x125xi32, #tpu.memory_space<hbm>> -> memref<8x125xi32, #tpu.memory_space<hbm>>
        %dma_wait3A_522 = arith.constant 0 : i32
        %dma_wait3A_523 = arith.constant 0 : i32
        %dma_wait3A_524 = tpu.memref_slice %arg6[%sub3A_513, %dma_wait3A_522, %dma_wait3A_523] : memref<2x8x125xi32, #tpu.memory_space<vmem>> -> memref<1x8x125xi32, #tpu.memory_space<vmem>>
        %dma_wait3A_525 = tpu.memref_squeeze %dma_wait3A_524 : memref<1x8x125xi32, #tpu.memory_space<vmem>> -> memref<8x125xi32, #tpu.memory_space<vmem>>
        %dma_wait3A_526 = arith.constant 0 : i32
        %dma_wait3A_527 = tpu.memref_slice %arg2[%dma_wait3A_514, %mul3A_2, %dma_wait3A_526] : memref<2x2560x125xi32, #tpu.memory_space<hbm>> -> memref<1x8x125xi32, #tpu.memory_space<hbm>>
        %dma_wait3A_528 = tpu.memref_squeeze %dma_wait3A_527 : memref<1x8x125xi32, #tpu.memory_space<hbm>> -> memref<8x125xi32, #tpu.memory_space<hbm>>
        tpu.wait_dma2 semaphore(%arg14 : memref<!tpu.dma_semaphore, #tpu.memory_space<semaphore_mem>>) src(%dma_wait3A_528 : memref<8x125xi32, #tpu.memory_space<hbm>>) dst(%dma_wait3A_525 : memref<8x125xi32, #tpu.memory_space<vmem>>)
        %sub3A_529 = arith.constant 1 : i32
        %sub3A_530 = arith.subi %sub3A_529, %select_n3A_271 : i32
        %dma_start3A_531 = arith.constant 0 : i32
        %dma_start3A_532 = arith.constant 0 : i32
        %dma_start3A_533 = tpu.memref_slice %arg5[%sub3A_530, %dma_start3A_531, %dma_start3A_532] : memref<2x8x125xi32, #tpu.memory_space<vmem>> -> memref<1x1x125xi32, #tpu.memory_space<vmem>>
        %dma_start3A_534 = tpu.memref_squeeze %dma_start3A_533 : memref<1x1x125xi32, #tpu.memory_space<vmem>> -> memref<125xi32, #tpu.memory_space<vmem>>
        %dma_start3A_535 = arith.constant 0 : i32
        %dma_start3A_536 = arith.constant 0 : i32
        %dma_start3A_537 = tpu.memref_slice %arg3[%dma_start3A_535, %dma_start3A_536] : memref<10000x128xf32, #tpu.memory_space<hbm>> -> memref<10000x128xf32, #tpu.memory_space<hbm>>
        tpu.enqueue_indirect_dma source(%dma_start3A_537 : memref<10000x128xf32, #tpu.memory_space<hbm>>) target(%arg7 : memref<125x128xf32, #tpu.memory_space<vmem>>) offsets(%dma_start3A_534 : memref<125xi32, #tpu.memory_space<vmem>>) semaphore(%arg10 : memref<!tpu.dma_semaphore, #tpu.memory_space<semaphore_mem>>)
      } else {
      }
    }
    %scan3A_43 = arith.constant 10 : i32
    %dma_wait3A = arith.constant 1 : i32
    %dma_wait3A_44 = arith.constant 0 : i32
    %dma_wait3A_45 = arith.constant 0 : i32
    %dma_wait3A_46 = tpu.memref_slice %arg6[%dma_wait3A, %dma_wait3A_44, %dma_wait3A_45] : memref<2x8x125xi32, #tpu.memory_space<vmem>> -> memref<1x1x125xi32, #tpu.memory_space<vmem>>
    %dma_wait3A_47 = tpu.memref_squeeze %dma_wait3A_46 : memref<1x1x125xi32, #tpu.memory_space<vmem>> -> memref<125xi32, #tpu.memory_space<vmem>>
    %dma_wait3A_48 = arith.constant 0 : i32
    %dma_wait3A_49 = arith.constant 0 : i32
    %dma_wait3A_50 = tpu.memref_slice %arg9[%dma_wait3A_48, %dma_wait3A_49] : memref<10000x128xf32, #tpu.memory_space<vmem_shared>> -> memref<10000x128xf32, #tpu.memory_space<vmem_shared>>
    tpu.wait_indirect_dma semaphore(%arg13 : memref<!tpu.dma_semaphore, #tpu.memory_space<semaphore_mem>>) src(%arg8 : memref<125x128xf32, #tpu.memory_space<vmem>>) dst(%dma_wait3A_50 : memref<10000x128xf32, #tpu.memory_space<vmem_shared>>)
    %barrier3A_51 = arith.constant 0 : index
    tpu.barrier barrier_id(%barrier3A_51)
    %mul3A_52 = arith.constant 624 : i32
    %mul3A_53 = arith.muli %arg1, %mul3A_52 : i32
    %add3A_54 = arith.constant 0 : i32
    %add3A_55 = arith.addi %mul3A_53, %add3A_54 : i32
    "tpu.region"() ({
      %run_scoped3A_261 = tpu.sem_alloc : memref<!tpu.dma_semaphore, #tpu.memory_space<semaphore_mem>>
      %dma_start3A_262 = arith.constant 0 : i32
      %dma_start3A_263 = arith.constant 0 : i32
      %dma_start3A_264 = tpu.memref_slice %arg7[%dma_start3A_262, %dma_start3A_263] : memref<125x128xf32, #tpu.memory_space<vmem>> -> memref<104x128xf32, #tpu.memory_space<vmem>>
      %dma_start3A_265 = arith.constant 0 : i32
      %dma_start3A_266 = tpu.memref_slice %arg9[%add3A_55, %dma_start3A_265] : memref<10000x128xf32, #tpu.memory_space<vmem_shared>> -> memref<104x128xf32, #tpu.memory_space<vmem_shared>>
      %dma_start3A_267 = arith.constant 0 : i32
      %dma_start3A_268 = arith.constant 0 : i32
      %dma_start3A_269 = tpu.memref_slice %arg7[%dma_start3A_267, %dma_start3A_268] : memref<125x128xf32, #tpu.memory_space<vmem>> -> memref<104x128xf32, #tpu.memory_space<vmem>>
      %dma_start3A_270 = arith.constant 0 : i32
      %dma_start3A_271 = tpu.memref_slice %arg9[%add3A_55, %dma_start3A_270] : memref<10000x128xf32, #tpu.memory_space<vmem_shared>> -> memref<104x128xf32, #tpu.memory_space<vmem_shared>>
      tpu.enqueue_dma source(%dma_start3A_271 : memref<104x128xf32, #tpu.memory_space<vmem_shared>>) target(%dma_start3A_269 : memref<104x128xf32, #tpu.memory_space<vmem>>) target_semaphore(%run_scoped3A_261 : memref<!tpu.dma_semaphore, #tpu.memory_space<semaphore_mem>>)
      %dma_wait3A_272 = arith.constant 0 : i32
      %dma_wait3A_273 = arith.constant 0 : i32
      %dma_wait3A_274 = tpu.memref_slice %arg7[%dma_wait3A_272, %dma_wait3A_273] : memref<125x128xf32, #tpu.memory_space<vmem>> -> memref<104x128xf32, #tpu.memory_space<vmem>>
      %dma_wait3A_275 = arith.constant 0 : i32
      %dma_wait3A_276 = tpu.memref_slice %arg9[%add3A_55, %dma_wait3A_275] : memref<10000x128xf32, #tpu.memory_space<vmem_shared>> -> memref<104x128xf32, #tpu.memory_space<vmem_shared>>
      %dma_wait3A_277 = arith.constant 0 : i32
      %dma_wait3A_278 = arith.constant 0 : i32
      %dma_wait3A_279 = tpu.memref_slice %arg7[%dma_wait3A_277, %dma_wait3A_278] : memref<125x128xf32, #tpu.memory_space<vmem>> -> memref<104x128xf32, #tpu.memory_space<vmem>>
      %dma_wait3A_280 = arith.constant 0 : i32
      %dma_wait3A_281 = tpu.memref_slice %arg9[%add3A_55, %dma_wait3A_280] : memref<10000x128xf32, #tpu.memory_space<vmem_shared>> -> memref<104x128xf32, #tpu.memory_space<vmem_shared>>
      tpu.wait_dma2 semaphore(%run_scoped3A_261 : memref<!tpu.dma_semaphore, #tpu.memory_space<semaphore_mem>>) src(%dma_wait3A_281 : memref<104x128xf32, #tpu.memory_space<vmem_shared>>) dst(%dma_wait3A_279 : memref<104x128xf32, #tpu.memory_space<vmem>>)
      tpu.yield
    }) : () -> ()
    %mul3A_56 = arith.constant 624 : i32
    %mul3A_57 = arith.muli %arg1, %mul3A_56 : i32
    %add3A_58 = arith.constant 0 : i32
    %add3A_59 = arith.addi %mul3A_57, %add3A_58 : i32
    %dma_start3A_60 = arith.constant 0 : i32
    %dma_start3A_61 = arith.constant 0 : i32
    %dma_start3A_62 = tpu.memref_slice %arg7[%dma_start3A_60, %dma_start3A_61] : memref<125x128xf32, #tpu.memory_space<vmem>> -> memref<104x128xf32, #tpu.memory_space<vmem>>
    %dma_start3A_63 = arith.constant 0 : i32
    %dma_start3A_64 = tpu.memref_slice %arg4[%arg0, %add3A_59, %dma_start3A_63] : memref<2x10000x128xf32, #tpu.memory_space<hbm>> -> memref<1x104x128xf32, #tpu.memory_space<hbm>>
    %dma_start3A_65 = tpu.memref_squeeze %dma_start3A_64 : memref<1x104x128xf32, #tpu.memory_space<hbm>> -> memref<104x128xf32, #tpu.memory_space<hbm>>
    %dma_start3A_66 = arith.constant 0 : i32
    %dma_start3A_67 = tpu.memref_slice %arg4[%arg0, %add3A_59, %dma_start3A_66] : memref<2x10000x128xf32, #tpu.memory_space<hbm>> -> memref<1x104x128xf32, #tpu.memory_space<hbm>>
    %dma_start3A_68 = tpu.memref_squeeze %dma_start3A_67 : memref<1x104x128xf32, #tpu.memory_space<hbm>> -> memref<104x128xf32, #tpu.memory_space<hbm>>
    %dma_start3A_69 = arith.constant 0 : i32
    %dma_start3A_70 = arith.constant 0 : i32
    %dma_start3A_71 = tpu.memref_slice %arg7[%dma_start3A_69, %dma_start3A_70] : memref<125x128xf32, #tpu.memory_space<vmem>> -> memref<104x128xf32, #tpu.memory_space<vmem>>
    tpu.enqueue_dma source(%dma_start3A_71 : memref<104x128xf32, #tpu.memory_space<vmem>>) target(%dma_start3A_68 : memref<104x128xf32, #tpu.memory_space<hbm>>) target_semaphore(%arg12 : memref<!tpu.dma_semaphore, #tpu.memory_space<semaphore_mem>>)
    %mul3A_72 = arith.constant 624 : i32
    %mul3A_73 = arith.muli %arg1, %mul3A_72 : i32
    %add3A_74 = arith.constant 104 : i32
    %add3A_75 = arith.addi %mul3A_73, %add3A_74 : i32
    "tpu.region"() ({
      %run_scoped3A_261 = tpu.sem_alloc : memref<!tpu.dma_semaphore, #tpu.memory_space<semaphore_mem>>
      %dma_start3A_262 = arith.constant 0 : i32
      %dma_start3A_263 = arith.constant 0 : i32
      %dma_start3A_264 = tpu.memref_slice %arg8[%dma_start3A_262, %dma_start3A_263] : memref<125x128xf32, #tpu.memory_space<vmem>> -> memref<104x128xf32, #tpu.memory_space<vmem>>
      %dma_start3A_265 = arith.constant 0 : i32
      %dma_start3A_266 = tpu.memref_slice %arg9[%add3A_75, %dma_start3A_265] : memref<10000x128xf32, #tpu.memory_space<vmem_shared>> -> memref<104x128xf32, #tpu.memory_space<vmem_shared>>
      %dma_start3A_267 = arith.constant 0 : i32
      %dma_start3A_268 = arith.constant 0 : i32
      %dma_start3A_269 = tpu.memref_slice %arg8[%dma_start3A_267, %dma_start3A_268] : memref<125x128xf32, #tpu.memory_space<vmem>> -> memref<104x128xf32, #tpu.memory_space<vmem>>
      %dma_start3A_270 = arith.constant 0 : i32
      %dma_start3A_271 = tpu.memref_slice %arg9[%add3A_75, %dma_start3A_270] : memref<10000x128xf32, #tpu.memory_space<vmem_shared>> -> memref<104x128xf32, #tpu.memory_space<vmem_shared>>
      tpu.enqueue_dma source(%dma_start3A_271 : memref<104x128xf32, #tpu.memory_space<vmem_shared>>) target(%dma_start3A_269 : memref<104x128xf32, #tpu.memory_space<vmem>>) target_semaphore(%run_scoped3A_261 : memref<!tpu.dma_semaphore, #tpu.memory_space<semaphore_mem>>)
      %dma_wait3A_272 = arith.constant 0 : i32
      %dma_wait3A_273 = arith.constant 0 : i32
      %dma_wait3A_274 = tpu.memref_slice %arg8[%dma_wait3A_272, %dma_wait3A_273] : memref<125x128xf32, #tpu.memory_space<vmem>> -> memref<104x128xf32, #tpu.memory_space<vmem>>
      %dma_wait3A_275 = arith.constant 0 : i32
      %dma_wait3A_276 = tpu.memref_slice %arg9[%add3A_75, %dma_wait3A_275] : memref<10000x128xf32, #tpu.memory_space<vmem_shared>> -> memref<104x128xf32, #tpu.memory_space<vmem_shared>>
      %dma_wait3A_277 = arith.constant 0 : i32
      %dma_wait3A_278 = arith.constant 0 : i32
      %dma_wait3A_279 = tpu.memref_slice %arg8[%dma_wait3A_277, %dma_wait3A_278] : memref<125x128xf32, #tpu.memory_space<vmem>> -> memref<104x128xf32, #tpu.memory_space<vmem>>
      %dma_wait3A_280 = arith.constant 0 : i32
      %dma_wait3A_281 = tpu.memref_slice %arg9[%add3A_75, %dma_wait3A_280] : memref<10000x128xf32, #tpu.memory_space<vmem_shared>> -> memref<104x128xf32, #tpu.memory_space<vmem_shared>>
      tpu.wait_dma2 semaphore(%run_scoped3A_261 : memref<!tpu.dma_semaphore, #tpu.memory_space<semaphore_mem>>) src(%dma_wait3A_281 : memref<104x128xf32, #tpu.memory_space<vmem_shared>>) dst(%dma_wait3A_279 : memref<104x128xf32, #tpu.memory_space<vmem>>)
      tpu.yield
    }) : () -> ()
    %mul3A_76 = arith.constant 624 : i32
    %mul3A_77 = arith.muli %arg1, %mul3A_76 : i32
    %add3A_78 = arith.constant 104 : i32
    %add3A_79 = arith.addi %mul3A_77, %add3A_78 : i32
    %dma_start3A_80 = arith.constant 0 : i32
    %dma_start3A_81 = arith.constant 0 : i32
    %dma_start3A_82 = tpu.memref_slice %arg8[%dma_start3A_80, %dma_start3A_81] : memref<125x128xf32, #tpu.memory_space<vmem>> -> memref<104x128xf32, #tpu.memory_space<vmem>>
    %dma_start3A_83 = arith.constant 0 : i32
    %dma_start3A_84 = tpu.memref_slice %arg4[%arg0, %add3A_79, %dma_start3A_83] : memref<2x10000x128xf32, #tpu.memory_space<hbm>> -> memref<1x104x128xf32, #tpu.memory_space<hbm>>
    %dma_start3A_85 = tpu.memref_squeeze %dma_start3A_84 : memref<1x104x128xf32, #tpu.memory_space<hbm>> -> memref<104x128xf32, #tpu.memory_space<hbm>>
    %dma_start3A_86 = arith.constant 0 : i32
    %dma_start3A_87 = tpu.memref_slice %arg4[%arg0, %add3A_79, %dma_start3A_86] : memref<2x10000x128xf32, #tpu.memory_space<hbm>> -> memref<1x104x128xf32, #tpu.memory_space<hbm>>
    %dma_start3A_88 = tpu.memref_squeeze %dma_start3A_87 : memref<1x104x128xf32, #tpu.memory_space<hbm>> -> memref<104x128xf32, #tpu.memory_space<hbm>>
    %dma_start3A_89 = arith.constant 0 : i32
    %dma_start3A_90 = arith.constant 0 : i32
    %dma_start3A_91 = tpu.memref_slice %arg8[%dma_start3A_89, %dma_start3A_90] : memref<125x128xf32, #tpu.memory_space<vmem>> -> memref<104x128xf32, #tpu.memory_space<vmem>>
    tpu.enqueue_dma source(%dma_start3A_91 : memref<104x128xf32, #tpu.memory_space<vmem>>) target(%dma_start3A_88 : memref<104x128xf32, #tpu.memory_space<hbm>>) target_semaphore(%arg13 : memref<!tpu.dma_semaphore, #tpu.memory_space<semaphore_mem>>)
    %mul3A_92 = arith.constant 624 : i32
    %mul3A_93 = arith.muli %arg1, %mul3A_92 : i32
    %dma_wait3A_94 = arith.constant 0 : i32
    %dma_wait3A_95 = arith.constant 0 : i32
    %dma_wait3A_96 = tpu.memref_slice %arg7[%dma_wait3A_94, %dma_wait3A_95] : memref<125x128xf32, #tpu.memory_space<vmem>> -> memref<104x128xf32, #tpu.memory_space<vmem>>
    %dma_wait3A_97 = arith.constant 0 : i32
    %dma_wait3A_98 = tpu.memref_slice %arg4[%arg0, %mul3A_93, %dma_wait3A_97] : memref<2x10000x128xf32, #tpu.memory_space<hbm>> -> memref<1x104x128xf32, #tpu.memory_space<hbm>>
    %dma_wait3A_99 = tpu.memref_squeeze %dma_wait3A_98 : memref<1x104x128xf32, #tpu.memory_space<hbm>> -> memref<104x128xf32, #tpu.memory_space<hbm>>
    %dma_wait3A_100 = arith.constant 0 : i32
    %dma_wait3A_101 = tpu.memref_slice %arg4[%arg0, %mul3A_93, %dma_wait3A_100] : memref<2x10000x128xf32, #tpu.memory_space<hbm>> -> memref<1x104x128xf32, #tpu.memory_space<hbm>>
    %dma_wait3A_102 = tpu.memref_squeeze %dma_wait3A_101 : memref<1x104x128xf32, #tpu.memory_space<hbm>> -> memref<104x128xf32, #tpu.memory_space<hbm>>
    %dma_wait3A_103 = arith.constant 0 : i32
    %dma_wait3A_104 = arith.constant 0 : i32
    %dma_wait3A_105 = tpu.memref_slice %arg7[%dma_wait3A_103, %dma_wait3A_104] : memref<125x128xf32, #tpu.memory_space<vmem>> -> memref<104x128xf32, #tpu.memory_space<vmem>>
    tpu.wait_dma2 semaphore(%arg12 : memref<!tpu.dma_semaphore, #tpu.memory_space<semaphore_mem>>) src(%dma_wait3A_105 : memref<104x128xf32, #tpu.memory_space<vmem>>) dst(%dma_wait3A_102 : memref<104x128xf32, #tpu.memory_space<hbm>>)
    %mul3A_106 = arith.constant 624 : i32
    %mul3A_107 = arith.muli %arg1, %mul3A_106 : i32
    %add3A_108 = arith.constant 208 : i32
    %add3A_109 = arith.addi %mul3A_107, %add3A_108 : i32
    "tpu.region"() ({
      %run_scoped3A_261 = tpu.sem_alloc : memref<!tpu.dma_semaphore, #tpu.memory_space<semaphore_mem>>
      %dma_start3A_262 = arith.constant 0 : i32
      %dma_start3A_263 = arith.constant 0 : i32
      %dma_start3A_264 = tpu.memref_slice %arg7[%dma_start3A_262, %dma_start3A_263] : memref<125x128xf32, #tpu.memory_space<vmem>> -> memref<104x128xf32, #tpu.memory_space<vmem>>
      %dma_start3A_265 = arith.constant 0 : i32
      %dma_start3A_266 = tpu.memref_slice %arg9[%add3A_109, %dma_start3A_265] : memref<10000x128xf32, #tpu.memory_space<vmem_shared>> -> memref<104x128xf32, #tpu.memory_space<vmem_shared>>
      %dma_start3A_267 = arith.constant 0 : i32
      %dma_start3A_268 = arith.constant 0 : i32
      %dma_start3A_269 = tpu.memref_slice %arg7[%dma_start3A_267, %dma_start3A_268] : memref<125x128xf32, #tpu.memory_space<vmem>> -> memref<104x128xf32, #tpu.memory_space<vmem>>
      %dma_start3A_270 = arith.constant 0 : i32
      %dma_start3A_271 = tpu.memref_slice %arg9[%add3A_109, %dma_start3A_270] : memref<10000x128xf32, #tpu.memory_space<vmem_shared>> -> memref<104x128xf32, #tpu.memory_space<vmem_shared>>
      tpu.enqueue_dma source(%dma_start3A_271 : memref<104x128xf32, #tpu.memory_space<vmem_shared>>) target(%dma_start3A_269 : memref<104x128xf32, #tpu.memory_space<vmem>>) target_semaphore(%run_scoped3A_261 : memref<!tpu.dma_semaphore, #tpu.memory_space<semaphore_mem>>)
      %dma_wait3A_272 = arith.constant 0 : i32
      %dma_wait3A_273 = arith.constant 0 : i32
      %dma_wait3A_274 = tpu.memref_slice %arg7[%dma_wait3A_272, %dma_wait3A_273] : memref<125x128xf32, #tpu.memory_space<vmem>> -> memref<104x128xf32, #tpu.memory_space<vmem>>
      %dma_wait3A_275 = arith.constant 0 : i32
      %dma_wait3A_276 = tpu.memref_slice %arg9[%add3A_109, %dma_wait3A_275] : memref<10000x128xf32, #tpu.memory_space<vmem_shared>> -> memref<104x128xf32, #tpu.memory_space<vmem_shared>>
      %dma_wait3A_277 = arith.constant 0 : i32
      %dma_wait3A_278 = arith.constant 0 : i32
      %dma_wait3A_279 = tpu.memref_slice %arg7[%dma_wait3A_277, %dma_wait3A_278] : memref<125x128xf32, #tpu.memory_space<vmem>> -> memref<104x128xf32, #tpu.memory_space<vmem>>
      %dma_wait3A_280 = arith.constant 0 : i32
      %dma_wait3A_281 = tpu.memref_slice %arg9[%add3A_109, %dma_wait3A_280] : memref<10000x128xf32, #tpu.memory_space<vmem_shared>> -> memref<104x128xf32, #tpu.memory_space<vmem_shared>>
      tpu.wait_dma2 semaphore(%run_scoped3A_261 : memref<!tpu.dma_semaphore, #tpu.memory_space<semaphore_mem>>) src(%dma_wait3A_281 : memref<104x128xf32, #tpu.memory_space<vmem_shared>>) dst(%dma_wait3A_279 : memref<104x128xf32, #tpu.memory_space<vmem>>)
      tpu.yield
    }) : () -> ()
    %mul3A_110 = arith.constant 624 : i32
    %mul3A_111 = arith.muli %arg1, %mul3A_110 : i32
    %add3A_112 = arith.constant 208 : i32
    %add3A_113 = arith.addi %mul3A_111, %add3A_112 : i32
    %dma_start3A_114 = arith.constant 0 : i32
    %dma_start3A_115 = arith.constant 0 : i32
    %dma_start3A_116 = tpu.memref_slice %arg7[%dma_start3A_114, %dma_start3A_115] : memref<125x128xf32, #tpu.memory_space<vmem>> -> memref<104x128xf32, #tpu.memory_space<vmem>>
    %dma_start3A_117 = arith.constant 0 : i32
    %dma_start3A_118 = tpu.memref_slice %arg4[%arg0, %add3A_113, %dma_start3A_117] : memref<2x10000x128xf32, #tpu.memory_space<hbm>> -> memref<1x104x128xf32, #tpu.memory_space<hbm>>
    %dma_start3A_119 = tpu.memref_squeeze %dma_start3A_118 : memref<1x104x128xf32, #tpu.memory_space<hbm>> -> memref<104x128xf32, #tpu.memory_space<hbm>>
    %dma_start3A_120 = arith.constant 0 : i32
    %dma_start3A_121 = tpu.memref_slice %arg4[%arg0, %add3A_113, %dma_start3A_120] : memref<2x10000x128xf32, #tpu.memory_space<hbm>> -> memref<1x104x128xf32, #tpu.memory_space<hbm>>
    %dma_start3A_122 = tpu.memref_squeeze %dma_start3A_121 : memref<1x104x128xf32, #tpu.memory_space<hbm>> -> memref<104x128xf32, #tpu.memory_space<hbm>>
    %dma_start3A_123 = arith.constant 0 : i32
    %dma_start3A_124 = arith.constant 0 : i32
    %dma_start3A_125 = tpu.memref_slice %arg7[%dma_start3A_123, %dma_start3A_124] : memref<125x128xf32, #tpu.memory_space<vmem>> -> memref<104x128xf32, #tpu.memory_space<vmem>>
    tpu.enqueue_dma source(%dma_start3A_125 : memref<104x128xf32, #tpu.memory_space<vmem>>) target(%dma_start3A_122 : memref<104x128xf32, #tpu.memory_space<hbm>>) target_semaphore(%arg12 : memref<!tpu.dma_semaphore, #tpu.memory_space<semaphore_mem>>)
    %mul3A_126 = arith.constant 624 : i32
    %mul3A_127 = arith.muli %arg1, %mul3A_126 : i32
    %dma_wait3A_128 = arith.constant 0 : i32
    %dma_wait3A_129 = arith.constant 0 : i32
    %dma_wait3A_130 = tpu.memref_slice %arg8[%dma_wait3A_128, %dma_wait3A_129] : memref<125x128xf32, #tpu.memory_space<vmem>> -> memref<104x128xf32, #tpu.memory_space<vmem>>
    %dma_wait3A_131 = arith.constant 0 : i32
    %dma_wait3A_132 = tpu.memref_slice %arg4[%arg0, %mul3A_127, %dma_wait3A_131] : memref<2x10000x128xf32, #tpu.memory_space<hbm>> -> memref<1x104x128xf32, #tpu.memory_space<hbm>>
    %dma_wait3A_133 = tpu.memref_squeeze %dma_wait3A_132 : memref<1x104x128xf32, #tpu.memory_space<hbm>> -> memref<104x128xf32, #tpu.memory_space<hbm>>
    %dma_wait3A_134 = arith.constant 0 : i32
    %dma_wait3A_135 = tpu.memref_slice %arg4[%arg0, %mul3A_127, %dma_wait3A_134] : memref<2x10000x128xf32, #tpu.memory_space<hbm>> -> memref<1x104x128xf32, #tpu.memory_space<hbm>>
    %dma_wait3A_136 = tpu.memref_squeeze %dma_wait3A_135 : memref<1x104x128xf32, #tpu.memory_space<hbm>> -> memref<104x128xf32, #tpu.memory_space<hbm>>
    %dma_wait3A_137 = arith.constant 0 : i32
    %dma_wait3A_138 = arith.constant 0 : i32
    %dma_wait3A_139 = tpu.memref_slice %arg8[%dma_wait3A_137, %dma_wait3A_138] : memref<125x128xf32, #tpu.memory_space<vmem>> -> memref<104x128xf32, #tpu.memory_space<vmem>>
    tpu.wait_dma2 semaphore(%arg13 : memref<!tpu.dma_semaphore, #tpu.memory_space<semaphore_mem>>) src(%dma_wait3A_139 : memref<104x128xf32, #tpu.memory_space<vmem>>) dst(%dma_wait3A_136 : memref<104x128xf32, #tpu.memory_space<hbm>>)
    %mul3A_140 = arith.constant 624 : i32
    %mul3A_141 = arith.muli %arg1, %mul3A_140 : i32
    %add3A_142 = arith.constant 312 : i32
    %add3A_143 = arith.addi %mul3A_141, %add3A_142 : i32
    "tpu.region"() ({
      %run_scoped3A_261 = tpu.sem_alloc : memref<!tpu.dma_semaphore, #tpu.memory_space<semaphore_mem>>
      %dma_start3A_262 = arith.constant 0 : i32
      %dma_start3A_263 = arith.constant 0 : i32
      %dma_start3A_264 = tpu.memref_slice %arg8[%dma_start3A_262, %dma_start3A_263] : memref<125x128xf32, #tpu.memory_space<vmem>> -> memref<104x128xf32, #tpu.memory_space<vmem>>
      %dma_start3A_265 = arith.constant 0 : i32
      %dma_start3A_266 = tpu.memref_slice %arg9[%add3A_143, %dma_start3A_265] : memref<10000x128xf32, #tpu.memory_space<vmem_shared>> -> memref<104x128xf32, #tpu.memory_space<vmem_shared>>
      %dma_start3A_267 = arith.constant 0 : i32
      %dma_start3A_268 = arith.constant 0 : i32
      %dma_start3A_269 = tpu.memref_slice %arg8[%dma_start3A_267, %dma_start3A_268] : memref<125x128xf32, #tpu.memory_space<vmem>> -> memref<104x128xf32, #tpu.memory_space<vmem>>
      %dma_start3A_270 = arith.constant 0 : i32
      %dma_start3A_271 = tpu.memref_slice %arg9[%add3A_143, %dma_start3A_270] : memref<10000x128xf32, #tpu.memory_space<vmem_shared>> -> memref<104x128xf32, #tpu.memory_space<vmem_shared>>
      tpu.enqueue_dma source(%dma_start3A_271 : memref<104x128xf32, #tpu.memory_space<vmem_shared>>) target(%dma_start3A_269 : memref<104x128xf32, #tpu.memory_space<vmem>>) target_semaphore(%run_scoped3A_261 : memref<!tpu.dma_semaphore, #tpu.memory_space<semaphore_mem>>)
      %dma_wait3A_272 = arith.constant 0 : i32
      %dma_wait3A_273 = arith.constant 0 : i32
      %dma_wait3A_274 = tpu.memref_slice %arg8[%dma_wait3A_272, %dma_wait3A_273] : memref<125x128xf32, #tpu.memory_space<vmem>> -> memref<104x128xf32, #tpu.memory_space<vmem>>
      %dma_wait3A_275 = arith.constant 0 : i32
      %dma_wait3A_276 = tpu.memref_slice %arg9[%add3A_143, %dma_wait3A_275] : memref<10000x128xf32, #tpu.memory_space<vmem_shared>> -> memref<104x128xf32, #tpu.memory_space<vmem_shared>>
      %dma_wait3A_277 = arith.constant 0 : i32
      %dma_wait3A_278 = arith.constant 0 : i32
      %dma_wait3A_279 = tpu.memref_slice %arg8[%dma_wait3A_277, %dma_wait3A_278] : memref<125x128xf32, #tpu.memory_space<vmem>> -> memref<104x128xf32, #tpu.memory_space<vmem>>
      %dma_wait3A_280 = arith.constant 0 : i32
      %dma_wait3A_281 = tpu.memref_slice %arg9[%add3A_143, %dma_wait3A_280] : memref<10000x128xf32, #tpu.memory_space<vmem_shared>> -> memref<104x128xf32, #tpu.memory_space<vmem_shared>>
      tpu.wait_dma2 semaphore(%run_scoped3A_261 : memref<!tpu.dma_semaphore, #tpu.memory_space<semaphore_mem>>) src(%dma_wait3A_281 : memref<104x128xf32, #tpu.memory_space<vmem_shared>>) dst(%dma_wait3A_279 : memref<104x128xf32, #tpu.memory_space<vmem>>)
      tpu.yield
    }) : () -> ()
    %mul3A_144 = arith.constant 624 : i32
    %mul3A_145 = arith.muli %arg1, %mul3A_144 : i32
    %add3A_146 = arith.constant 312 : i32
    %add3A_147 = arith.addi %mul3A_145, %add3A_146 : i32
    %dma_start3A_148 = arith.constant 0 : i32
    %dma_start3A_149 = arith.constant 0 : i32
    %dma_start3A_150 = tpu.memref_slice %arg8[%dma_start3A_148, %dma_start3A_149] : memref<125x128xf32, #tpu.memory_space<vmem>> -> memref<104x128xf32, #tpu.memory_space<vmem>>
    %dma_start3A_151 = arith.constant 0 : i32
    %dma_start3A_152 = tpu.memref_slice %arg4[%arg0, %add3A_147, %dma_start3A_151] : memref<2x10000x128xf32, #tpu.memory_space<hbm>> -> memref<1x104x128xf32, #tpu.memory_space<hbm>>
    %dma_start3A_153 = tpu.memref_squeeze %dma_start3A_152 : memref<1x104x128xf32, #tpu.memory_space<hbm>> -> memref<104x128xf32, #tpu.memory_space<hbm>>
    %dma_start3A_154 = arith.constant 0 : i32
    %dma_start3A_155 = tpu.memref_slice %arg4[%arg0, %add3A_147, %dma_start3A_154] : memref<2x10000x128xf32, #tpu.memory_space<hbm>> -> memref<1x104x128xf32, #tpu.memory_space<hbm>>
    %dma_start3A_156 = tpu.memref_squeeze %dma_start3A_155 : memref<1x104x128xf32, #tpu.memory_space<hbm>> -> memref<104x128xf32, #tpu.memory_space<hbm>>
    %dma_start3A_157 = arith.constant 0 : i32
    %dma_start3A_158 = arith.constant 0 : i32
    %dma_start3A_159 = tpu.memref_slice %arg8[%dma_start3A_157, %dma_start3A_158] : memref<125x128xf32, #tpu.memory_space<vmem>> -> memref<104x128xf32, #tpu.memory_space<vmem>>
    tpu.enqueue_dma source(%dma_start3A_159 : memref<104x128xf32, #tpu.memory_space<vmem>>) target(%dma_start3A_156 : memref<104x128xf32, #tpu.memory_space<hbm>>) target_semaphore(%arg13 : memref<!tpu.dma_semaphore, #tpu.memory_space<semaphore_mem>>)
    %mul3A_160 = arith.constant 624 : i32
    %mul3A_161 = arith.muli %arg1, %mul3A_160 : i32
    %dma_wait3A_162 = arith.constant 0 : i32
    %dma_wait3A_163 = arith.constant 0 : i32
    %dma_wait3A_164 = tpu.memref_slice %arg7[%dma_wait3A_162, %dma_wait3A_163] : memref<125x128xf32, #tpu.memory_space<vmem>> -> memref<104x128xf32, #tpu.memory_space<vmem>>
    %dma_wait3A_165 = arith.constant 0 : i32
    %dma_wait3A_166 = tpu.memref_slice %arg4[%arg0, %mul3A_161, %dma_wait3A_165] : memref<2x10000x128xf32, #tpu.memory_space<hbm>> -> memref<1x104x128xf32, #tpu.memory_space<hbm>>
    %dma_wait3A_167 = tpu.memref_squeeze %dma_wait3A_166 : memref<1x104x128xf32, #tpu.memory_space<hbm>> -> memref<104x128xf32, #tpu.memory_space<hbm>>
    %dma_wait3A_168 = arith.constant 0 : i32
    %dma_wait3A_169 = tpu.memref_slice %arg4[%arg0, %mul3A_161, %dma_wait3A_168] : memref<2x10000x128xf32, #tpu.memory_space<hbm>> -> memref<1x104x128xf32, #tpu.memory_space<hbm>>
    %dma_wait3A_170 = tpu.memref_squeeze %dma_wait3A_169 : memref<1x104x128xf32, #tpu.memory_space<hbm>> -> memref<104x128xf32, #tpu.memory_space<hbm>>
    %dma_wait3A_171 = arith.constant 0 : i32
    %dma_wait3A_172 = arith.constant 0 : i32
    %dma_wait3A_173 = tpu.memref_slice %arg7[%dma_wait3A_171, %dma_wait3A_172] : memref<125x128xf32, #tpu.memory_space<vmem>> -> memref<104x128xf32, #tpu.memory_space<vmem>>
    tpu.wait_dma2 semaphore(%arg12 : memref<!tpu.dma_semaphore, #tpu.memory_space<semaphore_mem>>) src(%dma_wait3A_173 : memref<104x128xf32, #tpu.memory_space<vmem>>) dst(%dma_wait3A_170 : memref<104x128xf32, #tpu.memory_space<hbm>>)
    %mul3A_174 = arith.constant 624 : i32
    %mul3A_175 = arith.muli %arg1, %mul3A_174 : i32
    %add3A_176 = arith.constant 416 : i32
    %add3A_177 = arith.addi %mul3A_175, %add3A_176 : i32
    "tpu.region"() ({
      %run_scoped3A_261 = tpu.sem_alloc : memref<!tpu.dma_semaphore, #tpu.memory_space<semaphore_mem>>
      %dma_start3A_262 = arith.constant 0 : i32
      %dma_start3A_263 = arith.constant 0 : i32
      %dma_start3A_264 = tpu.memref_slice %arg7[%dma_start3A_262, %dma_start3A_263] : memref<125x128xf32, #tpu.memory_space<vmem>> -> memref<104x128xf32, #tpu.memory_space<vmem>>
      %dma_start3A_265 = arith.constant 0 : i32
      %dma_start3A_266 = tpu.memref_slice %arg9[%add3A_177, %dma_start3A_265] : memref<10000x128xf32, #tpu.memory_space<vmem_shared>> -> memref<104x128xf32, #tpu.memory_space<vmem_shared>>
      %dma_start3A_267 = arith.constant 0 : i32
      %dma_start3A_268 = arith.constant 0 : i32
      %dma_start3A_269 = tpu.memref_slice %arg7[%dma_start3A_267, %dma_start3A_268] : memref<125x128xf32, #tpu.memory_space<vmem>> -> memref<104x128xf32, #tpu.memory_space<vmem>>
      %dma_start3A_270 = arith.constant 0 : i32
      %dma_start3A_271 = tpu.memref_slice %arg9[%add3A_177, %dma_start3A_270] : memref<10000x128xf32, #tpu.memory_space<vmem_shared>> -> memref<104x128xf32, #tpu.memory_space<vmem_shared>>
      tpu.enqueue_dma source(%dma_start3A_271 : memref<104x128xf32, #tpu.memory_space<vmem_shared>>) target(%dma_start3A_269 : memref<104x128xf32, #tpu.memory_space<vmem>>) target_semaphore(%run_scoped3A_261 : memref<!tpu.dma_semaphore, #tpu.memory_space<semaphore_mem>>)
      %dma_wait3A_272 = arith.constant 0 : i32
      %dma_wait3A_273 = arith.constant 0 : i32
      %dma_wait3A_274 = tpu.memref_slice %arg7[%dma_wait3A_272, %dma_wait3A_273] : memref<125x128xf32, #tpu.memory_space<vmem>> -> memref<104x128xf32, #tpu.memory_space<vmem>>
      %dma_wait3A_275 = arith.constant 0 : i32
      %dma_wait3A_276 = tpu.memref_slice %arg9[%add3A_177, %dma_wait3A_275] : memref<10000x128xf32, #tpu.memory_space<vmem_shared>> -> memref<104x128xf32, #tpu.memory_space<vmem_shared>>
      %dma_wait3A_277 = arith.constant 0 : i32
      %dma_wait3A_278 = arith.constant 0 : i32
      %dma_wait3A_279 = tpu.memref_slice %arg7[%dma_wait3A_277, %dma_wait3A_278] : memref<125x128xf32, #tpu.memory_space<vmem>> -> memref<104x128xf32, #tpu.memory_space<vmem>>
      %dma_wait3A_280 = arith.constant 0 : i32
      %dma_wait3A_281 = tpu.memref_slice %arg9[%add3A_177, %dma_wait3A_280] : memref<10000x128xf32, #tpu.memory_space<vmem_shared>> -> memref<104x128xf32, #tpu.memory_space<vmem_shared>>
      tpu.wait_dma2 semaphore(%run_scoped3A_261 : memref<!tpu.dma_semaphore, #tpu.memory_space<semaphore_mem>>) src(%dma_wait3A_281 : memref<104x128xf32, #tpu.memory_space<vmem_shared>>) dst(%dma_wait3A_279 : memref<104x128xf32, #tpu.memory_space<vmem>>)
      tpu.yield
    }) : () -> ()
    %mul3A_178 = arith.constant 624 : i32
    %mul3A_179 = arith.muli %arg1, %mul3A_178 : i32
    %add3A_180 = arith.constant 416 : i32
    %add3A_181 = arith.addi %mul3A_179, %add3A_180 : i32
    %dma_start3A_182 = arith.constant 0 : i32
    %dma_start3A_183 = arith.constant 0 : i32
    %dma_start3A_184 = tpu.memref_slice %arg7[%dma_start3A_182, %dma_start3A_183] : memref<125x128xf32, #tpu.memory_space<vmem>> -> memref<104x128xf32, #tpu.memory_space<vmem>>
    %dma_start3A_185 = arith.constant 0 : i32
    %dma_start3A_186 = tpu.memref_slice %arg4[%arg0, %add3A_181, %dma_start3A_185] : memref<2x10000x128xf32, #tpu.memory_space<hbm>> -> memref<1x104x128xf32, #tpu.memory_space<hbm>>
    %dma_start3A_187 = tpu.memref_squeeze %dma_start3A_186 : memref<1x104x128xf32, #tpu.memory_space<hbm>> -> memref<104x128xf32, #tpu.memory_space<hbm>>
    %dma_start3A_188 = arith.constant 0 : i32
    %dma_start3A_189 = tpu.memref_slice %arg4[%arg0, %add3A_181, %dma_start3A_188] : memref<2x10000x128xf32, #tpu.memory_space<hbm>> -> memref<1x104x128xf32, #tpu.memory_space<hbm>>
    %dma_start3A_190 = tpu.memref_squeeze %dma_start3A_189 : memref<1x104x128xf32, #tpu.memory_space<hbm>> -> memref<104x128xf32, #tpu.memory_space<hbm>>
    %dma_start3A_191 = arith.constant 0 : i32
    %dma_start3A_192 = arith.constant 0 : i32
    %dma_start3A_193 = tpu.memref_slice %arg7[%dma_start3A_191, %dma_start3A_192] : memref<125x128xf32, #tpu.memory_space<vmem>> -> memref<104x128xf32, #tpu.memory_space<vmem>>
    tpu.enqueue_dma source(%dma_start3A_193 : memref<104x128xf32, #tpu.memory_space<vmem>>) target(%dma_start3A_190 : memref<104x128xf32, #tpu.memory_space<hbm>>) target_semaphore(%arg12 : memref<!tpu.dma_semaphore, #tpu.memory_space<semaphore_mem>>)
    %mul3A_194 = arith.constant 624 : i32
    %mul3A_195 = arith.muli %arg1, %mul3A_194 : i32
    %dma_wait3A_196 = arith.constant 0 : i32
    %dma_wait3A_197 = arith.constant 0 : i32
    %dma_wait3A_198 = tpu.memref_slice %arg8[%dma_wait3A_196, %dma_wait3A_197] : memref<125x128xf32, #tpu.memory_space<vmem>> -> memref<104x128xf32, #tpu.memory_space<vmem>>
    %dma_wait3A_199 = arith.constant 0 : i32
    %dma_wait3A_200 = tpu.memref_slice %arg4[%arg0, %mul3A_195, %dma_wait3A_199] : memref<2x10000x128xf32, #tpu.memory_space<hbm>> -> memref<1x104x128xf32, #tpu.memory_space<hbm>>
    %dma_wait3A_201 = tpu.memref_squeeze %dma_wait3A_200 : memref<1x104x128xf32, #tpu.memory_space<hbm>> -> memref<104x128xf32, #tpu.memory_space<hbm>>
    %dma_wait3A_202 = arith.constant 0 : i32
    %dma_wait3A_203 = tpu.memref_slice %arg4[%arg0, %mul3A_195, %dma_wait3A_202] : memref<2x10000x128xf32, #tpu.memory_space<hbm>> -> memref<1x104x128xf32, #tpu.memory_space<hbm>>
    %dma_wait3A_204 = tpu.memref_squeeze %dma_wait3A_203 : memref<1x104x128xf32, #tpu.memory_space<hbm>> -> memref<104x128xf32, #tpu.memory_space<hbm>>
    %dma_wait3A_205 = arith.constant 0 : i32
    %dma_wait3A_206 = arith.constant 0 : i32
    %dma_wait3A_207 = tpu.memref_slice %arg8[%dma_wait3A_205, %dma_wait3A_206] : memref<125x128xf32, #tpu.memory_space<vmem>> -> memref<104x128xf32, #tpu.memory_space<vmem>>
    tpu.wait_dma2 semaphore(%arg13 : memref<!tpu.dma_semaphore, #tpu.memory_space<semaphore_mem>>) src(%dma_wait3A_207 : memref<104x128xf32, #tpu.memory_space<vmem>>) dst(%dma_wait3A_204 : memref<104x128xf32, #tpu.memory_space<hbm>>)
    %mul3A_208 = arith.constant 624 : i32
    %mul3A_209 = arith.muli %arg1, %mul3A_208 : i32
    %add3A_210 = arith.constant 520 : i32
    %add3A_211 = arith.addi %mul3A_209, %add3A_210 : i32
    "tpu.region"() ({
      %run_scoped3A_261 = tpu.sem_alloc : memref<!tpu.dma_semaphore, #tpu.memory_space<semaphore_mem>>
      %dma_start3A_262 = arith.constant 0 : i32
      %dma_start3A_263 = arith.constant 0 : i32
      %dma_start3A_264 = tpu.memref_slice %arg8[%dma_start3A_262, %dma_start3A_263] : memref<125x128xf32, #tpu.memory_space<vmem>> -> memref<104x128xf32, #tpu.memory_space<vmem>>
      %dma_start3A_265 = arith.constant 0 : i32
      %dma_start3A_266 = tpu.memref_slice %arg9[%add3A_211, %dma_start3A_265] : memref<10000x128xf32, #tpu.memory_space<vmem_shared>> -> memref<104x128xf32, #tpu.memory_space<vmem_shared>>
      %dma_start3A_267 = arith.constant 0 : i32
      %dma_start3A_268 = arith.constant 0 : i32
      %dma_start3A_269 = tpu.memref_slice %arg8[%dma_start3A_267, %dma_start3A_268] : memref<125x128xf32, #tpu.memory_space<vmem>> -> memref<104x128xf32, #tpu.memory_space<vmem>>
      %dma_start3A_270 = arith.constant 0 : i32
      %dma_start3A_271 = tpu.memref_slice %arg9[%add3A_211, %dma_start3A_270] : memref<10000x128xf32, #tpu.memory_space<vmem_shared>> -> memref<104x128xf32, #tpu.memory_space<vmem_shared>>
      tpu.enqueue_dma source(%dma_start3A_271 : memref<104x128xf32, #tpu.memory_space<vmem_shared>>) target(%dma_start3A_269 : memref<104x128xf32, #tpu.memory_space<vmem>>) target_semaphore(%run_scoped3A_261 : memref<!tpu.dma_semaphore, #tpu.memory_space<semaphore_mem>>)
      %dma_wait3A_272 = arith.constant 0 : i32
      %dma_wait3A_273 = arith.constant 0 : i32
      %dma_wait3A_274 = tpu.memref_slice %arg8[%dma_wait3A_272, %dma_wait3A_273] : memref<125x128xf32, #tpu.memory_space<vmem>> -> memref<104x128xf32, #tpu.memory_space<vmem>>
      %dma_wait3A_275 = arith.constant 0 : i32
      %dma_wait3A_276 = tpu.memref_slice %arg9[%add3A_211, %dma_wait3A_275] : memref<10000x128xf32, #tpu.memory_space<vmem_shared>> -> memref<104x128xf32, #tpu.memory_space<vmem_shared>>
      %dma_wait3A_277 = arith.constant 0 : i32
      %dma_wait3A_278 = arith.constant 0 : i32
      %dma_wait3A_279 = tpu.memref_slice %arg8[%dma_wait3A_277, %dma_wait3A_278] : memref<125x128xf32, #tpu.memory_space<vmem>> -> memref<104x128xf32, #tpu.memory_space<vmem>>
      %dma_wait3A_280 = arith.constant 0 : i32
      %dma_wait3A_281 = tpu.memref_slice %arg9[%add3A_211, %dma_wait3A_280] : memref<10000x128xf32, #tpu.memory_space<vmem_shared>> -> memref<104x128xf32, #tpu.memory_space<vmem_shared>>
      tpu.wait_dma2 semaphore(%run_scoped3A_261 : memref<!tpu.dma_semaphore, #tpu.memory_space<semaphore_mem>>) src(%dma_wait3A_281 : memref<104x128xf32, #tpu.memory_space<vmem_shared>>) dst(%dma_wait3A_279 : memref<104x128xf32, #tpu.memory_space<vmem>>)
      tpu.yield
    }) : () -> ()
    %mul3A_212 = arith.constant 624 : i32
    %mul3A_213 = arith.muli %arg1, %mul3A_212 : i32
    %add3A_214 = arith.constant 520 : i32
    %add3A_215 = arith.addi %mul3A_213, %add3A_214 : i32
    %dma_start3A_216 = arith.constant 0 : i32
    %dma_start3A_217 = arith.constant 0 : i32
    %dma_start3A_218 = tpu.memref_slice %arg8[%dma_start3A_216, %dma_start3A_217] : memref<125x128xf32, #tpu.memory_space<vmem>> -> memref<104x128xf32, #tpu.memory_space<vmem>>
    %dma_start3A_219 = arith.constant 0 : i32
    %dma_start3A_220 = tpu.memref_slice %arg4[%arg0, %add3A_215, %dma_start3A_219] : memref<2x10000x128xf32, #tpu.memory_space<hbm>> -> memref<1x104x128xf32, #tpu.memory_space<hbm>>
    %dma_start3A_221 = tpu.memref_squeeze %dma_start3A_220 : memref<1x104x128xf32, #tpu.memory_space<hbm>> -> memref<104x128xf32, #tpu.memory_space<hbm>>
    %dma_start3A_222 = arith.constant 0 : i32
    %dma_start3A_223 = tpu.memref_slice %arg4[%arg0, %add3A_215, %dma_start3A_222] : memref<2x10000x128xf32, #tpu.memory_space<hbm>> -> memref<1x104x128xf32, #tpu.memory_space<hbm>>
    %dma_start3A_224 = tpu.memref_squeeze %dma_start3A_223 : memref<1x104x128xf32, #tpu.memory_space<hbm>> -> memref<104x128xf32, #tpu.memory_space<hbm>>
    %dma_start3A_225 = arith.constant 0 : i32
    %dma_start3A_226 = arith.constant 0 : i32
    %dma_start3A_227 = tpu.memref_slice %arg8[%dma_start3A_225, %dma_start3A_226] : memref<125x128xf32, #tpu.memory_space<vmem>> -> memref<104x128xf32, #tpu.memory_space<vmem>>
    tpu.enqueue_dma source(%dma_start3A_227 : memref<104x128xf32, #tpu.memory_space<vmem>>) target(%dma_start3A_224 : memref<104x128xf32, #tpu.memory_space<hbm>>) target_semaphore(%arg13 : memref<!tpu.dma_semaphore, #tpu.memory_space<semaphore_mem>>)
    %mul3A_228 = arith.constant 624 : i32
    %mul3A_229 = arith.muli %arg1, %mul3A_228 : i32
    %dma_wait3A_230 = arith.constant 0 : i32
    %dma_wait3A_231 = arith.constant 0 : i32
    %dma_wait3A_232 = tpu.memref_slice %arg7[%dma_wait3A_230, %dma_wait3A_231] : memref<125x128xf32, #tpu.memory_space<vmem>> -> memref<104x128xf32, #tpu.memory_space<vmem>>
    %dma_wait3A_233 = arith.constant 0 : i32
    %dma_wait3A_234 = tpu.memref_slice %arg4[%arg0, %mul3A_229, %dma_wait3A_233] : memref<2x10000x128xf32, #tpu.memory_space<hbm>> -> memref<1x104x128xf32, #tpu.memory_space<hbm>>
    %dma_wait3A_235 = tpu.memref_squeeze %dma_wait3A_234 : memref<1x104x128xf32, #tpu.memory_space<hbm>> -> memref<104x128xf32, #tpu.memory_space<hbm>>
    %dma_wait3A_236 = arith.constant 0 : i32
    %dma_wait3A_237 = tpu.memref_slice %arg4[%arg0, %mul3A_229, %dma_wait3A_236] : memref<2x10000x128xf32, #tpu.memory_space<hbm>> -> memref<1x104x128xf32, #tpu.memory_space<hbm>>
    %dma_wait3A_238 = tpu.memref_squeeze %dma_wait3A_237 : memref<1x104x128xf32, #tpu.memory_space<hbm>> -> memref<104x128xf32, #tpu.memory_space<hbm>>
    %dma_wait3A_239 = arith.constant 0 : i32
    %dma_wait3A_240 = arith.constant 0 : i32
    %dma_wait3A_241 = tpu.memref_slice %arg7[%dma_wait3A_239, %dma_wait3A_240] : memref<125x128xf32, #tpu.memory_space<vmem>> -> memref<104x128xf32, #tpu.memory_space<vmem>>
    tpu.wait_dma2 semaphore(%arg12 : memref<!tpu.dma_semaphore, #tpu.memory_space<semaphore_mem>>) src(%dma_wait3A_241 : memref<104x128xf32, #tpu.memory_space<vmem>>) dst(%dma_wait3A_238 : memref<104x128xf32, #tpu.memory_space<hbm>>)
    %mul3A_242 = arith.constant 624 : i32
    %mul3A_243 = arith.muli %arg1, %mul3A_242 : i32
    %dma_wait3A_244 = arith.constant 0 : i32
    %dma_wait3A_245 = arith.constant 0 : i32
    %dma_wait3A_246 = tpu.memref_slice %arg8[%dma_wait3A_244, %dma_wait3A_245] : memref<125x128xf32, #tpu.memory_space<vmem>> -> memref<104x128xf32, #tpu.memory_space<vmem>>
    %dma_wait3A_247 = arith.constant 0 : i32
    %dma_wait3A_248 = tpu.memref_slice %arg4[%arg0, %mul3A_243, %dma_wait3A_247] : memref<2x10000x128xf32, #tpu.memory_space<hbm>> -> memref<1x104x128xf32, #tpu.memory_space<hbm>>
    %dma_wait3A_249 = tpu.memref_squeeze %dma_wait3A_248 : memref<1x104x128xf32, #tpu.memory_space<hbm>> -> memref<104x128xf32, #tpu.memory_space<hbm>>
    %dma_wait3A_250 = arith.constant 0 : i32
    %dma_wait3A_251 = tpu.memref_slice %arg4[%arg0, %mul3A_243, %dma_wait3A_250] : memref<2x10000x128xf32, #tpu.memory_space<hbm>> -> memref<1x104x128xf32, #tpu.memory_space<hbm>>
    %dma_wait3A_252 = tpu.memref_squeeze %dma_wait3A_251 : memref<1x104x128xf32, #tpu.memory_space<hbm>> -> memref<104x128xf32, #tpu.memory_space<hbm>>
    %dma_wait3A_253 = arith.constant 0 : i32
    %dma_wait3A_254 = arith.constant 0 : i32
    %dma_wait3A_255 = tpu.memref_slice %arg8[%dma_wait3A_253, %dma_wait3A_254] : memref<125x128xf32, #tpu.memory_space<vmem>> -> memref<104x128xf32, #tpu.memory_space<vmem>>
    tpu.wait_dma2 semaphore(%arg13 : memref<!tpu.dma_semaphore, #tpu.memory_space<semaphore_mem>>) src(%dma_wait3A_255 : memref<104x128xf32, #tpu.memory_space<vmem>>) dst(%dma_wait3A_252 : memref<104x128xf32, #tpu.memory_space<hbm>>)
    %eq3A_256 = arith.constant 0 : i32
    %eq3A_257 = arith.cmpi eq, %arg1, %eq3A_256 : i32
    %convert_element_type3A_258 = arith.extui %eq3A_257 : i1 to i32
    %cond3A_259 = arith.constant 0 : i32
    %cond3A_260 = arith.cmpi ne, %convert_element_type3A_258, %cond3A_259 : i32
    scf.if %cond3A_260 {
      "tpu.region"() ({
        %run_scoped3A_261 = tpu.sem_alloc : memref<!tpu.dma_semaphore, #tpu.memory_space<semaphore_mem>>
        %dma_start3A_262 = arith.constant 0 : i32
        %dma_start3A_263 = arith.constant 0 : i32
        %dma_start3A_264 = tpu.memref_slice %arg7[%dma_start3A_262, %dma_start3A_263] : memref<125x128xf32, #tpu.memory_space<vmem>> -> memref<16x128xf32, #tpu.memory_space<vmem>>
        %dma_start3A_265 = arith.constant 9984 : i32
        %dma_start3A_266 = arith.constant 0 : i32
        %dma_start3A_267 = tpu.memref_slice %arg9[%dma_start3A_265, %dma_start3A_266] : memref<10000x128xf32, #tpu.memory_space<vmem_shared>> -> memref<16x128xf32, #tpu.memory_space<vmem_shared>>
        %dma_start3A_268 = arith.constant 0 : i32
        %dma_start3A_269 = arith.constant 0 : i32
        %dma_start3A_270 = tpu.memref_slice %arg7[%dma_start3A_268, %dma_start3A_269] : memref<125x128xf32, #tpu.memory_space<vmem>> -> memref<16x128xf32, #tpu.memory_space<vmem>>
        %dma_start3A_271 = arith.constant 9984 : i32
        %dma_start3A_272 = arith.constant 0 : i32
        %dma_start3A_273 = tpu.memref_slice %arg9[%dma_start3A_271, %dma_start3A_272] : memref<10000x128xf32, #tpu.memory_space<vmem_shared>> -> memref<16x128xf32, #tpu.memory_space<vmem_shared>>
        tpu.enqueue_dma source(%dma_start3A_273 : memref<16x128xf32, #tpu.memory_space<vmem_shared>>) target(%dma_start3A_270 : memref<16x128xf32, #tpu.memory_space<vmem>>) target_semaphore(%run_scoped3A_261 : memref<!tpu.dma_semaphore, #tpu.memory_space<semaphore_mem>>)
        %dma_wait3A_274 = arith.constant 0 : i32
        %dma_wait3A_275 = arith.constant 0 : i32
        %dma_wait3A_276 = tpu.memref_slice %arg7[%dma_wait3A_274, %dma_wait3A_275] : memref<125x128xf32, #tpu.memory_space<vmem>> -> memref<16x128xf32, #tpu.memory_space<vmem>>
        %dma_wait3A_277 = arith.constant 9984 : i32
        %dma_wait3A_278 = arith.constant 0 : i32
        %dma_wait3A_279 = tpu.memref_slice %arg9[%dma_wait3A_277, %dma_wait3A_278] : memref<10000x128xf32, #tpu.memory_space<vmem_shared>> -> memref<16x128xf32, #tpu.memory_space<vmem_shared>>
        %dma_wait3A_280 = arith.constant 0 : i32
        %dma_wait3A_281 = arith.constant 0 : i32
        %dma_wait3A_282 = tpu.memref_slice %arg7[%dma_wait3A_280, %dma_wait3A_281] : memref<125x128xf32, #tpu.memory_space<vmem>> -> memref<16x128xf32, #tpu.memory_space<vmem>>
        %dma_wait3A_283 = arith.constant 9984 : i32
        %dma_wait3A_284 = arith.constant 0 : i32
        %dma_wait3A_285 = tpu.memref_slice %arg9[%dma_wait3A_283, %dma_wait3A_284] : memref<10000x128xf32, #tpu.memory_space<vmem_shared>> -> memref<16x128xf32, #tpu.memory_space<vmem_shared>>
        tpu.wait_dma2 semaphore(%run_scoped3A_261 : memref<!tpu.dma_semaphore, #tpu.memory_space<semaphore_mem>>) src(%dma_wait3A_285 : memref<16x128xf32, #tpu.memory_space<vmem_shared>>) dst(%dma_wait3A_282 : memref<16x128xf32, #tpu.memory_space<vmem>>)
        tpu.yield
      }) : () -> ()
      "tpu.region"() ({
        %run_scoped3A_261 = tpu.sem_alloc : memref<!tpu.dma_semaphore, #tpu.memory_space<semaphore_mem>>
        %dma_start3A_262 = arith.constant 0 : i32
        %dma_start3A_263 = arith.constant 0 : i32
        %dma_start3A_264 = tpu.memref_slice %arg7[%dma_start3A_262, %dma_start3A_263] : memref<125x128xf32, #tpu.memory_space<vmem>> -> memref<16x128xf32, #tpu.memory_space<vmem>>
        %dma_start3A_265 = arith.constant 9984 : i32
        %dma_start3A_266 = arith.constant 0 : i32
        %dma_start3A_267 = tpu.memref_slice %arg4[%arg0, %dma_start3A_265, %dma_start3A_266] : memref<2x10000x128xf32, #tpu.memory_space<hbm>> -> memref<1x16x128xf32, #tpu.memory_space<hbm>>
        %dma_start3A_268 = tpu.memref_squeeze %dma_start3A_267 : memref<1x16x128xf32, #tpu.memory_space<hbm>> -> memref<16x128xf32, #tpu.memory_space<hbm>>
        %dma_start3A_269 = arith.constant 9984 : i32
        %dma_start3A_270 = arith.constant 0 : i32
        %dma_start3A_271 = tpu.memref_slice %arg4[%arg0, %dma_start3A_269, %dma_start3A_270] : memref<2x10000x128xf32, #tpu.memory_space<hbm>> -> memref<1x16x128xf32, #tpu.memory_space<hbm>>
        %dma_start3A_272 = tpu.memref_squeeze %dma_start3A_271 : memref<1x16x128xf32, #tpu.memory_space<hbm>> -> memref<16x128xf32, #tpu.memory_space<hbm>>
        %dma_start3A_273 = arith.constant 0 : i32
        %dma_start3A_274 = arith.constant 0 : i32
        %dma_start3A_275 = tpu.memref_slice %arg7[%dma_start3A_273, %dma_start3A_274] : memref<125x128xf32, #tpu.memory_space<vmem>> -> memref<16x128xf32, #tpu.memory_space<vmem>>
        tpu.enqueue_dma source(%dma_start3A_275 : memref<16x128xf32, #tpu.memory_space<vmem>>) target(%dma_start3A_272 : memref<16x128xf32, #tpu.memory_space<hbm>>) target_semaphore(%run_scoped3A_261 : memref<!tpu.dma_semaphore, #tpu.memory_space<semaphore_mem>>)
        %dma_wait3A_276 = arith.constant 0 : i32
        %dma_wait3A_277 = arith.constant 0 : i32
        %dma_wait3A_278 = tpu.memref_slice %arg7[%dma_wait3A_276, %dma_wait3A_277] : memref<125x128xf32, #tpu.memory_space<vmem>> -> memref<16x128xf32, #tpu.memory_space<vmem>>
        %dma_wait3A_279 = arith.constant 9984 : i32
        %dma_wait3A_280 = arith.constant 0 : i32
        %dma_wait3A_281 = tpu.memref_slice %arg4[%arg0, %dma_wait3A_279, %dma_wait3A_280] : memref<2x10000x128xf32, #tpu.memory_space<hbm>> -> memref<1x16x128xf32, #tpu.memory_space<hbm>>
        %dma_wait3A_282 = tpu.memref_squeeze %dma_wait3A_281 : memref<1x16x128xf32, #tpu.memory_space<hbm>> -> memref<16x128xf32, #tpu.memory_space<hbm>>
        %dma_wait3A_283 = arith.constant 9984 : i32
        %dma_wait3A_284 = arith.constant 0 : i32
        %dma_wait3A_285 = tpu.memref_slice %arg4[%arg0, %dma_wait3A_283, %dma_wait3A_284] : memref<2x10000x128xf32, #tpu.memory_space<hbm>> -> memref<1x16x128xf32, #tpu.memory_space<hbm>>
        %dma_wait3A_286 = tpu.memref_squeeze %dma_wait3A_285 : memref<1x16x128xf32, #tpu.memory_space<hbm>> -> memref<16x128xf32, #tpu.memory_space<hbm>>
        %dma_wait3A_287 = arith.constant 0 : i32
        %dma_wait3A_288 = arith.constant 0 : i32
        %dma_wait3A_289 = tpu.memref_slice %arg7[%dma_wait3A_287, %dma_wait3A_288] : memref<125x128xf32, #tpu.memory_space<vmem>> -> memref<16x128xf32, #tpu.memory_space<vmem>>
        tpu.wait_dma2 semaphore(%run_scoped3A_261 : memref<!tpu.dma_semaphore, #tpu.memory_space<semaphore_mem>>) src(%dma_wait3A_289 : memref<16x128xf32, #tpu.memory_space<vmem>>) dst(%dma_wait3A_286 : memref<16x128xf32, #tpu.memory_space<hbm>>)
        tpu.yield
      }) : () -> ()
    } else {
    }
    return
  }
}

#map = affine_map<(d0, d1) -> (0, 0, 0)>
#map1 = affine_map<(d0, d1) -> (0, 0)>
module attributes {stable_mosaic.version = 14 : i64} {
  func.func @_prop_kernel(%arg0: i32, %arg1: i32, %arg2: memref<2x2560x125xi32, #tpu.memory_space<hbm>>, %arg3: memref<10000x128xf32, #tpu.memory_space<hbm>>, %arg4: memref<2x10000x128xf32, #tpu.memory_space<hbm>>, %arg5: memref<2x8x125xi32, #tpu.memory_space<vmem>>, %arg6: memref<2x8x125xi32, #tpu.memory_space<vmem>>, %arg7: memref<125x128xf32, #tpu.memory_space<vmem>>, %arg8: memref<125x128xf32, #tpu.memory_space<vmem>>, %arg9: memref<10000x128xf32, #tpu.memory_space<vmem_shared>>, %arg10: memref<!tpu.dma_semaphore, #tpu.memory_space<semaphore_mem>>, %arg11: memref<!tpu.dma_semaphore, #tpu.memory_space<semaphore_mem>>, %arg12: memref<!tpu.dma_semaphore, #tpu.memory_space<semaphore_mem>>, %arg13: memref<!tpu.dma_semaphore, #tpu.memory_space<semaphore_mem>>, %arg14: memref<!tpu.dma_semaphore, #tpu.memory_space<semaphore_mem>>) attributes {dimension_semantics = [#tpu.dimension_semantics<core_parallel>, #tpu.dimension_semantics<subcore_parallel>], iteration_bounds = array<i64: 2, 16>, scalar_prefetch = 0 : i64, scratch_operands = 10 : i64, tpu.core_type = #tpu.core_type<sc_vector_subcore>, window_params = [{transform_indices = #map}, {transform_indices = #map1}, {transform_indices = #map}]} {
    %mul3A = arith.constant 16 : i32
    %mul3A_0 = arith.muli %arg0, %mul3A : i32
    %add3A = arith.addi %mul3A_0, %arg1 : i32
    %mul3A_1 = arith.constant 80 : i32
    %mul3A_2 = arith.muli %add3A, %mul3A_1 : i32
    %run_scoped3A = arith.constant 0 : i32
    %run_scoped3A_3 = arith.constant 0 : i32
    "tpu.region"() ({
      %run_scoped3A_261 = tpu.sem_alloc : memref<!tpu.dma_semaphore, #tpu.memory_space<semaphore_mem>>
      %dma_start3A_262 = arith.constant 0 : i32
      %dma_start3A_263 = arith.constant 0 : i32
      %dma_start3A_264 = tpu.memref_slice %arg5[%run_scoped3A_3, %dma_start3A_262, %dma_start3A_263] : memref<2x8x125xi32, #tpu.memory_space<vmem>> -> memref<1x8x125xi32, #tpu.memory_space<vmem>>
      %dma_start3A_265 = tpu.memref_squeeze %dma_start3A_264 : memref<1x8x125xi32, #tpu.memory_space<vmem>> -> memref<8x125xi32, #tpu.memory_space<vmem>>
      %dma_start3A_266 = arith.constant 0 : i32
      %dma_start3A_267 = tpu.memref_slice %arg2[%run_scoped3A, %mul3A_2, %dma_start3A_266] : memref<2x2560x125xi32, #tpu.memory_space<hbm>> -> memref<1x8x125xi32, #tpu.memory_space<hbm>>
      %dma_start3A_268 = tpu.memref_squeeze %dma_start3A_267 : memref<1x8x125xi32, #tpu.memory_space<hbm>> -> memref<8x125xi32, #tpu.memory_space<hbm>>
      %dma_start3A_269 = arith.constant 0 : i32
      %dma_start3A_270 = arith.constant 0 : i32
      %dma_start3A_271 = tpu.memref_slice %arg5[%run_scoped3A_3, %dma_start3A_269, %dma_start3A_270] : memref<2x8x125xi32, #tpu.memory_space<vmem>> -> memref<1x8x125xi32, #tpu.memory_space<vmem>>
      %dma_start3A_272 = tpu.memref_squeeze %dma_start3A_271 : memref<1x8x125xi32, #tpu.memory_space<vmem>> -> memref<8x125xi32, #tpu.memory_space<vmem>>
      %dma_start3A_273 = arith.constant 0 : i32
      %dma_start3A_274 = tpu.memref_slice %arg2[%run_scoped3A, %mul3A_2, %dma_start3A_273] : memref<2x2560x125xi32, #tpu.memory_space<hbm>> -> memref<1x8x125xi32, #tpu.memory_space<hbm>>
      %dma_start3A_275 = tpu.memref_squeeze %dma_start3A_274 : memref<1x8x125xi32, #tpu.memory_space<hbm>> -> memref<8x125xi32, #tpu.memory_space<hbm>>
      tpu.enqueue_dma source(%dma_start3A_275 : memref<8x125xi32, #tpu.memory_space<hbm>>) target(%dma_start3A_272 : memref<8x125xi32, #tpu.memory_space<vmem>>) target_semaphore(%run_scoped3A_261 : memref<!tpu.dma_semaphore, #tpu.memory_space<semaphore_mem>>)
      %dma_wait3A_276 = arith.constant 0 : i32
      %dma_wait3A_277 = arith.constant 0 : i32
      %dma_wait3A_278 = tpu.memref_slice %arg5[%run_scoped3A_3, %dma_wait3A_276, %dma_wait3A_277] : memref<2x8x125xi32, #tpu.memory_space<vmem>> -> memref<1x8x125xi32, #tpu.memory_space<vmem>>
      %dma_wait3A_279 = tpu.memref_squeeze %dma_wait3A_278 : memref<1x8x125xi32, #tpu.memory_space<vmem>> -> memref<8x125xi32, #tpu.memory_space<vmem>>
      %dma_wait3A_280 = arith.constant 0 : i32
      %dma_wait3A_281 = tpu.memref_slice %arg2[%run_scoped3A, %mul3A_2, %dma_wait3A_280] : memref<2x2560x125xi32, #tpu.memory_space<hbm>> -> memref<1x8x125xi32, #tpu.memory_space<hbm>>
      %dma_wait3A_282 = tpu.memref_squeeze %dma_wait3A_281 : memref<1x8x125xi32, #tpu.memory_space<hbm>> -> memref<8x125xi32, #tpu.memory_space<hbm>>
      %dma_wait3A_283 = arith.constant 0 : i32
      %dma_wait3A_284 = arith.constant 0 : i32
      %dma_wait3A_285 = tpu.memref_slice %arg5[%run_scoped3A_3, %dma_wait3A_283, %dma_wait3A_284] : memref<2x8x125xi32, #tpu.memory_space<vmem>> -> memref<1x8x125xi32, #tpu.memory_space<vmem>>
      %dma_wait3A_286 = tpu.memref_squeeze %dma_wait3A_285 : memref<1x8x125xi32, #tpu.memory_space<vmem>> -> memref<8x125xi32, #tpu.memory_space<vmem>>
      %dma_wait3A_287 = arith.constant 0 : i32
      %dma_wait3A_288 = tpu.memref_slice %arg2[%run_scoped3A, %mul3A_2, %dma_wait3A_287] : memref<2x2560x125xi32, #tpu.memory_space<hbm>> -> memref<1x8x125xi32, #tpu.memory_space<hbm>>
      %dma_wait3A_289 = tpu.memref_squeeze %dma_wait3A_288 : memref<1x8x125xi32, #tpu.memory_space<hbm>> -> memref<8x125xi32, #tpu.memory_space<hbm>>
      tpu.wait_dma2 semaphore(%run_scoped3A_261 : memref<!tpu.dma_semaphore, #tpu.memory_space<semaphore_mem>>) src(%dma_wait3A_289 : memref<8x125xi32, #tpu.memory_space<hbm>>) dst(%dma_wait3A_286 : memref<8x125xi32, #tpu.memory_space<vmem>>)
      tpu.yield
    }) : () -> ()
    %run_scoped3A_4 = arith.constant 1 : i32
    %run_scoped3A_5 = arith.constant 0 : i32
    "tpu.region"() ({
      %run_scoped3A_261 = tpu.sem_alloc : memref<!tpu.dma_semaphore, #tpu.memory_space<semaphore_mem>>
      %dma_start3A_262 = arith.constant 0 : i32
      %dma_start3A_263 = arith.constant 0 : i32
      %dma_start3A_264 = tpu.memref_slice %arg6[%run_scoped3A_5, %dma_start3A_262, %dma_start3A_263] : memref<2x8x125xi32, #tpu.memory_space<vmem>> -> memref<1x8x125xi32, #tpu.memory_space<vmem>>
      %dma_start3A_265 = tpu.memref_squeeze %dma_start3A_264 : memref<1x8x125xi32, #tpu.memory_space<vmem>> -> memref<8x125xi32, #tpu.memory_space<vmem>>
      %dma_start3A_266 = arith.constant 0 : i32
      %dma_start3A_267 = tpu.memref_slice %arg2[%run_scoped3A_4, %mul3A_2, %dma_start3A_266] : memref<2x2560x125xi32, #tpu.memory_space<hbm>> -> memref<1x8x125xi32, #tpu.memory_space<hbm>>
      %dma_start3A_268 = tpu.memref_squeeze %dma_start3A_267 : memref<1x8x125xi32, #tpu.memory_space<hbm>> -> memref<8x125xi32, #tpu.memory_space<hbm>>
      %dma_start3A_269 = arith.constant 0 : i32
      %dma_start3A_270 = arith.constant 0 : i32
      %dma_start3A_271 = tpu.memref_slice %arg6[%run_scoped3A_5, %dma_start3A_269, %dma_start3A_270] : memref<2x8x125xi32, #tpu.memory_space<vmem>> -> memref<1x8x125xi32, #tpu.memory_space<vmem>>
      %dma_start3A_272 = tpu.memref_squeeze %dma_start3A_271 : memref<1x8x125xi32, #tpu.memory_space<vmem>> -> memref<8x125xi32, #tpu.memory_space<vmem>>
      %dma_start3A_273 = arith.constant 0 : i32
      %dma_start3A_274 = tpu.memref_slice %arg2[%run_scoped3A_4, %mul3A_2, %dma_start3A_273] : memref<2x2560x125xi32, #tpu.memory_space<hbm>> -> memref<1x8x125xi32, #tpu.memory_space<hbm>>
      %dma_start3A_275 = tpu.memref_squeeze %dma_start3A_274 : memref<1x8x125xi32, #tpu.memory_space<hbm>> -> memref<8x125xi32, #tpu.memory_space<hbm>>
      tpu.enqueue_dma source(%dma_start3A_275 : memref<8x125xi32, #tpu.memory_space<hbm>>) target(%dma_start3A_272 : memref<8x125xi32, #tpu.memory_space<vmem>>) target_semaphore(%run_scoped3A_261 : memref<!tpu.dma_semaphore, #tpu.memory_space<semaphore_mem>>)
      %dma_wait3A_276 = arith.constant 0 : i32
      %dma_wait3A_277 = arith.constant 0 : i32
      %dma_wait3A_278 = tpu.memref_slice %arg6[%run_scoped3A_5, %dma_wait3A_276, %dma_wait3A_277] : memref<2x8x125xi32, #tpu.memory_space<vmem>> -> memref<1x8x125xi32, #tpu.memory_space<vmem>>
      %dma_wait3A_279 = tpu.memref_squeeze %dma_wait3A_278 : memref<1x8x125xi32, #tpu.memory_space<vmem>> -> memref<8x125xi32, #tpu.memory_space<vmem>>
      %dma_wait3A_280 = arith.constant 0 : i32
      %dma_wait3A_281 = tpu.memref_slice %arg2[%run_scoped3A_4, %mul3A_2, %dma_wait3A_280] : memref<2x2560x125xi32, #tpu.memory_space<hbm>> -> memref<1x8x125xi32, #tpu.memory_space<hbm>>
      %dma_wait3A_282 = tpu.memref_squeeze %dma_wait3A_281 : memref<1x8x125xi32, #tpu.memory_space<hbm>> -> memref<8x125xi32, #tpu.memory_space<hbm>>
      %dma_wait3A_283 = arith.constant 0 : i32
      %dma_wait3A_284 = arith.constant 0 : i32
      %dma_wait3A_285 = tpu.memref_slice %arg6[%run_scoped3A_5, %dma_wait3A_283, %dma_wait3A_284] : memref<2x8x125xi32, #tpu.memory_space<vmem>> -> memref<1x8x125xi32, #tpu.memory_space<vmem>>
      %dma_wait3A_286 = tpu.memref_squeeze %dma_wait3A_285 : memref<1x8x125xi32, #tpu.memory_space<vmem>> -> memref<8x125xi32, #tpu.memory_space<vmem>>
      %dma_wait3A_287 = arith.constant 0 : i32
      %dma_wait3A_288 = tpu.memref_slice %arg2[%run_scoped3A_4, %mul3A_2, %dma_wait3A_287] : memref<2x2560x125xi32, #tpu.memory_space<hbm>> -> memref<1x8x125xi32, #tpu.memory_space<hbm>>
      %dma_wait3A_289 = tpu.memref_squeeze %dma_wait3A_288 : memref<1x8x125xi32, #tpu.memory_space<hbm>> -> memref<8x125xi32, #tpu.memory_space<hbm>>
      tpu.wait_dma2 semaphore(%run_scoped3A_261 : memref<!tpu.dma_semaphore, #tpu.memory_space<semaphore_mem>>) src(%dma_wait3A_289 : memref<8x125xi32, #tpu.memory_space<hbm>>) dst(%dma_wait3A_286 : memref<8x125xi32, #tpu.memory_space<vmem>>)
      tpu.yield
    }) : () -> ()
    %broadcast_in_dim3A = arith.constant 0.000000e+00 : f32
    %broadcast_in_dim3A_6 = vector.broadcast %broadcast_in_dim3A : f32 to vector<16xf32>
    %scan3A = arith.constant 0 : i32
    %scan3A_7 = arith.constant 0 : i32
    %scan3A_8 = arith.constant 125 : i32
    %scan3A_9 = arith.addi %scan3A_7, %scan3A_8 : i32
    %scan3A_10 = arith.constant 1 : i32
    scf.for %scan3A_261 = %scan3A_7 to %scan3A_9 step %scan3A_10  : i32 {
      %swap3A = arith.index_cast %scan3A_261 : i32 to index
      %swap3A_262 = arith.constant 0 : index
      %swap3A_263 = tpu.vector_load %arg7[%swap3A, %swap3A_262] {strides = array<i32>} : memref<125x128xf32, #tpu.memory_space<vmem>>, vector<1x16xf32>,
      %swap3A_264 = vector.shape_cast %swap3A_263 : vector<1x16xf32> to vector<16xf32>
      %swap3A_265 = vector.shape_cast %broadcast_in_dim3A_6 : vector<16xf32> to vector<1x16xf32>
      tpu.vector_store %arg7[%swap3A, %swap3A_262], %swap3A_265 {strides = array<i32>} : memref<125x128xf32, #tpu.memory_space<vmem>>, vector<1x16xf32>,
      %swap3A_266 = arith.index_cast %scan3A_261 : i32 to index
      %swap3A_267 = arith.constant 16 : index
      %swap3A_268 = tpu.vector_load %arg7[%swap3A_266, %swap3A_267] {strides = array<i32>} : memref<125x128xf32, #tpu.memory_space<vmem>>, vector<1x16xf32>,
      %swap3A_269 = vector.shape_cast %swap3A_268 : vector<1x16xf32> to vector<16xf32>
      %swap3A_270 = vector.shape_cast %broadcast_in_dim3A_6 : vector<16xf32> to vector<1x16xf32>
      tpu.vector_store %arg7[%swap3A_266, %swap3A_267], %swap3A_270 {strides = array<i32>} : memref<125x128xf32, #tpu.memory_space<vmem>>, vector<1x16xf32>,
      %swap3A_271 = arith.index_cast %scan3A_261 : i32 to index
      %swap3A_272 = arith.constant 32 : index
      %swap3A_273 = tpu.vector_load %arg7[%swap3A_271, %swap3A_272] {strides = array<i32>} : memref<125x128xf32, #tpu.memory_space<vmem>>, vector<1x16xf32>,
      %swap3A_274 = vector.shape_cast %swap3A_273 : vector<1x16xf32> to vector<16xf32>
      %swap3A_275 = vector.shape_cast %broadcast_in_dim3A_6 : vector<16xf32> to vector<1x16xf32>
      tpu.vector_store %arg7[%swap3A_271, %swap3A_272], %swap3A_275 {strides = array<i32>} : memref<125x128xf32, #tpu.memory_space<vmem>>, vector<1x16xf32>,
      %swap3A_276 = arith.index_cast %scan3A_261 : i32 to index
      %swap3A_277 = arith.constant 48 : index
      %swap3A_278 = tpu.vector_load %arg7[%swap3A_276, %swap3A_277] {strides = array<i32>} : memref<125x128xf32, #tpu.memory_space<vmem>>, vector<1x16xf32>,
      %swap3A_279 = vector.shape_cast %swap3A_278 : vector<1x16xf32> to vector<16xf32>
      %swap3A_280 = vector.shape_cast %broadcast_in_dim3A_6 : vector<16xf32> to vector<1x16xf32>
      tpu.vector_store %arg7[%swap3A_276, %swap3A_277], %swap3A_280 {strides = array<i32>} : memref<125x128xf32, #tpu.memory_space<vmem>>, vector<1x16xf32>,
      %swap3A_281 = arith.index_cast %scan3A_261 : i32 to index
      %swap3A_282 = arith.constant 64 : index
      %swap3A_283 = tpu.vector_load %arg7[%swap3A_281, %swap3A_282] {strides = array<i32>} : memref<125x128xf32, #tpu.memory_space<vmem>>, vector<1x16xf32>,
      %swap3A_284 = vector.shape_cast %swap3A_283 : vector<1x16xf32> to vector<16xf32>
      %swap3A_285 = vector.shape_cast %broadcast_in_dim3A_6 : vector<16xf32> to vector<1x16xf32>
      tpu.vector_store %arg7[%swap3A_281, %swap3A_282], %swap3A_285 {strides = array<i32>} : memref<125x128xf32, #tpu.memory_space<vmem>>, vector<1x16xf32>,
      %swap3A_286 = arith.index_cast %scan3A_261 : i32 to index
      %swap3A_287 = arith.constant 80 : index
      %swap3A_288 = tpu.vector_load %arg7[%swap3A_286, %swap3A_287] {strides = array<i32>} : memref<125x128xf32, #tpu.memory_space<vmem>>, vector<1x16xf32>,
      %swap3A_289 = vector.shape_cast %swap3A_288 : vector<1x16xf32> to vector<16xf32>
      %swap3A_290 = vector.shape_cast %broadcast_in_dim3A_6 : vector<16xf32> to vector<1x16xf32>
      tpu.vector_store %arg7[%swap3A_286, %swap3A_287], %swap3A_290 {strides = array<i32>} : memref<125x128xf32, #tpu.memory_space<vmem>>, vector<1x16xf32>,
      %swap3A_291 = arith.index_cast %scan3A_261 : i32 to index
      %swap3A_292 = arith.constant 96 : index
      %swap3A_293 = tpu.vector_load %arg7[%swap3A_291, %swap3A_292] {strides = array<i32>} : memref<125x128xf32, #tpu.memory_space<vmem>>, vector<1x16xf32>,
      %swap3A_294 = vector.shape_cast %swap3A_293 : vector<1x16xf32> to vector<16xf32>
      %swap3A_295 = vector.shape_cast %broadcast_in_dim3A_6 : vector<16xf32> to vector<1x16xf32>
      tpu.vector_store %arg7[%swap3A_291, %swap3A_292], %swap3A_295 {strides = array<i32>} : memref<125x128xf32, #tpu.memory_space<vmem>>, vector<1x16xf32>,
      %swap3A_296 = arith.index_cast %scan3A_261 : i32 to index
      %swap3A_297 = arith.constant 112 : index
      %swap3A_298 = tpu.vector_load %arg7[%swap3A_296, %swap3A_297] {strides = array<i32>} : memref<125x128xf32, #tpu.memory_space<vmem>>, vector<1x16xf32>,
      %swap3A_299 = vector.shape_cast %swap3A_298 : vector<1x16xf32> to vector<16xf32>
      %swap3A_300 = vector.shape_cast %broadcast_in_dim3A_6 : vector<16xf32> to vector<1x16xf32>
      tpu.vector_store %arg7[%swap3A_296, %swap3A_297], %swap3A_300 {strides = array<i32>} : memref<125x128xf32, #tpu.memory_space<vmem>>, vector<1x16xf32>,
    }
    %scan3A_11 = arith.constant 125 : i32
    %scan3A_12 = arith.constant 0 : i32
    %scan3A_13 = arith.constant 0 : i32
    %scan3A_14 = arith.constant 6 : i32
    %scan3A_15 = arith.addi %scan3A_13, %scan3A_14 : i32
    %scan3A_16 = arith.constant 1 : i32
    scf.for %scan3A_261 = %scan3A_13 to %scan3A_15 step %scan3A_16  : i32 {
      %mul3A_262 = arith.constant 624 : i32
      %mul3A_263 = arith.muli %arg1, %mul3A_262 : i32
      %mul3A_264 = arith.constant 104 : i32
      %mul3A_265 = arith.muli %scan3A_261, %mul3A_264 : i32
      %add3A_266 = arith.addi %mul3A_263, %mul3A_265 : i32
      %dma_start3A_267 = arith.constant 0 : i32
      %dma_start3A_268 = arith.constant 0 : i32
      %dma_start3A_269 = tpu.memref_slice %arg7[%dma_start3A_267, %dma_start3A_268] : memref<125x128xf32, #tpu.memory_space<vmem>> -> memref<104x128xf32, #tpu.memory_space<vmem>>
      %dma_start3A_270 = arith.constant 0 : i32
      %dma_start3A_271 = tpu.memref_slice %arg9[%add3A_266, %dma_start3A_270] : memref<10000x128xf32, #tpu.memory_space<vmem_shared>> -> memref<104x128xf32, #tpu.memory_space<vmem_shared>>
      %dma_start3A_272 = arith.constant 0 : i32
      %dma_start3A_273 = tpu.memref_slice %arg9[%add3A_266, %dma_start3A_272] : memref<10000x128xf32, #tpu.memory_space<vmem_shared>> -> memref<104x128xf32, #tpu.memory_space<vmem_shared>>
      %dma_start3A_274 = arith.constant 0 : i32
      %dma_start3A_275 = arith.constant 0 : i32
      %dma_start3A_276 = tpu.memref_slice %arg7[%dma_start3A_274, %dma_start3A_275] : memref<125x128xf32, #tpu.memory_space<vmem>> -> memref<104x128xf32, #tpu.memory_space<vmem>>
      tpu.enqueue_dma source(%dma_start3A_276 : memref<104x128xf32, #tpu.memory_space<vmem>>) target(%dma_start3A_273 : memref<104x128xf32, #tpu.memory_space<vmem_shared>>) target_semaphore(%arg14 : memref<!tpu.dma_semaphore, #tpu.memory_space<semaphore_mem>>)
    }
    %scan3A_17 = arith.constant 6 : i32
    %eq3A = arith.constant 0 : i32
    %eq3A_18 = arith.cmpi eq, %arg1, %eq3A : i32
    %convert_element_type3A = arith.extui %eq3A_18 : i1 to i32
    %cond3A = arith.constant 0 : i32
    %cond3A_19 = arith.cmpi ne, %convert_element_type3A, %cond3A : i32
    scf.if %cond3A_19 {
      %dma_start3A_261 = arith.constant 0 : i32
      %dma_start3A_262 = arith.constant 0 : i32
      %dma_start3A_263 = tpu.memref_slice %arg7[%dma_start3A_261, %dma_start3A_262] : memref<125x128xf32, #tpu.memory_space<vmem>> -> memref<16x128xf32, #tpu.memory_space<vmem>>
      %dma_start3A_264 = arith.constant 9984 : i32
      %dma_start3A_265 = arith.constant 0 : i32
      %dma_start3A_266 = tpu.memref_slice %arg9[%dma_start3A_264, %dma_start3A_265] : memref<10000x128xf32, #tpu.memory_space<vmem_shared>> -> memref<16x128xf32, #tpu.memory_space<vmem_shared>>
      %dma_start3A_267 = arith.constant 9984 : i32
      %dma_start3A_268 = arith.constant 0 : i32
      %dma_start3A_269 = tpu.memref_slice %arg9[%dma_start3A_267, %dma_start3A_268] : memref<10000x128xf32, #tpu.memory_space<vmem_shared>> -> memref<16x128xf32, #tpu.memory_space<vmem_shared>>
      %dma_start3A_270 = arith.constant 0 : i32
      %dma_start3A_271 = arith.constant 0 : i32
      %dma_start3A_272 = tpu.memref_slice %arg7[%dma_start3A_270, %dma_start3A_271] : memref<125x128xf32, #tpu.memory_space<vmem>> -> memref<16x128xf32, #tpu.memory_space<vmem>>
      tpu.enqueue_dma source(%dma_start3A_272 : memref<16x128xf32, #tpu.memory_space<vmem>>) target(%dma_start3A_269 : memref<16x128xf32, #tpu.memory_space<vmem_shared>>) target_semaphore(%arg14 : memref<!tpu.dma_semaphore, #tpu.memory_space<semaphore_mem>>)
    } else {
    }
    %scan3A_20 = arith.constant 0 : i32
    %scan3A_21 = arith.constant 0 : i32
    %scan3A_22 = arith.constant 6 : i32
    %scan3A_23 = arith.addi %scan3A_21, %scan3A_22 : i32
    %scan3A_24 = arith.constant 1 : i32
    scf.for %scan3A_261 = %scan3A_21 to %scan3A_23 step %scan3A_24  : i32 {
      %mul3A_262 = arith.constant 624 : i32
      %mul3A_263 = arith.muli %arg1, %mul3A_262 : i32
      %dma_wait3A_264 = arith.constant 0 : i32
      %dma_wait3A_265 = arith.constant 0 : i32
      %dma_wait3A_266 = tpu.memref_slice %arg7[%dma_wait3A_264, %dma_wait3A_265] : memref<125x128xf32, #tpu.memory_space<vmem>> -> memref<104x128xf32, #tpu.memory_space<vmem>>
      %dma_wait3A_267 = arith.constant 0 : i32
      %dma_wait3A_268 = tpu.memref_slice %arg9[%mul3A_263, %dma_wait3A_267] : memref<10000x128xf32, #tpu.memory_space<vmem_shared>> -> memref<104x128xf32, #tpu.memory_space<vmem_shared>>
      %dma_wait3A_269 = arith.constant 0 : i32
      %dma_wait3A_270 = tpu.memref_slice %arg9[%mul3A_263, %dma_wait3A_269] : memref<10000x128xf32, #tpu.memory_space<vmem_shared>> -> memref<104x128xf32, #tpu.memory_space<vmem_shared>>
      %dma_wait3A_271 = arith.constant 0 : i32
      %dma_wait3A_272 = arith.constant 0 : i32
      %dma_wait3A_273 = tpu.memref_slice %arg7[%dma_wait3A_271, %dma_wait3A_272] : memref<125x128xf32, #tpu.memory_space<vmem>> -> memref<104x128xf32, #tpu.memory_space<vmem>>
      tpu.wait_dma2 semaphore(%arg14 : memref<!tpu.dma_semaphore, #tpu.memory_space<semaphore_mem>>) src(%dma_wait3A_273 : memref<104x128xf32, #tpu.memory_space<vmem>>) dst(%dma_wait3A_270 : memref<104x128xf32, #tpu.memory_space<vmem_shared>>)
    }
    %scan3A_25 = arith.constant 6 : i32
    %eq3A_26 = arith.constant 0 : i32
    %eq3A_27 = arith.cmpi eq, %arg1, %eq3A_26 : i32
    %convert_element_type3A_28 = arith.extui %eq3A_27 : i1 to i32
    %cond3A_29 = arith.constant 0 : i32
    %cond3A_30 = arith.cmpi ne, %convert_element_type3A_28, %cond3A_29 : i32
    scf.if %cond3A_30 {
      %dma_wait3A_261 = arith.constant 0 : i32
      %dma_wait3A_262 = arith.constant 0 : i32
      %dma_wait3A_263 = tpu.memref_slice %arg7[%dma_wait3A_261, %dma_wait3A_262] : memref<125x128xf32, #tpu.memory_space<vmem>> -> memref<16x128xf32, #tpu.memory_space<vmem>>
      %dma_wait3A_264 = arith.constant 9984 : i32
      %dma_wait3A_265 = arith.constant 0 : i32
      %dma_wait3A_266 = tpu.memref_slice %arg9[%dma_wait3A_264, %dma_wait3A_265] : memref<10000x128xf32, #tpu.memory_space<vmem_shared>> -> memref<16x128xf32, #tpu.memory_space<vmem_shared>>
      %dma_wait3A_267 = arith.constant 9984 : i32
      %dma_wait3A_268 = arith.constant 0 : i32
      %dma_wait3A_269 = tpu.memref_slice %arg9[%dma_wait3A_267, %dma_wait3A_268] : memref<10000x128xf32, #tpu.memory_space<vmem_shared>> -> memref<16x128xf32, #tpu.memory_space<vmem_shared>>
      %dma_wait3A_270 = arith.constant 0 : i32
      %dma_wait3A_271 = arith.constant 0 : i32
      %dma_wait3A_272 = tpu.memref_slice %arg7[%dma_wait3A_270, %dma_wait3A_271] : memref<125x128xf32, #tpu.memory_space<vmem>> -> memref<16x128xf32, #tpu.memory_space<vmem>>
      tpu.wait_dma2 semaphore(%arg14 : memref<!tpu.dma_semaphore, #tpu.memory_space<semaphore_mem>>) src(%dma_wait3A_272 : memref<16x128xf32, #tpu.memory_space<vmem>>) dst(%dma_wait3A_269 : memref<16x128xf32, #tpu.memory_space<vmem_shared>>)
    } else {
    }
    %dma_start3A = arith.constant 0 : i32
    %dma_start3A_31 = arith.constant 0 : i32
    %dma_start3A_32 = arith.constant 0 : i32
    %dma_start3A_33 = tpu.memref_slice %arg5[%dma_start3A, %dma_start3A_31, %dma_start3A_32] : memref<2x8x125xi32, #tpu.memory_space<vmem>> -> memref<1x1x125xi32, #tpu.memory_space<vmem>>
    %dma_start3A_34 = tpu.memref_squeeze %dma_start3A_33 : memref<1x1x125xi32, #tpu.memory_space<vmem>> -> memref<125xi32, #tpu.memory_space<vmem>>
    %dma_start3A_35 = arith.constant 0 : i32
    %dma_start3A_36 = arith.constant 0 : i32
    %dma_start3A_37 = tpu.memref_slice %arg3[%dma_start3A_35, %dma_start3A_36] : memref<10000x128xf32, #tpu.memory_space<hbm>> -> memref<10000x128xf32, #tpu.memory_space<hbm>>
    tpu.enqueue_indirect_dma source(%dma_start3A_37 : memref<10000x128xf32, #tpu.memory_space<hbm>>) target(%arg7 : memref<125x128xf32, #tpu.memory_space<vmem>>) offsets(%dma_start3A_34 : memref<125xi32, #tpu.memory_space<vmem>>) semaphore(%arg10 : memref<!tpu.dma_semaphore, #tpu.memory_space<semaphore_mem>>)
    %barrier3A = arith.constant 0 : index
    tpu.barrier barrier_id(%barrier3A)
    %scan3A_38 = arith.constant 0 : i32
    %scan3A_39 = arith.constant 0 : i32
    %scan3A_40 = arith.constant 10 : i32
    %scan3A_41 = arith.addi %scan3A_39, %scan3A_40 : i32
    %scan3A_42 = arith.constant 1 : i32
    scf.for %scan3A_261 = %scan3A_39 to %scan3A_41 step %scan3A_42  : i32 {
      %jit3A = arith.constant 2 : i32
      %eq3A_262 = arith.constant 0 : i32
      %eq3A_263 = arith.cmpi eq, %jit3A, %eq3A_262 : i32
      %jit3A_264 = arith.constant 1 : i32
      %select_n3A = arith.select %eq3A_263, %jit3A_264, %jit3A : i32
      %rem3A = arith.remsi %scan3A_261, %select_n3A : i32
      %ne3A = arith.constant 0 : i32
      %ne3A_265 = arith.cmpi ne, %rem3A, %ne3A : i32
      %lt3A = arith.constant 0 : i32
      %lt3A_266 = arith.cmpi slt, %rem3A, %lt3A : i32
      %lt3A_267 = arith.constant 0 : i32
      %lt3A_268 = arith.cmpi slt, %select_n3A, %lt3A_267 : i32
      %ne3A_269 = arith.xori %lt3A_266, %lt3A_268 : i1
      %and3A = arith.andi %ne3A_269, %ne3A_265 : i1
      %add3A_270 = arith.addi %rem3A, %select_n3A : i32
      %select_n3A_271 = arith.select %and3A, %add3A_270, %rem3A : i32
      %lt3A_272 = arith.constant 9 : i32
      %lt3A_273 = arith.cmpi slt, %scan3A_261, %lt3A_272 : i32
      %convert_element_type3A_274 = arith.extui %lt3A_273 : i1 to i32
      %cond3A_275 = arith.constant 0 : i32
      %cond3A_276 = arith.cmpi ne, %convert_element_type3A_274, %cond3A_275 : i32
      scf.if %cond3A_276 {
        %add3A_496 = arith.constant 1 : i32
        %add3A_497 = arith.addi %scan3A_261, %add3A_496 : i32
        %mul3A_498 = arith.constant 8 : i32
        %mul3A_499 = arith.muli %add3A_497, %mul3A_498 : i32
        %add3A_500 = arith.addi %mul3A_2, %mul3A_499 : i32
        %sub3A = arith.constant 1 : i32
        %sub3A_501 = arith.subi %sub3A, %select_n3A_271 : i32
        %dma_start3A_502 = arith.constant 0 : i32
        %dma_start3A_503 = arith.constant 0 : i32
        %dma_start3A_504 = arith.constant 0 : i32
        %dma_start3A_505 = tpu.memref_slice %arg5[%sub3A_501, %dma_start3A_503, %dma_start3A_504] : memref<2x8x125xi32, #tpu.memory_space<vmem>> -> memref<1x8x125xi32, #tpu.memory_space<vmem>>
        %dma_start3A_506 = tpu.memref_squeeze %dma_start3A_505 : memref<1x8x125xi32, #tpu.memory_space<vmem>> -> memref<8x125xi32, #tpu.memory_space<vmem>>
        %dma_start3A_507 = arith.constant 0 : i32
        %dma_start3A_508 = tpu.memref_slice %arg2[%dma_start3A_502, %add3A_500, %dma_start3A_507] : memref<2x2560x125xi32, #tpu.memory_space<hbm>> -> memref<1x8x125xi32, #tpu.memory_space<hbm>>
        %dma_start3A_509 = tpu.memref_squeeze %dma_start3A_508 : memref<1x8x125xi32, #tpu.memory_space<hbm>> -> memref<8x125xi32, #tpu.memory_space<hbm>>
        %dma_start3A_510 = arith.constant 0 : i32
        %dma_start3A_511 = arith.constant 0 : i32
        %dma_start3A_512 = tpu.memref_slice %arg5[%sub3A_501, %dma_start3A_510, %dma_start3A_511] : memref<2x8x125xi32, #tpu.memory_space<vmem>> -> memref<1x8x125xi32, #tpu.memory_space<vmem>>
        %dma_start3A_513 = tpu.memref_squeeze %dma_start3A_512 : memref<1x8x125xi32, #tpu.memory_space<vmem>> -> memref<8x125xi32, #tpu.memory_space<vmem>>
        %dma_start3A_514 = arith.constant 0 : i32
        %dma_start3A_515 = tpu.memref_slice %arg2[%dma_start3A_502, %add3A_500, %dma_start3A_514] : memref<2x2560x125xi32, #tpu.memory_space<hbm>> -> memref<1x8x125xi32, #tpu.memory_space<hbm>>
        %dma_start3A_516 = tpu.memref_squeeze %dma_start3A_515 : memref<1x8x125xi32, #tpu.memory_space<hbm>> -> memref<8x125xi32, #tpu.memory_space<hbm>>
        tpu.enqueue_dma source(%dma_start3A_516 : memref<8x125xi32, #tpu.memory_space<hbm>>) target(%dma_start3A_513 : memref<8x125xi32, #tpu.memory_space<vmem>>) target_semaphore(%arg14 : memref<!tpu.dma_semaphore, #tpu.memory_space<semaphore_mem>>)
        %sub3A_517 = arith.constant 1 : i32
        %sub3A_518 = arith.subi %sub3A_517, %select_n3A_271 : i32
        %dma_start3A_519 = arith.constant 1 : i32
        %dma_start3A_520 = arith.constant 0 : i32
        %dma_start3A_521 = arith.constant 0 : i32
        %dma_start3A_522 = tpu.memref_slice %arg6[%sub3A_518, %dma_start3A_520, %dma_start3A_521] : memref<2x8x125xi32, #tpu.memory_space<vmem>> -> memref<1x8x125xi32, #tpu.memory_space<vmem>>
        %dma_start3A_523 = tpu.memref_squeeze %dma_start3A_522 : memref<1x8x125xi32, #tpu.memory_space<vmem>> -> memref<8x125xi32, #tpu.memory_space<vmem>>
        %dma_start3A_524 = arith.constant 0 : i32
        %dma_start3A_525 = tpu.memref_slice %arg2[%dma_start3A_519, %add3A_500, %dma_start3A_524] : memref<2x2560x125xi32, #tpu.memory_space<hbm>> -> memref<1x8x125xi32, #tpu.memory_space<hbm>>
        %dma_start3A_526 = tpu.memref_squeeze %dma_start3A_525 : memref<1x8x125xi32, #tpu.memory_space<hbm>> -> memref<8x125xi32, #tpu.memory_space<hbm>>
        %dma_start3A_527 = arith.constant 0 : i32
        %dma_start3A_528 = arith.constant 0 : i32
        %dma_start3A_529 = tpu.memref_slice %arg6[%sub3A_518, %dma_start3A_527, %dma_start3A_528] : memref<2x8x125xi32, #tpu.memory_space<vmem>> -> memref<1x8x125xi32, #tpu.memory_space<vmem>>
        %dma_start3A_530 = tpu.memref_squeeze %dma_start3A_529 : memref<1x8x125xi32, #tpu.memory_space<vmem>> -> memref<8x125xi32, #tpu.memory_space<vmem>>
        %dma_start3A_531 = arith.constant 0 : i32
        %dma_start3A_532 = tpu.memref_slice %arg2[%dma_start3A_519, %add3A_500, %dma_start3A_531] : memref<2x2560x125xi32, #tpu.memory_space<hbm>> -> memref<1x8x125xi32, #tpu.memory_space<hbm>>
        %dma_start3A_533 = tpu.memref_squeeze %dma_start3A_532 : memref<1x8x125xi32, #tpu.memory_space<hbm>> -> memref<8x125xi32, #tpu.memory_space<hbm>>
        tpu.enqueue_dma source(%dma_start3A_533 : memref<8x125xi32, #tpu.memory_space<hbm>>) target(%dma_start3A_530 : memref<8x125xi32, #tpu.memory_space<vmem>>) target_semaphore(%arg14 : memref<!tpu.dma_semaphore, #tpu.memory_space<semaphore_mem>>)
      } else {
      }
      %dma_wait3A_277 = arith.constant 0 : i32
      %dma_wait3A_278 = arith.constant 0 : i32
      %dma_wait3A_279 = tpu.memref_slice %arg5[%select_n3A_271, %dma_wait3A_277, %dma_wait3A_278] : memref<2x8x125xi32, #tpu.memory_space<vmem>> -> memref<1x1x125xi32, #tpu.memory_space<vmem>>
      %dma_wait3A_280 = tpu.memref_squeeze %dma_wait3A_279 : memref<1x1x125xi32, #tpu.memory_space<vmem>> -> memref<125xi32, #tpu.memory_space<vmem>>
      %dma_wait3A_281 = arith.constant 0 : i32
      %dma_wait3A_282 = arith.constant 0 : i32
      %dma_wait3A_283 = tpu.memref_slice %arg3[%dma_wait3A_281, %dma_wait3A_282] : memref<10000x128xf32, #tpu.memory_space<hbm>> -> memref<10000x128xf32, #tpu.memory_space<hbm>>
      tpu.wait_indirect_dma semaphore(%arg10 : memref<!tpu.dma_semaphore, #tpu.memory_space<semaphore_mem>>) src(%dma_wait3A_283 : memref<10000x128xf32, #tpu.memory_space<hbm>>) dst(%arg7 : memref<125x128xf32, #tpu.memory_space<vmem>>)
      %dma_start3A_284 = arith.constant 0 : i32
      %dma_start3A_285 = arith.constant 0 : i32
      %dma_start3A_286 = tpu.memref_slice %arg6[%select_n3A_271, %dma_start3A_284, %dma_start3A_285] : memref<2x8x125xi32, #tpu.memory_space<vmem>> -> memref<1x1x125xi32, #tpu.memory_space<vmem>>
      %dma_start3A_287 = tpu.memref_squeeze %dma_start3A_286 : memref<1x1x125xi32, #tpu.memory_space<vmem>> -> memref<125xi32, #tpu.memory_space<vmem>>
      %dma_start3A_288 = arith.constant 0 : i32
      %dma_start3A_289 = arith.constant 0 : i32
      %dma_start3A_290 = tpu.memref_slice %arg9[%dma_start3A_288, %dma_start3A_289] : memref<10000x128xf32, #tpu.memory_space<vmem_shared>> -> memref<10000x128xf32, #tpu.memory_space<vmem_shared>>
      tpu.enqueue_indirect_dma source(%arg7 : memref<125x128xf32, #tpu.memory_space<vmem>>) target(%dma_start3A_290 : memref<10000x128xf32, #tpu.memory_space<vmem_shared>>) offsets(%dma_start3A_287 : memref<125xi32, #tpu.memory_space<vmem>>) semaphore(%arg12 : memref<!tpu.dma_semaphore, #tpu.memory_space<semaphore_mem>>) {add = true}
      %gt3A = arith.constant 0 : i32
      %gt3A_291 = arith.cmpi sgt, %scan3A_261, %gt3A : i32
      %convert_element_type3A_292 = arith.extui %gt3A_291 : i1 to i32
      %cond3A_293 = arith.constant 0 : i32
      %cond3A_294 = arith.cmpi ne, %convert_element_type3A_292, %cond3A_293 : i32
      scf.if %cond3A_294 {
        %dma_wait3A_496 = arith.constant 0 : i32
        %dma_wait3A_497 = arith.constant 0 : i32
        %dma_wait3A_498 = tpu.memref_slice %arg6[%select_n3A_271, %dma_wait3A_496, %dma_wait3A_497] : memref<2x8x125xi32, #tpu.memory_space<vmem>> -> memref<1x1x125xi32, #tpu.memory_space<vmem>>
        %dma_wait3A_499 = tpu.memref_squeeze %dma_wait3A_498 : memref<1x1x125xi32, #tpu.memory_space<vmem>> -> memref<125xi32, #tpu.memory_space<vmem>>
        %dma_wait3A_500 = arith.constant 0 : i32
        %dma_wait3A_501 = arith.constant 0 : i32
        %dma_wait3A_502 = tpu.memref_slice %arg9[%dma_wait3A_500, %dma_wait3A_501] : memref<10000x128xf32, #tpu.memory_space<vmem_shared>> -> memref<10000x128xf32, #tpu.memory_space<vmem_shared>>
        tpu.wait_indirect_dma semaphore(%arg13 : memref<!tpu.dma_semaphore, #tpu.memory_space<semaphore_mem>>) src(%arg8 : memref<125x128xf32, #tpu.memory_space<vmem>>) dst(%dma_wait3A_502 : memref<10000x128xf32, #tpu.memory_space<vmem_shared>>)
      } else {
      }
      %dma_start3A_295 = arith.constant 1 : i32
      %dma_start3A_296 = arith.constant 0 : i32
      %dma_start3A_297 = tpu.memref_slice %arg5[%select_n3A_271, %dma_start3A_295, %dma_start3A_296] : memref<2x8x125xi32, #tpu.memory_space<vmem>> -> memref<1x1x125xi32, #tpu.memory_space<vmem>>
      %dma_start3A_298 = tpu.memref_squeeze %dma_start3A_297 : memref<1x1x125xi32, #tpu.memory_space<vmem>> -> memref<125xi32, #tpu.memory_space<vmem>>
      %dma_start3A_299 = arith.constant 0 : i32
      %dma_start3A_300 = arith.constant 0 : i32
      %dma_start3A_301 = tpu.memref_slice %arg3[%dma_start3A_299, %dma_start3A_300] : memref<10000x128xf32, #tpu.memory_space<hbm>> -> memref<10000x128xf32, #tpu.memory_space<hbm>>
      tpu.enqueue_indirect_dma source(%dma_start3A_301 : memref<10000x128xf32, #tpu.memory_space<hbm>>) target(%arg8 : memref<125x128xf32, #tpu.memory_space<vmem>>) offsets(%dma_start3A_298 : memref<125xi32, #tpu.memory_space<vmem>>) semaphore(%arg11 : memref<!tpu.dma_semaphore, #tpu.memory_space<semaphore_mem>>)
      %dma_wait3A_302 = arith.constant 1 : i32
      %dma_wait3A_303 = arith.constant 0 : i32
      %dma_wait3A_304 = tpu.memref_slice %arg5[%select_n3A_271, %dma_wait3A_302, %dma_wait3A_303] : memref<2x8x125xi32, #tpu.memory_space<vmem>> -> memref<1x1x125xi32, #tpu.memory_space<vmem>>
      %dma_wait3A_305 = tpu.memref_squeeze %dma_wait3A_304 : memref<1x1x125xi32, #tpu.memory_space<vmem>> -> memref<125xi32, #tpu.memory_space<vmem>>
      %dma_wait3A_306 = arith.constant 0 : i32
      %dma_wait3A_307 = arith.constant 0 : i32
      %dma_wait3A_308 = tpu.memref_slice %arg3[%dma_wait3A_306, %dma_wait3A_307] : memref<10000x128xf32, #tpu.memory_space<hbm>> -> memref<10000x128xf32, #tpu.memory_space<hbm>>
      tpu.wait_indirect_dma semaphore(%arg11 : memref<!tpu.dma_semaphore, #tpu.memory_space<semaphore_mem>>) src(%dma_wait3A_308 : memref<10000x128xf32, #tpu.memory_space<hbm>>) dst(%arg8 : memref<125x128xf32, #tpu.memory_space<vmem>>)
      %dma_start3A_309 = arith.constant 1 : i32
      %dma_start3A_310 = arith.constant 0 : i32
      %dma_start3A_311 = tpu.memref_slice %arg6[%select_n3A_271, %dma_start3A_309, %dma_start3A_310] : memref<2x8x125xi32, #tpu.memory_space<vmem>> -> memref<1x1x125xi32, #tpu.memory_space<vmem>>
      %dma_start3A_312 = tpu.memref_squeeze %dma_start3A_311 : memref<1x1x125xi32, #tpu.memory_space<vmem>> -> memref<125xi32, #tpu.memory_space<vmem>>
      %dma_start3A_313 = arith.constant 0 : i32
      %dma_start3A_314 = arith.constant 0 : i32
      %dma_start3A_315 = tpu.memref_slice %arg9[%dma_start3A_313, %dma_start3A_314] : memref<10000x128xf32, #tpu.memory_space<vmem_shared>> -> memref<10000x128xf32, #tpu.memory_space<vmem_shared>>
      tpu.enqueue_indirect_dma source(%arg8 : memref<125x128xf32, #tpu.memory_space<vmem>>) target(%dma_start3A_315 : memref<10000x128xf32, #tpu.memory_space<vmem_shared>>) offsets(%dma_start3A_312 : memref<125xi32, #tpu.memory_space<vmem>>) semaphore(%arg13 : memref<!tpu.dma_semaphore, #tpu.memory_space<semaphore_mem>>) {add = true}
      %dma_wait3A_316 = arith.constant 0 : i32
      %dma_wait3A_317 = arith.constant 0 : i32
      %dma_wait3A_318 = tpu.memref_slice %arg6[%select_n3A_271, %dma_wait3A_316, %dma_wait3A_317] : memref<2x8x125xi32, #tpu.memory_space<vmem>> -> memref<1x1x125xi32, #tpu.memory_space<vmem>>
      %dma_wait3A_319 = tpu.memref_squeeze %dma_wait3A_318 : memref<1x1x125xi32, #tpu.memory_space<vmem>> -> memref<125xi32, #tpu.memory_space<vmem>>
      %dma_wait3A_320 = arith.constant 0 : i32
      %dma_wait3A_321 = arith.constant 0 : i32
      %dma_wait3A_322 = tpu.memref_slice %arg9[%dma_wait3A_320, %dma_wait3A_321] : memref<10000x128xf32, #tpu.memory_space<vmem_shared>> -> memref<10000x128xf32, #tpu.memory_space<vmem_shared>>
      tpu.wait_indirect_dma semaphore(%arg12 : memref<!tpu.dma_semaphore, #tpu.memory_space<semaphore_mem>>) src(%arg7 : memref<125x128xf32, #tpu.memory_space<vmem>>) dst(%dma_wait3A_322 : memref<10000x128xf32, #tpu.memory_space<vmem_shared>>)
      %dma_start3A_323 = arith.constant 2 : i32
      %dma_start3A_324 = arith.constant 0 : i32
      %dma_start3A_325 = tpu.memref_slice %arg5[%select_n3A_271, %dma_start3A_323, %dma_start3A_324] : memref<2x8x125xi32, #tpu.memory_space<vmem>> -> memref<1x1x125xi32, #tpu.memory_space<vmem>>
      %dma_start3A_326 = tpu.memref_squeeze %dma_start3A_325 : memref<1x1x125xi32, #tpu.memory_space<vmem>> -> memref<125xi32, #tpu.memory_space<vmem>>
      %dma_start3A_327 = arith.constant 0 : i32
      %dma_start3A_328 = arith.constant 0 : i32
      %dma_start3A_329 = tpu.memref_slice %arg3[%dma_start3A_327, %dma_start3A_328] : memref<10000x128xf32, #tpu.memory_space<hbm>> -> memref<10000x128xf32, #tpu.memory_space<hbm>>
      tpu.enqueue_indirect_dma source(%dma_start3A_329 : memref<10000x128xf32, #tpu.memory_space<hbm>>) target(%arg7 : memref<125x128xf32, #tpu.memory_space<vmem>>) offsets(%dma_start3A_326 : memref<125xi32, #tpu.memory_space<vmem>>) semaphore(%arg10 : memref<!tpu.dma_semaphore, #tpu.memory_space<semaphore_mem>>)
      %dma_wait3A_330 = arith.constant 2 : i32
      %dma_wait3A_331 = arith.constant 0 : i32
      %dma_wait3A_332 = tpu.memref_slice %arg5[%select_n3A_271, %dma_wait3A_330, %dma_wait3A_331] : memref<2x8x125xi32, #tpu.memory_space<vmem>> -> memref<1x1x125xi32, #tpu.memory_space<vmem>>
      %dma_wait3A_333 = tpu.memref_squeeze %dma_wait3A_332 : memref<1x1x125xi32, #tpu.memory_space<vmem>> -> memref<125xi32, #tpu.memory_space<vmem>>
      %dma_wait3A_334 = arith.constant 0 : i32
      %dma_wait3A_335 = arith.constant 0 : i32
      %dma_wait3A_336 = tpu.memref_slice %arg3[%dma_wait3A_334, %dma_wait3A_335] : memref<10000x128xf32, #tpu.memory_space<hbm>> -> memref<10000x128xf32, #tpu.memory_space<hbm>>
      tpu.wait_indirect_dma semaphore(%arg10 : memref<!tpu.dma_semaphore, #tpu.memory_space<semaphore_mem>>) src(%dma_wait3A_336 : memref<10000x128xf32, #tpu.memory_space<hbm>>) dst(%arg7 : memref<125x128xf32, #tpu.memory_space<vmem>>)
      %dma_start3A_337 = arith.constant 2 : i32
      %dma_start3A_338 = arith.constant 0 : i32
      %dma_start3A_339 = tpu.memref_slice %arg6[%select_n3A_271, %dma_start3A_337, %dma_start3A_338] : memref<2x8x125xi32, #tpu.memory_space<vmem>> -> memref<1x1x125xi32, #tpu.memory_space<vmem>>
      %dma_start3A_340 = tpu.memref_squeeze %dma_start3A_339 : memref<1x1x125xi32, #tpu.memory_space<vmem>> -> memref<125xi32, #tpu.memory_space<vmem>>
      %dma_start3A_341 = arith.constant 0 : i32
      %dma_start3A_342 = arith.constant 0 : i32
      %dma_start3A_343 = tpu.memref_slice %arg9[%dma_start3A_341, %dma_start3A_342] : memref<10000x128xf32, #tpu.memory_space<vmem_shared>> -> memref<10000x128xf32, #tpu.memory_space<vmem_shared>>
      tpu.enqueue_indirect_dma source(%arg7 : memref<125x128xf32, #tpu.memory_space<vmem>>) target(%dma_start3A_343 : memref<10000x128xf32, #tpu.memory_space<vmem_shared>>) offsets(%dma_start3A_340 : memref<125xi32, #tpu.memory_space<vmem>>) semaphore(%arg12 : memref<!tpu.dma_semaphore, #tpu.memory_space<semaphore_mem>>) {add = true}
      %dma_wait3A_344 = arith.constant 1 : i32
      %dma_wait3A_345 = arith.constant 0 : i32
      %dma_wait3A_346 = tpu.memref_slice %arg6[%select_n3A_271, %dma_wait3A_344, %dma_wait3A_345] : memref<2x8x125xi32, #tpu.memory_space<vmem>> -> memref<1x1x125xi32, #tpu.memory_space<vmem>>
      %dma_wait3A_347 = tpu.memref_squeeze %dma_wait3A_346 : memref<1x1x125xi32, #tpu.memory_space<vmem>> -> memref<125xi32, #tpu.memory_space<vmem>>
      %dma_wait3A_348 = arith.constant 0 : i32
      %dma_wait3A_349 = arith.constant 0 : i32
      %dma_wait3A_350 = tpu.memref_slice %arg9[%dma_wait3A_348, %dma_wait3A_349] : memref<10000x128xf32, #tpu.memory_space<vmem_shared>> -> memref<10000x128xf32, #tpu.memory_space<vmem_shared>>
      tpu.wait_indirect_dma semaphore(%arg13 : memref<!tpu.dma_semaphore, #tpu.memory_space<semaphore_mem>>) src(%arg8 : memref<125x128xf32, #tpu.memory_space<vmem>>) dst(%dma_wait3A_350 : memref<10000x128xf32, #tpu.memory_space<vmem_shared>>)
      %dma_start3A_351 = arith.constant 3 : i32
      %dma_start3A_352 = arith.constant 0 : i32
      %dma_start3A_353 = tpu.memref_slice %arg5[%select_n3A_271, %dma_start3A_351, %dma_start3A_352] : memref<2x8x125xi32, #tpu.memory_space<vmem>> -> memref<1x1x125xi32, #tpu.memory_space<vmem>>
      %dma_start3A_354 = tpu.memref_squeeze %dma_start3A_353 : memref<1x1x125xi32, #tpu.memory_space<vmem>> -> memref<125xi32, #tpu.memory_space<vmem>>
      %dma_start3A_355 = arith.constant 0 : i32
      %dma_start3A_356 = arith.constant 0 : i32
      %dma_start3A_357 = tpu.memref_slice %arg3[%dma_start3A_355, %dma_start3A_356] : memref<10000x128xf32, #tpu.memory_space<hbm>> -> memref<10000x128xf32, #tpu.memory_space<hbm>>
      tpu.enqueue_indirect_dma source(%dma_start3A_357 : memref<10000x128xf32, #tpu.memory_space<hbm>>) target(%arg8 : memref<125x128xf32, #tpu.memory_space<vmem>>) offsets(%dma_start3A_354 : memref<125xi32, #tpu.memory_space<vmem>>) semaphore(%arg11 : memref<!tpu.dma_semaphore, #tpu.memory_space<semaphore_mem>>)
      %dma_wait3A_358 = arith.constant 3 : i32
      %dma_wait3A_359 = arith.constant 0 : i32
      %dma_wait3A_360 = tpu.memref_slice %arg5[%select_n3A_271, %dma_wait3A_358, %dma_wait3A_359] : memref<2x8x125xi32, #tpu.memory_space<vmem>> -> memref<1x1x125xi32, #tpu.memory_space<vmem>>
      %dma_wait3A_361 = tpu.memref_squeeze %dma_wait3A_360 : memref<1x1x125xi32, #tpu.memory_space<vmem>> -> memref<125xi32, #tpu.memory_space<vmem>>
      %dma_wait3A_362 = arith.constant 0 : i32
      %dma_wait3A_363 = arith.constant 0 : i32
      %dma_wait3A_364 = tpu.memref_slice %arg3[%dma_wait3A_362, %dma_wait3A_363] : memref<10000x128xf32, #tpu.memory_space<hbm>> -> memref<10000x128xf32, #tpu.memory_space<hbm>>
      tpu.wait_indirect_dma semaphore(%arg11 : memref<!tpu.dma_semaphore, #tpu.memory_space<semaphore_mem>>) src(%dma_wait3A_364 : memref<10000x128xf32, #tpu.memory_space<hbm>>) dst(%arg8 : memref<125x128xf32, #tpu.memory_space<vmem>>)
      %dma_start3A_365 = arith.constant 3 : i32
      %dma_start3A_366 = arith.constant 0 : i32
      %dma_start3A_367 = tpu.memref_slice %arg6[%select_n3A_271, %dma_start3A_365, %dma_start3A_366] : memref<2x8x125xi32, #tpu.memory_space<vmem>> -> memref<1x1x125xi32, #tpu.memory_space<vmem>>
      %dma_start3A_368 = tpu.memref_squeeze %dma_start3A_367 : memref<1x1x125xi32, #tpu.memory_space<vmem>> -> memref<125xi32, #tpu.memory_space<vmem>>
      %dma_start3A_369 = arith.constant 0 : i32
      %dma_start3A_370 = arith.constant 0 : i32
      %dma_start3A_371 = tpu.memref_slice %arg9[%dma_start3A_369, %dma_start3A_370] : memref<10000x128xf32, #tpu.memory_space<vmem_shared>> -> memref<10000x128xf32, #tpu.memory_space<vmem_shared>>
      tpu.enqueue_indirect_dma source(%arg8 : memref<125x128xf32, #tpu.memory_space<vmem>>) target(%dma_start3A_371 : memref<10000x128xf32, #tpu.memory_space<vmem_shared>>) offsets(%dma_start3A_368 : memref<125xi32, #tpu.memory_space<vmem>>) semaphore(%arg13 : memref<!tpu.dma_semaphore, #tpu.memory_space<semaphore_mem>>) {add = true}
      %dma_wait3A_372 = arith.constant 2 : i32
      %dma_wait3A_373 = arith.constant 0 : i32
      %dma_wait3A_374 = tpu.memref_slice %arg6[%select_n3A_271, %dma_wait3A_372, %dma_wait3A_373] : memref<2x8x125xi32, #tpu.memory_space<vmem>> -> memref<1x1x125xi32, #tpu.memory_space<vmem>>
      %dma_wait3A_375 = tpu.memref_squeeze %dma_wait3A_374 : memref<1x1x125xi32, #tpu.memory_space<vmem>> -> memref<125xi32, #tpu.memory_space<vmem>>
      %dma_wait3A_376 = arith.constant 0 : i32
      %dma_wait3A_377 = arith.constant 0 : i32
      %dma_wait3A_378 = tpu.memref_slice %arg9[%dma_wait3A_376, %dma_wait3A_377] : memref<10000x128xf32, #tpu.memory_space<vmem_shared>> -> memref<10000x128xf32, #tpu.memory_space<vmem_shared>>
      tpu.wait_indirect_dma semaphore(%arg12 : memref<!tpu.dma_semaphore, #tpu.memory_space<semaphore_mem>>) src(%arg7 : memref<125x128xf32, #tpu.memory_space<vmem>>) dst(%dma_wait3A_378 : memref<10000x128xf32, #tpu.memory_space<vmem_shared>>)
      %dma_start3A_379 = arith.constant 4 : i32
      %dma_start3A_380 = arith.constant 0 : i32
      %dma_start3A_381 = tpu.memref_slice %arg5[%select_n3A_271, %dma_start3A_379, %dma_start3A_380] : memref<2x8x125xi32, #tpu.memory_space<vmem>> -> memref<1x1x125xi32, #tpu.memory_space<vmem>>
      %dma_start3A_382 = tpu.memref_squeeze %dma_start3A_381 : memref<1x1x125xi32, #tpu.memory_space<vmem>> -> memref<125xi32, #tpu.memory_space<vmem>>
      %dma_start3A_383 = arith.constant 0 : i32
      %dma_start3A_384 = arith.constant 0 : i32
      %dma_start3A_385 = tpu.memref_slice %arg3[%dma_start3A_383, %dma_start3A_384] : memref<10000x128xf32, #tpu.memory_space<hbm>> -> memref<10000x128xf32, #tpu.memory_space<hbm>>
      tpu.enqueue_indirect_dma source(%dma_start3A_385 : memref<10000x128xf32, #tpu.memory_space<hbm>>) target(%arg7 : memref<125x128xf32, #tpu.memory_space<vmem>>) offsets(%dma_start3A_382 : memref<125xi32, #tpu.memory_space<vmem>>) semaphore(%arg10 : memref<!tpu.dma_semaphore, #tpu.memory_space<semaphore_mem>>)
      %dma_wait3A_386 = arith.constant 4 : i32
      %dma_wait3A_387 = arith.constant 0 : i32
      %dma_wait3A_388 = tpu.memref_slice %arg5[%select_n3A_271, %dma_wait3A_386, %dma_wait3A_387] : memref<2x8x125xi32, #tpu.memory_space<vmem>> -> memref<1x1x125xi32, #tpu.memory_space<vmem>>
      %dma_wait3A_389 = tpu.memref_squeeze %dma_wait3A_388 : memref<1x1x125xi32, #tpu.memory_space<vmem>> -> memref<125xi32, #tpu.memory_space<vmem>>
      %dma_wait3A_390 = arith.constant 0 : i32
      %dma_wait3A_391 = arith.constant 0 : i32
      %dma_wait3A_392 = tpu.memref_slice %arg3[%dma_wait3A_390, %dma_wait3A_391] : memref<10000x128xf32, #tpu.memory_space<hbm>> -> memref<10000x128xf32, #tpu.memory_space<hbm>>
      tpu.wait_indirect_dma semaphore(%arg10 : memref<!tpu.dma_semaphore, #tpu.memory_space<semaphore_mem>>) src(%dma_wait3A_392 : memref<10000x128xf32, #tpu.memory_space<hbm>>) dst(%arg7 : memref<125x128xf32, #tpu.memory_space<vmem>>)
      %dma_start3A_393 = arith.constant 4 : i32
      %dma_start3A_394 = arith.constant 0 : i32
      %dma_start3A_395 = tpu.memref_slice %arg6[%select_n3A_271, %dma_start3A_393, %dma_start3A_394] : memref<2x8x125xi32, #tpu.memory_space<vmem>> -> memref<1x1x125xi32, #tpu.memory_space<vmem>>
      %dma_start3A_396 = tpu.memref_squeeze %dma_start3A_395 : memref<1x1x125xi32, #tpu.memory_space<vmem>> -> memref<125xi32, #tpu.memory_space<vmem>>
      %dma_start3A_397 = arith.constant 0 : i32
      %dma_start3A_398 = arith.constant 0 : i32
      %dma_start3A_399 = tpu.memref_slice %arg9[%dma_start3A_397, %dma_start3A_398] : memref<10000x128xf32, #tpu.memory_space<vmem_shared>> -> memref<10000x128xf32, #tpu.memory_space<vmem_shared>>
      tpu.enqueue_indirect_dma source(%arg7 : memref<125x128xf32, #tpu.memory_space<vmem>>) target(%dma_start3A_399 : memref<10000x128xf32, #tpu.memory_space<vmem_shared>>) offsets(%dma_start3A_396 : memref<125xi32, #tpu.memory_space<vmem>>) semaphore(%arg12 : memref<!tpu.dma_semaphore, #tpu.memory_space<semaphore_mem>>) {add = true}
      %dma_wait3A_400 = arith.constant 3 : i32
      %dma_wait3A_401 = arith.constant 0 : i32
      %dma_wait3A_402 = tpu.memref_slice %arg6[%select_n3A_271, %dma_wait3A_400, %dma_wait3A_401] : memref<2x8x125xi32, #tpu.memory_space<vmem>> -> memref<1x1x125xi32, #tpu.memory_space<vmem>>
      %dma_wait3A_403 = tpu.memref_squeeze %dma_wait3A_402 : memref<1x1x125xi32, #tpu.memory_space<vmem>> -> memref<125xi32, #tpu.memory_space<vmem>>
      %dma_wait3A_404 = arith.constant 0 : i32
      %dma_wait3A_405 = arith.constant 0 : i32
      %dma_wait3A_406 = tpu.memref_slice %arg9[%dma_wait3A_404, %dma_wait3A_405] : memref<10000x128xf32, #tpu.memory_space<vmem_shared>> -> memref<10000x128xf32, #tpu.memory_space<vmem_shared>>
      tpu.wait_indirect_dma semaphore(%arg13 : memref<!tpu.dma_semaphore, #tpu.memory_space<semaphore_mem>>) src(%arg8 : memref<125x128xf32, #tpu.memory_space<vmem>>) dst(%dma_wait3A_406 : memref<10000x128xf32, #tpu.memory_space<vmem_shared>>)
      %dma_start3A_407 = arith.constant 5 : i32
      %dma_start3A_408 = arith.constant 0 : i32
      %dma_start3A_409 = tpu.memref_slice %arg5[%select_n3A_271, %dma_start3A_407, %dma_start3A_408] : memref<2x8x125xi32, #tpu.memory_space<vmem>> -> memref<1x1x125xi32, #tpu.memory_space<vmem>>
      %dma_start3A_410 = tpu.memref_squeeze %dma_start3A_409 : memref<1x1x125xi32, #tpu.memory_space<vmem>> -> memref<125xi32, #tpu.memory_space<vmem>>
      %dma_start3A_411 = arith.constant 0 : i32
      %dma_start3A_412 = arith.constant 0 : i32
      %dma_start3A_413 = tpu.memref_slice %arg3[%dma_start3A_411, %dma_start3A_412] : memref<10000x128xf32, #tpu.memory_space<hbm>> -> memref<10000x128xf32, #tpu.memory_space<hbm>>
      tpu.enqueue_indirect_dma source(%dma_start3A_413 : memref<10000x128xf32, #tpu.memory_space<hbm>>) target(%arg8 : memref<125x128xf32, #tpu.memory_space<vmem>>) offsets(%dma_start3A_410 : memref<125xi32, #tpu.memory_space<vmem>>) semaphore(%arg11 : memref<!tpu.dma_semaphore, #tpu.memory_space<semaphore_mem>>)
      %dma_wait3A_414 = arith.constant 5 : i32
      %dma_wait3A_415 = arith.constant 0 : i32
      %dma_wait3A_416 = tpu.memref_slice %arg5[%select_n3A_271, %dma_wait3A_414, %dma_wait3A_415] : memref<2x8x125xi32, #tpu.memory_space<vmem>> -> memref<1x1x125xi32, #tpu.memory_space<vmem>>
      %dma_wait3A_417 = tpu.memref_squeeze %dma_wait3A_416 : memref<1x1x125xi32, #tpu.memory_space<vmem>> -> memref<125xi32, #tpu.memory_space<vmem>>
      %dma_wait3A_418 = arith.constant 0 : i32
      %dma_wait3A_419 = arith.constant 0 : i32
      %dma_wait3A_420 = tpu.memref_slice %arg3[%dma_wait3A_418, %dma_wait3A_419] : memref<10000x128xf32, #tpu.memory_space<hbm>> -> memref<10000x128xf32, #tpu.memory_space<hbm>>
      tpu.wait_indirect_dma semaphore(%arg11 : memref<!tpu.dma_semaphore, #tpu.memory_space<semaphore_mem>>) src(%dma_wait3A_420 : memref<10000x128xf32, #tpu.memory_space<hbm>>) dst(%arg8 : memref<125x128xf32, #tpu.memory_space<vmem>>)
      %dma_start3A_421 = arith.constant 5 : i32
      %dma_start3A_422 = arith.constant 0 : i32
      %dma_start3A_423 = tpu.memref_slice %arg6[%select_n3A_271, %dma_start3A_421, %dma_start3A_422] : memref<2x8x125xi32, #tpu.memory_space<vmem>> -> memref<1x1x125xi32, #tpu.memory_space<vmem>>
      %dma_start3A_424 = tpu.memref_squeeze %dma_start3A_423 : memref<1x1x125xi32, #tpu.memory_space<vmem>> -> memref<125xi32, #tpu.memory_space<vmem>>
      %dma_start3A_425 = arith.constant 0 : i32
      %dma_start3A_426 = arith.constant 0 : i32
      %dma_start3A_427 = tpu.memref_slice %arg9[%dma_start3A_425, %dma_start3A_426] : memref<10000x128xf32, #tpu.memory_space<vmem_shared>> -> memref<10000x128xf32, #tpu.memory_space<vmem_shared>>
      tpu.enqueue_indirect_dma source(%arg8 : memref<125x128xf32, #tpu.memory_space<vmem>>) target(%dma_start3A_427 : memref<10000x128xf32, #tpu.memory_space<vmem_shared>>) offsets(%dma_start3A_424 : memref<125xi32, #tpu.memory_space<vmem>>) semaphore(%arg13 : memref<!tpu.dma_semaphore, #tpu.memory_space<semaphore_mem>>) {add = true}
      %dma_wait3A_428 = arith.constant 4 : i32
      %dma_wait3A_429 = arith.constant 0 : i32
      %dma_wait3A_430 = tpu.memref_slice %arg6[%select_n3A_271, %dma_wait3A_428, %dma_wait3A_429] : memref<2x8x125xi32, #tpu.memory_space<vmem>> -> memref<1x1x125xi32, #tpu.memory_space<vmem>>
      %dma_wait3A_431 = tpu.memref_squeeze %dma_wait3A_430 : memref<1x1x125xi32, #tpu.memory_space<vmem>> -> memref<125xi32, #tpu.memory_space<vmem>>
      %dma_wait3A_432 = arith.constant 0 : i32
      %dma_wait3A_433 = arith.constant 0 : i32
      %dma_wait3A_434 = tpu.memref_slice %arg9[%dma_wait3A_432, %dma_wait3A_433] : memref<10000x128xf32, #tpu.memory_space<vmem_shared>> -> memref<10000x128xf32, #tpu.memory_space<vmem_shared>>
      tpu.wait_indirect_dma semaphore(%arg12 : memref<!tpu.dma_semaphore, #tpu.memory_space<semaphore_mem>>) src(%arg7 : memref<125x128xf32, #tpu.memory_space<vmem>>) dst(%dma_wait3A_434 : memref<10000x128xf32, #tpu.memory_space<vmem_shared>>)
      %dma_start3A_435 = arith.constant 6 : i32
      %dma_start3A_436 = arith.constant 0 : i32
      %dma_start3A_437 = tpu.memref_slice %arg5[%select_n3A_271, %dma_start3A_435, %dma_start3A_436] : memref<2x8x125xi32, #tpu.memory_space<vmem>> -> memref<1x1x125xi32, #tpu.memory_space<vmem>>
      %dma_start3A_438 = tpu.memref_squeeze %dma_start3A_437 : memref<1x1x125xi32, #tpu.memory_space<vmem>> -> memref<125xi32, #tpu.memory_space<vmem>>
      %dma_start3A_439 = arith.constant 0 : i32
      %dma_start3A_440 = arith.constant 0 : i32
      %dma_start3A_441 = tpu.memref_slice %arg3[%dma_start3A_439, %dma_start3A_440] : memref<10000x128xf32, #tpu.memory_space<hbm>> -> memref<10000x128xf32, #tpu.memory_space<hbm>>
      tpu.enqueue_indirect_dma source(%dma_start3A_441 : memref<10000x128xf32, #tpu.memory_space<hbm>>) target(%arg7 : memref<125x128xf32, #tpu.memory_space<vmem>>) offsets(%dma_start3A_438 : memref<125xi32, #tpu.memory_space<vmem>>) semaphore(%arg10 : memref<!tpu.dma_semaphore, #tpu.memory_space<semaphore_mem>>)
      %dma_wait3A_442 = arith.constant 6 : i32
      %dma_wait3A_443 = arith.constant 0 : i32
      %dma_wait3A_444 = tpu.memref_slice %arg5[%select_n3A_271, %dma_wait3A_442, %dma_wait3A_443] : memref<2x8x125xi32, #tpu.memory_space<vmem>> -> memref<1x1x125xi32, #tpu.memory_space<vmem>>
      %dma_wait3A_445 = tpu.memref_squeeze %dma_wait3A_444 : memref<1x1x125xi32, #tpu.memory_space<vmem>> -> memref<125xi32, #tpu.memory_space<vmem>>
      %dma_wait3A_446 = arith.constant 0 : i32
      %dma_wait3A_447 = arith.constant 0 : i32
      %dma_wait3A_448 = tpu.memref_slice %arg3[%dma_wait3A_446, %dma_wait3A_447] : memref<10000x128xf32, #tpu.memory_space<hbm>> -> memref<10000x128xf32, #tpu.memory_space<hbm>>
      tpu.wait_indirect_dma semaphore(%arg10 : memref<!tpu.dma_semaphore, #tpu.memory_space<semaphore_mem>>) src(%dma_wait3A_448 : memref<10000x128xf32, #tpu.memory_space<hbm>>) dst(%arg7 : memref<125x128xf32, #tpu.memory_space<vmem>>)
      %dma_start3A_449 = arith.constant 6 : i32
      %dma_start3A_450 = arith.constant 0 : i32
      %dma_start3A_451 = tpu.memref_slice %arg6[%select_n3A_271, %dma_start3A_449, %dma_start3A_450] : memref<2x8x125xi32, #tpu.memory_space<vmem>> -> memref<1x1x125xi32, #tpu.memory_space<vmem>>
      %dma_start3A_452 = tpu.memref_squeeze %dma_start3A_451 : memref<1x1x125xi32, #tpu.memory_space<vmem>> -> memref<125xi32, #tpu.memory_space<vmem>>
      %dma_start3A_453 = arith.constant 0 : i32
      %dma_start3A_454 = arith.constant 0 : i32
      %dma_start3A_455 = tpu.memref_slice %arg9[%dma_start3A_453, %dma_start3A_454] : memref<10000x128xf32, #tpu.memory_space<vmem_shared>> -> memref<10000x128xf32, #tpu.memory_space<vmem_shared>>
      tpu.enqueue_indirect_dma source(%arg7 : memref<125x128xf32, #tpu.memory_space<vmem>>) target(%dma_start3A_455 : memref<10000x128xf32, #tpu.memory_space<vmem_shared>>) offsets(%dma_start3A_452 : memref<125xi32, #tpu.memory_space<vmem>>) semaphore(%arg12 : memref<!tpu.dma_semaphore, #tpu.memory_space<semaphore_mem>>) {add = true}
      %dma_wait3A_456 = arith.constant 5 : i32
      %dma_wait3A_457 = arith.constant 0 : i32
      %dma_wait3A_458 = tpu.memref_slice %arg6[%select_n3A_271, %dma_wait3A_456, %dma_wait3A_457] : memref<2x8x125xi32, #tpu.memory_space<vmem>> -> memref<1x1x125xi32, #tpu.memory_space<vmem>>
      %dma_wait3A_459 = tpu.memref_squeeze %dma_wait3A_458 : memref<1x1x125xi32, #tpu.memory_space<vmem>> -> memref<125xi32, #tpu.memory_space<vmem>>
      %dma_wait3A_460 = arith.constant 0 : i32
      %dma_wait3A_461 = arith.constant 0 : i32
      %dma_wait3A_462 = tpu.memref_slice %arg9[%dma_wait3A_460, %dma_wait3A_461] : memref<10000x128xf32, #tpu.memory_space<vmem_shared>> -> memref<10000x128xf32, #tpu.memory_space<vmem_shared>>
      tpu.wait_indirect_dma semaphore(%arg13 : memref<!tpu.dma_semaphore, #tpu.memory_space<semaphore_mem>>) src(%arg8 : memref<125x128xf32, #tpu.memory_space<vmem>>) dst(%dma_wait3A_462 : memref<10000x128xf32, #tpu.memory_space<vmem_shared>>)
      %dma_start3A_463 = arith.constant 7 : i32
      %dma_start3A_464 = arith.constant 0 : i32
      %dma_start3A_465 = tpu.memref_slice %arg5[%select_n3A_271, %dma_start3A_463, %dma_start3A_464] : memref<2x8x125xi32, #tpu.memory_space<vmem>> -> memref<1x1x125xi32, #tpu.memory_space<vmem>>
      %dma_start3A_466 = tpu.memref_squeeze %dma_start3A_465 : memref<1x1x125xi32, #tpu.memory_space<vmem>> -> memref<125xi32, #tpu.memory_space<vmem>>
      %dma_start3A_467 = arith.constant 0 : i32
      %dma_start3A_468 = arith.constant 0 : i32
      %dma_start3A_469 = tpu.memref_slice %arg3[%dma_start3A_467, %dma_start3A_468] : memref<10000x128xf32, #tpu.memory_space<hbm>> -> memref<10000x128xf32, #tpu.memory_space<hbm>>
      tpu.enqueue_indirect_dma source(%dma_start3A_469 : memref<10000x128xf32, #tpu.memory_space<hbm>>) target(%arg8 : memref<125x128xf32, #tpu.memory_space<vmem>>) offsets(%dma_start3A_466 : memref<125xi32, #tpu.memory_space<vmem>>) semaphore(%arg11 : memref<!tpu.dma_semaphore, #tpu.memory_space<semaphore_mem>>)
      %dma_wait3A_470 = arith.constant 7 : i32
      %dma_wait3A_471 = arith.constant 0 : i32
      %dma_wait3A_472 = tpu.memref_slice %arg5[%select_n3A_271, %dma_wait3A_470, %dma_wait3A_471] : memref<2x8x125xi32, #tpu.memory_space<vmem>> -> memref<1x1x125xi32, #tpu.memory_space<vmem>>
      %dma_wait3A_473 = tpu.memref_squeeze %dma_wait3A_472 : memref<1x1x125xi32, #tpu.memory_space<vmem>> -> memref<125xi32, #tpu.memory_space<vmem>>
      %dma_wait3A_474 = arith.constant 0 : i32
      %dma_wait3A_475 = arith.constant 0 : i32
      %dma_wait3A_476 = tpu.memref_slice %arg3[%dma_wait3A_474, %dma_wait3A_475] : memref<10000x128xf32, #tpu.memory_space<hbm>> -> memref<10000x128xf32, #tpu.memory_space<hbm>>
      tpu.wait_indirect_dma semaphore(%arg11 : memref<!tpu.dma_semaphore, #tpu.memory_space<semaphore_mem>>) src(%dma_wait3A_476 : memref<10000x128xf32, #tpu.memory_space<hbm>>) dst(%arg8 : memref<125x128xf32, #tpu.memory_space<vmem>>)
      %dma_start3A_477 = arith.constant 7 : i32
      %dma_start3A_478 = arith.constant 0 : i32
      %dma_start3A_479 = tpu.memref_slice %arg6[%select_n3A_271, %dma_start3A_477, %dma_start3A_478] : memref<2x8x125xi32, #tpu.memory_space<vmem>> -> memref<1x1x125xi32, #tpu.memory_space<vmem>>
      %dma_start3A_480 = tpu.memref_squeeze %dma_start3A_479 : memref<1x1x125xi32, #tpu.memory_space<vmem>> -> memref<125xi32, #tpu.memory_space<vmem>>
      %dma_start3A_481 = arith.constant 0 : i32
      %dma_start3A_482 = arith.constant 0 : i32
      %dma_start3A_483 = tpu.memref_slice %arg9[%dma_start3A_481, %dma_start3A_482] : memref<10000x128xf32, #tpu.memory_space<vmem_shared>> -> memref<10000x128xf32, #tpu.memory_space<vmem_shared>>
      tpu.enqueue_indirect_dma source(%arg8 : memref<125x128xf32, #tpu.memory_space<vmem>>) target(%dma_start3A_483 : memref<10000x128xf32, #tpu.memory_space<vmem_shared>>) offsets(%dma_start3A_480 : memref<125xi32, #tpu.memory_space<vmem>>) semaphore(%arg13 : memref<!tpu.dma_semaphore, #tpu.memory_space<semaphore_mem>>) {add = true}
      %dma_wait3A_484 = arith.constant 6 : i32
      %dma_wait3A_485 = arith.constant 0 : i32
      %dma_wait3A_486 = tpu.memref_slice %arg6[%select_n3A_271, %dma_wait3A_484, %dma_wait3A_485] : memref<2x8x125xi32, #tpu.memory_space<vmem>> -> memref<1x1x125xi32, #tpu.memory_space<vmem>>
      %dma_wait3A_487 = tpu.memref_squeeze %dma_wait3A_486 : memref<1x1x125xi32, #tpu.memory_space<vmem>> -> memref<125xi32, #tpu.memory_space<vmem>>
      %dma_wait3A_488 = arith.constant 0 : i32
      %dma_wait3A_489 = arith.constant 0 : i32
      %dma_wait3A_490 = tpu.memref_slice %arg9[%dma_wait3A_488, %dma_wait3A_489] : memref<10000x128xf32, #tpu.memory_space<vmem_shared>> -> memref<10000x128xf32, #tpu.memory_space<vmem_shared>>
      tpu.wait_indirect_dma semaphore(%arg12 : memref<!tpu.dma_semaphore, #tpu.memory_space<semaphore_mem>>) src(%arg7 : memref<125x128xf32, #tpu.memory_space<vmem>>) dst(%dma_wait3A_490 : memref<10000x128xf32, #tpu.memory_space<vmem_shared>>)
      %lt3A_491 = arith.constant 9 : i32
      %lt3A_492 = arith.cmpi slt, %scan3A_261, %lt3A_491 : i32
      %convert_element_type3A_493 = arith.extui %lt3A_492 : i1 to i32
      %cond3A_494 = arith.constant 0 : i32
      %cond3A_495 = arith.cmpi ne, %convert_element_type3A_493, %cond3A_494 : i32
      scf.if %cond3A_495 {
        %sub3A = arith.constant 1 : i32
        %sub3A_496 = arith.subi %sub3A, %select_n3A_271 : i32
        %dma_wait3A_497 = arith.constant 0 : i32
        %dma_wait3A_498 = arith.constant 0 : i32
        %dma_wait3A_499 = arith.constant 0 : i32
        %dma_wait3A_500 = tpu.memref_slice %arg5[%sub3A_496, %dma_wait3A_498, %dma_wait3A_499] : memref<2x8x125xi32, #tpu.memory_space<vmem>> -> memref<1x8x125xi32, #tpu.memory_space<vmem>>
        %dma_wait3A_501 = tpu.memref_squeeze %dma_wait3A_500 : memref<1x8x125xi32, #tpu.memory_space<vmem>> -> memref<8x125xi32, #tpu.memory_space<vmem>>
        %dma_wait3A_502 = arith.constant 0 : i32
        %dma_wait3A_503 = tpu.memref_slice %arg2[%dma_wait3A_497, %mul3A_2, %dma_wait3A_502] : memref<2x2560x125xi32, #tpu.memory_space<hbm>> -> memref<1x8x125xi32, #tpu.memory_space<hbm>>
        %dma_wait3A_504 = tpu.memref_squeeze %dma_wait3A_503 : memref<1x8x125xi32, #tpu.memory_space<hbm>> -> memref<8x125xi32, #tpu.memory_space<hbm>>
        %dma_wait3A_505 = arith.constant 0 : i32
        %dma_wait3A_506 = arith.constant 0 : i32
        %dma_wait3A_507 = tpu.memref_slice %arg5[%sub3A_496, %dma_wait3A_505, %dma_wait3A_506] : memref<2x8x125xi32, #tpu.memory_space<vmem>> -> memref<1x8x125xi32, #tpu.memory_space<vmem>>
        %dma_wait3A_508 = tpu.memref_squeeze %dma_wait3A_507 : memref<1x8x125xi32, #tpu.memory_space<vmem>> -> memref<8x125xi32, #tpu.memory_space<vmem>>
        %dma_wait3A_509 = arith.constant 0 : i32
        %dma_wait3A_510 = tpu.memref_slice %arg2[%dma_wait3A_497, %mul3A_2, %dma_wait3A_509] : memref<2x2560x125xi32, #tpu.memory_space<hbm>> -> memref<1x8x125xi32, #tpu.memory_space<hbm>>
        %dma_wait3A_511 = tpu.memref_squeeze %dma_wait3A_510 : memref<1x8x125xi32, #tpu.memory_space<hbm>> -> memref<8x125xi32, #tpu.memory_space<hbm>>
        tpu.wait_dma2 semaphore(%arg14 : memref<!tpu.dma_semaphore, #tpu.memory_space<semaphore_mem>>) src(%dma_wait3A_511 : memref<8x125xi32, #tpu.memory_space<hbm>>) dst(%dma_wait3A_508 : memref<8x125xi32, #tpu.memory_space<vmem>>)
        %sub3A_512 = arith.constant 1 : i32
        %sub3A_513 = arith.subi %sub3A_512, %select_n3A_271 : i32
        %dma_wait3A_514 = arith.constant 1 : i32
        %dma_wait3A_515 = arith.constant 0 : i32
        %dma_wait3A_516 = arith.constant 0 : i32
        %dma_wait3A_517 = tpu.memref_slice %arg6[%sub3A_513, %dma_wait3A_515, %dma_wait3A_516] : memref<2x8x125xi32, #tpu.memory_space<vmem>> -> memref<1x8x125xi32, #tpu.memory_space<vmem>>
        %dma_wait3A_518 = tpu.memref_squeeze %dma_wait3A_517 : memref<1x8x125xi32, #tpu.memory_space<vmem>> -> memref<8x125xi32, #tpu.memory_space<vmem>>
        %dma_wait3A_519 = arith.constant 0 : i32
        %dma_wait3A_520 = tpu.memref_slice %arg2[%dma_wait3A_514, %mul3A_2, %dma_wait3A_519] : memref<2x2560x125xi32, #tpu.memory_space<hbm>> -> memref<1x8x125xi32, #tpu.memory_space<hbm>>
        %dma_wait3A_521 = tpu.memref_squeeze %dma_wait3A_520 : memref<1x8x125xi32, #tpu.memory_space<hbm>> -> memref<8x125xi32, #tpu.memory_space<hbm>>
        %dma_wait3A_522 = arith.constant 0 : i32
        %dma_wait3A_523 = arith.constant 0 : i32
        %dma_wait3A_524 = tpu.memref_slice %arg6[%sub3A_513, %dma_wait3A_522, %dma_wait3A_523] : memref<2x8x125xi32, #tpu.memory_space<vmem>> -> memref<1x8x125xi32, #tpu.memory_space<vmem>>
        %dma_wait3A_525 = tpu.memref_squeeze %dma_wait3A_524 : memref<1x8x125xi32, #tpu.memory_space<vmem>> -> memref<8x125xi32, #tpu.memory_space<vmem>>
        %dma_wait3A_526 = arith.constant 0 : i32
        %dma_wait3A_527 = tpu.memref_slice %arg2[%dma_wait3A_514, %mul3A_2, %dma_wait3A_526] : memref<2x2560x125xi32, #tpu.memory_space<hbm>> -> memref<1x8x125xi32, #tpu.memory_space<hbm>>
        %dma_wait3A_528 = tpu.memref_squeeze %dma_wait3A_527 : memref<1x8x125xi32, #tpu.memory_space<hbm>> -> memref<8x125xi32, #tpu.memory_space<hbm>>
        tpu.wait_dma2 semaphore(%arg14 : memref<!tpu.dma_semaphore, #tpu.memory_space<semaphore_mem>>) src(%dma_wait3A_528 : memref<8x125xi32, #tpu.memory_space<hbm>>) dst(%dma_wait3A_525 : memref<8x125xi32, #tpu.memory_space<vmem>>)
        %sub3A_529 = arith.constant 1 : i32
        %sub3A_530 = arith.subi %sub3A_529, %select_n3A_271 : i32
        %dma_start3A_531 = arith.constant 0 : i32
        %dma_start3A_532 = arith.constant 0 : i32
        %dma_start3A_533 = tpu.memref_slice %arg5[%sub3A_530, %dma_start3A_531, %dma_start3A_532] : memref<2x8x125xi32, #tpu.memory_space<vmem>> -> memref<1x1x125xi32, #tpu.memory_space<vmem>>
        %dma_start3A_534 = tpu.memref_squeeze %dma_start3A_533 : memref<1x1x125xi32, #tpu.memory_space<vmem>> -> memref<125xi32, #tpu.memory_space<vmem>>
        %dma_start3A_535 = arith.constant 0 : i32
        %dma_start3A_536 = arith.constant 0 : i32
        %dma_start3A_537 = tpu.memref_slice %arg3[%dma_start3A_535, %dma_start3A_536] : memref<10000x128xf32, #tpu.memory_space<hbm>> -> memref<10000x128xf32, #tpu.memory_space<hbm>>
        tpu.enqueue_indirect_dma source(%dma_start3A_537 : memref<10000x128xf32, #tpu.memory_space<hbm>>) target(%arg7 : memref<125x128xf32, #tpu.memory_space<vmem>>) offsets(%dma_start3A_534 : memref<125xi32, #tpu.memory_space<vmem>>) semaphore(%arg10 : memref<!tpu.dma_semaphore, #tpu.memory_space<semaphore_mem>>)
      } else {
      }
    }
    %scan3A_43 = arith.constant 10 : i32
    %dma_wait3A = arith.constant 1 : i32
    %dma_wait3A_44 = arith.constant 0 : i32
    %dma_wait3A_45 = arith.constant 0 : i32
    %dma_wait3A_46 = tpu.memref_slice %arg6[%dma_wait3A, %dma_wait3A_44, %dma_wait3A_45] : memref<2x8x125xi32, #tpu.memory_space<vmem>> -> memref<1x1x125xi32, #tpu.memory_space<vmem>>
    %dma_wait3A_47 = tpu.memref_squeeze %dma_wait3A_46 : memref<1x1x125xi32, #tpu.memory_space<vmem>> -> memref<125xi32, #tpu.memory_space<vmem>>
    %dma_wait3A_48 = arith.constant 0 : i32
    %dma_wait3A_49 = arith.constant 0 : i32
    %dma_wait3A_50 = tpu.memref_slice %arg9[%dma_wait3A_48, %dma_wait3A_49] : memref<10000x128xf32, #tpu.memory_space<vmem_shared>> -> memref<10000x128xf32, #tpu.memory_space<vmem_shared>>
    tpu.wait_indirect_dma semaphore(%arg13 : memref<!tpu.dma_semaphore, #tpu.memory_space<semaphore_mem>>) src(%arg8 : memref<125x128xf32, #tpu.memory_space<vmem>>) dst(%dma_wait3A_50 : memref<10000x128xf32, #tpu.memory_space<vmem_shared>>)
    %barrier3A_51 = arith.constant 0 : index
    tpu.barrier barrier_id(%barrier3A_51)
    %mul3A_52 = arith.constant 624 : i32
    %mul3A_53 = arith.muli %arg1, %mul3A_52 : i32
    %add3A_54 = arith.constant 0 : i32
    %add3A_55 = arith.addi %mul3A_53, %add3A_54 : i32
    "tpu.region"() ({
      %run_scoped3A_261 = tpu.sem_alloc : memref<!tpu.dma_semaphore, #tpu.memory_space<semaphore_mem>>
      %dma_start3A_262 = arith.constant 0 : i32
      %dma_start3A_263 = arith.constant 0 : i32
      %dma_start3A_264 = tpu.memref_slice %arg7[%dma_start3A_262, %dma_start3A_263] : memref<125x128xf32, #tpu.memory_space<vmem>> -> memref<104x128xf32, #tpu.memory_space<vmem>>
      %dma_start3A_265 = arith.constant 0 : i32
      %dma_start3A_266 = tpu.memref_slice %arg9[%add3A_55, %dma_start3A_265] : memref<10000x128xf32, #tpu.memory_space<vmem_shared>> -> memref<104x128xf32, #tpu.memory_space<vmem_shared>>
      %dma_start3A_267 = arith.constant 0 : i32
      %dma_start3A_268 = arith.constant 0 : i32
      %dma_start3A_269 = tpu.memref_slice %arg7[%dma_start3A_267, %dma_start3A_268] : memref<125x128xf32, #tpu.memory_space<vmem>> -> memref<104x128xf32, #tpu.memory_space<vmem>>
      %dma_start3A_270 = arith.constant 0 : i32
      %dma_start3A_271 = tpu.memref_slice %arg9[%add3A_55, %dma_start3A_270] : memref<10000x128xf32, #tpu.memory_space<vmem_shared>> -> memref<104x128xf32, #tpu.memory_space<vmem_shared>>
      tpu.enqueue_dma source(%dma_start3A_271 : memref<104x128xf32, #tpu.memory_space<vmem_shared>>) target(%dma_start3A_269 : memref<104x128xf32, #tpu.memory_space<vmem>>) target_semaphore(%run_scoped3A_261 : memref<!tpu.dma_semaphore, #tpu.memory_space<semaphore_mem>>)
      %dma_wait3A_272 = arith.constant 0 : i32
      %dma_wait3A_273 = arith.constant 0 : i32
      %dma_wait3A_274 = tpu.memref_slice %arg7[%dma_wait3A_272, %dma_wait3A_273] : memref<125x128xf32, #tpu.memory_space<vmem>> -> memref<104x128xf32, #tpu.memory_space<vmem>>
      %dma_wait3A_275 = arith.constant 0 : i32
      %dma_wait3A_276 = tpu.memref_slice %arg9[%add3A_55, %dma_wait3A_275] : memref<10000x128xf32, #tpu.memory_space<vmem_shared>> -> memref<104x128xf32, #tpu.memory_space<vmem_shared>>
      %dma_wait3A_277 = arith.constant 0 : i32
      %dma_wait3A_278 = arith.constant 0 : i32
      %dma_wait3A_279 = tpu.memref_slice %arg7[%dma_wait3A_277, %dma_wait3A_278] : memref<125x128xf32, #tpu.memory_space<vmem>> -> memref<104x128xf32, #tpu.memory_space<vmem>>
      %dma_wait3A_280 = arith.constant 0 : i32
      %dma_wait3A_281 = tpu.memref_slice %arg9[%add3A_55, %dma_wait3A_280] : memref<10000x128xf32, #tpu.memory_space<vmem_shared>> -> memref<104x128xf32, #tpu.memory_space<vmem_shared>>
      tpu.wait_dma2 semaphore(%run_scoped3A_261 : memref<!tpu.dma_semaphore, #tpu.memory_space<semaphore_mem>>) src(%dma_wait3A_281 : memref<104x128xf32, #tpu.memory_space<vmem_shared>>) dst(%dma_wait3A_279 : memref<104x128xf32, #tpu.memory_space<vmem>>)
      tpu.yield
    }) : () -> ()
    %mul3A_56 = arith.constant 624 : i32
    %mul3A_57 = arith.muli %arg1, %mul3A_56 : i32
    %add3A_58 = arith.constant 0 : i32
    %add3A_59 = arith.addi %mul3A_57, %add3A_58 : i32
    %dma_start3A_60 = arith.constant 0 : i32
    %dma_start3A_61 = arith.constant 0 : i32
    %dma_start3A_62 = tpu.memref_slice %arg7[%dma_start3A_60, %dma_start3A_61] : memref<125x128xf32, #tpu.memory_space<vmem>> -> memref<104x128xf32, #tpu.memory_space<vmem>>
    %dma_start3A_63 = arith.constant 0 : i32
    %dma_start3A_64 = tpu.memref_slice %arg4[%arg0, %add3A_59, %dma_start3A_63] : memref<2x10000x128xf32, #tpu.memory_space<hbm>> -> memref<1x104x128xf32, #tpu.memory_space<hbm>>
    %dma_start3A_65 = tpu.memref_squeeze %dma_start3A_64 : memref<1x104x128xf32, #tpu.memory_space<hbm>> -> memref<104x128xf32, #tpu.memory_space<hbm>>
    %dma_start3A_66 = arith.constant 0 : i32
    %dma_start3A_67 = tpu.memref_slice %arg4[%arg0, %add3A_59, %dma_start3A_66] : memref<2x10000x128xf32, #tpu.memory_space<hbm>> -> memref<1x104x128xf32, #tpu.memory_space<hbm>>
    %dma_start3A_68 = tpu.memref_squeeze %dma_start3A_67 : memref<1x104x128xf32, #tpu.memory_space<hbm>> -> memref<104x128xf32, #tpu.memory_space<hbm>>
    %dma_start3A_69 = arith.constant 0 : i32
    %dma_start3A_70 = arith.constant 0 : i32
    %dma_start3A_71 = tpu.memref_slice %arg7[%dma_start3A_69, %dma_start3A_70] : memref<125x128xf32, #tpu.memory_space<vmem>> -> memref<104x128xf32, #tpu.memory_space<vmem>>
    tpu.enqueue_dma source(%dma_start3A_71 : memref<104x128xf32, #tpu.memory_space<vmem>>) target(%dma_start3A_68 : memref<104x128xf32, #tpu.memory_space<hbm>>) target_semaphore(%arg12 : memref<!tpu.dma_semaphore, #tpu.memory_space<semaphore_mem>>)
    %mul3A_72 = arith.constant 624 : i32
    %mul3A_73 = arith.muli %arg1, %mul3A_72 : i32
    %add3A_74 = arith.constant 104 : i32
    %add3A_75 = arith.addi %mul3A_73, %add3A_74 : i32
    "tpu.region"() ({
      %run_scoped3A_261 = tpu.sem_alloc : memref<!tpu.dma_semaphore, #tpu.memory_space<semaphore_mem>>
      %dma_start3A_262 = arith.constant 0 : i32
      %dma_start3A_263 = arith.constant 0 : i32
      %dma_start3A_264 = tpu.memref_slice %arg8[%dma_start3A_262, %dma_start3A_263] : memref<125x128xf32, #tpu.memory_space<vmem>> -> memref<104x128xf32, #tpu.memory_space<vmem>>
      %dma_start3A_265 = arith.constant 0 : i32
      %dma_start3A_266 = tpu.memref_slice %arg9[%add3A_75, %dma_start3A_265] : memref<10000x128xf32, #tpu.memory_space<vmem_shared>> -> memref<104x128xf32, #tpu.memory_space<vmem_shared>>
      %dma_start3A_267 = arith.constant 0 : i32
      %dma_start3A_268 = arith.constant 0 : i32
      %dma_start3A_269 = tpu.memref_slice %arg8[%dma_start3A_267, %dma_start3A_268] : memref<125x128xf32, #tpu.memory_space<vmem>> -> memref<104x128xf32, #tpu.memory_space<vmem>>
      %dma_start3A_270 = arith.constant 0 : i32
      %dma_start3A_271 = tpu.memref_slice %arg9[%add3A_75, %dma_start3A_270] : memref<10000x128xf32, #tpu.memory_space<vmem_shared>> -> memref<104x128xf32, #tpu.memory_space<vmem_shared>>
      tpu.enqueue_dma source(%dma_start3A_271 : memref<104x128xf32, #tpu.memory_space<vmem_shared>>) target(%dma_start3A_269 : memref<104x128xf32, #tpu.memory_space<vmem>>) target_semaphore(%run_scoped3A_261 : memref<!tpu.dma_semaphore, #tpu.memory_space<semaphore_mem>>)
      %dma_wait3A_272 = arith.constant 0 : i32
      %dma_wait3A_273 = arith.constant 0 : i32
      %dma_wait3A_274 = tpu.memref_slice %arg8[%dma_wait3A_272, %dma_wait3A_273] : memref<125x128xf32, #tpu.memory_space<vmem>> -> memref<104x128xf32, #tpu.memory_space<vmem>>
      %dma_wait3A_275 = arith.constant 0 : i32
      %dma_wait3A_276 = tpu.memref_slice %arg9[%add3A_75, %dma_wait3A_275] : memref<10000x128xf32, #tpu.memory_space<vmem_shared>> -> memref<104x128xf32, #tpu.memory_space<vmem_shared>>
      %dma_wait3A_277 = arith.constant 0 : i32
      %dma_wait3A_278 = arith.constant 0 : i32
      %dma_wait3A_279 = tpu.memref_slice %arg8[%dma_wait3A_277, %dma_wait3A_278] : memref<125x128xf32, #tpu.memory_space<vmem>> -> memref<104x128xf32, #tpu.memory_space<vmem>>
      %dma_wait3A_280 = arith.constant 0 : i32
      %dma_wait3A_281 = tpu.memref_slice %arg9[%add3A_75, %dma_wait3A_280] : memref<10000x128xf32, #tpu.memory_space<vmem_shared>> -> memref<104x128xf32, #tpu.memory_space<vmem_shared>>
      tpu.wait_dma2 semaphore(%run_scoped3A_261 : memref<!tpu.dma_semaphore, #tpu.memory_space<semaphore_mem>>) src(%dma_wait3A_281 : memref<104x128xf32, #tpu.memory_space<vmem_shared>>) dst(%dma_wait3A_279 : memref<104x128xf32, #tpu.memory_space<vmem>>)
      tpu.yield
    }) : () -> ()
    %mul3A_76 = arith.constant 624 : i32
    %mul3A_77 = arith.muli %arg1, %mul3A_76 : i32
    %add3A_78 = arith.constant 104 : i32
    %add3A_79 = arith.addi %mul3A_77, %add3A_78 : i32
    %dma_start3A_80 = arith.constant 0 : i32
    %dma_start3A_81 = arith.constant 0 : i32
    %dma_start3A_82 = tpu.memref_slice %arg8[%dma_start3A_80, %dma_start3A_81] : memref<125x128xf32, #tpu.memory_space<vmem>> -> memref<104x128xf32, #tpu.memory_space<vmem>>
    %dma_start3A_83 = arith.constant 0 : i32
    %dma_start3A_84 = tpu.memref_slice %arg4[%arg0, %add3A_79, %dma_start3A_83] : memref<2x10000x128xf32, #tpu.memory_space<hbm>> -> memref<1x104x128xf32, #tpu.memory_space<hbm>>
    %dma_start3A_85 = tpu.memref_squeeze %dma_start3A_84 : memref<1x104x128xf32, #tpu.memory_space<hbm>> -> memref<104x128xf32, #tpu.memory_space<hbm>>
    %dma_start3A_86 = arith.constant 0 : i32
    %dma_start3A_87 = tpu.memref_slice %arg4[%arg0, %add3A_79, %dma_start3A_86] : memref<2x10000x128xf32, #tpu.memory_space<hbm>> -> memref<1x104x128xf32, #tpu.memory_space<hbm>>
    %dma_start3A_88 = tpu.memref_squeeze %dma_start3A_87 : memref<1x104x128xf32, #tpu.memory_space<hbm>> -> memref<104x128xf32, #tpu.memory_space<hbm>>
    %dma_start3A_89 = arith.constant 0 : i32
    %dma_start3A_90 = arith.constant 0 : i32
    %dma_start3A_91 = tpu.memref_slice %arg8[%dma_start3A_89, %dma_start3A_90] : memref<125x128xf32, #tpu.memory_space<vmem>> -> memref<104x128xf32, #tpu.memory_space<vmem>>
    tpu.enqueue_dma source(%dma_start3A_91 : memref<104x128xf32, #tpu.memory_space<vmem>>) target(%dma_start3A_88 : memref<104x128xf32, #tpu.memory_space<hbm>>) target_semaphore(%arg13 : memref<!tpu.dma_semaphore, #tpu.memory_space<semaphore_mem>>)
    %mul3A_92 = arith.constant 624 : i32
    %mul3A_93 = arith.muli %arg1, %mul3A_92 : i32
    %dma_wait3A_94 = arith.constant 0 : i32
    %dma_wait3A_95 = arith.constant 0 : i32
    %dma_wait3A_96 = tpu.memref_slice %arg7[%dma_wait3A_94, %dma_wait3A_95] : memref<125x128xf32, #tpu.memory_space<vmem>> -> memref<104x128xf32, #tpu.memory_space<vmem>>
    %dma_wait3A_97 = arith.constant 0 : i32
    %dma_wait3A_98 = tpu.memref_slice %arg4[%arg0, %mul3A_93, %dma_wait3A_97] : memref<2x10000x128xf32, #tpu.memory_space<hbm>> -> memref<1x104x128xf32, #tpu.memory_space<hbm>>
    %dma_wait3A_99 = tpu.memref_squeeze %dma_wait3A_98 : memref<1x104x128xf32, #tpu.memory_space<hbm>> -> memref<104x128xf32, #tpu.memory_space<hbm>>
    %dma_wait3A_100 = arith.constant 0 : i32
    %dma_wait3A_101 = tpu.memref_slice %arg4[%arg0, %mul3A_93, %dma_wait3A_100] : memref<2x10000x128xf32, #tpu.memory_space<hbm>> -> memref<1x104x128xf32, #tpu.memory_space<hbm>>
    %dma_wait3A_102 = tpu.memref_squeeze %dma_wait3A_101 : memref<1x104x128xf32, #tpu.memory_space<hbm>> -> memref<104x128xf32, #tpu.memory_space<hbm>>
    %dma_wait3A_103 = arith.constant 0 : i32
    %dma_wait3A_104 = arith.constant 0 : i32
    %dma_wait3A_105 = tpu.memref_slice %arg7[%dma_wait3A_103, %dma_wait3A_104] : memref<125x128xf32, #tpu.memory_space<vmem>> -> memref<104x128xf32, #tpu.memory_space<vmem>>
    tpu.wait_dma2 semaphore(%arg12 : memref<!tpu.dma_semaphore, #tpu.memory_space<semaphore_mem>>) src(%dma_wait3A_105 : memref<104x128xf32, #tpu.memory_space<vmem>>) dst(%dma_wait3A_102 : memref<104x128xf32, #tpu.memory_space<hbm>>)
    %mul3A_106 = arith.constant 624 : i32
    %mul3A_107 = arith.muli %arg1, %mul3A_106 : i32
    %add3A_108 = arith.constant 208 : i32
    %add3A_109 = arith.addi %mul3A_107, %add3A_108 : i32
    "tpu.region"() ({
      %run_scoped3A_261 = tpu.sem_alloc : memref<!tpu.dma_semaphore, #tpu.memory_space<semaphore_mem>>
      %dma_start3A_262 = arith.constant 0 : i32
      %dma_start3A_263 = arith.constant 0 : i32
      %dma_start3A_264 = tpu.memref_slice %arg7[%dma_start3A_262, %dma_start3A_263] : memref<125x128xf32, #tpu.memory_space<vmem>> -> memref<104x128xf32, #tpu.memory_space<vmem>>
      %dma_start3A_265 = arith.constant 0 : i32
      %dma_start3A_266 = tpu.memref_slice %arg9[%add3A_109, %dma_start3A_265] : memref<10000x128xf32, #tpu.memory_space<vmem_shared>> -> memref<104x128xf32, #tpu.memory_space<vmem_shared>>
      %dma_start3A_267 = arith.constant 0 : i32
      %dma_start3A_268 = arith.constant 0 : i32
      %dma_start3A_269 = tpu.memref_slice %arg7[%dma_start3A_267, %dma_start3A_268] : memref<125x128xf32, #tpu.memory_space<vmem>> -> memref<104x128xf32, #tpu.memory_space<vmem>>
      %dma_start3A_270 = arith.constant 0 : i32
      %dma_start3A_271 = tpu.memref_slice %arg9[%add3A_109, %dma_start3A_270] : memref<10000x128xf32, #tpu.memory_space<vmem_shared>> -> memref<104x128xf32, #tpu.memory_space<vmem_shared>>
      tpu.enqueue_dma source(%dma_start3A_271 : memref<104x128xf32, #tpu.memory_space<vmem_shared>>) target(%dma_start3A_269 : memref<104x128xf32, #tpu.memory_space<vmem>>) target_semaphore(%run_scoped3A_261 : memref<!tpu.dma_semaphore, #tpu.memory_space<semaphore_mem>>)
      %dma_wait3A_272 = arith.constant 0 : i32
      %dma_wait3A_273 = arith.constant 0 : i32
      %dma_wait3A_274 = tpu.memref_slice %arg7[%dma_wait3A_272, %dma_wait3A_273] : memref<125x128xf32, #tpu.memory_space<vmem>> -> memref<104x128xf32, #tpu.memory_space<vmem>>
      %dma_wait3A_275 = arith.constant 0 : i32
      %dma_wait3A_276 = tpu.memref_slice %arg9[%add3A_109, %dma_wait3A_275] : memref<10000x128xf32, #tpu.memory_space<vmem_shared>> -> memref<104x128xf32, #tpu.memory_space<vmem_shared>>
      %dma_wait3A_277 = arith.constant 0 : i32
      %dma_wait3A_278 = arith.constant 0 : i32
      %dma_wait3A_279 = tpu.memref_slice %arg7[%dma_wait3A_277, %dma_wait3A_278] : memref<125x128xf32, #tpu.memory_space<vmem>> -> memref<104x128xf32, #tpu.memory_space<vmem>>
      %dma_wait3A_280 = arith.constant 0 : i32
      %dma_wait3A_281 = tpu.memref_slice %arg9[%add3A_109, %dma_wait3A_280] : memref<10000x128xf32, #tpu.memory_space<vmem_shared>> -> memref<104x128xf32, #tpu.memory_space<vmem_shared>>
      tpu.wait_dma2 semaphore(%run_scoped3A_261 : memref<!tpu.dma_semaphore, #tpu.memory_space<semaphore_mem>>) src(%dma_wait3A_281 : memref<104x128xf32, #tpu.memory_space<vmem_shared>>) dst(%dma_wait3A_279 : memref<104x128xf32, #tpu.memory_space<vmem>>)
      tpu.yield
    }) : () -> ()
    %mul3A_110 = arith.constant 624 : i32
    %mul3A_111 = arith.muli %arg1, %mul3A_110 : i32
    %add3A_112 = arith.constant 208 : i32
    %add3A_113 = arith.addi %mul3A_111, %add3A_112 : i32
    %dma_start3A_114 = arith.constant 0 : i32
    %dma_start3A_115 = arith.constant 0 : i32
    %dma_start3A_116 = tpu.memref_slice %arg7[%dma_start3A_114, %dma_start3A_115] : memref<125x128xf32, #tpu.memory_space<vmem>> -> memref<104x128xf32, #tpu.memory_space<vmem>>
    %dma_start3A_117 = arith.constant 0 : i32
    %dma_start3A_118 = tpu.memref_slice %arg4[%arg0, %add3A_113, %dma_start3A_117] : memref<2x10000x128xf32, #tpu.memory_space<hbm>> -> memref<1x104x128xf32, #tpu.memory_space<hbm>>
    %dma_start3A_119 = tpu.memref_squeeze %dma_start3A_118 : memref<1x104x128xf32, #tpu.memory_space<hbm>> -> memref<104x128xf32, #tpu.memory_space<hbm>>
    %dma_start3A_120 = arith.constant 0 : i32
    %dma_start3A_121 = tpu.memref_slice %arg4[%arg0, %add3A_113, %dma_start3A_120] : memref<2x10000x128xf32, #tpu.memory_space<hbm>> -> memref<1x104x128xf32, #tpu.memory_space<hbm>>
    %dma_start3A_122 = tpu.memref_squeeze %dma_start3A_121 : memref<1x104x128xf32, #tpu.memory_space<hbm>> -> memref<104x128xf32, #tpu.memory_space<hbm>>
    %dma_start3A_123 = arith.constant 0 : i32
    %dma_start3A_124 = arith.constant 0 : i32
    %dma_start3A_125 = tpu.memref_slice %arg7[%dma_start3A_123, %dma_start3A_124] : memref<125x128xf32, #tpu.memory_space<vmem>> -> memref<104x128xf32, #tpu.memory_space<vmem>>
    tpu.enqueue_dma source(%dma_start3A_125 : memref<104x128xf32, #tpu.memory_space<vmem>>) target(%dma_start3A_122 : memref<104x128xf32, #tpu.memory_space<hbm>>) target_semaphore(%arg12 : memref<!tpu.dma_semaphore, #tpu.memory_space<semaphore_mem>>)
    %mul3A_126 = arith.constant 624 : i32
    %mul3A_127 = arith.muli %arg1, %mul3A_126 : i32
    %dma_wait3A_128 = arith.constant 0 : i32
    %dma_wait3A_129 = arith.constant 0 : i32
    %dma_wait3A_130 = tpu.memref_slice %arg8[%dma_wait3A_128, %dma_wait3A_129] : memref<125x128xf32, #tpu.memory_space<vmem>> -> memref<104x128xf32, #tpu.memory_space<vmem>>
    %dma_wait3A_131 = arith.constant 0 : i32
    %dma_wait3A_132 = tpu.memref_slice %arg4[%arg0, %mul3A_127, %dma_wait3A_131] : memref<2x10000x128xf32, #tpu.memory_space<hbm>> -> memref<1x104x128xf32, #tpu.memory_space<hbm>>
    %dma_wait3A_133 = tpu.memref_squeeze %dma_wait3A_132 : memref<1x104x128xf32, #tpu.memory_space<hbm>> -> memref<104x128xf32, #tpu.memory_space<hbm>>
    %dma_wait3A_134 = arith.constant 0 : i32
    %dma_wait3A_135 = tpu.memref_slice %arg4[%arg0, %mul3A_127, %dma_wait3A_134] : memref<2x10000x128xf32, #tpu.memory_space<hbm>> -> memref<1x104x128xf32, #tpu.memory_space<hbm>>
    %dma_wait3A_136 = tpu.memref_squeeze %dma_wait3A_135 : memref<1x104x128xf32, #tpu.memory_space<hbm>> -> memref<104x128xf32, #tpu.memory_space<hbm>>
    %dma_wait3A_137 = arith.constant 0 : i32
    %dma_wait3A_138 = arith.constant 0 : i32
    %dma_wait3A_139 = tpu.memref_slice %arg8[%dma_wait3A_137, %dma_wait3A_138] : memref<125x128xf32, #tpu.memory_space<vmem>> -> memref<104x128xf32, #tpu.memory_space<vmem>>
    tpu.wait_dma2 semaphore(%arg13 : memref<!tpu.dma_semaphore, #tpu.memory_space<semaphore_mem>>) src(%dma_wait3A_139 : memref<104x128xf32, #tpu.memory_space<vmem>>) dst(%dma_wait3A_136 : memref<104x128xf32, #tpu.memory_space<hbm>>)
    %mul3A_140 = arith.constant 624 : i32
    %mul3A_141 = arith.muli %arg1, %mul3A_140 : i32
    %add3A_142 = arith.constant 312 : i32
    %add3A_143 = arith.addi %mul3A_141, %add3A_142 : i32
    "tpu.region"() ({
      %run_scoped3A_261 = tpu.sem_alloc : memref<!tpu.dma_semaphore, #tpu.memory_space<semaphore_mem>>
      %dma_start3A_262 = arith.constant 0 : i32
      %dma_start3A_263 = arith.constant 0 : i32
      %dma_start3A_264 = tpu.memref_slice %arg8[%dma_start3A_262, %dma_start3A_263] : memref<125x128xf32, #tpu.memory_space<vmem>> -> memref<104x128xf32, #tpu.memory_space<vmem>>
      %dma_start3A_265 = arith.constant 0 : i32
      %dma_start3A_266 = tpu.memref_slice %arg9[%add3A_143, %dma_start3A_265] : memref<10000x128xf32, #tpu.memory_space<vmem_shared>> -> memref<104x128xf32, #tpu.memory_space<vmem_shared>>
      %dma_start3A_267 = arith.constant 0 : i32
      %dma_start3A_268 = arith.constant 0 : i32
      %dma_start3A_269 = tpu.memref_slice %arg8[%dma_start3A_267, %dma_start3A_268] : memref<125x128xf32, #tpu.memory_space<vmem>> -> memref<104x128xf32, #tpu.memory_space<vmem>>
      %dma_start3A_270 = arith.constant 0 : i32
      %dma_start3A_271 = tpu.memref_slice %arg9[%add3A_143, %dma_start3A_270] : memref<10000x128xf32, #tpu.memory_space<vmem_shared>> -> memref<104x128xf32, #tpu.memory_space<vmem_shared>>
      tpu.enqueue_dma source(%dma_start3A_271 : memref<104x128xf32, #tpu.memory_space<vmem_shared>>) target(%dma_start3A_269 : memref<104x128xf32, #tpu.memory_space<vmem>>) target_semaphore(%run_scoped3A_261 : memref<!tpu.dma_semaphore, #tpu.memory_space<semaphore_mem>>)
      %dma_wait3A_272 = arith.constant 0 : i32
      %dma_wait3A_273 = arith.constant 0 : i32
      %dma_wait3A_274 = tpu.memref_slice %arg8[%dma_wait3A_272, %dma_wait3A_273] : memref<125x128xf32, #tpu.memory_space<vmem>> -> memref<104x128xf32, #tpu.memory_space<vmem>>
      %dma_wait3A_275 = arith.constant 0 : i32
      %dma_wait3A_276 = tpu.memref_slice %arg9[%add3A_143, %dma_wait3A_275] : memref<10000x128xf32, #tpu.memory_space<vmem_shared>> -> memref<104x128xf32, #tpu.memory_space<vmem_shared>>
      %dma_wait3A_277 = arith.constant 0 : i32
      %dma_wait3A_278 = arith.constant 0 : i32
      %dma_wait3A_279 = tpu.memref_slice %arg8[%dma_wait3A_277, %dma_wait3A_278] : memref<125x128xf32, #tpu.memory_space<vmem>> -> memref<104x128xf32, #tpu.memory_space<vmem>>
      %dma_wait3A_280 = arith.constant 0 : i32
      %dma_wait3A_281 = tpu.memref_slice %arg9[%add3A_143, %dma_wait3A_280] : memref<10000x128xf32, #tpu.memory_space<vmem_shared>> -> memref<104x128xf32, #tpu.memory_space<vmem_shared>>
      tpu.wait_dma2 semaphore(%run_scoped3A_261 : memref<!tpu.dma_semaphore, #tpu.memory_space<semaphore_mem>>) src(%dma_wait3A_281 : memref<104x128xf32, #tpu.memory_space<vmem_shared>>) dst(%dma_wait3A_279 : memref<104x128xf32, #tpu.memory_space<vmem>>)
      tpu.yield
    }) : () -> ()
    %mul3A_144 = arith.constant 624 : i32
    %mul3A_145 = arith.muli %arg1, %mul3A_144 : i32
    %add3A_146 = arith.constant 312 : i32
    %add3A_147 = arith.addi %mul3A_145, %add3A_146 : i32
    %dma_start3A_148 = arith.constant 0 : i32
    %dma_start3A_149 = arith.constant 0 : i32
    %dma_start3A_150 = tpu.memref_slice %arg8[%dma_start3A_148, %dma_start3A_149] : memref<125x128xf32, #tpu.memory_space<vmem>> -> memref<104x128xf32, #tpu.memory_space<vmem>>
    %dma_start3A_151 = arith.constant 0 : i32
    %dma_start3A_152 = tpu.memref_slice %arg4[%arg0, %add3A_147, %dma_start3A_151] : memref<2x10000x128xf32, #tpu.memory_space<hbm>> -> memref<1x104x128xf32, #tpu.memory_space<hbm>>
    %dma_start3A_153 = tpu.memref_squeeze %dma_start3A_152 : memref<1x104x128xf32, #tpu.memory_space<hbm>> -> memref<104x128xf32, #tpu.memory_space<hbm>>
    %dma_start3A_154 = arith.constant 0 : i32
    %dma_start3A_155 = tpu.memref_slice %arg4[%arg0, %add3A_147, %dma_start3A_154] : memref<2x10000x128xf32, #tpu.memory_space<hbm>> -> memref<1x104x128xf32, #tpu.memory_space<hbm>>
    %dma_start3A_156 = tpu.memref_squeeze %dma_start3A_155 : memref<1x104x128xf32, #tpu.memory_space<hbm>> -> memref<104x128xf32, #tpu.memory_space<hbm>>
    %dma_start3A_157 = arith.constant 0 : i32
    %dma_start3A_158 = arith.constant 0 : i32
    %dma_start3A_159 = tpu.memref_slice %arg8[%dma_start3A_157, %dma_start3A_158] : memref<125x128xf32, #tpu.memory_space<vmem>> -> memref<104x128xf32, #tpu.memory_space<vmem>>
    tpu.enqueue_dma source(%dma_start3A_159 : memref<104x128xf32, #tpu.memory_space<vmem>>) target(%dma_start3A_156 : memref<104x128xf32, #tpu.memory_space<hbm>>) target_semaphore(%arg13 : memref<!tpu.dma_semaphore, #tpu.memory_space<semaphore_mem>>)
    %mul3A_160 = arith.constant 624 : i32
    %mul3A_161 = arith.muli %arg1, %mul3A_160 : i32
    %dma_wait3A_162 = arith.constant 0 : i32
    %dma_wait3A_163 = arith.constant 0 : i32
    %dma_wait3A_164 = tpu.memref_slice %arg7[%dma_wait3A_162, %dma_wait3A_163] : memref<125x128xf32, #tpu.memory_space<vmem>> -> memref<104x128xf32, #tpu.memory_space<vmem>>
    %dma_wait3A_165 = arith.constant 0 : i32
    %dma_wait3A_166 = tpu.memref_slice %arg4[%arg0, %mul3A_161, %dma_wait3A_165] : memref<2x10000x128xf32, #tpu.memory_space<hbm>> -> memref<1x104x128xf32, #tpu.memory_space<hbm>>
    %dma_wait3A_167 = tpu.memref_squeeze %dma_wait3A_166 : memref<1x104x128xf32, #tpu.memory_space<hbm>> -> memref<104x128xf32, #tpu.memory_space<hbm>>
    %dma_wait3A_168 = arith.constant 0 : i32
    %dma_wait3A_169 = tpu.memref_slice %arg4[%arg0, %mul3A_161, %dma_wait3A_168] : memref<2x10000x128xf32, #tpu.memory_space<hbm>> -> memref<1x104x128xf32, #tpu.memory_space<hbm>>
    %dma_wait3A_170 = tpu.memref_squeeze %dma_wait3A_169 : memref<1x104x128xf32, #tpu.memory_space<hbm>> -> memref<104x128xf32, #tpu.memory_space<hbm>>
    %dma_wait3A_171 = arith.constant 0 : i32
    %dma_wait3A_172 = arith.constant 0 : i32
    %dma_wait3A_173 = tpu.memref_slice %arg7[%dma_wait3A_171, %dma_wait3A_172] : memref<125x128xf32, #tpu.memory_space<vmem>> -> memref<104x128xf32, #tpu.memory_space<vmem>>
    tpu.wait_dma2 semaphore(%arg12 : memref<!tpu.dma_semaphore, #tpu.memory_space<semaphore_mem>>) src(%dma_wait3A_173 : memref<104x128xf32, #tpu.memory_space<vmem>>) dst(%dma_wait3A_170 : memref<104x128xf32, #tpu.memory_space<hbm>>)
    %mul3A_174 = arith.constant 624 : i32
    %mul3A_175 = arith.muli %arg1, %mul3A_174 : i32
    %add3A_176 = arith.constant 416 : i32
    %add3A_177 = arith.addi %mul3A_175, %add3A_176 : i32
    "tpu.region"() ({
      %run_scoped3A_261 = tpu.sem_alloc : memref<!tpu.dma_semaphore, #tpu.memory_space<semaphore_mem>>
      %dma_start3A_262 = arith.constant 0 : i32
      %dma_start3A_263 = arith.constant 0 : i32
      %dma_start3A_264 = tpu.memref_slice %arg7[%dma_start3A_262, %dma_start3A_263] : memref<125x128xf32, #tpu.memory_space<vmem>> -> memref<104x128xf32, #tpu.memory_space<vmem>>
      %dma_start3A_265 = arith.constant 0 : i32
      %dma_start3A_266 = tpu.memref_slice %arg9[%add3A_177, %dma_start3A_265] : memref<10000x128xf32, #tpu.memory_space<vmem_shared>> -> memref<104x128xf32, #tpu.memory_space<vmem_shared>>
      %dma_start3A_267 = arith.constant 0 : i32
      %dma_start3A_268 = arith.constant 0 : i32
      %dma_start3A_269 = tpu.memref_slice %arg7[%dma_start3A_267, %dma_start3A_268] : memref<125x128xf32, #tpu.memory_space<vmem>> -> memref<104x128xf32, #tpu.memory_space<vmem>>
      %dma_start3A_270 = arith.constant 0 : i32
      %dma_start3A_271 = tpu.memref_slice %arg9[%add3A_177, %dma_start3A_270] : memref<10000x128xf32, #tpu.memory_space<vmem_shared>> -> memref<104x128xf32, #tpu.memory_space<vmem_shared>>
      tpu.enqueue_dma source(%dma_start3A_271 : memref<104x128xf32, #tpu.memory_space<vmem_shared>>) target(%dma_start3A_269 : memref<104x128xf32, #tpu.memory_space<vmem>>) target_semaphore(%run_scoped3A_261 : memref<!tpu.dma_semaphore, #tpu.memory_space<semaphore_mem>>)
      %dma_wait3A_272 = arith.constant 0 : i32
      %dma_wait3A_273 = arith.constant 0 : i32
      %dma_wait3A_274 = tpu.memref_slice %arg7[%dma_wait3A_272, %dma_wait3A_273] : memref<125x128xf32, #tpu.memory_space<vmem>> -> memref<104x128xf32, #tpu.memory_space<vmem>>
      %dma_wait3A_275 = arith.constant 0 : i32
      %dma_wait3A_276 = tpu.memref_slice %arg9[%add3A_177, %dma_wait3A_275] : memref<10000x128xf32, #tpu.memory_space<vmem_shared>> -> memref<104x128xf32, #tpu.memory_space<vmem_shared>>
      %dma_wait3A_277 = arith.constant 0 : i32
      %dma_wait3A_278 = arith.constant 0 : i32
      %dma_wait3A_279 = tpu.memref_slice %arg7[%dma_wait3A_277, %dma_wait3A_278] : memref<125x128xf32, #tpu.memory_space<vmem>> -> memref<104x128xf32, #tpu.memory_space<vmem>>
      %dma_wait3A_280 = arith.constant 0 : i32
      %dma_wait3A_281 = tpu.memref_slice %arg9[%add3A_177, %dma_wait3A_280] : memref<10000x128xf32, #tpu.memory_space<vmem_shared>> -> memref<104x128xf32, #tpu.memory_space<vmem_shared>>
      tpu.wait_dma2 semaphore(%run_scoped3A_261 : memref<!tpu.dma_semaphore, #tpu.memory_space<semaphore_mem>>) src(%dma_wait3A_281 : memref<104x128xf32, #tpu.memory_space<vmem_shared>>) dst(%dma_wait3A_279 : memref<104x128xf32, #tpu.memory_space<vmem>>)
      tpu.yield
    }) : () -> ()
    %mul3A_178 = arith.constant 624 : i32
    %mul3A_179 = arith.muli %arg1, %mul3A_178 : i32
    %add3A_180 = arith.constant 416 : i32
    %add3A_181 = arith.addi %mul3A_179, %add3A_180 : i32
    %dma_start3A_182 = arith.constant 0 : i32
    %dma_start3A_183 = arith.constant 0 : i32
    %dma_start3A_184 = tpu.memref_slice %arg7[%dma_start3A_182, %dma_start3A_183] : memref<125x128xf32, #tpu.memory_space<vmem>> -> memref<104x128xf32, #tpu.memory_space<vmem>>
    %dma_start3A_185 = arith.constant 0 : i32
    %dma_start3A_186 = tpu.memref_slice %arg4[%arg0, %add3A_181, %dma_start3A_185] : memref<2x10000x128xf32, #tpu.memory_space<hbm>> -> memref<1x104x128xf32, #tpu.memory_space<hbm>>
    %dma_start3A_187 = tpu.memref_squeeze %dma_start3A_186 : memref<1x104x128xf32, #tpu.memory_space<hbm>> -> memref<104x128xf32, #tpu.memory_space<hbm>>
    %dma_start3A_188 = arith.constant 0 : i32
    %dma_start3A_189 = tpu.memref_slice %arg4[%arg0, %add3A_181, %dma_start3A_188] : memref<2x10000x128xf32, #tpu.memory_space<hbm>> -> memref<1x104x128xf32, #tpu.memory_space<hbm>>
    %dma_start3A_190 = tpu.memref_squeeze %dma_start3A_189 : memref<1x104x128xf32, #tpu.memory_space<hbm>> -> memref<104x128xf32, #tpu.memory_space<hbm>>
    %dma_start3A_191 = arith.constant 0 : i32
    %dma_start3A_192 = arith.constant 0 : i32
    %dma_start3A_193 = tpu.memref_slice %arg7[%dma_start3A_191, %dma_start3A_192] : memref<125x128xf32, #tpu.memory_space<vmem>> -> memref<104x128xf32, #tpu.memory_space<vmem>>
    tpu.enqueue_dma source(%dma_start3A_193 : memref<104x128xf32, #tpu.memory_space<vmem>>) target(%dma_start3A_190 : memref<104x128xf32, #tpu.memory_space<hbm>>) target_semaphore(%arg12 : memref<!tpu.dma_semaphore, #tpu.memory_space<semaphore_mem>>)
    %mul3A_194 = arith.constant 624 : i32
    %mul3A_195 = arith.muli %arg1, %mul3A_194 : i32
    %dma_wait3A_196 = arith.constant 0 : i32
    %dma_wait3A_197 = arith.constant 0 : i32
    %dma_wait3A_198 = tpu.memref_slice %arg8[%dma_wait3A_196, %dma_wait3A_197] : memref<125x128xf32, #tpu.memory_space<vmem>> -> memref<104x128xf32, #tpu.memory_space<vmem>>
    %dma_wait3A_199 = arith.constant 0 : i32
    %dma_wait3A_200 = tpu.memref_slice %arg4[%arg0, %mul3A_195, %dma_wait3A_199] : memref<2x10000x128xf32, #tpu.memory_space<hbm>> -> memref<1x104x128xf32, #tpu.memory_space<hbm>>
    %dma_wait3A_201 = tpu.memref_squeeze %dma_wait3A_200 : memref<1x104x128xf32, #tpu.memory_space<hbm>> -> memref<104x128xf32, #tpu.memory_space<hbm>>
    %dma_wait3A_202 = arith.constant 0 : i32
    %dma_wait3A_203 = tpu.memref_slice %arg4[%arg0, %mul3A_195, %dma_wait3A_202] : memref<2x10000x128xf32, #tpu.memory_space<hbm>> -> memref<1x104x128xf32, #tpu.memory_space<hbm>>
    %dma_wait3A_204 = tpu.memref_squeeze %dma_wait3A_203 : memref<1x104x128xf32, #tpu.memory_space<hbm>> -> memref<104x128xf32, #tpu.memory_space<hbm>>
    %dma_wait3A_205 = arith.constant 0 : i32
    %dma_wait3A_206 = arith.constant 0 : i32
    %dma_wait3A_207 = tpu.memref_slice %arg8[%dma_wait3A_205, %dma_wait3A_206] : memref<125x128xf32, #tpu.memory_space<vmem>> -> memref<104x128xf32, #tpu.memory_space<vmem>>
    tpu.wait_dma2 semaphore(%arg13 : memref<!tpu.dma_semaphore, #tpu.memory_space<semaphore_mem>>) src(%dma_wait3A_207 : memref<104x128xf32, #tpu.memory_space<vmem>>) dst(%dma_wait3A_204 : memref<104x128xf32, #tpu.memory_space<hbm>>)
    %mul3A_208 = arith.constant 624 : i32
    %mul3A_209 = arith.muli %arg1, %mul3A_208 : i32
    %add3A_210 = arith.constant 520 : i32
    %add3A_211 = arith.addi %mul3A_209, %add3A_210 : i32
    "tpu.region"() ({
      %run_scoped3A_261 = tpu.sem_alloc : memref<!tpu.dma_semaphore, #tpu.memory_space<semaphore_mem>>
      %dma_start3A_262 = arith.constant 0 : i32
      %dma_start3A_263 = arith.constant 0 : i32
      %dma_start3A_264 = tpu.memref_slice %arg8[%dma_start3A_262, %dma_start3A_263] : memref<125x128xf32, #tpu.memory_space<vmem>> -> memref<104x128xf32, #tpu.memory_space<vmem>>
      %dma_start3A_265 = arith.constant 0 : i32
      %dma_start3A_266 = tpu.memref_slice %arg9[%add3A_211, %dma_start3A_265] : memref<10000x128xf32, #tpu.memory_space<vmem_shared>> -> memref<104x128xf32, #tpu.memory_space<vmem_shared>>
      %dma_start3A_267 = arith.constant 0 : i32
      %dma_start3A_268 = arith.constant 0 : i32
      %dma_start3A_269 = tpu.memref_slice %arg8[%dma_start3A_267, %dma_start3A_268] : memref<125x128xf32, #tpu.memory_space<vmem>> -> memref<104x128xf32, #tpu.memory_space<vmem>>
      %dma_start3A_270 = arith.constant 0 : i32
      %dma_start3A_271 = tpu.memref_slice %arg9[%add3A_211, %dma_start3A_270] : memref<10000x128xf32, #tpu.memory_space<vmem_shared>> -> memref<104x128xf32, #tpu.memory_space<vmem_shared>>
      tpu.enqueue_dma source(%dma_start3A_271 : memref<104x128xf32, #tpu.memory_space<vmem_shared>>) target(%dma_start3A_269 : memref<104x128xf32, #tpu.memory_space<vmem>>) target_semaphore(%run_scoped3A_261 : memref<!tpu.dma_semaphore, #tpu.memory_space<semaphore_mem>>)
      %dma_wait3A_272 = arith.constant 0 : i32
      %dma_wait3A_273 = arith.constant 0 : i32
      %dma_wait3A_274 = tpu.memref_slice %arg8[%dma_wait3A_272, %dma_wait3A_273] : memref<125x128xf32, #tpu.memory_space<vmem>> -> memref<104x128xf32, #tpu.memory_space<vmem>>
      %dma_wait3A_275 = arith.constant 0 : i32
      %dma_wait3A_276 = tpu.memref_slice %arg9[%add3A_211, %dma_wait3A_275] : memref<10000x128xf32, #tpu.memory_space<vmem_shared>> -> memref<104x128xf32, #tpu.memory_space<vmem_shared>>
      %dma_wait3A_277 = arith.constant 0 : i32
      %dma_wait3A_278 = arith.constant 0 : i32
      %dma_wait3A_279 = tpu.memref_slice %arg8[%dma_wait3A_277, %dma_wait3A_278] : memref<125x128xf32, #tpu.memory_space<vmem>> -> memref<104x128xf32, #tpu.memory_space<vmem>>
      %dma_wait3A_280 = arith.constant 0 : i32
      %dma_wait3A_281 = tpu.memref_slice %arg9[%add3A_211, %dma_wait3A_280] : memref<10000x128xf32, #tpu.memory_space<vmem_shared>> -> memref<104x128xf32, #tpu.memory_space<vmem_shared>>
      tpu.wait_dma2 semaphore(%run_scoped3A_261 : memref<!tpu.dma_semaphore, #tpu.memory_space<semaphore_mem>>) src(%dma_wait3A_281 : memref<104x128xf32, #tpu.memory_space<vmem_shared>>) dst(%dma_wait3A_279 : memref<104x128xf32, #tpu.memory_space<vmem>>)
      tpu.yield
    }) : () -> ()
    %mul3A_212 = arith.constant 624 : i32
    %mul3A_213 = arith.muli %arg1, %mul3A_212 : i32
    %add3A_214 = arith.constant 520 : i32
    %add3A_215 = arith.addi %mul3A_213, %add3A_214 : i32
    %dma_start3A_216 = arith.constant 0 : i32
    %dma_start3A_217 = arith.constant 0 : i32
    %dma_start3A_218 = tpu.memref_slice %arg8[%dma_start3A_216, %dma_start3A_217] : memref<125x128xf32, #tpu.memory_space<vmem>> -> memref<104x128xf32, #tpu.memory_space<vmem>>
    %dma_start3A_219 = arith.constant 0 : i32
    %dma_start3A_220 = tpu.memref_slice %arg4[%arg0, %add3A_215, %dma_start3A_219] : memref<2x10000x128xf32, #tpu.memory_space<hbm>> -> memref<1x104x128xf32, #tpu.memory_space<hbm>>
    %dma_start3A_221 = tpu.memref_squeeze %dma_start3A_220 : memref<1x104x128xf32, #tpu.memory_space<hbm>> -> memref<104x128xf32, #tpu.memory_space<hbm>>
    %dma_start3A_222 = arith.constant 0 : i32
    %dma_start3A_223 = tpu.memref_slice %arg4[%arg0, %add3A_215, %dma_start3A_222] : memref<2x10000x128xf32, #tpu.memory_space<hbm>> -> memref<1x104x128xf32, #tpu.memory_space<hbm>>
    %dma_start3A_224 = tpu.memref_squeeze %dma_start3A_223 : memref<1x104x128xf32, #tpu.memory_space<hbm>> -> memref<104x128xf32, #tpu.memory_space<hbm>>
    %dma_start3A_225 = arith.constant 0 : i32
    %dma_start3A_226 = arith.constant 0 : i32
    %dma_start3A_227 = tpu.memref_slice %arg8[%dma_start3A_225, %dma_start3A_226] : memref<125x128xf32, #tpu.memory_space<vmem>> -> memref<104x128xf32, #tpu.memory_space<vmem>>
    tpu.enqueue_dma source(%dma_start3A_227 : memref<104x128xf32, #tpu.memory_space<vmem>>) target(%dma_start3A_224 : memref<104x128xf32, #tpu.memory_space<hbm>>) target_semaphore(%arg13 : memref<!tpu.dma_semaphore, #tpu.memory_space<semaphore_mem>>)
    %mul3A_228 = arith.constant 624 : i32
    %mul3A_229 = arith.muli %arg1, %mul3A_228 : i32
    %dma_wait3A_230 = arith.constant 0 : i32
    %dma_wait3A_231 = arith.constant 0 : i32
    %dma_wait3A_232 = tpu.memref_slice %arg7[%dma_wait3A_230, %dma_wait3A_231] : memref<125x128xf32, #tpu.memory_space<vmem>> -> memref<104x128xf32, #tpu.memory_space<vmem>>
    %dma_wait3A_233 = arith.constant 0 : i32
    %dma_wait3A_234 = tpu.memref_slice %arg4[%arg0, %mul3A_229, %dma_wait3A_233] : memref<2x10000x128xf32, #tpu.memory_space<hbm>> -> memref<1x104x128xf32, #tpu.memory_space<hbm>>
    %dma_wait3A_235 = tpu.memref_squeeze %dma_wait3A_234 : memref<1x104x128xf32, #tpu.memory_space<hbm>> -> memref<104x128xf32, #tpu.memory_space<hbm>>
    %dma_wait3A_236 = arith.constant 0 : i32
    %dma_wait3A_237 = tpu.memref_slice %arg4[%arg0, %mul3A_229, %dma_wait3A_236] : memref<2x10000x128xf32, #tpu.memory_space<hbm>> -> memref<1x104x128xf32, #tpu.memory_space<hbm>>
    %dma_wait3A_238 = tpu.memref_squeeze %dma_wait3A_237 : memref<1x104x128xf32, #tpu.memory_space<hbm>> -> memref<104x128xf32, #tpu.memory_space<hbm>>
    %dma_wait3A_239 = arith.constant 0 : i32
    %dma_wait3A_240 = arith.constant 0 : i32
    %dma_wait3A_241 = tpu.memref_slice %arg7[%dma_wait3A_239, %dma_wait3A_240] : memref<125x128xf32, #tpu.memory_space<vmem>> -> memref<104x128xf32, #tpu.memory_space<vmem>>
    tpu.wait_dma2 semaphore(%arg12 : memref<!tpu.dma_semaphore, #tpu.memory_space<semaphore_mem>>) src(%dma_wait3A_241 : memref<104x128xf32, #tpu.memory_space<vmem>>) dst(%dma_wait3A_238 : memref<104x128xf32, #tpu.memory_space<hbm>>)
    %mul3A_242 = arith.constant 624 : i32
    %mul3A_243 = arith.muli %arg1, %mul3A_242 : i32
    %dma_wait3A_244 = arith.constant 0 : i32
    %dma_wait3A_245 = arith.constant 0 : i32
    %dma_wait3A_246 = tpu.memref_slice %arg8[%dma_wait3A_244, %dma_wait3A_245] : memref<125x128xf32, #tpu.memory_space<vmem>> -> memref<104x128xf32, #tpu.memory_space<vmem>>
    %dma_wait3A_247 = arith.constant 0 : i32
    %dma_wait3A_248 = tpu.memref_slice %arg4[%arg0, %mul3A_243, %dma_wait3A_247] : memref<2x10000x128xf32, #tpu.memory_space<hbm>> -> memref<1x104x128xf32, #tpu.memory_space<hbm>>
    %dma_wait3A_249 = tpu.memref_squeeze %dma_wait3A_248 : memref<1x104x128xf32, #tpu.memory_space<hbm>> -> memref<104x128xf32, #tpu.memory_space<hbm>>
    %dma_wait3A_250 = arith.constant 0 : i32
    %dma_wait3A_251 = tpu.memref_slice %arg4[%arg0, %mul3A_243, %dma_wait3A_250] : memref<2x10000x128xf32, #tpu.memory_space<hbm>> -> memref<1x104x128xf32, #tpu.memory_space<hbm>>
    %dma_wait3A_252 = tpu.memref_squeeze %dma_wait3A_251 : memref<1x104x128xf32, #tpu.memory_space<hbm>> -> memref<104x128xf32, #tpu.memory_space<hbm>>
    %dma_wait3A_253 = arith.constant 0 : i32
    %dma_wait3A_254 = arith.constant 0 : i32
    %dma_wait3A_255 = tpu.memref_slice %arg8[%dma_wait3A_253, %dma_wait3A_254] : memref<125x128xf32, #tpu.memory_space<vmem>> -> memref<104x128xf32, #tpu.memory_space<vmem>>
    tpu.wait_dma2 semaphore(%arg13 : memref<!tpu.dma_semaphore, #tpu.memory_space<semaphore_mem>>) src(%dma_wait3A_255 : memref<104x128xf32, #tpu.memory_space<vmem>>) dst(%dma_wait3A_252 : memref<104x128xf32, #tpu.memory_space<hbm>>)
    %eq3A_256 = arith.constant 0 : i32
    %eq3A_257 = arith.cmpi eq, %arg1, %eq3A_256 : i32
    %convert_element_type3A_258 = arith.extui %eq3A_257 : i1 to i32
    %cond3A_259 = arith.constant 0 : i32
    %cond3A_260 = arith.cmpi ne, %convert_element_type3A_258, %cond3A_259 : i32
    scf.if %cond3A_260 {
      "tpu.region"() ({
        %run_scoped3A_261 = tpu.sem_alloc : memref<!tpu.dma_semaphore, #tpu.memory_space<semaphore_mem>>
        %dma_start3A_262 = arith.constant 0 : i32
        %dma_start3A_263 = arith.constant 0 : i32
        %dma_start3A_264 = tpu.memref_slice %arg7[%dma_start3A_262, %dma_start3A_263] : memref<125x128xf32, #tpu.memory_space<vmem>> -> memref<16x128xf32, #tpu.memory_space<vmem>>
        %dma_start3A_265 = arith.constant 9984 : i32
        %dma_start3A_266 = arith.constant 0 : i32
        %dma_start3A_267 = tpu.memref_slice %arg9[%dma_start3A_265, %dma_start3A_266] : memref<10000x128xf32, #tpu.memory_space<vmem_shared>> -> memref<16x128xf32, #tpu.memory_space<vmem_shared>>
        %dma_start3A_268 = arith.constant 0 : i32
        %dma_start3A_269 = arith.constant 0 : i32
        %dma_start3A_270 = tpu.memref_slice %arg7[%dma_start3A_268, %dma_start3A_269] : memref<125x128xf32, #tpu.memory_space<vmem>> -> memref<16x128xf32, #tpu.memory_space<vmem>>
        %dma_start3A_271 = arith.constant 9984 : i32
        %dma_start3A_272 = arith.constant 0 : i32
        %dma_start3A_273 = tpu.memref_slice %arg9[%dma_start3A_271, %dma_start3A_272] : memref<10000x128xf32, #tpu.memory_space<vmem_shared>> -> memref<16x128xf32, #tpu.memory_space<vmem_shared>>
        tpu.enqueue_dma source(%dma_start3A_273 : memref<16x128xf32, #tpu.memory_space<vmem_shared>>) target(%dma_start3A_270 : memref<16x128xf32, #tpu.memory_space<vmem>>) target_semaphore(%run_scoped3A_261 : memref<!tpu.dma_semaphore, #tpu.memory_space<semaphore_mem>>)
        %dma_wait3A_274 = arith.constant 0 : i32
        %dma_wait3A_275 = arith.constant 0 : i32
        %dma_wait3A_276 = tpu.memref_slice %arg7[%dma_wait3A_274, %dma_wait3A_275] : memref<125x128xf32, #tpu.memory_space<vmem>> -> memref<16x128xf32, #tpu.memory_space<vmem>>
        %dma_wait3A_277 = arith.constant 9984 : i32
        %dma_wait3A_278 = arith.constant 0 : i32
        %dma_wait3A_279 = tpu.memref_slice %arg9[%dma_wait3A_277, %dma_wait3A_278] : memref<10000x128xf32, #tpu.memory_space<vmem_shared>> -> memref<16x128xf32, #tpu.memory_space<vmem_shared>>
        %dma_wait3A_280 = arith.constant 0 : i32
        %dma_wait3A_281 = arith.constant 0 : i32
        %dma_wait3A_282 = tpu.memref_slice %arg7[%dma_wait3A_280, %dma_wait3A_281] : memref<125x128xf32, #tpu.memory_space<vmem>> -> memref<16x128xf32, #tpu.memory_space<vmem>>
        %dma_wait3A_283 = arith.constant 9984 : i32
        %dma_wait3A_284 = arith.constant 0 : i32
        %dma_wait3A_285 = tpu.memref_slice %arg9[%dma_wait3A_283, %dma_wait3A_284] : memref<10000x128xf32, #tpu.memory_space<vmem_shared>> -> memref<16x128xf32, #tpu.memory_space<vmem_shared>>
        tpu.wait_dma2 semaphore(%run_scoped3A_261 : memref<!tpu.dma_semaphore, #tpu.memory_space<semaphore_mem>>) src(%dma_wait3A_285 : memref<16x128xf32, #tpu.memory_space<vmem_shared>>) dst(%dma_wait3A_282 : memref<16x128xf32, #tpu.memory_space<vmem>>)
        tpu.yield
      }) : () -> ()
      "tpu.region"() ({
        %run_scoped3A_261 = tpu.sem_alloc : memref<!tpu.dma_semaphore, #tpu.memory_space<semaphore_mem>>
        %dma_start3A_262 = arith.constant 0 : i32
        %dma_start3A_263 = arith.constant 0 : i32
        %dma_start3A_264 = tpu.memref_slice %arg7[%dma_start3A_262, %dma_start3A_263] : memref<125x128xf32, #tpu.memory_space<vmem>> -> memref<16x128xf32, #tpu.memory_space<vmem>>
        %dma_start3A_265 = arith.constant 9984 : i32
        %dma_start3A_266 = arith.constant 0 : i32
        %dma_start3A_267 = tpu.memref_slice %arg4[%arg0, %dma_start3A_265, %dma_start3A_266] : memref<2x10000x128xf32, #tpu.memory_space<hbm>> -> memref<1x16x128xf32, #tpu.memory_space<hbm>>
        %dma_start3A_268 = tpu.memref_squeeze %dma_start3A_267 : memref<1x16x128xf32, #tpu.memory_space<hbm>> -> memref<16x128xf32, #tpu.memory_space<hbm>>
        %dma_start3A_269 = arith.constant 9984 : i32
        %dma_start3A_270 = arith.constant 0 : i32
        %dma_start3A_271 = tpu.memref_slice %arg4[%arg0, %dma_start3A_269, %dma_start3A_270] : memref<2x10000x128xf32, #tpu.memory_space<hbm>> -> memref<1x16x128xf32, #tpu.memory_space<hbm>>
        %dma_start3A_272 = tpu.memref_squeeze %dma_start3A_271 : memref<1x16x128xf32, #tpu.memory_space<hbm>> -> memref<16x128xf32, #tpu.memory_space<hbm>>
        %dma_start3A_273 = arith.constant 0 : i32
        %dma_start3A_274 = arith.constant 0 : i32
        %dma_start3A_275 = tpu.memref_slice %arg7[%dma_start3A_273, %dma_start3A_274] : memref<125x128xf32, #tpu.memory_space<vmem>> -> memref<16x128xf32, #tpu.memory_space<vmem>>
        tpu.enqueue_dma source(%dma_start3A_275 : memref<16x128xf32, #tpu.memory_space<vmem>>) target(%dma_start3A_272 : memref<16x128xf32, #tpu.memory_space<hbm>>) target_semaphore(%run_scoped3A_261 : memref<!tpu.dma_semaphore, #tpu.memory_space<semaphore_mem>>)
        %dma_wait3A_276 = arith.constant 0 : i32
        %dma_wait3A_277 = arith.constant 0 : i32
        %dma_wait3A_278 = tpu.memref_slice %arg7[%dma_wait3A_276, %dma_wait3A_277] : memref<125x128xf32, #tpu.memory_space<vmem>> -> memref<16x128xf32, #tpu.memory_space<vmem>>
        %dma_wait3A_279 = arith.constant 9984 : i32
        %dma_wait3A_280 = arith.constant 0 : i32
        %dma_wait3A_281 = tpu.memref_slice %arg4[%arg0, %dma_wait3A_279, %dma_wait3A_280] : memref<2x10000x128xf32, #tpu.memory_space<hbm>> -> memref<1x16x128xf32, #tpu.memory_space<hbm>>
        %dma_wait3A_282 = tpu.memref_squeeze %dma_wait3A_281 : memref<1x16x128xf32, #tpu.memory_space<hbm>> -> memref<16x128xf32, #tpu.memory_space<hbm>>
        %dma_wait3A_283 = arith.constant 9984 : i32
        %dma_wait3A_284 = arith.constant 0 : i32
        %dma_wait3A_285 = tpu.memref_slice %arg4[%arg0, %dma_wait3A_283, %dma_wait3A_284] : memref<2x10000x128xf32, #tpu.memory_space<hbm>> -> memref<1x16x128xf32, #tpu.memory_space<hbm>>
        %dma_wait3A_286 = tpu.memref_squeeze %dma_wait3A_285 : memref<1x16x128xf32, #tpu.memory_space<hbm>> -> memref<16x128xf32, #tpu.memory_space<hbm>>
        %dma_wait3A_287 = arith.constant 0 : i32
        %dma_wait3A_288 = arith.constant 0 : i32
        %dma_wait3A_289 = tpu.memref_slice %arg7[%dma_wait3A_287, %dma_wait3A_288] : memref<125x128xf32, #tpu.memory_space<vmem>> -> memref<16x128xf32, #tpu.memory_space<vmem>>
        tpu.wait_dma2 semaphore(%run_scoped3A_261 : memref<!tpu.dma_semaphore, #tpu.memory_space<semaphore_mem>>) src(%dma_wait3A_289 : memref<16x128xf32, #tpu.memory_space<vmem>>) dst(%dma_wait3A_286 : memref<16x128xf32, #tpu.memory_space<hbm>>)
        tpu.yield
      }) : () -> ()
    } else {
    }
    return
  }
}

module attributes {stable_mosaic.version = 14 : i64} {
  func.func @_tc1_body(%arg0: i32, %arg1: memref<2x2000x1xf32, #tpu.memory_space<vmem>>, %arg2: memref<2000x128xf32, #tpu.memory_space<vmem>>, %arg3: memref<128x128xf32, #tpu.memory_space<vmem>>, %arg4: memref<2000x1xf32, #tpu.memory_space<vmem>>, %arg5: memref<2000x128xf32, #tpu.memory_space<vmem>>) attributes {dimension_semantics = [#tpu.dimension_semantics<arbitrary>], iteration_bounds = array<i64: 5>, scalar_prefetch = 0 : i64, scratch_operands = 0 : i64, tpu.core_type = #tpu.core_type<tc>, window_params = [{transform_indices = @transform_0, window_bounds = array<i64: 2, 2000, 1>}, {transform_indices = @transform_1, window_bounds = array<i64: 2000, 128>}, {pipeline_mode = #tpu.pipeline_mode<synchronous>, transform_indices = @transform_2, window_bounds = array<i64: 128, 128>}, {transform_indices = @transform_3, window_bounds = array<i64: 2000, 1>}, {transform_indices = @transform_4, window_bounds = array<i64: 2000, 128>}]} {
    %get3A = arith.constant 0 : index
    %get3A_0 = arith.constant 0 : index
    %get3A_1 = arith.constant 0 : index
    %get3A_2 = vector.load %arg1[%get3A, %get3A_0, %get3A_1] : memref<2x2000x1xf32, #tpu.memory_space<vmem>>, vector<1x2000x1xf32>
    %get3A_3 = vector.shape_cast %get3A_2 : vector<1x2000x1xf32> to vector<2000x1xf32>
    %get3A_4 = arith.constant 1 : index
    %get3A_5 = arith.constant 0 : index
    %get3A_6 = arith.constant 0 : index
    %get3A_7 = vector.load %arg1[%get3A_4, %get3A_5, %get3A_6] : memref<2x2000x1xf32, #tpu.memory_space<vmem>>, vector<1x2000x1xf32>
    %get3A_8 = vector.shape_cast %get3A_7 : vector<1x2000x1xf32> to vector<2000x1xf32>
    %add3A = arith.addf %get3A_3, %get3A_8 : vector<2000x1xf32>
    %add3A_9 = arith.constant 1.000000e+00 : f32
    %add3A_10 = vector.broadcast %add3A_9 : f32 to vector<2000x1xf32>
    %add3A_11 = arith.addf %add3A, %add3A_10 : vector<2000x1xf32>
    %rsqrt3A = math.rsqrt %add3A_11 : vector<2000x1xf32>
    %get3A_12 = arith.constant 0 : index
    %get3A_13 = arith.constant 0 : index
    %get3A_14 = vector.load %arg2[%get3A_12, %get3A_13] : memref<2000x128xf32, #tpu.memory_space<vmem>>, vector<2000x128xf32>
    %get3A_15 = arith.constant 0 : index
    %get3A_16 = arith.constant 0 : index
    %get3A_17 = vector.load %arg3[%get3A_15, %get3A_16] : memref<128x128xf32, #tpu.memory_space<vmem>>, vector<128x128xf32>
    %dot_general3A = arith.constant dense<0.000000e+00> : vector<2000x128xf32>
    %dot_general3A_18 = tpu.matmul %get3A_14, %get3A_17, %dot_general3A {dimension_numbers = #tpu.dot_dimension_numbers<[1], [0], [0], [1], [0, 0, 1, 1], [], []>, transpose_lhs_hint = false} : vector<2000x128xf32>, vector<128x128xf32>, vector<2000x128xf32> -> vector<2000x128xf32>
    %swap3A = arith.constant 0 : index
    %swap3A_19 = arith.constant 0 : index
    %swap3A_20 = vector.load %arg4[%swap3A, %swap3A_19] : memref<2000x1xf32, #tpu.memory_space<vmem>>, vector<2000x1xf32>
    tpu.vector_store %arg4[%swap3A, %swap3A_19], %rsqrt3A {strides = array<i32>} : memref<2000x1xf32, #tpu.memory_space<vmem>>, vector<2000x1xf32>,
    %mul3A = vector.broadcast %rsqrt3A : vector<2000x1xf32> to vector<2000x128xf32>
    %mul3A_21 = arith.mulf %dot_general3A_18, %mul3A : vector<2000x128xf32>
    %swap3A_22 = arith.constant 0 : index
    %swap3A_23 = arith.constant 0 : index
    %swap3A_24 = vector.load %arg5[%swap3A_22, %swap3A_23] : memref<2000x128xf32, #tpu.memory_space<vmem>>, vector<2000x128xf32>
    tpu.vector_store %arg5[%swap3A_22, %swap3A_23], %mul3A_21 {strides = array<i32>} : memref<2000x128xf32, #tpu.memory_space<vmem>>, vector<2000x128xf32>,
    return
  }
  func.func @transform_0(%arg0: i32) -> (i32, i32, i32) {
    %c0_i32 = arith.constant 0 : i32
    %c0_i32_0 = arith.constant 0 : i32
    %c0_i32_1 = arith.constant 0 : i32
    return %c0_i32, %arg0, %c0_i32_0 : i32, i32, i32
  }
  func.func @transform_1(%arg0: i32) -> (i32, i32) {
    %c0_i32 = arith.constant 0 : i32
    %c0_i32_0 = arith.constant 0 : i32
    return %arg0, %c0_i32 : i32, i32
  }
  func.func @transform_2(%arg0: i32) -> (i32, i32) {
    %c0_i32 = arith.constant 0 : i32
    %c0_i32_0 = arith.constant 0 : i32
    %c0_i32_1 = arith.constant 0 : i32
    return %c0_i32, %c0_i32_0 : i32, i32
  }
  func.func @transform_3(%arg0: i32) -> (i32, i32) {
    %c0_i32 = arith.constant 0 : i32
    %c0_i32_0 = arith.constant 0 : i32
    return %arg0, %c0_i32 : i32, i32
  }
  func.func @transform_4(%arg0: i32) -> (i32, i32) {
    %c0_i32 = arith.constant 0 : i32
    %c0_i32_0 = arith.constant 0 : i32
    return %arg0, %c0_i32 : i32, i32
  }
}

module attributes {stable_mosaic.version = 14 : i64} {
  func.func @_tc2_body(%arg0: i32, %arg1: memref<2000x1xf32, #tpu.memory_space<vmem>>, %arg2: memref<2x2000x128xf32, #tpu.memory_space<vmem>>, %arg3: memref<2000x128xf32, #tpu.memory_space<vmem>>, %arg4: memref<1x128xf32, #tpu.memory_space<vmem>>, %arg5: memref<128x128xf32, #tpu.memory_space<vmem>>, %arg6: memref<2000x128xf32, #tpu.memory_space<vmem>>) attributes {dimension_semantics = [#tpu.dimension_semantics<arbitrary>], iteration_bounds = array<i64: 5>, scalar_prefetch = 0 : i64, scratch_operands = 0 : i64, tpu.core_type = #tpu.core_type<tc>, window_params = [{transform_indices = @transform_0, window_bounds = array<i64: 2000, 1>}, {transform_indices = @transform_1, window_bounds = array<i64: 2, 2000, 128>}, {transform_indices = @transform_2, window_bounds = array<i64: 2000, 128>}, {pipeline_mode = #tpu.pipeline_mode<synchronous>, transform_indices = @transform_3, window_bounds = array<i64: 1, 128>}, {pipeline_mode = #tpu.pipeline_mode<synchronous>, transform_indices = @transform_4, window_bounds = array<i64: 128, 128>}, {transform_indices = @transform_5, window_bounds = array<i64: 2000, 128>}]} {
    %get3A = arith.constant 0 : index
    %get3A_0 = arith.constant 0 : index
    %get3A_1 = vector.load %arg1[%get3A, %get3A_0] : memref<2000x1xf32, #tpu.memory_space<vmem>>, vector<2000x1xf32>
    %get3A_2 = arith.constant 0 : index
    %get3A_3 = arith.constant 0 : index
    %get3A_4 = arith.constant 0 : index
    %get3A_5 = vector.load %arg2[%get3A_2, %get3A_3, %get3A_4] : memref<2x2000x128xf32, #tpu.memory_space<vmem>>, vector<1x2000x128xf32>
    %get3A_6 = vector.shape_cast %get3A_5 : vector<1x2000x128xf32> to vector<2000x128xf32>
    %get3A_7 = arith.constant 1 : index
    %get3A_8 = arith.constant 0 : index
    %get3A_9 = arith.constant 0 : index
    %get3A_10 = vector.load %arg2[%get3A_7, %get3A_8, %get3A_9] : memref<2x2000x128xf32, #tpu.memory_space<vmem>>, vector<1x2000x128xf32>
    %get3A_11 = vector.shape_cast %get3A_10 : vector<1x2000x128xf32> to vector<2000x128xf32>
    %add3A = arith.addf %get3A_6, %get3A_11 : vector<2000x128xf32>
    %get3A_12 = arith.constant 0 : index
    %get3A_13 = arith.constant 0 : index
    %get3A_14 = vector.load %arg3[%get3A_12, %get3A_13] : memref<2000x128xf32, #tpu.memory_space<vmem>>, vector<2000x128xf32>
    %add3A_15 = arith.addf %add3A, %get3A_14 : vector<2000x128xf32>
    %mul3A = vector.broadcast %get3A_1 : vector<2000x1xf32> to vector<2000x128xf32>
    %mul3A_16 = arith.mulf %add3A_15, %mul3A : vector<2000x128xf32>
    %get3A_17 = arith.constant 0 : index
    %get3A_18 = arith.constant 0 : index
    %get3A_19 = vector.load %arg4[%get3A_17, %get3A_18] : memref<1x128xf32, #tpu.memory_space<vmem>>, vector<1x128xf32>
    %add3A_20 = vector.broadcast %get3A_19 : vector<1x128xf32> to vector<2000x128xf32>
    %add3A_21 = arith.addf %mul3A_16, %add3A_20 : vector<2000x128xf32>
    %max3A = arith.constant 0.000000e+00 : f32
    %max3A_22 = vector.broadcast %max3A : f32 to vector<2000x128xf32>
    %max3A_23 = arith.maximumf %add3A_21, %max3A_22 : vector<2000x128xf32>
    %get3A_24 = arith.constant 0 : index
    %get3A_25 = arith.constant 0 : index
    %get3A_26 = vector.load %arg5[%get3A_24, %get3A_25] : memref<128x128xf32, #tpu.memory_space<vmem>>, vector<128x128xf32>
    %dot_general3A = arith.constant dense<0.000000e+00> : vector<2000x128xf32>
    %dot_general3A_27 = tpu.matmul %max3A_23, %get3A_26, %dot_general3A {dimension_numbers = #tpu.dot_dimension_numbers<[1], [0], [0], [1], [0, 0, 1, 1], [], []>, transpose_lhs_hint = false} : vector<2000x128xf32>, vector<128x128xf32>, vector<2000x128xf32> -> vector<2000x128xf32>
    %mul3A_28 = vector.broadcast %get3A_1 : vector<2000x1xf32> to vector<2000x128xf32>
    %mul3A_29 = arith.mulf %dot_general3A_27, %mul3A_28 : vector<2000x128xf32>
    %swap3A = arith.constant 0 : index
    %swap3A_30 = arith.constant 0 : index
    %swap3A_31 = vector.load %arg6[%swap3A, %swap3A_30] : memref<2000x128xf32, #tpu.memory_space<vmem>>, vector<2000x128xf32>
    tpu.vector_store %arg6[%swap3A, %swap3A_30], %mul3A_29 {strides = array<i32>} : memref<2000x128xf32, #tpu.memory_space<vmem>>, vector<2000x128xf32>,
    return
  }
  func.func @transform_0(%arg0: i32) -> (i32, i32) {
    %c0_i32 = arith.constant 0 : i32
    %c0_i32_0 = arith.constant 0 : i32
    return %arg0, %c0_i32 : i32, i32
  }
  func.func @transform_1(%arg0: i32) -> (i32, i32, i32) {
    %c0_i32 = arith.constant 0 : i32
    %c0_i32_0 = arith.constant 0 : i32
    %c0_i32_1 = arith.constant 0 : i32
    return %c0_i32, %arg0, %c0_i32_0 : i32, i32, i32
  }
  func.func @transform_2(%arg0: i32) -> (i32, i32) {
    %c0_i32 = arith.constant 0 : i32
    %c0_i32_0 = arith.constant 0 : i32
    return %arg0, %c0_i32 : i32, i32
  }
  func.func @transform_3(%arg0: i32) -> (i32, i32) {
    %c0_i32 = arith.constant 0 : i32
    %c0_i32_0 = arith.constant 0 : i32
    %c0_i32_1 = arith.constant 0 : i32
    return %c0_i32, %c0_i32_0 : i32, i32
  }
  func.func @transform_4(%arg0: i32) -> (i32, i32) {
    %c0_i32 = arith.constant 0 : i32
    %c0_i32_0 = arith.constant 0 : i32
    %c0_i32_1 = arith.constant 0 : i32
    return %c0_i32, %c0_i32_0 : i32, i32
  }
  func.func @transform_5(%arg0: i32) -> (i32, i32) {
    %c0_i32 = arith.constant 0 : i32
    %c0_i32_0 = arith.constant 0 : i32
    return %arg0, %c0_i32 : i32, i32
  }
}

module attributes {stable_mosaic.version = 14 : i64} {
  func.func @_tc3_body(%arg0: i32, %arg1: memref<2000x1xf32, #tpu.memory_space<vmem>>, %arg2: memref<2x2000x128xf32, #tpu.memory_space<vmem>>, %arg3: memref<2000x128xf32, #tpu.memory_space<vmem>>, %arg4: memref<1x128xf32, #tpu.memory_space<vmem>>, %arg5: memref<2000x64xf32, #tpu.memory_space<vmem>>, %arg6: memref<2000x64xf32, #tpu.memory_space<vmem>>) attributes {dimension_semantics = [#tpu.dimension_semantics<arbitrary>], iteration_bounds = array<i64: 5>, scalar_prefetch = 0 : i64, scratch_operands = 0 : i64, tpu.core_type = #tpu.core_type<tc>, window_params = [{transform_indices = @transform_0, window_bounds = array<i64: 2000, 1>}, {transform_indices = @transform_1, window_bounds = array<i64: 2, 2000, 128>}, {transform_indices = @transform_2, window_bounds = array<i64: 2000, 128>}, {pipeline_mode = #tpu.pipeline_mode<synchronous>, transform_indices = @transform_3, window_bounds = array<i64: 1, 128>}, {transform_indices = @transform_4, window_bounds = array<i64: 2000, 64>}, {transform_indices = @transform_5, window_bounds = array<i64: 2000, 64>}]} {
    %get3A = arith.constant 0 : index
    %get3A_0 = arith.constant 0 : index
    %get3A_1 = vector.load %arg1[%get3A, %get3A_0] : memref<2000x1xf32, #tpu.memory_space<vmem>>, vector<2000x1xf32>
    %get3A_2 = arith.constant 0 : index
    %get3A_3 = arith.constant 0 : index
    %get3A_4 = arith.constant 0 : index
    %get3A_5 = vector.load %arg2[%get3A_2, %get3A_3, %get3A_4] : memref<2x2000x128xf32, #tpu.memory_space<vmem>>, vector<1x2000x128xf32>
    %get3A_6 = vector.shape_cast %get3A_5 : vector<1x2000x128xf32> to vector<2000x128xf32>
    %get3A_7 = arith.constant 1 : index
    %get3A_8 = arith.constant 0 : index
    %get3A_9 = arith.constant 0 : index
    %get3A_10 = vector.load %arg2[%get3A_7, %get3A_8, %get3A_9] : memref<2x2000x128xf32, #tpu.memory_space<vmem>>, vector<1x2000x128xf32>
    %get3A_11 = vector.shape_cast %get3A_10 : vector<1x2000x128xf32> to vector<2000x128xf32>
    %add3A = arith.addf %get3A_6, %get3A_11 : vector<2000x128xf32>
    %get3A_12 = arith.constant 0 : index
    %get3A_13 = arith.constant 0 : index
    %get3A_14 = vector.load %arg3[%get3A_12, %get3A_13] : memref<2000x128xf32, #tpu.memory_space<vmem>>, vector<2000x128xf32>
    %add3A_15 = arith.addf %add3A, %get3A_14 : vector<2000x128xf32>
    %mul3A = vector.broadcast %get3A_1 : vector<2000x1xf32> to vector<2000x128xf32>
    %mul3A_16 = arith.mulf %add3A_15, %mul3A : vector<2000x128xf32>
    %get3A_17 = arith.constant 0 : index
    %get3A_18 = arith.constant 0 : index
    %get3A_19 = vector.load %arg4[%get3A_17, %get3A_18] : memref<1x128xf32, #tpu.memory_space<vmem>>, vector<1x128xf32>
    %add3A_20 = vector.broadcast %get3A_19 : vector<1x128xf32> to vector<2000x128xf32>
    %add3A_21 = arith.addf %mul3A_16, %add3A_20 : vector<2000x128xf32>
    %slice3A = vector.extract_strided_slice %add3A_21 {offsets = [0, 0], sizes = [2000, 64], strides = [1, 1]} : vector<2000x128xf32> to vector<2000x64xf32>
    %swap3A = arith.constant 0 : index
    %swap3A_22 = arith.constant 0 : index
    %swap3A_23 = vector.load %arg5[%swap3A, %swap3A_22] : memref<2000x64xf32, #tpu.memory_space<vmem>>, vector<2000x64xf32>
    tpu.vector_store %arg5[%swap3A, %swap3A_22], %slice3A {strides = array<i32>} : memref<2000x64xf32, #tpu.memory_space<vmem>>, vector<2000x64xf32>,
    %slice3A_24 = vector.extract_strided_slice %add3A_21 {offsets = [0, 64], sizes = [2000, 64], strides = [1, 1]} : vector<2000x128xf32> to vector<2000x64xf32>
    %swap3A_25 = arith.constant 0 : index
    %swap3A_26 = arith.constant 0 : index
    %swap3A_27 = vector.load %arg6[%swap3A_25, %swap3A_26] : memref<2000x64xf32, #tpu.memory_space<vmem>>, vector<2000x64xf32>
    tpu.vector_store %arg6[%swap3A_25, %swap3A_26], %slice3A_24 {strides = array<i32>} : memref<2000x64xf32, #tpu.memory_space<vmem>>, vector<2000x64xf32>,
    return
  }
  func.func @transform_0(%arg0: i32) -> (i32, i32) {
    %c0_i32 = arith.constant 0 : i32
    %c0_i32_0 = arith.constant 0 : i32
    return %arg0, %c0_i32 : i32, i32
  }
  func.func @transform_1(%arg0: i32) -> (i32, i32, i32) {
    %c0_i32 = arith.constant 0 : i32
    %c0_i32_0 = arith.constant 0 : i32
    %c0_i32_1 = arith.constant 0 : i32
    return %c0_i32, %arg0, %c0_i32_0 : i32, i32, i32
  }
  func.func @transform_2(%arg0: i32) -> (i32, i32) {
    %c0_i32 = arith.constant 0 : i32
    %c0_i32_0 = arith.constant 0 : i32
    return %arg0, %c0_i32 : i32, i32
  }
  func.func @transform_3(%arg0: i32) -> (i32, i32) {
    %c0_i32 = arith.constant 0 : i32
    %c0_i32_0 = arith.constant 0 : i32
    %c0_i32_1 = arith.constant 0 : i32
    return %c0_i32, %c0_i32_0 : i32, i32
  }
  func.func @transform_4(%arg0: i32) -> (i32, i32) {
    %c0_i32 = arith.constant 0 : i32
    %c0_i32_0 = arith.constant 0 : i32
    return %arg0, %c0_i32 : i32, i32
  }
  func.func @transform_5(%arg0: i32) -> (i32, i32) {
    %c0_i32 = arith.constant 0 : i32
    %c0_i32_0 = arith.constant 0 : i32
    return %arg0, %c0_i32 : i32, i32
  }
}

</mosaic_0001>

<sc_bundles>
// kernel: kernel.11.cloned.1.call-start
scs
__scs_entry_jumppad:
0x0: {  	(pc) =	sbr.rel $0x88, $3  }
0x1: {  	(tag) =	ssettag $0x0;
	lr =	simm.s32 $0x1  }
0x2: {  	[smem:$0x3F99] =	sst lr;
	_ =	strace $0xD0000000  }
0x3: {  	_ = 	snop  }
0x4: {  	_ = 	snop  }
0x5: {  	_ = 	snop  }
0x6: {  	_ = 	snop  }
0x7: {  	_ = 	snop  }
__scs_overlays_trampoline_lowered:
0x8: {  	[smem:$0x3FA8] =	sst s0  }
0x9: {  	[smem:$0x3FA9] =	sst s1  }
0xa: {  	[smem:$0x3FAA] =	sst s2  }
0xb: {  	[smem:$0x3FAB] =	sst s3  }
0xc: {  	[smem:$0x3FAC] =	sst s4  }
0xd: {  	[smem:$0x3FAD] =	sst s5  }
0xe: {  	[smem:$0x3FAE] =	sst s6  }
0xf: {  	[smem:$0x3FAF] =	sst s7  }
0x10: {  	[smem:$0x3FB0] =	sst s8  }
0x11: {  	[smem:$0x3FB1] =	sst s9;
	s0 =	simm.s32 @!p0 $0x0  }
0x12: {  	s1 =	sld [smem:$0x3F97];
	s0 =	simm.s32 @p0 $0x1  }
0x13: {  	[smem:$0x3FB2] =	sst s0;
	s0 =	simm.s32 @!p1 $0x0  }
0x14: {  	s2 =	sld [smem:$0x3F96];
	s0 =	simm.s32 @p1 $0x1  }
0x15: {  	[smem:$0x3FB3] =	sst s0;
	s0 =	simm.s32 @!p2 $0x0  }
0x16: {  	s3 =	sld [smem:$0x3FDB];
	s0 =	simm.s32 @p2 $0x1  }
0x17: {  	s4 =	simm.s32 $0x1BF5;
	[smem:$0x3FB5] =	sst s0  }
0x18: {  	s0 =	sld [smem:$0x3F98];
	_ =	swait.ge [sflag:s4], $0x0  }
0x19: {  	s7 =	sld [smem:$0x3F99]  }
0x1a: {  	s8 =	sadd.s32 $0xFFFFE003, lr  }
0x1b: {  	s9 =	sadd.s32 $0xFFFFFEF7, lr;
	s5 =	simm.s32 $0xFFFFFFFF;
	p2 =	slt.u32 s8, $0xFFFFF086  }
0x1c: {  	p1 =	slt.u32 s9, $0xF7A;
	s5 =	simm.s32 @!p2 $0x0  }
0x1d: {  	s5 =	simm.s32 @p1 $0x1;
	p0 =	seq.s32 s7, s2  }
0x1e: {  	s7 =	smul.u32 @!p0 $0xF7A, s2;
	p2 =	seq.s32 @!p0 s5, $0x0  }
0x1f: {  	s9 =	smul.u32 $0xF7A, s1;
	s8 =	simm.s32 @!p0 $0x1BF5;
	p2 =	por !p2, p0  }
0x20: {  	[sflag:s8] =	ssyncset.s32 @!p0 $0xFFFFF086;
	s6 =	sadd.s32 @!p0 s3, s7;
	s7 =	simm.s32 @!p0 $0x108  }
0x21: {  	s3 =	sadd.s32 s3, s9;
	s6 =	sadd.s32 @!p0 $0x88, s6;
	s7 =	simm.s32 @p2 $0x1082  }
0x22: {  	[simem:s7], [sflag:s8] =	dma.local @!p0 [hbm:s6], $0xF7A  }
0x23: {  	s9 =	sor.u32 $0xD0000000, s2;
	s6 =	simm.s32 $0x108;
	_ =	swait.ge @!p0 [sflag:s8], $0x0  }
0x24: {  	s3 =	sadd.s32 $0x88, s3;
	s6 =	simm.s32 @!p1 $0x1082;
	[sflag:s4] =	ssyncset.s32 $0xFFFFF086  }
0x25: {  	[simem:s6], [sflag:s4] =	dma.local [hbm:s3], $0xF7A  }
0x26: {  	[smem:$0x3F99] =	sst s1;
	(tag) =	ssettag s2;
	_ =	strace s9  }
0x27: {  	s1 =	sld [smem:$0x3FA9]  }
0x28: {  	s2 =	sld [smem:$0x3FAA]  }
0x29: {  	s4 =	sld [smem:$0x3FAC]  }
0x2a: {  	p0 =	seq.s32 s5, $0x0;
	s5 =	sld [smem:$0x3FAD]  }
0x2b: {  	s6 =	sld [smem:$0x3FAE]  }
0x2c: {  	s7 =	sld [smem:$0x3FAF]  }
0x2d: {  	s3 =	simm.s32 $0x108;
	s8 =	sld [smem:$0x3FB0]  }
0x2e: {  	s3 =	simm.s32 @!p0 $0x1082;
	s9 =	sld [smem:$0x3FB1]  }
0x2f: {  	lr =	sadd.s32 s0, s3;
	s0 =	sld [smem:$0x3FA8]  }
0x30: {  	s3 =	sld [smem:$0x3FAB]  }
0x31: {  	[smem:$0x3FB4] =	sst s10  }
0x32: {  	s10 =	sld [smem:$0x3FB2];
	_ =	sdelay $0x3  }
0x33: {  	p0 =	seq.s32 s10, $0x1;
	s10 =	sld [smem:$0x3FB4];
	_ =	sdelay $0x3  }
0x34: {  	[smem:$0x3FB4] =	sst s10  }
0x35: {  	s10 =	sld [smem:$0x3FB3];
	_ =	sdelay $0x3  }
0x36: {  	p1 =	seq.s32 s10, $0x1;
	s10 =	sld [smem:$0x3FB4];
	_ =	sdelay $0x3  }
0x37: {  	[smem:$0x3FB4] =	sst s10  }
0x38: {  	s10 =	sld [smem:$0x3FB5]  }
0x39: {  	_ = 	snop;
	(pc) =	sbr.ind lr, $3  }
0x3a: {  	_ = 	snop  }
0x3b: {  	_ = 	snop  }
0x3c: {  	p2 =	seq.s32 s10, $0x1;
	s10 =	sld [smem:$0x3FB4]  }
0x3d: {  	_ =	shalt  }
0x3e: {  	_ =	shalt  }
0x3f: {  	_ =	shalt  }
0x40: {  	_ =	shalt  }
0x41: {  	_ =	shalt  }
0x42: {  	_ =	shalt  }
0x43: {  	_ =	shalt  }
0x44: {  	_ =	shalt  }
0x45: {  	_ =	shalt  }
0x46: {  	_ =	shalt  }
0x47: {  	_ =	shalt  }
0x48: {  	_ =	shalt  }
0x49: {  	_ =	shalt  }
0x4a: {  	_ =	shalt  }
0x4b: {  	_ =	shalt  }
0x4c: {  	_ =	shalt  }
0x4d: {  	_ =	shalt  }
0x4e: {  	_ =	shalt  }
0x4f: {  	_ =	shalt  }
0x50: {  	_ =	shalt  }
0x51: {  	_ =	shalt  }
0x52: {  	_ =	shalt  }
0x53: {  	_ =	shalt  }
0x54: {  	_ =	shalt  }
0x55: {  	_ =	shalt  }
0x56: {  	_ =	shalt  }
0x57: {  	_ =	shalt  }
0x58: {  	_ =	shalt  }
0x59: {  	_ =	shalt  }
0x5a: {  	_ =	shalt  }
0x5b: {  	_ =	shalt  }
0x5c: {  	_ =	shalt  }
0x5d: {  	_ =	shalt  }
0x5e: {  	_ =	shalt  }
0x5f: {  	_ =	shalt  }
0x60: {  	_ =	shalt  }
0x61: {  	_ =	shalt  }
0x62: {  	_ =	shalt  }
0x63: {  	_ =	shalt  }
0x64: {  	_ =	shalt  }
0x65: {  	_ =	shalt  }
0x66: {  	_ =	shalt  }
0x67: {  	_ =	shalt  }
0x68: {  	_ =	shalt  }
0x69: {  	_ =	shalt  }
0x6a: {  	_ =	shalt  }
0x6b: {  	_ =	shalt  }
0x6c: {  	_ =	shalt  }
0x6d: {  	_ =	shalt  }
0x6e: {  	_ =	shalt  }
0x6f: {  	_ =	shalt  }
0x70: {  	_ =	shalt  }
0x71: {  	_ =	shalt  }
0x72: {  	_ =	shalt  }
0x73: {  	_ =	shalt  }
0x74: {  	_ =	shalt  }
0x75: {  	_ =	shalt  }
0x76: {  	_ =	shalt  }
0x77: {  	_ =	shalt  }
0x78: {  	_ =	shalt  }
0x79: {  	_ =	shalt  }
0x7a: {  	_ =	shalt  }
0x7b: {  	_ =	shalt  }
0x7c: {  	_ =	shalt  }
0x7d: {  	_ =	shalt  }
0x7e: {  	_ =	shalt  }
0x7f: {  	_ =	shalt  }
0x80: {  	_ =	shalt  }
0x81: {  	_ =	shalt  }
0x82: {  	_ =	shalt  }
0x83: {  	_ =	shalt  }
0x84: {  	_ =	shalt  }
0x85: {  	_ =	shalt  }
0x86: {  	_ =	shalt  }
0x87: {  	_ =	shalt  }
.Lfunc_end0:
.L_simem_size_0:
called_computation.1_lowered:
.L_overlay_start_0:
0x88: {  	s2 =	sld [smem:$0x3FD9]  }
0x89: {  	s3 =	sld [smem:$0x3FFE];
	_ =	sdelay $0x1  }
0x8a: {  	s1 =	srdreg.scid  }
0x8b: {  	s0 =	sand.u32 $0x1, s1  }
0x8c: {  	s16 =	sshll.u32 s0, $0xA;
	s2 =	sadd.s32 s3, s2  }
0x8d: {  	s2 =	sadd.s32 s2, s16  }
0x8e: {  	[smem:$0x3FC0] =	sst s2  }
0x8f: {  	_ = 	snop  }
0x90: {  	(tm) =	ssettm $0x1  }
0x91: {  	s17 =	sld [smem:$0x3FFB];
	_ =	sdelay $0x3  }
0x92: {  	_ =	strace s17  }
0x93: {  	s2 =	sld [smem:$0x3FFC];
	_ =	sdelay $0x3  }
0x94: {  	_ =	strace s2  }
0x95: {  	s2 =	sld [smem:$0x3FFD];
	_ =	sdelay $0x3  }
0x96: {  	_ =	strace s2  }
0x97: {  	_ =	strace $0x8FFFFFFF  }
0x98: {  	s18 =	sld [smem:$0x3FDB];
	_ =	sdelay $0x1  }
0x99: {  	s19 =	simm.s32 $_scs_section_size  }
0x9a: {  	s4 =	simm.s32 $_size__tile_overlayer_lowered;
	s5 =	simm.s32 $_tile_overlayer_lowered  }
0x9b: {  	s22 =	simm.s32 $0x1BFF;
	s21 =	sshll.u32 s5, $0x1;
	s2 =	sadd.s32 s19, s18  }
0x9c: {  	s6 =	simm.s32 $0x0;
	s20 =	sshll.u32 s4, $0x1;
	s4 =	sadd.s32 s21, s2  }
0x9d: {  	[timem:s6], [sflag:s22] =	dma.local [hbm:s4], s20  }
0x9e: {  	_ =	swait.ge [sflag:s22], s20  }
0x9f: {  	s3 =	ssub.s32 $0x0, s20;
	[sflag:s22] =	ssyncset.done $0x0  }
0xa0: {  	[sflag:s22] =	ssyncadd.s32 s3;
	_ =	sdelay $0x1  }
0xa1: {  	s23 =	simm.s32 $0x1B8B  }
0xa2: {  	_ =	swait.ge [sflag:s23], $0x1  }
0xa3: {  	[sflag:s23] =	ssyncset.done $0x0  }
0xa4: {  	s25 =	simm.s32 $0x1B8E;
	s24 =	sld [smem:$0x3FFE];
	[sflag:s23] =	ssyncadd.s32 $0xFFFFFFFF  }
0xa5: {  	s26 =	simm.s32 $execute0_lowered;
	[smem:$0x3FD2] =	sst s25  }
0xa6: {  	s4 =	sshll.u32 s26, $0x1;
	_ =	strace $0x80000049;
	[dreg:$0x1] =	wrdreg $0xFFFFFFFF  }
0xa7: {  	s28 =	simm.s32 $_size_execute0_lowered;
	s2 =	sadd.s32 s2, s4;
	[dreg:$0x0] =	wrdreg $0x0  }
0xa8: {  	s4 =	sshll.u32 s28, $0x1;
	[dreg:$0x2] =	wrdreg s2  }
0xa9: {  	[dreg:$0x3] =	wrdreg s4  }
0xaa: {  	[dreg:$0x4] =	wrdreg $0xC0  }
0xab: {  	_ =	task [dreg:s6], $0x5FFFF  }
0xac: {  	[dreg:$0x1] =	wrdreg $0xFFFFFFFF  }
0xad: {  	[dreg:$0x0] =	wrdreg $0x60  }
0xae: {  	[dreg:$0x2] =	wrdreg s24  }
0xaf: {  	[dreg:$0x3] =	wrdreg $0x90000  }
0xb0: {  	[dreg:$0x4] =	wrdreg $0x9  }
0xb1: {  	_ =	task.clear_ibuf [dreg:s6], $0x5FFFF;
	_ =	strace $0x90000049  }
0xb2: {  	s29 =	simm.s32 $0x9;
	_ =	strace $0x8000004B  }
0xb3: {  	_ =	swait.ge [sflag:s29], $0x1  }
0xb4: {  	[sflag:s29] =	ssyncadd.s32 $0xFFFFFFFF  }
0xb5: {  	_ =	strace $0x9000004B  }
0xb6: {  	_ =	sfence  }
0xb7: {  	s30 =	sld [smem:$0x0];
	_ =	sdelay $0x2  }
0xb8: {  	s31 =	sshll.u32 s1, $0xD;
	s1 =	sshrl.u32 s1, $0x2  }
0xb9: {  	s3 =	sand.u32 $0x4000, s31;
	s1 =	sadd.s32 s1, s30  }
0xba: {  	s0 =	sor.u32 s3, s0;
	s1 =	sshll.u32 s1, $0x11  }
0xbb: {  	s0 =	sor.u32 s1, s0  }
0xbc: {  	s0 =	sadd.s32 $0x8F2B, s0  }
0xbd: {  	[sflag:s0] =	ssyncadd.remote.s32 $0x1  }
0xbe: {  	_ =	sfence.sel $0xFFFF  }
0xbf: {  	[dreg:$0x0] =	wrdreg $0xFFFFFFFF;
	(pc) =	sbr.abs _section_cstart, $3  }
0xc0: {  	[dreg:$0x1] =	wrdreg $0xFFFFFFFF  }
0xc1: {  	_ =	task.clear_ibuf [dreg:s6], $0x2FFFF;
	_ =	strace $0x9FFFFFFF  }
0xc2: {  	(tm) =	ssettm $0x7FFFFFFF  }
0xc3: {  	_ =	shalt  }
tec
execute0_lowered:
.L_overlay_start_1:
0x0: {  	(tag) =	ssettag $0x1  }
0x1: {  	s0 =	rddreg [dreg:$0x0]  }
0x2: {  	s1 =	rddreg [dreg:$0x1];
	s2 =	srdreg.scid  }
0x3: {  	s5 =	stileid.u32;
	s28 =	simm.s32 $0x1;
	s29 =	simm.s32 $0x5000  }
0x4: {  	s30 =	simm.s32 $0x2;
	s31 =	simm.s32 $0x3;
	s4 =	sand.u32 $0x1, s2  }
0x5: {  	s2 =	simm.s32 $0x0;
	s8 =	sadd.s32 $0x2C00, s0;
	s17 =	smul.u32 $0x13800, s5  }
0x6: {  	s21 =	smul.u32 $0x4E000, s5;
	p0 =	sne.s32 s5, $0x0;
	s3 =	sshll.u32 s4, $0x4  }
0x7: {  	[smem:$0x7FF] =	sst s2;
	s7 =	ssub.s32 $0x2, s4;
	s18 =	smul.u32 $0x138800, s4  }
0x8: {  	s4 =	smul.u32 $0x5000, s4;
	s3 =	sor.u32 s5, s3;
	_ =	strace $0x8000004A  }
0x9: {  	s9 =	sshrl.u32 s7, $0x1;
	s10 =	sadd.s32 $0x3400, s17;
	s12 =	sadd.s32 $0x6800, s17  }
0xa: {  	s13 =	sadd.s32 $0x9C00, s17;
	s15 =	sadd.s32 $0xD000, s17;
	s19 =	sadd.s32 $0x10400, s17  }
0xb: {  	s6 =	smul.u32 $0x2800, s3;
	s3 =	sadd.s32 $0x16C00, s0;
	s0 =	sadd.s32 $0x3DE00, s0  }
0xc: {  	s20 =	ssub.s32 s7, s9;
	s22 =	sadd.s32 s17, s18;
	s7 =	sshrl.u32 s21, $0x2  }
0xd: {  	s11 =	sadd.s32 s18, s10;
	s14 =	sadd.s32 s18, s13;
	s16 =	sadd.s32 s18, s15  }
0xe: {  	s13 =	sadd.s32 s13, s1;
	s15 =	sadd.s32 s15, s1;
	s17 =	sadd.s32 s19, s1  }
0xf: {  	s19 =	sadd.s32 s18, s19;
	s21 =	sshrl.u32 s18, $0x3;
	s4 =	sadd.s32 s4, s8  }
0x10: {  	s9 =	sshrl.u32 s22, $0x3;
	s7 =	sadd.s32 s7, s1;
	s11 =	sshrl.u32 s11, $0x3  }
0x11: {  	s14 =	sshrl.u32 s14, $0x3;
	s16 =	sshrl.u32 s16, $0x3;
	s19 =	sshrl.u32 s19, $0x3  }
0x12: {  	s22 =	smul.u32 $0x500, s5;
	s20 =	smax.u32 s20, $0x1;
	s6 =	sshrl.u32 s6, $0x3  }
0x13: {  	s9 =	sadd.s32 s0, s9;
	s23 =	sadd.s32 s0, s11;
	s11 =	sadd.s32 s12, s1  }
0x14: {  	s12 =	sadd.s32 s18, s12;
	s25 =	sadd.s32 s0, s14;
	[dreg:$0x5] =	wrdreg s9  }
0x15: {  	s26 =	sadd.s32 s0, s16;
	s18 =	sadd.s32 s0, s19;
	[dreg:$0x6] =	wrdreg s23  }
0x16: {  	s6 =	sadd.s32 s8, s6;
	s9 =	sadd.s32 s10, s1;
	[dreg:$0x8] =	wrdreg s25  }
0x17: {  	s12 =	sshrl.u32 s12, $0x3;
	[dreg:$0x9] =	wrdreg s26;
	s25 =	simm.s32 $0x5  }
.Ltmp0:
0x18: {  	s26 =	simm.s32 $0x7D;
	s23 =	simm.s32 $0x0;
	(pc) =	sbr.rel .LBB2_1-.Ltmp0, $4  }
0x19: {  	[dreg:$0x3] =	wrdreg s6;
	s6 =	sadd.s32 $0xA000, s6;
	s24 =	sadd.s32 s0, s12  }
0x1a: {  	s0 =	sadd.s32 s0, s21;
	s21 =	sadd.s32 s22, s4;
	[dreg:$0x4] =	wrdreg s6  }
0x1b: {  	s22 =	simm.s32 $0x6;
	s6 =	sadd.s32 $0x138000, s1;
	[dreg:$0x7] =	wrdreg s24  }
0x1c: {  	v0 =	vimm.f32 $0.0e+00;
	s19 =	sadd.s32 $0x27000, s0;
	s24 =	simm.s32 $0x1000;
	s0 =	simm.s32 $0x4  }
.LBB2_6:
0x1d: {  	_ =	swait.ge [sflag:s0], $0x3E80  }
0x1e: {  	[sflag:s0] =	ssyncset.done $0x0  }
0x1f: {  	[sflag:s0] =	ssyncadd.s32 $0xFFFFC180  }
0x20: {  	[bflag:$0x0] =	sbarrier.arrive $0xFFFF  }
0x21: {  	[tilespmem:s24], [sflag:$0x6] =	stream.linear.gather [spmem:s7], $0x3400, $0x38;
	[tilespmem:$0x1C880] =	vst v63  }
0x22: {  	_ =	swait.ge [sflag:s22], $0x3400  }
0x23: {  	[sflag:s22] =	ssyncset.done $0x0  }
0x24: {  	s4 =	rddreg [dreg:$0x5];
	[sflag:s22] =	ssyncadd.s32 $0xFFFFCC00  }
0x25: {  	[hbm4b:s4+s2] =	stream.linear.scatter [tilespmem:s24], [sflag:$0x3], $0x3400, $0x38;
	[tilespmem:$0x1C880] =	vst v63  }
0x26: {  	_ = 	snop  }
0x27: {  	[tilespmem:s29], [sflag:$0x6] =	stream.linear.gather [spmem:s9], $0x3400, $0x38;
	[tilespmem:$0x1C880] =	vst v63  }
0x28: {  	_ =	swait.ge [sflag:s22], $0x3400  }
0x29: {  	[sflag:s22] =	ssyncset.done $0x0  }
0x2a: {  	s10 =	rddreg [dreg:$0x6];
	[sflag:s22] =	ssyncadd.s32 $0xFFFFCC00  }
0x2b: {  	[hbm4b:s10+s2] =	stream.linear.scatter [tilespmem:s29], [sflag:$0x4], $0x3400, $0x38;
	[tilespmem:$0x1C880] =	vst v63  }
0x2c: {  	_ =	swait.ge [sflag:s31], $0x3400  }
0x2d: {  	[sflag:s31] =	ssyncset.done $0x0  }
0x2e: {  	[sflag:s31] =	ssyncadd.s32 $0xFFFFCC00  }
0x2f: {  	[tilespmem:s24], [sflag:$0x6] =	stream.linear.gather [spmem:s11], $0x3400, $0x38;
	[tilespmem:$0x1C880] =	vst v63  }
0x30: {  	_ =	swait.ge [sflag:s22], $0x3400  }
0x31: {  	[sflag:s22] =	ssyncset.done $0x0  }
0x32: {  	s12 =	rddreg [dreg:$0x7];
	[sflag:s22] =	ssyncadd.s32 $0xFFFFCC00  }
0x33: {  	[hbm4b:s12+s2] =	stream.linear.scatter [tilespmem:s24], [sflag:$0x3], $0x3400, $0x38;
	[tilespmem:$0x1C880] =	vst v63  }
0x34: {  	_ =	swait.ge [sflag:s0], $0x3400  }
0x35: {  	[sflag:s0] =	ssyncset.done $0x0  }
0x36: {  	[sflag:s0] =	ssyncadd.s32 $0xFFFFCC00  }
0x37: {  	[tilespmem:s29], [sflag:$0x6] =	stream.linear.gather [spmem:s13], $0x3400, $0x38;
	[tilespmem:$0x1C880] =	vst v63  }
0x38: {  	_ =	swait.ge [sflag:s22], $0x3400  }
0x39: {  	[sflag:s22] =	ssyncset.done $0x0  }
0x3a: {  	s14 =	rddreg [dreg:$0x8];
	[sflag:s22] =	ssyncadd.s32 $0xFFFFCC00  }
0x3b: {  	[hbm4b:s14+s2] =	stream.linear.scatter [tilespmem:s29], [sflag:$0x4], $0x3400, $0x38;
	[tilespmem:$0x1C880] =	vst v63  }
0x3c: {  	_ =	swait.ge [sflag:s31], $0x3400  }
0x3d: {  	[sflag:s31] =	ssyncset.done $0x0  }
0x3e: {  	[sflag:s31] =	ssyncadd.s32 $0xFFFFCC00  }
0x3f: {  	[tilespmem:s24], [sflag:$0x6] =	stream.linear.gather [spmem:s15], $0x3400, $0x38;
	[tilespmem:$0x1C880] =	vst v63  }
0x40: {  	_ =	swait.ge [sflag:s22], $0x3400  }
0x41: {  	[sflag:s22] =	ssyncset.done $0x0  }
0x42: {  	s16 =	rddreg [dreg:$0x9];
	[sflag:s22] =	ssyncadd.s32 $0xFFFFCC00  }
0x43: {  	[hbm4b:s16+s2] =	stream.linear.scatter [tilespmem:s24], [sflag:$0x3], $0x3400, $0x38;
	[tilespmem:$0x1C880] =	vst v63  }
0x44: {  	_ =	swait.ge [sflag:s0], $0x3400  }
0x45: {  	[sflag:s0] =	ssyncset.done $0x0  }
0x46: {  	[sflag:s0] =	ssyncadd.s32 $0xFFFFCC00  }
0x47: {  	[tilespmem:s29], [sflag:$0x6] =	stream.linear.gather [spmem:s17], $0x3400, $0x38;
	[tilespmem:$0x1C880] =	vst v63  }
0x48: {  	_ =	swait.ge [sflag:s22], $0x3400  }
0x49: {  	[sflag:s22] =	ssyncset.done $0x0  }
0x4a: {  	[sflag:s22] =	ssyncadd.s32 $0xFFFFCC00  }
0x4b: {  	[hbm4b:s18+s2] =	stream.linear.scatter [tilespmem:s29], [sflag:$0x4], $0x3400, $0x38;
	[tilespmem:$0x1C880] =	vst v63  }
0x4c: {  	_ =	swait.ge [sflag:s31], $0x3400  }
0x4d: {  	[sflag:s31] =	ssyncset.done $0x0  }
0x4e: {  	[sflag:s31] =	ssyncadd.s32 $0xFFFFCC00  }
0x4f: {  	_ =	swait.ge [sflag:s0], $0x3400  }
0x50: {  	[sflag:s0] =	ssyncset.done $0x0  }
0x51: {  	s5 =	simm.s32 @!p0 $0x6;
	s4 =	simm.s32 @!p0 $0x1000;
	[sflag:s0] =	ssyncadd.s32 $0xFFFFCC00  }
0x52: {  	[tilespmem:s4], [sflag:$0x6] =	stream.linear.gather @!p0 [spmem:s6], $0x800, $0x38;
	[tilespmem:$0x1C880] =	vst v63  }
0x53: {  	s23 =	sadd.s32 $0x1, s23;
	_ =	swait.ge @!p0 [sflag:s5], $0x800  }
0x54: {  	p1 =	sne.s32 s23, s20;
	[sflag:s5] =	ssyncset.done @!p0 $0x0  }
.Ltmp1:
0x55: {  	s8 =	simm.s32 @!p0 $0x0;
	[sflag:s5] =	ssyncadd.s32 @!p0 $0xFFFFF800;
	(pc) =	sbr.rel @!p1 .LBB2_7-.Ltmp1, $4  }
0x56: {  	[hbm4b:s19+s8] =	stream.linear.scatter @!p0 [tilespmem:s4], [sflag:$0x6], $0x800, $0x38;
	[tilespmem:$0x1C880] =	vst v63  }
0x57: {  	_ =	swait.ge @!p0 [sflag:s5], $0x800  }
0x58: {  	[sflag:s5] =	ssyncset.done @!p0 $0x0  }
0x59: {  	[sflag:s5] =	ssyncadd.s32 @!p0 $0xFFFFF800  }
.LBB2_1:
0x5a: {  	s4 =	rddreg [dreg:$0x3]  }
0x5b: {  	[tilespmem:s2], [sflag:$0x6] =	stream.linear.gather [hbm4b:s4+s2], $0x400, $0x38;
	[tilespmem:$0x1C880] =	vst v63  }
0x5c: {  	_ =	swait.ge [sflag:s22], $0x400  }
0x5d: {  	[sflag:s22] =	ssyncset.done $0x0  }
0x5e: {  	s5 =	simm.s32 $0x800;
	s16 =	rddreg [dreg:$0x4];
	[sflag:s22] =	ssyncadd.s32 $0xFFFFFC00  }
0x5f: {  	[tilespmem:s5], [sflag:$0x6] =	stream.linear.gather [hbm4b:s16+s2], $0x400, $0x38;
	[tilespmem:$0x1C880] =	vst v63  }
0x60: {  	_ =	swait.ge [sflag:s22], $0x400  }
0x61: {  	[sflag:s22] =	ssyncset.done $0x0  }
0x62: {  	s4 =	simm.s32 $0x0;
	s5 =	simm.s32 $0x200;
	[sflag:s22] =	ssyncadd.s32 $0xFFFFFC00  }
.LBB2_2:
0x63: {  	p1 =	sne.s32 s5, $0xF800;
	[tilespmem:s4+$0x1070] =	vst v0  }
0x64: {  	[tilespmem:s4+$0x1000] =	vst v0  }
0x65: {  	[tilespmem:s4+$0x1010] =	vst v0  }
.Ltmp2:
0x66: {  	[tilespmem:s4+$0x1020] =	vst v0;
	(pc) =	sbr.rel @p1 .LBB2_2-.Ltmp2, $4  }
0x67: {  	[tilespmem:s4+$0x1030] =	vst v0  }
0x68: {  	[tilespmem:s4+$0x1040] =	vst v0  }
0x69: {  	[tilespmem:s4+$0x1050] =	vst v0  }
0x6a: {  	[tilespmem:s4+$0x1060] =	vst v0;
	s4 =	sshra.s32 s5, $0x2;
	s5 =	sadd.s32 $0x200, s5  }
0x6b: {  	[tilespmem:s4+$0x1070] =	vst v0  }
0x6c: {  	[tilespmem:s4+$0x1000] =	vst v0  }
0x6d: {  	[tilespmem:s4+$0x1010] =	vst v0  }
0x6e: {  	[tilespmem:s4+$0x1020] =	vst v0  }
0x6f: {  	[tilespmem:s4+$0x1030] =	vst v0  }
0x70: {  	[tilespmem:s4+$0x1040] =	vst v0  }
0x71: {  	[tilespmem:s4+$0x1050] =	vst v0  }
0x72: {  	[tilespmem:s4+$0x1060] =	vst v0  }
0x73: {  	[spmem:s7] =	stream.linear.scatter [tilespmem:s24], [sflag:$0x5], $0x3400, $0x38;
	[tilespmem:$0x1C880] =	vst v63  }
0x74: {  	_ = 	snop  }
0x75: {  	[spmem:s9] =	stream.linear.scatter [tilespmem:s24], [sflag:$0x5], $0x3400, $0x38;
	[tilespmem:$0x1C880] =	vst v63  }
0x76: {  	_ = 	snop  }
0x77: {  	[spmem:s11] =	stream.linear.scatter [tilespmem:s24], [sflag:$0x5], $0x3400, $0x38;
	[tilespmem:$0x1C880] =	vst v63  }
0x78: {  	_ = 	snop  }
0x79: {  	[spmem:s13] =	stream.linear.scatter [tilespmem:s24], [sflag:$0x5], $0x3400, $0x38;
	[tilespmem:$0x1C880] =	vst v63  }
0x7a: {  	_ = 	snop  }
0x7b: {  	[spmem:s15] =	stream.linear.scatter [tilespmem:s24], [sflag:$0x5], $0x3400, $0x38;
	[tilespmem:$0x1C880] =	vst v63  }
0x7c: {  	_ = 	snop  }
0x7d: {  	[spmem:s17] =	stream.linear.scatter [tilespmem:s24], [sflag:$0x5], $0x3400, $0x38;
	[tilespmem:$0x1C880] =	vst v63  }
0x7e: {  	s4 =	simm.s32 @!p0 $0x1000  }
0x7f: {  	[spmem:s6] =	stream.linear.scatter @!p0 [tilespmem:s4], [sflag:$0x5], $0x800, $0x38;
	[tilespmem:$0x1C880] =	vst v63  }
0x80: {  	_ =	swait.ge [sflag:s25], $0x3400  }
0x81: {  	[sflag:s25] =	ssyncset.done $0x0  }
0x82: {  	[sflag:s25] =	ssyncadd.s32 $0xFFFFCC00  }
0x83: {  	_ =	swait.ge [sflag:s25], $0x3400  }
0x84: {  	[sflag:s25] =	ssyncset.done $0x0  }
0x85: {  	[sflag:s25] =	ssyncadd.s32 $0xFFFFCC00  }
0x86: {  	_ =	swait.ge [sflag:s25], $0x3400  }
0x87: {  	[sflag:s25] =	ssyncset.done $0x0  }
0x88: {  	[sflag:s25] =	ssyncadd.s32 $0xFFFFCC00  }
0x89: {  	_ =	swait.ge [sflag:s25], $0x3400  }
0x8a: {  	[sflag:s25] =	ssyncset.done $0x0  }
0x8b: {  	[sflag:s25] =	ssyncadd.s32 $0xFFFFCC00  }
0x8c: {  	_ =	swait.ge [sflag:s25], $0x3400  }
0x8d: {  	[sflag:s25] =	ssyncset.done $0x0  }
0x8e: {  	[sflag:s25] =	ssyncadd.s32 $0xFFFFCC00  }
0x8f: {  	_ =	swait.ge [sflag:s25], $0x3400  }
0x90: {  	[sflag:s25] =	ssyncset.done $0x0  }
0x91: {  	s4 =	simm.s32 @!p0 $0x5;
	[sflag:s25] =	ssyncadd.s32 $0xFFFFCC00  }
0x92: {  	_ =	swait.ge @!p0 [sflag:s4], $0x800  }
0x93: {  	[sflag:s4] =	ssyncset.done @!p0 $0x0  }
0x94: {  	s5 =	simm.s32 $0x0;
	[sflag:s4] =	ssyncadd.s32 @!p0 $0xFFFFF800  }
0x95: {  	[tilespmem:s24], [sflag:$0x1] =	stream.indirect.gather [hbm4b:s3+s26], $0x80, s5, s26, $0xb8;
	[tilespmem:$0x1C880] =	vst v63  }
0x96: {  	s4 =	simm.s32 $0x0;
	[bflag:$0x0] =	sbarrier.arrive $0xFFFF  }
.LBB2_4:
0x97: {  	p1 =	seq.s32 s5, $0x480  }
0x98: {  	s8 =	sand.u32 @!p1 $0x400, s4;
	s10 =	sadd.s32 @!p1 s5, s21  }
0x99: {  	s16 =	simm.s32 @!p1 $0x0;
	s12 =	sxor.u32 @!p1 $0x400, s8;
	s14 =	sadd.s32 @!p1 $0x80, s10  }
0x9a: {  	[tilespmem:s12], [sflag:$0x5] =	stream.linear.gather @!p1 [hbm4b:s14+s16], $0x400, $0x38;
	[tilespmem:$0x1C880] =	vst v63  }
0x9b: {  	s10 =	sadd.s32 @!p1 $0xA080, s10;
	s12 =	sor.u32 @!p1 $0x800, s12  }
0x9c: {  	[tilespmem:s12], [sflag:$0x5] =	stream.linear.gather @!p1 [hbm4b:s10+s16], $0x400, $0x38;
	[tilespmem:$0x1C880] =	vst v63  }
0x9d: {  	_ =	swait.ge [sflag:s28], $0x3E80  }
0x9e: {  	p2 =	seq.s32 s5, $0x0;
	s8 =	simm.s32 @p1 $0x400;
	[sflag:s28] =	ssyncset.done $0x0  }
0x9f: {  	s12 =	sor.u32 $0x800, s8;
	s10 =	simm.s32 @!p2 $0x4;
	[sflag:s28] =	ssyncadd.s32 $0xFFFFC180  }
0xa0: {  	[spmem:s1] =	stream.indirect.scatter.add.f32 [tilespmem:s24], [sflag:$0x3], $0x80, s12, s26, $0xb8;
	[tilespmem:$0x1C880] =	vst v63  }
0xa1: {  	_ =	swait.ge @!p2 [sflag:s10], $0x3E80  }
0xa2: {  	[sflag:s10] =	ssyncset.done @!p2 $0x0  }
0xa3: {  	s14 =	sor.u32 $0x80, s8;
	[sflag:s10] =	ssyncadd.s32 @!p2 $0xFFFFC180  }
0xa4: {  	[tilespmem:s29], [sflag:$0x2] =	stream.indirect.gather [hbm4b:s3+s26], $0x80, s14, s26, $0xb8;
	[tilespmem:$0x1C880] =	vst v63  }
0xa5: {  	_ =	swait.ge [sflag:s30], $0x3E80  }
0xa6: {  	[sflag:s30] =	ssyncset.done $0x0  }
0xa7: {  	s16 =	sor.u32 $0x880, s8;
	[sflag:s30] =	ssyncadd.s32 $0xFFFFC180  }
0xa8: {  	[spmem:s1] =	stream.indirect.scatter.add.f32 [tilespmem:s29], [sflag:$0x4], $0x80, s16, s26, $0xb8;
	[tilespmem:$0x1C880] =	vst v63  }
0xa9: {  	_ =	swait.ge [sflag:s31], $0x3E80  }
0xaa: {  	[sflag:s31] =	ssyncset.done $0x0  }
0xab: {  	s12 =	sor.u32 $0x100, s8;
	[sflag:s31] =	ssyncadd.s32 $0xFFFFC180  }
0xac: {  	[tilespmem:s24], [sflag:$0x1] =	stream.indirect.gather [hbm4b:s3+s26], $0x80, s12, s26, $0xb8;
	[tilespmem:$0x1C880] =	vst v63  }
0xad: {  	_ =	swait.ge [sflag:s28], $0x3E80  }
0xae: {  	[sflag:s28] =	ssyncset.done $0x0  }
0xaf: {  	s14 =	sor.u32 $0x900, s8;
	[sflag:s28] =	ssyncadd.s32 $0xFFFFC180  }
0xb0: {  	[spmem:s1] =	stream.indirect.scatter.add.f32 [tilespmem:s24], [sflag:$0x3], $0x80, s14, s26, $0xb8;
	[tilespmem:$0x1C880] =	vst v63  }
0xb1: {  	_ =	swait.ge [sflag:s0], $0x3E80  }
0xb2: {  	[sflag:s0] =	ssyncset.done $0x0  }
0xb3: {  	s16 =	sor.u32 $0x180, s8;
	[sflag:s0] =	ssyncadd.s32 $0xFFFFC180  }
0xb4: {  	[tilespmem:s29], [sflag:$0x2] =	stream.indirect.gather [hbm4b:s3+s26], $0x80, s16, s26, $0xb8;
	[tilespmem:$0x1C880] =	vst v63  }
0xb5: {  	_ =	swait.ge [sflag:s30], $0x3E80  }
0xb6: {  	[sflag:s30] =	ssyncset.done $0x0  }
0xb7: {  	s12 =	sor.u32 $0x980, s8;
	[sflag:s30] =	ssyncadd.s32 $0xFFFFC180  }
0xb8: {  	[spmem:s1] =	stream.indirect.scatter.add.f32 [tilespmem:s29], [sflag:$0x4], $0x80, s12, s26, $0xb8;
	[tilespmem:$0x1C880] =	vst v63  }
0xb9: {  	_ =	swait.ge [sflag:s31], $0x3E80  }
0xba: {  	[sflag:s31] =	ssyncset.done $0x0  }
0xbb: {  	s14 =	sor.u32 $0x200, s8;
	[sflag:s31] =	ssyncadd.s32 $0xFFFFC180  }
0xbc: {  	[tilespmem:s24], [sflag:$0x1] =	stream.indirect.gather [hbm4b:s3+s26], $0x80, s14, s26, $0xb8;
	[tilespmem:$0x1C880] =	vst v63  }
0xbd: {  	_ =	swait.ge [sflag:s28], $0x3E80  }
0xbe: {  	[sflag:s28] =	ssyncset.done $0x0  }
0xbf: {  	s16 =	sor.u32 $0xA00, s8;
	[sflag:s28] =	ssyncadd.s32 $0xFFFFC180  }
0xc0: {  	[spmem:s1] =	stream.indirect.scatter.add.f32 [tilespmem:s24], [sflag:$0x3], $0x80, s16, s26, $0xb8;
	[tilespmem:$0x1C880] =	vst v63  }
0xc1: {  	_ =	swait.ge [sflag:s0], $0x3E80  }
0xc2: {  	[sflag:s0] =	ssyncset.done $0x0  }
0xc3: {  	s12 =	sor.u32 $0x280, s8;
	[sflag:s0] =	ssyncadd.s32 $0xFFFFC180  }
0xc4: {  	[tilespmem:s29], [sflag:$0x2] =	stream.indirect.gather [hbm4b:s3+s26], $0x80, s12, s26, $0xb8;
	[tilespmem:$0x1C880] =	vst v63  }
0xc5: {  	_ =	swait.ge [sflag:s30], $0x3E80  }
0xc6: {  	[sflag:s30] =	ssyncset.done $0x0  }
0xc7: {  	s14 =	sor.u32 $0xA80, s8;
	[sflag:s30] =	ssyncadd.s32 $0xFFFFC180  }
0xc8: {  	[spmem:s1] =	stream.indirect.scatter.add.f32 [tilespmem:s29], [sflag:$0x4], $0x80, s14, s26, $0xb8;
	[tilespmem:$0x1C880] =	vst v63  }
0xc9: {  	_ =	swait.ge [sflag:s31], $0x3E80  }
0xca: {  	[sflag:s31] =	ssyncset.done $0x0  }
0xcb: {  	s16 =	sor.u32 $0x300, s8;
	[sflag:s31] =	ssyncadd.s32 $0xFFFFC180  }
0xcc: {  	[tilespmem:s24], [sflag:$0x1] =	stream.indirect.gather [hbm4b:s3+s26], $0x80, s16, s26, $0xb8;
	[tilespmem:$0x1C880] =	vst v63  }
0xcd: {  	_ =	swait.ge [sflag:s28], $0x3E80  }
0xce: {  	[sflag:s28] =	ssyncset.done $0x0  }
0xcf: {  	s12 =	sor.u32 $0xB00, s8;
	[sflag:s28] =	ssyncadd.s32 $0xFFFFC180  }
0xd0: {  	[spmem:s1] =	stream.indirect.scatter.add.f32 [tilespmem:s24], [sflag:$0x3], $0x80, s12, s26, $0xb8;
	[tilespmem:$0x1C880] =	vst v63  }
0xd1: {  	_ =	swait.ge [sflag:s0], $0x3E80  }
0xd2: {  	[sflag:s0] =	ssyncset.done $0x0  }
0xd3: {  	s14 =	sor.u32 $0x380, s8;
	[sflag:s0] =	ssyncadd.s32 $0xFFFFC180  }
0xd4: {  	[tilespmem:s29], [sflag:$0x2] =	stream.indirect.gather [hbm4b:s3+s26], $0x80, s14, s26, $0xb8;
	[tilespmem:$0x1C880] =	vst v63  }
0xd5: {  	_ =	swait.ge [sflag:s30], $0x3E80  }
0xd6: {  	[sflag:s30] =	ssyncset.done $0x0  }
.Ltmp3:
0xd7: {  	s16 =	sor.u32 $0xB80, s8;
	[sflag:s30] =	ssyncadd.s32 $0xFFFFC180;
	(pc) =	sbr.rel @p1 .LBB2_6-.Ltmp3, $4  }
0xd8: {  	[spmem:s1] =	stream.indirect.scatter.add.f32 [tilespmem:s29], [sflag:$0x4], $0x80, s16, s26, $0xb8;
	[tilespmem:$0x1C880] =	vst v63  }
0xd9: {  	_ =	swait.ge [sflag:s31], $0x3E80  }
0xda: {  	[sflag:s31] =	ssyncset.done $0x0  }
0xdb: {  	[sflag:s31] =	ssyncadd.s32 $0xFFFFC180  }
0xdc: {  	_ =	swait.ge [sflag:s25], $0x400  }
0xdd: {  	[sflag:s25] =	ssyncset.done $0x0  }
.Ltmp4:
0xde: {  	[sflag:s25] =	ssyncadd.s32 $0xFFFFFC00;
	(pc) =	sbr.rel .LBB2_4-.Ltmp4, $4  }
0xdf: {  	_ =	swait.ge [sflag:s25], $0x400  }
0xe0: {  	s8 =	sxor.u32 $0x400, s8;
	[sflag:s25] =	ssyncset.done $0x0  }
0xe1: {  	s4 =	sadd.s32 $0x400, s4;
	s5 =	sadd.s32 $0x80, s5;
	[sflag:s25] =	ssyncadd.s32 $0xFFFFFC00  }
0xe2: {  	[tilespmem:s24], [sflag:$0x1] =	stream.indirect.gather [hbm4b:s3+s26], $0x80, s8, s26, $0xb8;
	[tilespmem:$0x1C880] =	vst v63  }
.LBB2_7:
0xe3: {  	_ =	sfence.sel $0x180000  }
0xe4: {  	[bflag:$0x0] =	sbarrier.arrive $0xFFFF  }
0xe5: {  	_ =	strace $0x9000004A  }
0xe6: {  	[bflag:$0x2] =	sbarrier.arrive $0xFFFF  }
0xe7: {  	s0 =	rddreg [dreg:$0x2]  }
0xe8: {  	s0 =	sadd.s32 @!p0 $0x100000, s0  }
0xe9: {  	[sflag:s0] =	ssyncadd.tile.s32 @!p0 $0x1;
	_ =	shalt  }
.Lfunc_end2:
_tile_overlayer_lowered:
.L_overlay_start_2:
0xea: {  	(tag) =	ssettag $0x2  }
0xeb: {  	s0 =	rddreg [dreg:$0x0];
	s2 =	stileid.u32  }
0xec: {  	s1 =	rddreg [dreg:$0x1];
	p0 =	sne.s32 s2, $0x0  }
0xed: {  	s3 =	rddreg [dreg:$0x2];
	[bflag:$0x3] =	sbarrier.arrive $0xFFFF;
	s2 =	simm.s32 @!p0 $0x1C06  }
0xee: {  	[timem:s3], [sflag:s2] =	dma.local @!p0 [hbm:s0], s1  }
0xef: {  	s0 =	simm.s32 @!p0 $0x6  }
0xf0: {  	_ =	swait.ge @!p0 [sflag:s0], s1  }
0xf1: {  	s1 =	ssub.s32 @!p0 $0x0, s1;
	[sflag:s0] =	ssyncset.done @!p0 $0x0  }
0xf2: {  	[sflag:s0] =	ssyncadd.s32 @!p0 s1  }
0xf3: {  	[bflag:$0x3] =	sbarrier.arrive $0xFFFF  }
0xf4: {  	_ =	shalt  }

// kernel: kernel.14.cloned.1.call-start
scs
__scs_entry_jumppad:
0x0: {  	(pc) =	sbr.rel $0x88, $3  }
0x1: {  	(tag) =	ssettag $0x0;
	lr =	simm.s32 $0x1  }
0x2: {  	[smem:$0x3F99] =	sst lr;
	_ =	strace $0xD0000000  }
0x3: {  	_ = 	snop  }
0x4: {  	_ = 	snop  }
0x5: {  	_ = 	snop  }
0x6: {  	_ = 	snop  }
0x7: {  	_ = 	snop  }
__scs_overlays_trampoline_lowered:
0x8: {  	[smem:$0x3FA8] =	sst s0  }
0x9: {  	[smem:$0x3FA9] =	sst s1  }
0xa: {  	[smem:$0x3FAA] =	sst s2  }
0xb: {  	[smem:$0x3FAB] =	sst s3  }
0xc: {  	[smem:$0x3FAC] =	sst s4  }
0xd: {  	[smem:$0x3FAD] =	sst s5  }
0xe: {  	[smem:$0x3FAE] =	sst s6  }
0xf: {  	[smem:$0x3FAF] =	sst s7  }
0x10: {  	[smem:$0x3FB0] =	sst s8  }
0x11: {  	[smem:$0x3FB1] =	sst s9;
	s0 =	simm.s32 @!p0 $0x0  }
0x12: {  	s1 =	sld [smem:$0x3F97];
	s0 =	simm.s32 @p0 $0x1  }
0x13: {  	[smem:$0x3FB2] =	sst s0;
	s0 =	simm.s32 @!p1 $0x0  }
0x14: {  	s2 =	sld [smem:$0x3F96];
	s0 =	simm.s32 @p1 $0x1  }
0x15: {  	[smem:$0x3FB3] =	sst s0;
	s0 =	simm.s32 @!p2 $0x0  }
0x16: {  	s3 =	sld [smem:$0x3FDB];
	s0 =	simm.s32 @p2 $0x1  }
0x17: {  	s4 =	simm.s32 $0x1BF5;
	[smem:$0x3FB5] =	sst s0  }
0x18: {  	s0 =	sld [smem:$0x3F98];
	_ =	swait.ge [sflag:s4], $0x0  }
0x19: {  	s7 =	sld [smem:$0x3F99]  }
0x1a: {  	s8 =	sadd.s32 $0xFFFFE003, lr  }
0x1b: {  	s9 =	sadd.s32 $0xFFFFFEF7, lr;
	s5 =	simm.s32 $0xFFFFFFFF;
	p2 =	slt.u32 s8, $0xFFFFF086  }
0x1c: {  	p1 =	slt.u32 s9, $0xF7A;
	s5 =	simm.s32 @!p2 $0x0  }
0x1d: {  	s5 =	simm.s32 @p1 $0x1;
	p0 =	seq.s32 s7, s2  }
0x1e: {  	s7 =	smul.u32 @!p0 $0xF7A, s2;
	p2 =	seq.s32 @!p0 s5, $0x0  }
0x1f: {  	s9 =	smul.u32 $0xF7A, s1;
	s8 =	simm.s32 @!p0 $0x1BF5;
	p2 =	por !p2, p0  }
0x20: {  	[sflag:s8] =	ssyncset.s32 @!p0 $0xFFFFF086;
	s6 =	sadd.s32 @!p0 s3, s7;
	s7 =	simm.s32 @!p0 $0x108  }
0x21: {  	s3 =	sadd.s32 s3, s9;
	s6 =	sadd.s32 @!p0 $0x88, s6;
	s7 =	simm.s32 @p2 $0x1082  }
0x22: {  	[simem:s7], [sflag:s8] =	dma.local @!p0 [hbm:s6], $0xF7A  }
0x23: {  	s9 =	sor.u32 $0xD0000000, s2;
	s6 =	simm.s32 $0x108;
	_ =	swait.ge @!p0 [sflag:s8], $0x0  }
0x24: {  	s3 =	sadd.s32 $0x88, s3;
	s6 =	simm.s32 @!p1 $0x1082;
	[sflag:s4] =	ssyncset.s32 $0xFFFFF086  }
0x25: {  	[simem:s6], [sflag:s4] =	dma.local [hbm:s3], $0xF7A  }
0x26: {  	[smem:$0x3F99] =	sst s1;
	(tag) =	ssettag s2;
	_ =	strace s9  }
0x27: {  	s1 =	sld [smem:$0x3FA9]  }
0x28: {  	s2 =	sld [smem:$0x3FAA]  }
0x29: {  	s4 =	sld [smem:$0x3FAC]  }
0x2a: {  	p0 =	seq.s32 s5, $0x0;
	s5 =	sld [smem:$0x3FAD]  }
0x2b: {  	s6 =	sld [smem:$0x3FAE]  }
0x2c: {  	s7 =	sld [smem:$0x3FAF]  }
0x2d: {  	s3 =	simm.s32 $0x108;
	s8 =	sld [smem:$0x3FB0]  }
0x2e: {  	s3 =	simm.s32 @!p0 $0x1082;
	s9 =	sld [smem:$0x3FB1]  }
0x2f: {  	lr =	sadd.s32 s0, s3;
	s0 =	sld [smem:$0x3FA8]  }
0x30: {  	s3 =	sld [smem:$0x3FAB]  }
0x31: {  	[smem:$0x3FB4] =	sst s10  }
0x32: {  	s10 =	sld [smem:$0x3FB2];
	_ =	sdelay $0x3  }
0x33: {  	p0 =	seq.s32 s10, $0x1;
	s10 =	sld [smem:$0x3FB4];
	_ =	sdelay $0x3  }
0x34: {  	[smem:$0x3FB4] =	sst s10  }
0x35: {  	s10 =	sld [smem:$0x3FB3];
	_ =	sdelay $0x3  }
0x36: {  	p1 =	seq.s32 s10, $0x1;
	s10 =	sld [smem:$0x3FB4];
	_ =	sdelay $0x3  }
0x37: {  	[smem:$0x3FB4] =	sst s10  }
0x38: {  	s10 =	sld [smem:$0x3FB5]  }
0x39: {  	_ = 	snop;
	(pc) =	sbr.ind lr, $3  }
0x3a: {  	_ = 	snop  }
0x3b: {  	_ = 	snop  }
0x3c: {  	p2 =	seq.s32 s10, $0x1;
	s10 =	sld [smem:$0x3FB4]  }
0x3d: {  	_ =	shalt  }
0x3e: {  	_ =	shalt  }
0x3f: {  	_ =	shalt  }
0x40: {  	_ =	shalt  }
0x41: {  	_ =	shalt  }
0x42: {  	_ =	shalt  }
0x43: {  	_ =	shalt  }
0x44: {  	_ =	shalt  }
0x45: {  	_ =	shalt  }
0x46: {  	_ =	shalt  }
0x47: {  	_ =	shalt  }
0x48: {  	_ =	shalt  }
0x49: {  	_ =	shalt  }
0x4a: {  	_ =	shalt  }
0x4b: {  	_ =	shalt  }
0x4c: {  	_ =	shalt  }
0x4d: {  	_ =	shalt  }
0x4e: {  	_ =	shalt  }
0x4f: {  	_ =	shalt  }
0x50: {  	_ =	shalt  }
0x51: {  	_ =	shalt  }
0x52: {  	_ =	shalt  }
0x53: {  	_ =	shalt  }
0x54: {  	_ =	shalt  }
0x55: {  	_ =	shalt  }
0x56: {  	_ =	shalt  }
0x57: {  	_ =	shalt  }
0x58: {  	_ =	shalt  }
0x59: {  	_ =	shalt  }
0x5a: {  	_ =	shalt  }
0x5b: {  	_ =	shalt  }
0x5c: {  	_ =	shalt  }
0x5d: {  	_ =	shalt  }
0x5e: {  	_ =	shalt  }
0x5f: {  	_ =	shalt  }
0x60: {  	_ =	shalt  }
0x61: {  	_ =	shalt  }
0x62: {  	_ =	shalt  }
0x63: {  	_ =	shalt  }
0x64: {  	_ =	shalt  }
0x65: {  	_ =	shalt  }
0x66: {  	_ =	shalt  }
0x67: {  	_ =	shalt  }
0x68: {  	_ =	shalt  }
0x69: {  	_ =	shalt  }
0x6a: {  	_ =	shalt  }
0x6b: {  	_ =	shalt  }
0x6c: {  	_ =	shalt  }
0x6d: {  	_ =	shalt  }
0x6e: {  	_ =	shalt  }
0x6f: {  	_ =	shalt  }
0x70: {  	_ =	shalt  }
0x71: {  	_ =	shalt  }
0x72: {  	_ =	shalt  }
0x73: {  	_ =	shalt  }
0x74: {  	_ =	shalt  }
0x75: {  	_ =	shalt  }
0x76: {  	_ =	shalt  }
0x77: {  	_ =	shalt  }
0x78: {  	_ =	shalt  }
0x79: {  	_ =	shalt  }
0x7a: {  	_ =	shalt  }
0x7b: {  	_ =	shalt  }
0x7c: {  	_ =	shalt  }
0x7d: {  	_ =	shalt  }
0x7e: {  	_ =	shalt  }
0x7f: {  	_ =	shalt  }
0x80: {  	_ =	shalt  }
0x81: {  	_ =	shalt  }
0x82: {  	_ =	shalt  }
0x83: {  	_ =	shalt  }
0x84: {  	_ =	shalt  }
0x85: {  	_ =	shalt  }
0x86: {  	_ =	shalt  }
0x87: {  	_ =	shalt  }
.Lfunc_end0:
.L_simem_size_0:
called_computation.2_lowered:
.L_overlay_start_0:
0x88: {  	s2 =	sld [smem:$0x3FD9]  }
0x89: {  	s3 =	sld [smem:$0x3FFE];
	_ =	sdelay $0x1  }
0x8a: {  	s1 =	srdreg.scid  }
0x8b: {  	s0 =	sand.u32 $0x1, s1  }
0x8c: {  	s16 =	sshll.u32 s0, $0xA;
	s2 =	sadd.s32 s3, s2  }
0x8d: {  	s2 =	sadd.s32 s2, s16  }
0x8e: {  	[smem:$0x3FC0] =	sst s2  }
0x8f: {  	_ = 	snop  }
0x90: {  	(tm) =	ssettm $0x1  }
0x91: {  	s17 =	sld [smem:$0x3FFB];
	_ =	sdelay $0x3  }
0x92: {  	_ =	strace s17  }
0x93: {  	s2 =	sld [smem:$0x3FFC];
	_ =	sdelay $0x3  }
0x94: {  	_ =	strace s2  }
0x95: {  	s2 =	sld [smem:$0x3FFD];
	_ =	sdelay $0x3  }
0x96: {  	_ =	strace s2  }
0x97: {  	_ =	strace $0x8FFFFFFF  }
0x98: {  	s18 =	sld [smem:$0x3FDB];
	_ =	sdelay $0x1  }
0x99: {  	s19 =	simm.s32 $_scs_section_size  }
0x9a: {  	s4 =	simm.s32 $_size__tile_overlayer_lowered;
	s5 =	simm.s32 $_tile_overlayer_lowered  }
0x9b: {  	s22 =	simm.s32 $0x1BFF;
	s21 =	sshll.u32 s5, $0x1;
	s2 =	sadd.s32 s19, s18  }
0x9c: {  	s6 =	simm.s32 $0x0;
	s20 =	sshll.u32 s4, $0x1;
	s4 =	sadd.s32 s21, s2  }
0x9d: {  	[timem:s6], [sflag:s22] =	dma.local [hbm:s4], s20  }
0x9e: {  	_ =	swait.ge [sflag:s22], s20  }
0x9f: {  	s3 =	ssub.s32 $0x0, s20;
	[sflag:s22] =	ssyncset.done $0x0  }
0xa0: {  	[sflag:s22] =	ssyncadd.s32 s3;
	_ =	sdelay $0x1  }
0xa1: {  	s23 =	simm.s32 $0x1B8B  }
0xa2: {  	_ =	swait.ge [sflag:s23], $0x1  }
0xa3: {  	[sflag:s23] =	ssyncset.done $0x0  }
0xa4: {  	s25 =	simm.s32 $0x1B8E;
	s24 =	sld [smem:$0x3FFE];
	[sflag:s23] =	ssyncadd.s32 $0xFFFFFFFF  }
0xa5: {  	s26 =	simm.s32 $execute0_lowered;
	[smem:$0x3FD2] =	sst s25  }
0xa6: {  	s4 =	sshll.u32 s26, $0x1;
	_ =	strace $0x8000004C;
	[dreg:$0x1] =	wrdreg $0xFFFFFFFF  }
0xa7: {  	s28 =	simm.s32 $_size_execute0_lowered;
	s2 =	sadd.s32 s2, s4;
	[dreg:$0x0] =	wrdreg $0x0  }
0xa8: {  	s4 =	sshll.u32 s28, $0x1;
	[dreg:$0x2] =	wrdreg s2  }
0xa9: {  	[dreg:$0x3] =	wrdreg s4  }
0xaa: {  	[dreg:$0x4] =	wrdreg $0xC0  }
0xab: {  	_ =	task [dreg:s6], $0x5FFFF  }
0xac: {  	[dreg:$0x1] =	wrdreg $0xFFFFFFFF  }
0xad: {  	[dreg:$0x0] =	wrdreg $0x60  }
0xae: {  	[dreg:$0x2] =	wrdreg s24  }
0xaf: {  	[dreg:$0x3] =	wrdreg $0x90000  }
0xb0: {  	[dreg:$0x4] =	wrdreg $0x9  }
0xb1: {  	_ =	task.clear_ibuf [dreg:s6], $0x5FFFF;
	_ =	strace $0x9000004C  }
0xb2: {  	s29 =	simm.s32 $0x9;
	_ =	strace $0x8000004E  }
0xb3: {  	_ =	swait.ge [sflag:s29], $0x1  }
0xb4: {  	[sflag:s29] =	ssyncadd.s32 $0xFFFFFFFF  }
0xb5: {  	_ =	strace $0x9000004E  }
0xb6: {  	_ =	sfence  }
0xb7: {  	s30 =	sld [smem:$0x0];
	_ =	sdelay $0x2  }
0xb8: {  	s31 =	sshll.u32 s1, $0xD;
	s1 =	sshrl.u32 s1, $0x2  }
0xb9: {  	s3 =	sand.u32 $0x4000, s31;
	s1 =	sadd.s32 s1, s30  }
0xba: {  	s0 =	sor.u32 s3, s0;
	s1 =	sshll.u32 s1, $0x11  }
0xbb: {  	s0 =	sor.u32 s1, s0  }
0xbc: {  	s0 =	sadd.s32 $0x8F2B, s0  }
0xbd: {  	[sflag:s0] =	ssyncadd.remote.s32 $0x1  }
0xbe: {  	_ =	sfence.sel $0xFFFF  }
0xbf: {  	[dreg:$0x0] =	wrdreg $0xFFFFFFFF;
	(pc) =	sbr.abs _section_cstart, $3  }
0xc0: {  	[dreg:$0x1] =	wrdreg $0xFFFFFFFF  }
0xc1: {  	_ =	task.clear_ibuf [dreg:s6], $0x2FFFF;
	_ =	strace $0x9FFFFFFF  }
0xc2: {  	(tm) =	ssettm $0x7FFFFFFF  }
0xc3: {  	_ =	shalt  }
tec
execute0_lowered:
.L_overlay_start_1:
0x0: {  	(tag) =	ssettag $0x1  }
0x1: {  	s0 =	rddreg [dreg:$0x0]  }
0x2: {  	s1 =	rddreg [dreg:$0x1];
	s2 =	srdreg.scid  }
0x3: {  	s5 =	stileid.u32;
	s28 =	simm.s32 $0x1;
	s29 =	simm.s32 $0x5000  }
0x4: {  	s30 =	simm.s32 $0x2;
	s31 =	simm.s32 $0x3;
	s4 =	sand.u32 $0x1, s2  }
0x5: {  	s2 =	simm.s32 $0x0;
	s8 =	sadd.s32 $0x2C00, s0;
	s17 =	smul.u32 $0x13800, s5  }
0x6: {  	s21 =	smul.u32 $0x4E000, s5;
	p0 =	sne.s32 s5, $0x0;
	s3 =	sshll.u32 s4, $0x4  }
0x7: {  	[smem:$0x7FF] =	sst s2;
	s7 =	ssub.s32 $0x2, s4;
	s18 =	smul.u32 $0x138800, s4  }
0x8: {  	s4 =	smul.u32 $0x5000, s4;
	s3 =	sor.u32 s5, s3;
	_ =	strace $0x8000004D  }
0x9: {  	s9 =	sshrl.u32 s7, $0x1;
	s10 =	sadd.s32 $0x3400, s17;
	s12 =	sadd.s32 $0x6800, s17  }
0xa: {  	s13 =	sadd.s32 $0x9C00, s17;
	s15 =	sadd.s32 $0xD000, s17;
	s19 =	sadd.s32 $0x10400, s17  }
0xb: {  	s6 =	smul.u32 $0x2800, s3;
	s3 =	sadd.s32 $0x16C00, s0;
	s0 =	sadd.s32 $0x3DE00, s0  }
0xc: {  	s20 =	ssub.s32 s7, s9;
	s22 =	sadd.s32 s17, s18;
	s7 =	sshrl.u32 s21, $0x2  }
0xd: {  	s11 =	sadd.s32 s18, s10;
	s14 =	sadd.s32 s18, s13;
	s16 =	sadd.s32 s18, s15  }
0xe: {  	s13 =	sadd.s32 s13, s1;
	s15 =	sadd.s32 s15, s1;
	s17 =	sadd.s32 s19, s1  }
0xf: {  	s19 =	sadd.s32 s18, s19;
	s21 =	sshrl.u32 s18, $0x3;
	s4 =	sadd.s32 s4, s8  }
0x10: {  	s9 =	sshrl.u32 s22, $0x3;
	s7 =	sadd.s32 s7, s1;
	s11 =	sshrl.u32 s11, $0x3  }
0x11: {  	s14 =	sshrl.u32 s14, $0x3;
	s16 =	sshrl.u32 s16, $0x3;
	s19 =	sshrl.u32 s19, $0x3  }
0x12: {  	s22 =	smul.u32 $0x500, s5;
	s20 =	smax.u32 s20, $0x1;
	s6 =	sshrl.u32 s6, $0x3  }
0x13: {  	s9 =	sadd.s32 s0, s9;
	s23 =	sadd.s32 s0, s11;
	s11 =	sadd.s32 s12, s1  }
0x14: {  	s12 =	sadd.s32 s18, s12;
	s25 =	sadd.s32 s0, s14;
	[dreg:$0x5] =	wrdreg s9  }
0x15: {  	s26 =	sadd.s32 s0, s16;
	s18 =	sadd.s32 s0, s19;
	[dreg:$0x6] =	wrdreg s23  }
0x16: {  	s6 =	sadd.s32 s8, s6;
	s9 =	sadd.s32 s10, s1;
	[dreg:$0x8] =	wrdreg s25  }
0x17: {  	s12 =	sshrl.u32 s12, $0x3;
	[dreg:$0x9] =	wrdreg s26;
	s25 =	simm.s32 $0x5  }
.Ltmp0:
0x18: {  	s26 =	simm.s32 $0x7D;
	s23 =	simm.s32 $0x0;
	(pc) =	sbr.rel .LBB2_1-.Ltmp0, $4  }
0x19: {  	[dreg:$0x3] =	wrdreg s6;
	s6 =	sadd.s32 $0xA000, s6;
	s24 =	sadd.s32 s0, s12  }
0x1a: {  	s0 =	sadd.s32 s0, s21;
	s21 =	sadd.s32 s22, s4;
	[dreg:$0x4] =	wrdreg s6  }
0x1b: {  	s22 =	simm.s32 $0x6;
	s6 =	sadd.s32 $0x138000, s1;
	[dreg:$0x7] =	wrdreg s24  }
0x1c: {  	v0 =	vimm.f32 $0.0e+00;
	s19 =	sadd.s32 $0x27000, s0;
	s24 =	simm.s32 $0x1000;
	s0 =	simm.s32 $0x4  }
.LBB2_6:
0x1d: {  	_ =	swait.ge [sflag:s0], $0x3E80  }
0x1e: {  	[sflag:s0] =	ssyncset.done $0x0  }
0x1f: {  	[sflag:s0] =	ssyncadd.s32 $0xFFFFC180  }
0x20: {  	[bflag:$0x0] =	sbarrier.arrive $0xFFFF  }
0x21: {  	[tilespmem:s24], [sflag:$0x6] =	stream.linear.gather [spmem:s7], $0x3400, $0x38;
	[tilespmem:$0x1C880] =	vst v63  }
0x22: {  	_ =	swait.ge [sflag:s22], $0x3400  }
0x23: {  	[sflag:s22] =	ssyncset.done $0x0  }
0x24: {  	s4 =	rddreg [dreg:$0x5];
	[sflag:s22] =	ssyncadd.s32 $0xFFFFCC00  }
0x25: {  	[hbm4b:s4+s2] =	stream.linear.scatter [tilespmem:s24], [sflag:$0x3], $0x3400, $0x38;
	[tilespmem:$0x1C880] =	vst v63  }
0x26: {  	_ = 	snop  }
0x27: {  	[tilespmem:s29], [sflag:$0x6] =	stream.linear.gather [spmem:s9], $0x3400, $0x38;
	[tilespmem:$0x1C880] =	vst v63  }
0x28: {  	_ =	swait.ge [sflag:s22], $0x3400  }
0x29: {  	[sflag:s22] =	ssyncset.done $0x0  }
0x2a: {  	s10 =	rddreg [dreg:$0x6];
	[sflag:s22] =	ssyncadd.s32 $0xFFFFCC00  }
0x2b: {  	[hbm4b:s10+s2] =	stream.linear.scatter [tilespmem:s29], [sflag:$0x4], $0x3400, $0x38;
	[tilespmem:$0x1C880] =	vst v63  }
0x2c: {  	_ =	swait.ge [sflag:s31], $0x3400  }
0x2d: {  	[sflag:s31] =	ssyncset.done $0x0  }
0x2e: {  	[sflag:s31] =	ssyncadd.s32 $0xFFFFCC00  }
0x2f: {  	[tilespmem:s24], [sflag:$0x6] =	stream.linear.gather [spmem:s11], $0x3400, $0x38;
	[tilespmem:$0x1C880] =	vst v63  }
0x30: {  	_ =	swait.ge [sflag:s22], $0x3400  }
0x31: {  	[sflag:s22] =	ssyncset.done $0x0  }
0x32: {  	s12 =	rddreg [dreg:$0x7];
	[sflag:s22] =	ssyncadd.s32 $0xFFFFCC00  }
0x33: {  	[hbm4b:s12+s2] =	stream.linear.scatter [tilespmem:s24], [sflag:$0x3], $0x3400, $0x38;
	[tilespmem:$0x1C880] =	vst v63  }
0x34: {  	_ =	swait.ge [sflag:s0], $0x3400  }
0x35: {  	[sflag:s0] =	ssyncset.done $0x0  }
0x36: {  	[sflag:s0] =	ssyncadd.s32 $0xFFFFCC00  }
0x37: {  	[tilespmem:s29], [sflag:$0x6] =	stream.linear.gather [spmem:s13], $0x3400, $0x38;
	[tilespmem:$0x1C880] =	vst v63  }
0x38: {  	_ =	swait.ge [sflag:s22], $0x3400  }
0x39: {  	[sflag:s22] =	ssyncset.done $0x0  }
0x3a: {  	s14 =	rddreg [dreg:$0x8];
	[sflag:s22] =	ssyncadd.s32 $0xFFFFCC00  }
0x3b: {  	[hbm4b:s14+s2] =	stream.linear.scatter [tilespmem:s29], [sflag:$0x4], $0x3400, $0x38;
	[tilespmem:$0x1C880] =	vst v63  }
0x3c: {  	_ =	swait.ge [sflag:s31], $0x3400  }
0x3d: {  	[sflag:s31] =	ssyncset.done $0x0  }
0x3e: {  	[sflag:s31] =	ssyncadd.s32 $0xFFFFCC00  }
0x3f: {  	[tilespmem:s24], [sflag:$0x6] =	stream.linear.gather [spmem:s15], $0x3400, $0x38;
	[tilespmem:$0x1C880] =	vst v63  }
0x40: {  	_ =	swait.ge [sflag:s22], $0x3400  }
0x41: {  	[sflag:s22] =	ssyncset.done $0x0  }
0x42: {  	s16 =	rddreg [dreg:$0x9];
	[sflag:s22] =	ssyncadd.s32 $0xFFFFCC00  }
0x43: {  	[hbm4b:s16+s2] =	stream.linear.scatter [tilespmem:s24], [sflag:$0x3], $0x3400, $0x38;
	[tilespmem:$0x1C880] =	vst v63  }
0x44: {  	_ =	swait.ge [sflag:s0], $0x3400  }
0x45: {  	[sflag:s0] =	ssyncset.done $0x0  }
0x46: {  	[sflag:s0] =	ssyncadd.s32 $0xFFFFCC00  }
0x47: {  	[tilespmem:s29], [sflag:$0x6] =	stream.linear.gather [spmem:s17], $0x3400, $0x38;
	[tilespmem:$0x1C880] =	vst v63  }
0x48: {  	_ =	swait.ge [sflag:s22], $0x3400  }
0x49: {  	[sflag:s22] =	ssyncset.done $0x0  }
0x4a: {  	[sflag:s22] =	ssyncadd.s32 $0xFFFFCC00  }
0x4b: {  	[hbm4b:s18+s2] =	stream.linear.scatter [tilespmem:s29], [sflag:$0x4], $0x3400, $0x38;
	[tilespmem:$0x1C880] =	vst v63  }
0x4c: {  	_ =	swait.ge [sflag:s31], $0x3400  }
0x4d: {  	[sflag:s31] =	ssyncset.done $0x0  }
0x4e: {  	[sflag:s31] =	ssyncadd.s32 $0xFFFFCC00  }
0x4f: {  	_ =	swait.ge [sflag:s0], $0x3400  }
0x50: {  	[sflag:s0] =	ssyncset.done $0x0  }
0x51: {  	s5 =	simm.s32 @!p0 $0x6;
	s4 =	simm.s32 @!p0 $0x1000;
	[sflag:s0] =	ssyncadd.s32 $0xFFFFCC00  }
0x52: {  	[tilespmem:s4], [sflag:$0x6] =	stream.linear.gather @!p0 [spmem:s6], $0x800, $0x38;
	[tilespmem:$0x1C880] =	vst v63  }
0x53: {  	s23 =	sadd.s32 $0x1, s23;
	_ =	swait.ge @!p0 [sflag:s5], $0x800  }
0x54: {  	p1 =	sne.s32 s23, s20;
	[sflag:s5] =	ssyncset.done @!p0 $0x0  }
.Ltmp1:
0x55: {  	s8 =	simm.s32 @!p0 $0x0;
	[sflag:s5] =	ssyncadd.s32 @!p0 $0xFFFFF800;
	(pc) =	sbr.rel @!p1 .LBB2_7-.Ltmp1, $4  }
0x56: {  	[hbm4b:s19+s8] =	stream.linear.scatter @!p0 [tilespmem:s4], [sflag:$0x6], $0x800, $0x38;
	[tilespmem:$0x1C880] =	vst v63  }
0x57: {  	_ =	swait.ge @!p0 [sflag:s5], $0x800  }
0x58: {  	[sflag:s5] =	ssyncset.done @!p0 $0x0  }
0x59: {  	[sflag:s5] =	ssyncadd.s32 @!p0 $0xFFFFF800  }
.LBB2_1:
0x5a: {  	s4 =	rddreg [dreg:$0x3]  }
0x5b: {  	[tilespmem:s2], [sflag:$0x6] =	stream.linear.gather [hbm4b:s4+s2], $0x400, $0x38;
	[tilespmem:$0x1C880] =	vst v63  }
0x5c: {  	_ =	swait.ge [sflag:s22], $0x400  }
0x5d: {  	[sflag:s22] =	ssyncset.done $0x0  }
0x5e: {  	s5 =	simm.s32 $0x800;
	s16 =	rddreg [dreg:$0x4];
	[sflag:s22] =	ssyncadd.s32 $0xFFFFFC00  }
0x5f: {  	[tilespmem:s5], [sflag:$0x6] =	stream.linear.gather [hbm4b:s16+s2], $0x400, $0x38;
	[tilespmem:$0x1C880] =	vst v63  }
0x60: {  	_ =	swait.ge [sflag:s22], $0x400  }
0x61: {  	[sflag:s22] =	ssyncset.done $0x0  }
0x62: {  	s4 =	simm.s32 $0x0;
	s5 =	simm.s32 $0x200;
	[sflag:s22] =	ssyncadd.s32 $0xFFFFFC00  }
.LBB2_2:
0x63: {  	p1 =	sne.s32 s5, $0xF800;
	[tilespmem:s4+$0x1070] =	vst v0  }
0x64: {  	[tilespmem:s4+$0x1000] =	vst v0  }
0x65: {  	[tilespmem:s4+$0x1010] =	vst v0  }
.Ltmp2:
0x66: {  	[tilespmem:s4+$0x1020] =	vst v0;
	(pc) =	sbr.rel @p1 .LBB2_2-.Ltmp2, $4  }
0x67: {  	[tilespmem:s4+$0x1030] =	vst v0  }
0x68: {  	[tilespmem:s4+$0x1040] =	vst v0  }
0x69: {  	[tilespmem:s4+$0x1050] =	vst v0  }
0x6a: {  	[tilespmem:s4+$0x1060] =	vst v0;
	s4 =	sshra.s32 s5, $0x2;
	s5 =	sadd.s32 $0x200, s5  }
0x6b: {  	[tilespmem:s4+$0x1070] =	vst v0  }
0x6c: {  	[tilespmem:s4+$0x1000] =	vst v0  }
0x6d: {  	[tilespmem:s4+$0x1010] =	vst v0  }
0x6e: {  	[tilespmem:s4+$0x1020] =	vst v0  }
0x6f: {  	[tilespmem:s4+$0x1030] =	vst v0  }
0x70: {  	[tilespmem:s4+$0x1040] =	vst v0  }
0x71: {  	[tilespmem:s4+$0x1050] =	vst v0  }
0x72: {  	[tilespmem:s4+$0x1060] =	vst v0  }
0x73: {  	[spmem:s7] =	stream.linear.scatter [tilespmem:s24], [sflag:$0x5], $0x3400, $0x38;
	[tilespmem:$0x1C880] =	vst v63  }
0x74: {  	_ = 	snop  }
0x75: {  	[spmem:s9] =	stream.linear.scatter [tilespmem:s24], [sflag:$0x5], $0x3400, $0x38;
	[tilespmem:$0x1C880] =	vst v63  }
0x76: {  	_ = 	snop  }
0x77: {  	[spmem:s11] =	stream.linear.scatter [tilespmem:s24], [sflag:$0x5], $0x3400, $0x38;
	[tilespmem:$0x1C880] =	vst v63  }
0x78: {  	_ = 	snop  }
0x79: {  	[spmem:s13] =	stream.linear.scatter [tilespmem:s24], [sflag:$0x5], $0x3400, $0x38;
	[tilespmem:$0x1C880] =	vst v63  }
0x7a: {  	_ = 	snop  }
0x7b: {  	[spmem:s15] =	stream.linear.scatter [tilespmem:s24], [sflag:$0x5], $0x3400, $0x38;
	[tilespmem:$0x1C880] =	vst v63  }
0x7c: {  	_ = 	snop  }
0x7d: {  	[spmem:s17] =	stream.linear.scatter [tilespmem:s24], [sflag:$0x5], $0x3400, $0x38;
	[tilespmem:$0x1C880] =	vst v63  }
0x7e: {  	s4 =	simm.s32 @!p0 $0x1000  }
0x7f: {  	[spmem:s6] =	stream.linear.scatter @!p0 [tilespmem:s4], [sflag:$0x5], $0x800, $0x38;
	[tilespmem:$0x1C880] =	vst v63  }
0x80: {  	_ =	swait.ge [sflag:s25], $0x3400  }
0x81: {  	[sflag:s25] =	ssyncset.done $0x0  }
0x82: {  	[sflag:s25] =	ssyncadd.s32 $0xFFFFCC00  }
0x83: {  	_ =	swait.ge [sflag:s25], $0x3400  }
0x84: {  	[sflag:s25] =	ssyncset.done $0x0  }
0x85: {  	[sflag:s25] =	ssyncadd.s32 $0xFFFFCC00  }
0x86: {  	_ =	swait.ge [sflag:s25], $0x3400  }
0x87: {  	[sflag:s25] =	ssyncset.done $0x0  }
0x88: {  	[sflag:s25] =	ssyncadd.s32 $0xFFFFCC00  }
0x89: {  	_ =	swait.ge [sflag:s25], $0x3400  }
0x8a: {  	[sflag:s25] =	ssyncset.done $0x0  }
0x8b: {  	[sflag:s25] =	ssyncadd.s32 $0xFFFFCC00  }
0x8c: {  	_ =	swait.ge [sflag:s25], $0x3400  }
0x8d: {  	[sflag:s25] =	ssyncset.done $0x0  }
0x8e: {  	[sflag:s25] =	ssyncadd.s32 $0xFFFFCC00  }
0x8f: {  	_ =	swait.ge [sflag:s25], $0x3400  }
0x90: {  	[sflag:s25] =	ssyncset.done $0x0  }
0x91: {  	s4 =	simm.s32 @!p0 $0x5;
	[sflag:s25] =	ssyncadd.s32 $0xFFFFCC00  }
0x92: {  	_ =	swait.ge @!p0 [sflag:s4], $0x800  }
0x93: {  	[sflag:s4] =	ssyncset.done @!p0 $0x0  }
0x94: {  	s5 =	simm.s32 $0x0;
	[sflag:s4] =	ssyncadd.s32 @!p0 $0xFFFFF800  }
0x95: {  	[tilespmem:s24], [sflag:$0x1] =	stream.indirect.gather [hbm4b:s3+s26], $0x80, s5, s26, $0xb8;
	[tilespmem:$0x1C880] =	vst v63  }
0x96: {  	s4 =	simm.s32 $0x0;
	[bflag:$0x0] =	sbarrier.arrive $0xFFFF  }
.LBB2_4:
0x97: {  	p1 =	seq.s32 s5, $0x480  }
0x98: {  	s8 =	sand.u32 @!p1 $0x400, s4;
	s10 =	sadd.s32 @!p1 s5, s21  }
0x99: {  	s16 =	simm.s32 @!p1 $0x0;
	s12 =	sxor.u32 @!p1 $0x400, s8;
	s14 =	sadd.s32 @!p1 $0x80, s10  }
0x9a: {  	[tilespmem:s12], [sflag:$0x5] =	stream.linear.gather @!p1 [hbm4b:s14+s16], $0x400, $0x38;
	[tilespmem:$0x1C880] =	vst v63  }
0x9b: {  	s10 =	sadd.s32 @!p1 $0xA080, s10;
	s12 =	sor.u32 @!p1 $0x800, s12  }
0x9c: {  	[tilespmem:s12], [sflag:$0x5] =	stream.linear.gather @!p1 [hbm4b:s10+s16], $0x400, $0x38;
	[tilespmem:$0x1C880] =	vst v63  }
0x9d: {  	_ =	swait.ge [sflag:s28], $0x3E80  }
0x9e: {  	p2 =	seq.s32 s5, $0x0;
	s8 =	simm.s32 @p1 $0x400;
	[sflag:s28] =	ssyncset.done $0x0  }
0x9f: {  	s12 =	sor.u32 $0x800, s8;
	s10 =	simm.s32 @!p2 $0x4;
	[sflag:s28] =	ssyncadd.s32 $0xFFFFC180  }
0xa0: {  	[spmem:s1] =	stream.indirect.scatter.add.f32 [tilespmem:s24], [sflag:$0x3], $0x80, s12, s26, $0xb8;
	[tilespmem:$0x1C880] =	vst v63  }
0xa1: {  	_ =	swait.ge @!p2 [sflag:s10], $0x3E80  }
0xa2: {  	[sflag:s10] =	ssyncset.done @!p2 $0x0  }
0xa3: {  	s14 =	sor.u32 $0x80, s8;
	[sflag:s10] =	ssyncadd.s32 @!p2 $0xFFFFC180  }
0xa4: {  	[tilespmem:s29], [sflag:$0x2] =	stream.indirect.gather [hbm4b:s3+s26], $0x80, s14, s26, $0xb8;
	[tilespmem:$0x1C880] =	vst v63  }
0xa5: {  	_ =	swait.ge [sflag:s30], $0x3E80  }
0xa6: {  	[sflag:s30] =	ssyncset.done $0x0  }
0xa7: {  	s16 =	sor.u32 $0x880, s8;
	[sflag:s30] =	ssyncadd.s32 $0xFFFFC180  }
0xa8: {  	[spmem:s1] =	stream.indirect.scatter.add.f32 [tilespmem:s29], [sflag:$0x4], $0x80, s16, s26, $0xb8;
	[tilespmem:$0x1C880] =	vst v63  }
0xa9: {  	_ =	swait.ge [sflag:s31], $0x3E80  }
0xaa: {  	[sflag:s31] =	ssyncset.done $0x0  }
0xab: {  	s12 =	sor.u32 $0x100, s8;
	[sflag:s31] =	ssyncadd.s32 $0xFFFFC180  }
0xac: {  	[tilespmem:s24], [sflag:$0x1] =	stream.indirect.gather [hbm4b:s3+s26], $0x80, s12, s26, $0xb8;
	[tilespmem:$0x1C880] =	vst v63  }
0xad: {  	_ =	swait.ge [sflag:s28], $0x3E80  }
0xae: {  	[sflag:s28] =	ssyncset.done $0x0  }
0xaf: {  	s14 =	sor.u32 $0x900, s8;
	[sflag:s28] =	ssyncadd.s32 $0xFFFFC180  }
0xb0: {  	[spmem:s1] =	stream.indirect.scatter.add.f32 [tilespmem:s24], [sflag:$0x3], $0x80, s14, s26, $0xb8;
	[tilespmem:$0x1C880] =	vst v63  }
0xb1: {  	_ =	swait.ge [sflag:s0], $0x3E80  }
0xb2: {  	[sflag:s0] =	ssyncset.done $0x0  }
0xb3: {  	s16 =	sor.u32 $0x180, s8;
	[sflag:s0] =	ssyncadd.s32 $0xFFFFC180  }
0xb4: {  	[tilespmem:s29], [sflag:$0x2] =	stream.indirect.gather [hbm4b:s3+s26], $0x80, s16, s26, $0xb8;
	[tilespmem:$0x1C880] =	vst v63  }
0xb5: {  	_ =	swait.ge [sflag:s30], $0x3E80  }
0xb6: {  	[sflag:s30] =	ssyncset.done $0x0  }
0xb7: {  	s12 =	sor.u32 $0x980, s8;
	[sflag:s30] =	ssyncadd.s32 $0xFFFFC180  }
0xb8: {  	[spmem:s1] =	stream.indirect.scatter.add.f32 [tilespmem:s29], [sflag:$0x4], $0x80, s12, s26, $0xb8;
	[tilespmem:$0x1C880] =	vst v63  }
0xb9: {  	_ =	swait.ge [sflag:s31], $0x3E80  }
0xba: {  	[sflag:s31] =	ssyncset.done $0x0  }
0xbb: {  	s14 =	sor.u32 $0x200, s8;
	[sflag:s31] =	ssyncadd.s32 $0xFFFFC180  }
0xbc: {  	[tilespmem:s24], [sflag:$0x1] =	stream.indirect.gather [hbm4b:s3+s26], $0x80, s14, s26, $0xb8;
	[tilespmem:$0x1C880] =	vst v63  }
0xbd: {  	_ =	swait.ge [sflag:s28], $0x3E80  }
0xbe: {  	[sflag:s28] =	ssyncset.done $0x0  }
0xbf: {  	s16 =	sor.u32 $0xA00, s8;
	[sflag:s28] =	ssyncadd.s32 $0xFFFFC180  }
0xc0: {  	[spmem:s1] =	stream.indirect.scatter.add.f32 [tilespmem:s24], [sflag:$0x3], $0x80, s16, s26, $0xb8;
	[tilespmem:$0x1C880] =	vst v63  }
0xc1: {  	_ =	swait.ge [sflag:s0], $0x3E80  }
0xc2: {  	[sflag:s0] =	ssyncset.done $0x0  }
0xc3: {  	s12 =	sor.u32 $0x280, s8;
	[sflag:s0] =	ssyncadd.s32 $0xFFFFC180  }
0xc4: {  	[tilespmem:s29], [sflag:$0x2] =	stream.indirect.gather [hbm4b:s3+s26], $0x80, s12, s26, $0xb8;
	[tilespmem:$0x1C880] =	vst v63  }
0xc5: {  	_ =	swait.ge [sflag:s30], $0x3E80  }
0xc6: {  	[sflag:s30] =	ssyncset.done $0x0  }
0xc7: {  	s14 =	sor.u32 $0xA80, s8;
	[sflag:s30] =	ssyncadd.s32 $0xFFFFC180  }
0xc8: {  	[spmem:s1] =	stream.indirect.scatter.add.f32 [tilespmem:s29], [sflag:$0x4], $0x80, s14, s26, $0xb8;
	[tilespmem:$0x1C880] =	vst v63  }
0xc9: {  	_ =	swait.ge [sflag:s31], $0x3E80  }
0xca: {  	[sflag:s31] =	ssyncset.done $0x0  }
0xcb: {  	s16 =	sor.u32 $0x300, s8;
	[sflag:s31] =	ssyncadd.s32 $0xFFFFC180  }
0xcc: {  	[tilespmem:s24], [sflag:$0x1] =	stream.indirect.gather [hbm4b:s3+s26], $0x80, s16, s26, $0xb8;
	[tilespmem:$0x1C880] =	vst v63  }
0xcd: {  	_ =	swait.ge [sflag:s28], $0x3E80  }
0xce: {  	[sflag:s28] =	ssyncset.done $0x0  }
0xcf: {  	s12 =	sor.u32 $0xB00, s8;
	[sflag:s28] =	ssyncadd.s32 $0xFFFFC180  }
0xd0: {  	[spmem:s1] =	stream.indirect.scatter.add.f32 [tilespmem:s24], [sflag:$0x3], $0x80, s12, s26, $0xb8;
	[tilespmem:$0x1C880] =	vst v63  }
0xd1: {  	_ =	swait.ge [sflag:s0], $0x3E80  }
0xd2: {  	[sflag:s0] =	ssyncset.done $0x0  }
0xd3: {  	s14 =	sor.u32 $0x380, s8;
	[sflag:s0] =	ssyncadd.s32 $0xFFFFC180  }
0xd4: {  	[tilespmem:s29], [sflag:$0x2] =	stream.indirect.gather [hbm4b:s3+s26], $0x80, s14, s26, $0xb8;
	[tilespmem:$0x1C880] =	vst v63  }
0xd5: {  	_ =	swait.ge [sflag:s30], $0x3E80  }
0xd6: {  	[sflag:s30] =	ssyncset.done $0x0  }
.Ltmp3:
0xd7: {  	s16 =	sor.u32 $0xB80, s8;
	[sflag:s30] =	ssyncadd.s32 $0xFFFFC180;
	(pc) =	sbr.rel @p1 .LBB2_6-.Ltmp3, $4  }
0xd8: {  	[spmem:s1] =	stream.indirect.scatter.add.f32 [tilespmem:s29], [sflag:$0x4], $0x80, s16, s26, $0xb8;
	[tilespmem:$0x1C880] =	vst v63  }
0xd9: {  	_ =	swait.ge [sflag:s31], $0x3E80  }
0xda: {  	[sflag:s31] =	ssyncset.done $0x0  }
0xdb: {  	[sflag:s31] =	ssyncadd.s32 $0xFFFFC180  }
0xdc: {  	_ =	swait.ge [sflag:s25], $0x400  }
0xdd: {  	[sflag:s25] =	ssyncset.done $0x0  }
.Ltmp4:
0xde: {  	[sflag:s25] =	ssyncadd.s32 $0xFFFFFC00;
	(pc) =	sbr.rel .LBB2_4-.Ltmp4, $4  }
0xdf: {  	_ =	swait.ge [sflag:s25], $0x400  }
0xe0: {  	s8 =	sxor.u32 $0x400, s8;
	[sflag:s25] =	ssyncset.done $0x0  }
0xe1: {  	s4 =	sadd.s32 $0x400, s4;
	s5 =	sadd.s32 $0x80, s5;
	[sflag:s25] =	ssyncadd.s32 $0xFFFFFC00  }
0xe2: {  	[tilespmem:s24], [sflag:$0x1] =	stream.indirect.gather [hbm4b:s3+s26], $0x80, s8, s26, $0xb8;
	[tilespmem:$0x1C880] =	vst v63  }
.LBB2_7:
0xe3: {  	_ =	sfence.sel $0x180000  }
0xe4: {  	[bflag:$0x0] =	sbarrier.arrive $0xFFFF  }
0xe5: {  	_ =	strace $0x9000004D  }
0xe6: {  	[bflag:$0x2] =	sbarrier.arrive $0xFFFF  }
0xe7: {  	s0 =	rddreg [dreg:$0x2]  }
0xe8: {  	s0 =	sadd.s32 @!p0 $0x100000, s0  }
0xe9: {  	[sflag:s0] =	ssyncadd.tile.s32 @!p0 $0x1;
	_ =	shalt  }
.Lfunc_end2:
_tile_overlayer_lowered:
.L_overlay_start_2:
0xea: {  	(tag) =	ssettag $0x2  }
0xeb: {  	s0 =	rddreg [dreg:$0x0];
	s2 =	stileid.u32  }
0xec: {  	s1 =	rddreg [dreg:$0x1];
	p0 =	sne.s32 s2, $0x0  }
0xed: {  	s3 =	rddreg [dreg:$0x2];
	[bflag:$0x3] =	sbarrier.arrive $0xFFFF;
	s2 =	simm.s32 @!p0 $0x1C06  }
0xee: {  	[timem:s3], [sflag:s2] =	dma.local @!p0 [hbm:s0], s1  }
0xef: {  	s0 =	simm.s32 @!p0 $0x6  }
0xf0: {  	_ =	swait.ge @!p0 [sflag:s0], s1  }
0xf1: {  	s1 =	ssub.s32 @!p0 $0x0, s1;
	[sflag:s0] =	ssyncset.done @!p0 $0x0  }
0xf2: {  	[sflag:s0] =	ssyncadd.s32 @!p0 s1  }
0xf3: {  	[bflag:$0x3] =	sbarrier.arrive $0xFFFF  }
0xf4: {  	_ =	shalt  }

// kernel: kernel.8.cloned.1.call-start
scs
__scs_entry_jumppad:
0x0: {  	(pc) =	sbr.rel $0x88, $3  }
0x1: {  	(tag) =	ssettag $0x0;
	lr =	simm.s32 $0x1  }
0x2: {  	[smem:$0x3F99] =	sst lr;
	_ =	strace $0xD0000000  }
0x3: {  	_ = 	snop  }
0x4: {  	_ = 	snop  }
0x5: {  	_ = 	snop  }
0x6: {  	_ = 	snop  }
0x7: {  	_ = 	snop  }
__scs_overlays_trampoline_lowered:
0x8: {  	[smem:$0x3FA8] =	sst s0  }
0x9: {  	[smem:$0x3FA9] =	sst s1  }
0xa: {  	[smem:$0x3FAA] =	sst s2  }
0xb: {  	[smem:$0x3FAB] =	sst s3  }
0xc: {  	[smem:$0x3FAC] =	sst s4  }
0xd: {  	[smem:$0x3FAD] =	sst s5  }
0xe: {  	[smem:$0x3FAE] =	sst s6  }
0xf: {  	[smem:$0x3FAF] =	sst s7  }
0x10: {  	[smem:$0x3FB0] =	sst s8  }
0x11: {  	[smem:$0x3FB1] =	sst s9;
	s0 =	simm.s32 @!p0 $0x0  }
0x12: {  	s1 =	sld [smem:$0x3F97];
	s0 =	simm.s32 @p0 $0x1  }
0x13: {  	[smem:$0x3FB2] =	sst s0;
	s0 =	simm.s32 @!p1 $0x0  }
0x14: {  	s2 =	sld [smem:$0x3F96];
	s0 =	simm.s32 @p1 $0x1  }
0x15: {  	[smem:$0x3FB3] =	sst s0;
	s0 =	simm.s32 @!p2 $0x0  }
0x16: {  	s3 =	sld [smem:$0x3FDB];
	s0 =	simm.s32 @p2 $0x1  }
0x17: {  	s4 =	simm.s32 $0x1BF5;
	[smem:$0x3FB5] =	sst s0  }
0x18: {  	s0 =	sld [smem:$0x3F98];
	_ =	swait.ge [sflag:s4], $0x0  }
0x19: {  	s7 =	sld [smem:$0x3F99]  }
0x1a: {  	s8 =	sadd.s32 $0xFFFFE003, lr  }
0x1b: {  	s9 =	sadd.s32 $0xFFFFFEF7, lr;
	s5 =	simm.s32 $0xFFFFFFFF;
	p2 =	slt.u32 s8, $0xFFFFF086  }
0x1c: {  	p1 =	slt.u32 s9, $0xF7A;
	s5 =	simm.s32 @!p2 $0x0  }
0x1d: {  	s5 =	simm.s32 @p1 $0x1;
	p0 =	seq.s32 s7, s2  }
0x1e: {  	s7 =	smul.u32 @!p0 $0xF7A, s2;
	p2 =	seq.s32 @!p0 s5, $0x0  }
0x1f: {  	s9 =	smul.u32 $0xF7A, s1;
	s8 =	simm.s32 @!p0 $0x1BF5;
	p2 =	por !p2, p0  }
0x20: {  	[sflag:s8] =	ssyncset.s32 @!p0 $0xFFFFF086;
	s6 =	sadd.s32 @!p0 s3, s7;
	s7 =	simm.s32 @!p0 $0x108  }
0x21: {  	s3 =	sadd.s32 s3, s9;
	s6 =	sadd.s32 @!p0 $0x88, s6;
	s7 =	simm.s32 @p2 $0x1082  }
0x22: {  	[simem:s7], [sflag:s8] =	dma.local @!p0 [hbm:s6], $0xF7A  }
0x23: {  	s9 =	sor.u32 $0xD0000000, s2;
	s6 =	simm.s32 $0x108;
	_ =	swait.ge @!p0 [sflag:s8], $0x0  }
0x24: {  	s3 =	sadd.s32 $0x88, s3;
	s6 =	simm.s32 @!p1 $0x1082;
	[sflag:s4] =	ssyncset.s32 $0xFFFFF086  }
0x25: {  	[simem:s6], [sflag:s4] =	dma.local [hbm:s3], $0xF7A  }
0x26: {  	[smem:$0x3F99] =	sst s1;
	(tag) =	ssettag s2;
	_ =	strace s9  }
0x27: {  	s1 =	sld [smem:$0x3FA9]  }
0x28: {  	s2 =	sld [smem:$0x3FAA]  }
0x29: {  	s4 =	sld [smem:$0x3FAC]  }
0x2a: {  	p0 =	seq.s32 s5, $0x0;
	s5 =	sld [smem:$0x3FAD]  }
0x2b: {  	s6 =	sld [smem:$0x3FAE]  }
0x2c: {  	s7 =	sld [smem:$0x3FAF]  }
0x2d: {  	s3 =	simm.s32 $0x108;
	s8 =	sld [smem:$0x3FB0]  }
0x2e: {  	s3 =	simm.s32 @!p0 $0x1082;
	s9 =	sld [smem:$0x3FB1]  }
0x2f: {  	lr =	sadd.s32 s0, s3;
	s0 =	sld [smem:$0x3FA8]  }
0x30: {  	s3 =	sld [smem:$0x3FAB]  }
0x31: {  	[smem:$0x3FB4] =	sst s10  }
0x32: {  	s10 =	sld [smem:$0x3FB2];
	_ =	sdelay $0x3  }
0x33: {  	p0 =	seq.s32 s10, $0x1;
	s10 =	sld [smem:$0x3FB4];
	_ =	sdelay $0x3  }
0x34: {  	[smem:$0x3FB4] =	sst s10  }
0x35: {  	s10 =	sld [smem:$0x3FB3];
	_ =	sdelay $0x3  }
0x36: {  	p1 =	seq.s32 s10, $0x1;
	s10 =	sld [smem:$0x3FB4];
	_ =	sdelay $0x3  }
0x37: {  	[smem:$0x3FB4] =	sst s10  }
0x38: {  	s10 =	sld [smem:$0x3FB5]  }
0x39: {  	_ = 	snop;
	(pc) =	sbr.ind lr, $3  }
0x3a: {  	_ = 	snop  }
0x3b: {  	_ = 	snop  }
0x3c: {  	p2 =	seq.s32 s10, $0x1;
	s10 =	sld [smem:$0x3FB4]  }
0x3d: {  	_ =	shalt  }
0x3e: {  	_ =	shalt  }
0x3f: {  	_ =	shalt  }
0x40: {  	_ =	shalt  }
0x41: {  	_ =	shalt  }
0x42: {  	_ =	shalt  }
0x43: {  	_ =	shalt  }
0x44: {  	_ =	shalt  }
0x45: {  	_ =	shalt  }
0x46: {  	_ =	shalt  }
0x47: {  	_ =	shalt  }
0x48: {  	_ =	shalt  }
0x49: {  	_ =	shalt  }
0x4a: {  	_ =	shalt  }
0x4b: {  	_ =	shalt  }
0x4c: {  	_ =	shalt  }
0x4d: {  	_ =	shalt  }
0x4e: {  	_ =	shalt  }
0x4f: {  	_ =	shalt  }
0x50: {  	_ =	shalt  }
0x51: {  	_ =	shalt  }
0x52: {  	_ =	shalt  }
0x53: {  	_ =	shalt  }
0x54: {  	_ =	shalt  }
0x55: {  	_ =	shalt  }
0x56: {  	_ =	shalt  }
0x57: {  	_ =	shalt  }
0x58: {  	_ =	shalt  }
0x59: {  	_ =	shalt  }
0x5a: {  	_ =	shalt  }
0x5b: {  	_ =	shalt  }
0x5c: {  	_ =	shalt  }
0x5d: {  	_ =	shalt  }
0x5e: {  	_ =	shalt  }
0x5f: {  	_ =	shalt  }
0x60: {  	_ =	shalt  }
0x61: {  	_ =	shalt  }
0x62: {  	_ =	shalt  }
0x63: {  	_ =	shalt  }
0x64: {  	_ =	shalt  }
0x65: {  	_ =	shalt  }
0x66: {  	_ =	shalt  }
0x67: {  	_ =	shalt  }
0x68: {  	_ =	shalt  }
0x69: {  	_ =	shalt  }
0x6a: {  	_ =	shalt  }
0x6b: {  	_ =	shalt  }
0x6c: {  	_ =	shalt  }
0x6d: {  	_ =	shalt  }
0x6e: {  	_ =	shalt  }
0x6f: {  	_ =	shalt  }
0x70: {  	_ =	shalt  }
0x71: {  	_ =	shalt  }
0x72: {  	_ =	shalt  }
0x73: {  	_ =	shalt  }
0x74: {  	_ =	shalt  }
0x75: {  	_ =	shalt  }
0x76: {  	_ =	shalt  }
0x77: {  	_ =	shalt  }
0x78: {  	_ =	shalt  }
0x79: {  	_ =	shalt  }
0x7a: {  	_ =	shalt  }
0x7b: {  	_ =	shalt  }
0x7c: {  	_ =	shalt  }
0x7d: {  	_ =	shalt  }
0x7e: {  	_ =	shalt  }
0x7f: {  	_ =	shalt  }
0x80: {  	_ =	shalt  }
0x81: {  	_ =	shalt  }
0x82: {  	_ =	shalt  }
0x83: {  	_ =	shalt  }
0x84: {  	_ =	shalt  }
0x85: {  	_ =	shalt  }
0x86: {  	_ =	shalt  }
0x87: {  	_ =	shalt  }
.Lfunc_end0:
.L_simem_size_0:
called_computation_lowered:
.L_overlay_start_0:
0x88: {  	s2 =	sld [smem:$0x3FD9]  }
0x89: {  	s3 =	sld [smem:$0x3FFE];
	_ =	sdelay $0x1  }
0x8a: {  	s1 =	srdreg.scid  }
0x8b: {  	s0 =	sand.u32 $0x1, s1  }
0x8c: {  	s14 =	sshll.u32 s0, $0xA;
	s2 =	sadd.s32 s3, s2  }
0x8d: {  	s2 =	sadd.s32 s2, s14  }
0x8e: {  	[smem:$0x3FC0] =	sst s2  }
0x8f: {  	_ = 	snop  }
0x90: {  	s2 =	sld [smem:$0x3FD0];
	_ =	sdelay $0x2  }
0x91: {  	s15 =	simm.s32 $0xA;
	s4 =	simm.s32 $0x10  }
0x92: {  	[smem:s4], [sflag:s15] =	dma.local [hbm:s2], $0x1  }
0x93: {  	_ =	swait.eq [sflag:s15], $0x1  }
0x94: {  	[sflag:s15] =	ssyncset.done $0x0  }
0x95: {  	s16 =	sld [smem:$0x10];
	[sflag:s15] =	ssyncadd.s32 $0xFFFFFFFF  }
0x96: {  	s17 =	sld [smem:$0x11];
	(tm) =	ssettm $0x1  }
0x97: {  	s18 =	sld [smem:$0x3FFB];
	_ =	sdelay $0x3  }
0x98: {  	_ =	strace s18  }
0x99: {  	s4 =	sld [smem:$0x3FFC];
	_ =	sdelay $0x3  }
0x9a: {  	_ =	strace s4  }
0x9b: {  	s4 =	sld [smem:$0x3FFD];
	_ =	sdelay $0x3  }
0x9c: {  	_ =	strace s4  }
0x9d: {  	_ =	strace $0x8FFFFFFF  }
0x9e: {  	s19 =	sld [smem:$0x3FDB];
	_ =	sdelay $0x1  }
0x9f: {  	s5 =	simm.s32 $_scs_section_size  }
0xa0: {  	s6 =	simm.s32 $_size__tile_overlayer_lowered;
	s7 =	simm.s32 $_tile_overlayer_lowered  }
0xa1: {  	s22 =	simm.s32 $0x1BFF;
	s21 =	sshll.u32 s7, $0x1;
	s4 =	sadd.s32 s5, s19  }
0xa2: {  	s8 =	simm.s32 $0x0;
	s20 =	sshll.u32 s6, $0x1;
	s6 =	sadd.s32 s21, s4  }
0xa3: {  	[timem:s8], [sflag:s22] =	dma.local [hbm:s6], s20  }
0xa4: {  	_ =	swait.ge [sflag:s22], s20  }
0xa5: {  	s5 =	ssub.s32 $0x0, s20;
	[sflag:s22] =	ssyncset.done $0x0  }
0xa6: {  	[sflag:s22] =	ssyncadd.s32 s5;
	_ =	sdelay $0x1  }
0xa7: {  	s23 =	simm.s32 $0x1B8B  }
0xa8: {  	_ =	swait.ge [sflag:s23], $0x1  }
0xa9: {  	[sflag:s23] =	ssyncset.done $0x0  }
0xaa: {  	s25 =	simm.s32 $0x1B8E;
	s24 =	sld [smem:$0x3FFE];
	[sflag:s23] =	ssyncadd.s32 $0xFFFFFFFF  }
0xab: {  	s26 =	simm.s32 $execute0_lowered;
	[smem:$0x3FD2] =	sst s25  }
0xac: {  	s6 =	sshll.u32 s26, $0x1;
	_ =	strace $0x80000046;
	[dreg:$0x1] =	wrdreg $0xFFFFFFFF  }
0xad: {  	s28 =	simm.s32 $_size_execute0_lowered;
	s4 =	sadd.s32 s4, s6;
	[dreg:$0x0] =	wrdreg $0x0  }
0xae: {  	s6 =	sshll.u32 s28, $0x1;
	[dreg:$0x2] =	wrdreg s4  }
0xaf: {  	[dreg:$0x3] =	wrdreg s6  }
0xb0: {  	[dreg:$0x4] =	wrdreg $0xC0  }
0xb1: {  	_ =	task [dreg:s8], $0x5FFFF  }
0xb2: {  	[dreg:$0x1] =	wrdreg $0xFFFFFFFF  }
0xb3: {  	[dreg:$0x0] =	wrdreg $0x60  }
0xb4: {  	[dreg:$0x2] =	wrdreg s24  }
0xb5: {  	[dreg:$0x3] =	wrdreg s16  }
0xb6: {  	[dreg:$0x4] =	wrdreg s17  }
0xb7: {  	[dreg:$0x5] =	wrdreg $0x2B800  }
0xb8: {  	[dreg:$0x6] =	wrdreg $0x9  }
0xb9: {  	_ =	task.clear_ibuf [dreg:s8], $0x7FFFF;
	_ =	strace $0x90000046  }
0xba: {  	s29 =	simm.s32 $0x9;
	_ =	strace $0x80000048  }
0xbb: {  	_ =	swait.ge [sflag:s29], $0x1  }
0xbc: {  	[sflag:s29] =	ssyncadd.s32 $0xFFFFFFFF  }
0xbd: {  	_ =	strace $0x90000048  }
0xbe: {  	_ =	sfence  }
0xbf: {  	s30 =	sld [smem:$0x0];
	_ =	sdelay $0x2  }
0xc0: {  	s31 =	sshll.u32 s1, $0xD;
	s1 =	sshrl.u32 s1, $0x2  }
0xc1: {  	s3 =	sand.u32 $0x4000, s31;
	s1 =	sadd.s32 s1, s30  }
0xc2: {  	s0 =	sor.u32 s3, s0;
	s1 =	sshll.u32 s1, $0x11  }
0xc3: {  	s0 =	sor.u32 s1, s0  }
0xc4: {  	s0 =	sadd.s32 $0x8F2B, s0  }
0xc5: {  	[sflag:s0] =	ssyncadd.remote.s32 $0x1  }
0xc6: {  	_ =	sfence.sel $0xFFFF  }
0xc7: {  	[dreg:$0x0] =	wrdreg $0xFFFFFFFF;
	(pc) =	sbr.abs _section_cstart, $3  }
0xc8: {  	[dreg:$0x1] =	wrdreg $0xFFFFFFFF  }
0xc9: {  	_ =	task.clear_ibuf [dreg:s8], $0x2FFFF;
	_ =	strace $0x9FFFFFFF  }
0xca: {  	(tm) =	ssettm $0x7FFFFFFF  }
0xcb: {  	_ =	shalt  }
tec
execute0_lowered:
.L_overlay_start_1:
0x0: {  	(tag) =	ssettag $0x1  }
0x1: {  	s4 =	rddreg [dreg:$0x0]  }
0x2: {  	s0 =	rddreg [dreg:$0x1]  }
0x3: {  	s1 =	srdreg.scid;
	s7 =	rddreg [dreg:$0x2]  }
0x4: {  	s10 =	stileid.u32;
	s2 =	rddreg [dreg:$0x3];
	s3 =	simm.s32 $0x0  }
0x5: {  	s12 =	simm.s32 $0x2880;
	s13 =	simm.s32 $0x7D;
	s14 =	simm.s32 $0x0  }
0x6: {  	s5 =	sand.u32 $0x1, s1;
	[smem:$0x7FF] =	sst s3;
	s9 =	smul.u32 $0x270, s10  }
0x7: {  	p0 =	sne.s32 s10, $0x0;
	s1 =	sshll.u32 s5, $0x4;
	s8 =	ssub.s32 $0x2, s5  }
0x8: {  	s29 =	smul.u32 $0x2710, s5;
	s6 =	sor.u32 s10, s1;
	s1 =	rddreg [dreg:$0x4]  }
0x9: {  	s11 =	sshrl.u32 s8, $0x1;
	_ =	strace $0x80000047;
	s5 =	sadd.s32 s9, s2  }
0xa: {  	s10 =	simm.s32 $0x2800;
	s6 =	smul.u32 $0x2800, s6;
	s30 =	sadd.s32 s9, s29  }
0xb: {  	s11 =	ssub.s32 s8, s11;
	s31 =	sshrl.u32 s29, $0x3;
	s8 =	sshrl.u32 s30, $0x3  }
0xc: {  	s9 =	sadd.s32 s7, s31;
	s6 =	sshrl.u32 s6, $0x3;
	s7 =	sadd.s32 s7, s8  }
0xd: {  	s8 =	sadd.s32 $0x4E0, s9;
	s9 =	smax.u32 s11, $0x1;
	s4 =	sadd.s32 s4, s6  }
0xe: {  	v0 =	vimm.f32 $0.0e+00;
	s11 =	simm.s32 $0x1;
	s6 =	sadd.s32 $0x2700, s2;
	s4 =	sadd.s32 $0xCC00, s4  }
.LBB2_1:
0xf: {  	[tilespmem:s10], [sflag:$0x1] =	stream.linear.gather [hbm4b:s0+s3], $0x80, $0x38;
	[tilespmem:$0x2DF8] =	vst v63  }
0x10: {  	_ =	swait.ge [sflag:s11], $0x80  }
0x11: {  	[sflag:s11] =	ssyncset.done $0x0  }
0x12: {  	[sflag:s11] =	ssyncadd.s32 $0xFFFFFF80  }
0x13: {  	[tilespmem:s3], [sflag:$0x1] =	stream.linear.gather [hbm4b:s4+s3], $0x2800, $0x38;
	[tilespmem:$0x2DF8] =	vst v63  }
0x14: {  	_ =	swait.ge [sflag:s11], $0x2800  }
0x15: {  	[sflag:s11] =	ssyncset.done $0x0  }
0x16: {  	[sflag:s11] =	ssyncadd.s32 $0xFFFFD800  }
0x17: {  	[tilespmem:$0x2880] =	vst v0  }
0x18: {  	[tilespmem:$0x2890] =	vst v0  }
0x19: {  	[tilespmem:$0x28A0] =	vst v0  }
0x1a: {  	[tilespmem:$0x28B0] =	vst v0  }
0x1b: {  	[tilespmem:$0x28C0] =	vst v0  }
0x1c: {  	[tilespmem:$0x28D0] =	vst v0  }
0x1d: {  	[tilespmem:$0x28E0] =	vst v0  }
0x1e: {  	[tilespmem:$0x28F0] =	vst v0  }
0x1f: {  	[tilespmem:$0x2900] =	vst v0  }
0x20: {  	[tilespmem:$0x2910] =	vst v0  }
0x21: {  	[tilespmem:$0x2920] =	vst v0  }
0x22: {  	[tilespmem:$0x2930] =	vst v0  }
0x23: {  	[tilespmem:$0x2940] =	vst v0  }
0x24: {  	[tilespmem:$0x2950] =	vst v0  }
0x25: {  	[tilespmem:$0x2960] =	vst v0  }
0x26: {  	[tilespmem:$0x2970] =	vst v0  }
0x27: {  	[tilespmem:$0x2980] =	vst v0  }
0x28: {  	[tilespmem:$0x2990] =	vst v0  }
0x29: {  	[tilespmem:$0x29A0] =	vst v0  }
0x2a: {  	[tilespmem:$0x29B0] =	vst v0  }
0x2b: {  	[tilespmem:$0x29C0] =	vst v0  }
0x2c: {  	[tilespmem:$0x29D0] =	vst v0  }
0x2d: {  	[tilespmem:$0x29E0] =	vst v0  }
0x2e: {  	[tilespmem:$0x29F0] =	vst v0  }
0x2f: {  	[tilespmem:$0x2A00] =	vst v0  }
0x30: {  	[tilespmem:$0x2A10] =	vst v0  }
0x31: {  	[tilespmem:$0x2A20] =	vst v0  }
0x32: {  	[tilespmem:$0x2A30] =	vst v0  }
0x33: {  	[tilespmem:$0x2A40] =	vst v0  }
0x34: {  	[tilespmem:$0x2A50] =	vst v0  }
0x35: {  	[tilespmem:$0x2A60] =	vst v0  }
0x36: {  	[tilespmem:$0x2A70] =	vst v0  }
0x37: {  	[tilespmem:$0x2A80] =	vst v0  }
0x38: {  	[tilespmem:$0x2A90] =	vst v0  }
0x39: {  	[tilespmem:$0x2AA0] =	vst v0  }
0x3a: {  	[tilespmem:$0x2AB0] =	vst v0  }
0x3b: {  	[tilespmem:$0x2AC0] =	vst v0  }
0x3c: {  	[tilespmem:$0x2AD0] =	vst v0  }
0x3d: {  	[tilespmem:$0x2AE0] =	vst v0  }
0x3e: {  	[tilespmem:$0x2B00] =	vst v0  }
0x3f: {  	[spmem:s5] =	stream.linear.scatter [tilespmem:s12], [sflag:$0x1], $0x270, $0x38;
	[tilespmem:$0x2DF8] =	vst v63  }
0x40: {  	_ =	swait.ge [sflag:s11], $0x270  }
0x41: {  	[sflag:s11] =	ssyncset.done $0x0  }
0x42: {  	s15 =	simm.s32 @!p0 $0x2B00;
	[sflag:s11] =	ssyncadd.s32 $0xFFFFFD90  }
0x43: {  	[spmem:s6] =	stream.linear.scatter @!p0 [tilespmem:s15], [sflag:$0x1], $0x10, $0x38;
	[tilespmem:$0x2DF8] =	vst v63  }
0x44: {  	s15 =	simm.s32 @!p0 $0x1  }
0x45: {  	_ =	swait.ge @!p0 [sflag:s15], $0x10  }
0x46: {  	[sflag:s15] =	ssyncset.done @!p0 $0x0  }
0x47: {  	[sflag:s15] =	ssyncadd.s32 @!p0 $0xFFFFFFF0  }
0x48: {  	s31 =	simm.s32 $0x0;
	[bflag:$0x0] =	sbarrier.arrive $0xFFFF  }
0x49: {  	[spmem:s2] =	stream.indirect.scatter.add.f32 [tilespmem:s10], [sflag:$0x1], $0x1, s31, s13, $0xb8;
	[tilespmem:$0x2DF8] =	vst v63  }
0x4a: {  	_ =	swait.ge [sflag:s11], $0x7D  }
0x4b: {  	s15 =	simm.s32 $0x200;
	[sflag:s11] =	ssyncset.done $0x0  }
.LBB2_2:
0x4c: {  	s16 =	sshra.s32 s15, $0x2;
	[sflag:s11] =	ssyncadd.s32 $0xFFFFFF83;
	p1 =	sne.s32 s15, $0x9E00  }
0x4d: {  	[spmem:s2] =	stream.indirect.scatter.add.f32 [tilespmem:s10], [sflag:$0x1], $0x1, s16, s13, $0xb8;
	[tilespmem:$0x2DF8] =	vst v63  }
.Ltmp0:
0x4e: {  	_ = 	snop;
	(pc) =	sbr.rel @p1 .LBB2_2-.Ltmp0, $4  }
0x4f: {  	_ = 	snop  }
0x50: {  	s15 =	sadd.s32 $0x200, s15  }
0x51: {  	_ =	swait.ge [sflag:s11], $0x7D  }
0x52: {  	[sflag:s11] =	ssyncset.done $0x0  }
0x53: {  	[sflag:s11] =	ssyncadd.s32 $0xFFFFFF83  }
0x54: {  	[bflag:$0x0] =	sbarrier.arrive $0xFFFF  }
0x55: {  	[tilespmem:s12], [sflag:$0x1] =	stream.linear.gather [spmem:s5], $0x270, $0x38;
	[tilespmem:$0x2DF8] =	vst v63  }
0x56: {  	_ =	swait.ge [sflag:s11], $0x270  }
0x57: {  	[sflag:s11] =	ssyncset.done $0x0  }
0x58: {  	[sflag:s11] =	ssyncadd.s32 $0xFFFFFD90  }
0x59: {  	[hbm4b:s7+s3] =	stream.linear.scatter [tilespmem:s12], [sflag:$0x1], $0x270, $0x38;
	[tilespmem:$0x2DF8] =	vst v63  }
0x5a: {  	_ =	swait.ge [sflag:s11], $0x270  }
0x5b: {  	[sflag:s11] =	ssyncset.done $0x0  }
0x5c: {  	s15 =	simm.s32 @!p0 $0x2B00;
	s16 =	simm.s32 @!p0 $0x1;
	[sflag:s11] =	ssyncadd.s32 $0xFFFFFD90  }
0x5d: {  	[tilespmem:s15], [sflag:$0x1] =	stream.linear.gather @!p0 [spmem:s6], $0x10, $0x38;
	[tilespmem:$0x2DF8] =	vst v63  }
0x5e: {  	s14 =	sadd.s32 $0x1, s14;
	_ =	swait.ge @!p0 [sflag:s16], $0x10  }
0x5f: {  	p1 =	sne.s32 s14, s9;
	[sflag:s16] =	ssyncset.done @!p0 $0x0  }
.Ltmp1:
0x60: {  	s17 =	simm.s32 @!p0 $0x0;
	[sflag:s16] =	ssyncadd.s32 @!p0 $0xFFFFFFF0;
	(pc) =	sbr.rel @p1 .LBB2_1-.Ltmp1, $4  }
0x61: {  	[hbm4b:s8+s17] =	stream.linear.scatter @!p0 [tilespmem:s15], [sflag:$0x1], $0x10, $0x38;
	[tilespmem:$0x2DF8] =	vst v63  }
0x62: {  	_ =	swait.ge @!p0 [sflag:s16], $0x10  }
0x63: {  	[sflag:s16] =	ssyncset.done @!p0 $0x0  }
0x64: {  	[sflag:s16] =	ssyncadd.s32 @!p0 $0xFFFFFFF0  }
0x65: {  	_ =	sfence.sel $0x180000  }
0x66: {  	[bflag:$0x0] =	sbarrier.arrive $0xFFFF  }
0x67: {  	_ =	strace $0x90000047  }
0x68: {  	s0 =	sadd.s32 @!p0 $0x100000, s1;
	[bflag:$0x2] =	sbarrier.arrive $0xFFFF  }
0x69: {  	[sflag:s0] =	ssyncadd.tile.s32 @!p0 $0x1;
	_ =	shalt  }
.Lfunc_end2:
_tile_overlayer_lowered:
.L_overlay_start_2:
0x6a: {  	(tag) =	ssettag $0x2  }
0x6b: {  	s0 =	rddreg [dreg:$0x0];
	s2 =	stileid.u32  }
0x6c: {  	s1 =	rddreg [dreg:$0x1];
	p0 =	sne.s32 s2, $0x0  }
0x6d: {  	s3 =	rddreg [dreg:$0x2];
	[bflag:$0x3] =	sbarrier.arrive $0xFFFF;
	s2 =	simm.s32 @!p0 $0x1C01  }
0x6e: {  	[timem:s3], [sflag:s2] =	dma.local @!p0 [hbm:s0], s1  }
0x6f: {  	s0 =	simm.s32 @!p0 $0x1  }
0x70: {  	_ =	swait.ge @!p0 [sflag:s0], s1  }
0x71: {  	s1 =	ssub.s32 @!p0 $0x0, s1;
	[sflag:s0] =	ssyncset.done @!p0 $0x0  }
0x72: {  	[sflag:s0] =	ssyncadd.s32 @!p0 s1  }
0x73: {  	[bflag:$0x3] =	sbarrier.arrive $0xFFFF  }
0x74: {  	_ =	shalt  }

</sc_bundles>
